<compile_context>
chip_gen: v7x
topology: tpu7x:2x2x1
jax: 0.10.2.dev20260603
libtpu: 0.0.44.dev20260713+nightly
codegen_flags: <defaults>
</compile_context>

<pallas_src>
import functools
import jax
import jax.numpy as jnp
from jax import lax
from jax.experimental import pallas as pl
from jax.experimental.pallas import tpu as pltpu
from jax.experimental.pallas import tpu_sc as plsc

NN = 10000
EE = 320000
INCH = 128
HID = 32
HEADS = 8
OUTC = 64

NCORE = 2
NSUB = 16
L = 16

F32 = jnp.float32
I32 = jnp.int32


def _leaky(m):
    return jnp.maximum(m, 0.0) + 0.2 * jnp.minimum(m, 0.0)


def _allsum(v):
    lane = lax.iota(I32, 16)
    for k in (1, 2, 4, 8):
        v = v + jnp.take(v, lane ^ k)
    return v



def _k1_body(x_ref, wl_ref, wr_ref, xl_ref, xr_ref):
    xv = x_ref[...]
    xl_ref[0] = jnp.dot(xv, wl_ref[:, :128], preferred_element_type=F32)
    xl_ref[1] = jnp.dot(xv, wl_ref[:, 128:], preferred_element_type=F32)
    xr_ref[0] = jnp.dot(xv, wr_ref[:, :128], preferred_element_type=F32)
    xr_ref[1] = jnp.dot(xv, wr_ref[:, 128:], preferred_element_type=F32)


def _run_k1(x, wl, wr):
    blk = 1000
    grid = NN // blk
    return pl.pallas_call(
        _k1_body,
        grid=(grid,),
        in_specs=[
            pl.BlockSpec((blk, INCH), lambda i: (i, 0)),
            pl.BlockSpec((INCH, HEADS * HID), lambda i: (0, 0)),
            pl.BlockSpec((INCH, HEADS * HID), lambda i: (0, 0)),
        ],
        out_specs=[
            pl.BlockSpec((2, blk, 128), lambda i: (0, i, 0)),
            pl.BlockSpec((2, blk, 128), lambda i: (0, i, 0)),
        ],
        out_shape=[
            jax.ShapeDtypeStruct((2, NN, 128), F32),
            jax.ShapeDtypeStruct((2, NN, 128), F32),
        ],
    )(x, wl, wr)


ROW = 128


def _k2_body(num_ref, den_ref, b1_ref, wl2_ref, out_ref):
    a0 = num_ref[0]
    a1 = num_ref[1]
    num = jnp.concatenate([a0, a1], axis=1)
    ri = lax.broadcasted_iota(I32, (HEADS, 256), 0)
    rj = lax.broadcasted_iota(I32, (HEADS, 256), 1)
    rep = (ri == rj // HID).astype(F32)
    den = jnp.dot(den_ref[...], rep, preferred_element_type=F32)
    h = num / (den + 1e-16) + b1_ref[...]
    h = jnp.where(h > 0, h, jnp.exp(jnp.minimum(h, 0.0)) - 1.0)
    out_ref[...] = jnp.dot(h, wl2_ref[...], preferred_element_type=F32)


def _run_k2(num1, den1r, b1, wlr2):
    blk = 1000
    grid = NN // blk
    return pl.pallas_call(
        _k2_body,
        grid=(grid,),
        in_specs=[
            pl.BlockSpec((2, blk, ROW), lambda i: (0, i, 0)),
            pl.BlockSpec((blk, HEADS), lambda i: (i, 0)),
            pl.BlockSpec((1, 256), lambda i: (0, 0)),
            pl.BlockSpec((256, 128), lambda i: (0, 0)),
        ],
        out_specs=pl.BlockSpec((blk, 128), lambda i: (i, 0)),
        out_shape=jax.ShapeDtypeStruct((NN, 128), F32),
    )(num1, den1r, b1, wlr2)


def _k3_body(acc_ref, b2_ref, out_ref):
    a0 = acc_ref[0]
    a1 = acc_ref[1]
    num = a0[:, :OUTC] + a1[:, :OUTC]
    den = a0[:, OUTC:OUTC + 1] + a1[:, OUTC:OUTC + 1]
    out_ref[...] = num / (den + 1e-16) + b2_ref[...]


def _run_k3(acc2, b2):
    blk = 1000
    grid = NN // blk
    return pl.pallas_call(
        _k3_body,
        grid=(grid,),
        in_specs=[
            pl.BlockSpec((2, blk, ROW), lambda i: (0, i, 0)),
            pl.BlockSpec((1, OUTC), lambda i: (0, 0)),
        ],
        out_specs=pl.BlockSpec((blk, OUTC), lambda i: (i, 0)),
        out_shape=jax.ShapeDtypeStruct((NN, OUTC), F32),
    )(acc2, b2)



B1 = 80
EPT1 = EE // NSUB
NB1 = EPT1 // B1
NP = 10240
RPT = NP // NSUB
RCH = 64
ND = NP // 32
NDP = 384
NDT = NDP // NSUB

@functools.cache
def _mesh():
    return plsc.VectorSubcoreMesh(
        core_axis_name="c", subcore_axis_name="s",
        num_cores=NCORE, num_subcores=NSUB)


def _s1_body(xl_hbm, xr_hbm, src_hbm, dst_hbm, dst2_hbm, att_hbm, zero_hbm,
             num_hbm, den_hbm,
             acc_sh, den_sh, srcb, dstb, d2b,
             xlrows, xrrows, contrib, denc, attv, sem1, sem2):
    c = lax.axis_index("c")
    s = lax.axis_index("s")
    lane = lax.iota(I32, L)

    pltpu.sync_copy(att_hbm.at[pl.ds(c * 128, 128)], attv)
    pltpu.sync_copy(zero_hbm.at[pl.ds(s * RPT, RPT)],
                    acc_sh.at[pl.ds(s * RPT, RPT)])
    pltpu.sync_copy(zero_hbm.at[pl.ds(s * NDT, NDT)],
                    den_sh.at[pl.ds(s * NDT, NDT)])
    plsc.subcore_barrier()

    def batch_body(b, carry):
        eb = s * EPT1 + b * B1
        pltpu.sync_copy(src_hbm.at[pl.ds(eb, B1)], srcb)
        pltpu.sync_copy(dst_hbm.at[pl.ds(eb, B1)], dstb)
        pltpu.sync_copy(dst2_hbm.at[pl.ds(eb, B1)], d2b)
        d1 = pltpu.async_copy(xl_hbm.at[c].at[srcb], xlrows, sem1)
        d2 = pltpu.async_copy(xr_hbm.at[c].at[dstb], xrrows, sem2)
        d1.wait()
        d2.wait()

        def edge_body(e, carry2):
            g = e // L
            dv16 = dstb[pl.ds(g * L, L)]
            dstv = jnp.take(dv16, jnp.full((L,), 0, I32) + (e - g * L))
            tail = jnp.zeros((L,), F32)
            for h in range(4):
                xl0 = xlrows[e, pl.ds((2 * h) * L, L)]
                xl1 = xlrows[e, pl.ds((2 * h + 1) * L, L)]
                t0 = attv[pl.ds((2 * h) * L, L)] * _leaky(
                    xl0 + xrrows[e, pl.ds((2 * h) * L, L)])
                t1 = attv[pl.ds((2 * h + 1) * L, L)] * _leaky(
                    xl1 + xrrows[e, pl.ds((2 * h + 1) * L, L)])
                exv = jnp.exp(_allsum(t0 + t1))
                contrib[e, pl.ds(h * HID, L)] = exv * xl0
                contrib[e, pl.ds(h * HID + L, L)] = exv * xl1
                tail = jnp.where(lane == h + 8, exv, tail)
            off = (dstv % 32) * 4
            for j in range(8):
                idxv = lane + (j * L + 8) - off
                valid = (idxv >= 8) & (idxv < 12)
                denc[e, pl.ds(j * L, L)] = jnp.where(
                    valid, jnp.take(tail, idxv), 0.0)
            return carry2

        lax.fori_loop(0, B1, edge_body, 0)
        pltpu.sync_copy(contrib, acc_sh.at[dstb], add=True)
        pltpu.sync_copy(denc, den_sh.at[d2b], add=True)
        return carry

    lax.fori_loop(0, NB1, batch_body, 0)
    plsc.subcore_barrier()

    for k in range(RPT // RCH):
        r0 = s * RPT + k * RCH
        pltpu.sync_copy(acc_sh.at[pl.ds(r0, RCH)], contrib.at[pl.ds(0, RCH)])
        pltpu.sync_copy(contrib.at[pl.ds(0, RCH)], num_hbm.at[c, pl.ds(r0, RCH)])
    pltpu.sync_copy(den_sh.at[pl.ds(s * NDT, NDT)], denc.at[pl.ds(0, NDT)])
    pltpu.sync_copy(denc.at[pl.ds(0, NDT)], den_hbm.at[c, pl.ds(s * NDT, NDT)])


def _run_s1(xl1p, xr1p, src, dst, dst2, att_flat, zeros1):
    f = pl.kernel(
        _s1_body,
        out_type=[
            jax.ShapeDtypeStruct((NCORE, NP, ROW), F32),
            jax.ShapeDtypeStruct((NCORE, NDP, 128), F32),
        ],
        mesh=_mesh(),
        scratch_types=[
            pltpu.VMEM_SHARED((NP, ROW), F32),
            pltpu.VMEM_SHARED((NDP, 128), F32),
            pltpu.VMEM((B1,), I32),
            pltpu.VMEM((B1,), I32),
            pltpu.VMEM((B1,), I32),
            pltpu.VMEM((B1, 128), F32),
            pltpu.VMEM((B1, 128), F32),
            pltpu.VMEM((B1, ROW), F32),
            pltpu.VMEM((B1, 128), F32),
            pltpu.VMEM((128,), F32),
            pltpu.SemaphoreType.DMA,
            pltpu.SemaphoreType.DMA,
        ],
    )
    return f(xl1p, xr1p, src, dst, dst2, att_flat, zeros1)


B2 = 80
NW = NCORE * NSUB
EPW2 = EE // NW
NB2 = EPW2 // B2


def _s2_body(x_hbm, src_hbm, dst_hbm, att_hbm, zero_hbm, out_hbm,
             acc_sh, srcb, dstb, xlrows, xrrows, contrib, attv,
             sem1, sem2):
    c = lax.axis_index("c")
    s = lax.axis_index("s")
    lane = lax.iota(I32, L)
    wid = s * NCORE + c

    pltpu.sync_copy(att_hbm, attv)
    pltpu.sync_copy(zero_hbm.at[pl.ds(s * RPT, RPT)],
                    acc_sh.at[pl.ds(s * RPT, RPT)])

    def zc(i, carry):
        contrib[i, pl.ds(5 * L, L)] = jnp.zeros((L,), F32)
        contrib[i, pl.ds(6 * L, L)] = jnp.zeros((L,), F32)
        contrib[i, pl.ds(7 * L, L)] = jnp.zeros((L,), F32)
        return carry

    lax.fori_loop(0, B2, zc, 0)
    plsc.subcore_barrier()

    def batch_body(b, carry):
        eb = wid * EPW2 + b * B2
        pltpu.sync_copy(src_hbm.at[pl.ds(eb, B2)], srcb)
        pltpu.sync_copy(dst_hbm.at[pl.ds(eb, B2)], dstb)
        d1 = pltpu.async_copy(x_hbm.at[srcb], xlrows, sem1)
        d2 = pltpu.async_copy(x_hbm.at[dstb], xrrows, sem2)
        d1.wait()
        d2.wait()

        def edge_body(e, carry2):
            t = attv[pl.ds(0, L)] * _leaky(
                xlrows[e, pl.ds(0, L)] + xrrows[e, pl.ds(4 * L, L)])
            for k in range(1, 4):
                t = t + attv[pl.ds(k * L, L)] * _leaky(
                    xlrows[e, pl.ds(k * L, L)] + xrrows[e, pl.ds((4 + k) * L, L)])
            exv = jnp.exp(_allsum(t))
            for k in range(4):
                contrib[e, pl.ds(k * L, L)] = exv * xlrows[e, pl.ds(k * L, L)]
            contrib[e, pl.ds(OUTC, L)] = jnp.where(lane == 0, exv, 0.0)
            return carry2

        lax.fori_loop(0, B2, edge_body, 0)
        pltpu.sync_copy(contrib, acc_sh.at[dstb], add=True)
        return carry

    lax.fori_loop(0, NB2, batch_body, 0)
    plsc.subcore_barrier()

    for k in range(RPT // RCH):
        r0 = s * RPT + k * RCH
        pltpu.sync_copy(acc_sh.at[pl.ds(r0, RCH)], contrib.at[pl.ds(0, RCH)])
        pltpu.sync_copy(contrib.at[pl.ds(0, RCH)], out_hbm.at[c, pl.ds(r0, RCH)])


def _run_s2(xpacked, src, dst, att2_flat, zeros2):
    f = pl.kernel(
        _s2_body,
        out_type=jax.ShapeDtypeStruct((NCORE, NP, ROW), F32),
        mesh=_mesh(),
        scratch_types=[
            pltpu.VMEM_SHARED((NP, ROW), F32),
            pltpu.VMEM((B2,), I32),
            pltpu.VMEM((B2,), I32),
            pltpu.VMEM((B2, 128), F32),
            pltpu.VMEM((B2, 128), F32),
            pltpu.VMEM((B2, ROW), F32),
            pltpu.VMEM((OUTC,), F32),
            pltpu.SemaphoreType.DMA,
            pltpu.SemaphoreType.DMA,
        ],
    )
    return f(xpacked, src, dst, att2_flat, zeros2)



@jax.jit
def kernel(x, edge_index, Wl1, Wr1, att1, b1, Wl2, Wr2, att2, b2):
    src = edge_index[0].astype(I32)
    dst = edge_index[1].astype(I32)

    dst2 = dst // 32

    xl1p, xr1p = _run_k1(x, Wl1, Wr1)

    zeros = jnp.zeros((NP, ROW), F32)
    num1, den1 = _run_s1(xl1p, xr1p, src, dst, dst2, att1.reshape(-1), zeros)
    den1r = (den1[:, :ND].reshape(NCORE, ND, 32, 4)
             .transpose(1, 2, 0, 3).reshape(NP, HEADS))

    wlr2 = jnp.concatenate([Wl2, Wr2], axis=1)
    xp2 = _run_k2(num1, den1r, b1.reshape(1, -1), wlr2)

    acc2 = _run_s2(xp2, src, dst, att2.reshape(-1), zeros)

    return _run_k3(acc2, b2.reshape(1, -1))

# --- scband reference (transcript-rebuilt; emitter-appended) ---
"""Pipeline reference for scband-gatv2-node-gnn-48945447305700 (READ-ONLY COPY).

The authoritative reference and input builder live on the scoring server;
editing this copy changes nothing except your own understanding.
"""

import jax, jax.numpy as jnp
import numpy as np

N = 10000
E = 320000
IN_CH = 128
HID = 32
HEADS = 8
OUT = 64


def setup_inputs(seed: int = 0) -> dict:
    key = jax.random.key(seed)
    ks = jax.random.split(key, 12)
    x = jax.random.normal(ks[0], (N, IN_CH), dtype=jnp.float32)
    edge_index = jax.random.randint(ks[1], (2, E), 0, N)
    # Layer 1: GATv2Conv(IN_CH -> HID, heads=HEADS, concat=True)
    Wl1 = jax.random.normal(ks[2], (IN_CH, HEADS * HID), dtype=jnp.float32) * (1.0 / np.sqrt(IN_CH))
    Wr1 = jax.random.normal(ks[3], (IN_CH, HEADS * HID), dtype=jnp.float32) * (1.0 / np.sqrt(IN_CH))
    att1 = jax.random.normal(ks[4], (HEADS, HID), dtype=jnp.float32) * (1.0 / np.sqrt(HID))
    b1 = jnp.zeros((HEADS * HID,), dtype=jnp.float32)
    # Layer 2: GATv2Conv(HEADS*HID -> OUT, heads=1, concat=False)
    Wl2 = jax.random.normal(ks[5], (HEADS * HID, OUT), dtype=jnp.float32) * (1.0 / np.sqrt(HEADS * HID))
    Wr2 = jax.random.normal(ks[6], (HEADS * HID, OUT), dtype=jnp.float32) * (1.0 / np.sqrt(HEADS * HID))
    att2 = jax.random.normal(ks[7], (1, OUT), dtype=jnp.float32) * (1.0 / np.sqrt(OUT))
    b2 = jnp.zeros((OUT,), dtype=jnp.float32)
    return {"x": x, "edge_index": edge_index, "Wl1": Wl1, "Wr1": Wr1, "att1": att1, "b1": b1,
            "Wl2": Wl2, "Wr2": Wr2, "att2": att2, "b2": b2}


def gatv2_layer(x, edge_index, Wl, Wr, att, bias, heads, out_ch, concat):
    # Faithful to PyG GATv2Conv (share_weights=False, negative_slope=0.2).
    # lin_l applied to source nodes (messages), lin_r to target nodes.
    src = edge_index[0]
    dst = edge_index[1]
    n = x.shape[0]
    xl = (x @ Wl).reshape(n, heads, out_ch)
    xr = (x @ Wr).reshape(n, heads, out_ch)
    m = xl[src] + xr[dst]                      # [E, H, C] gather
    e = jax.nn.leaky_relu(m, 0.2)
    logits = (e * att[None, :, :]).sum(-1)     # [E, H]
    mx = jax.ops.segment_max(logits, dst, num_segments=n)
    mx = jnp.where(jnp.isfinite(mx), mx, 0.0)
    mx = jax.lax.stop_gradient(mx)
    ex = jnp.exp(logits - mx[dst])
    denom = jax.ops.segment_sum(ex, dst, num_segments=n)
    alpha = ex / (denom[dst] + 1e-16)          # softmax over incoming edges per dst
    out = jax.ops.segment_sum(alpha[:, :, None] * xl[src], dst, num_segments=n)  # scatter-add
    if concat:
        out = out.reshape(n, heads * out_ch)
    else:
        out = out.mean(axis=1)
    return out + bias


def reference(x, edge_index, Wl1, Wr1, att1, b1, Wl2, Wr2, att2, b2):
    # dropout omitted (eval mode)
    h = gatv2_layer(x, edge_index, Wl1, Wr1, att1, b1, HEADS, HID, True)
    h = jax.nn.elu(h)
    out = gatv2_layer(h, edge_index, Wl2, Wr2, att2, b2, 1, OUT, False)
    return out

if __name__ == "__main__":
    import jax
    _d = setup_inputs()
    print(jax.jit(kernel)(*tuple(_d.values())))

</pallas_src>

<mosaic_0001>
#map = affine_map<(d0, d1) -> (0, 0, 0)>
#map1 = affine_map<(d0, d1) -> (0)>
#map2 = affine_map<(d0, d1) -> (0, 0)>
module attributes {stable_mosaic.version = 14 : i64} {
  func.func @_s1_body(%arg0: i32, %arg1: i32, %arg2: memref<2x10000x128xf32, #tpu.memory_space<hbm>>, %arg3: memref<2x10000x128xf32, #tpu.memory_space<hbm>>, %arg4: memref<320000xi32, #tpu.memory_space<hbm>>, %arg5: memref<320000xi32, #tpu.memory_space<hbm>>, %arg6: memref<320000xi32, #tpu.memory_space<hbm>>, %arg7: memref<256xf32, #tpu.memory_space<hbm>>, %arg8: memref<10240x128xf32, #tpu.memory_space<hbm>>, %arg9: memref<2x10240x128xf32, #tpu.memory_space<hbm>>, %arg10: memref<2x384x128xf32, #tpu.memory_space<hbm>>, %arg11: memref<10240x128xf32, #tpu.memory_space<vmem_shared>>, %arg12: memref<384x128xf32, #tpu.memory_space<vmem_shared>>, %arg13: memref<80xi32, #tpu.memory_space<vmem>>, %arg14: memref<80xi32, #tpu.memory_space<vmem>>, %arg15: memref<80xi32, #tpu.memory_space<vmem>>, %arg16: memref<80x128xf32, #tpu.memory_space<vmem>>, %arg17: memref<80x128xf32, #tpu.memory_space<vmem>>, %arg18: memref<80x128xf32, #tpu.memory_space<vmem>>, %arg19: memref<80x128xf32, #tpu.memory_space<vmem>>, %arg20: memref<128xf32, #tpu.memory_space<vmem>>, %arg21: memref<!tpu.dma_semaphore, #tpu.memory_space<semaphore_mem>>, %arg22: memref<!tpu.dma_semaphore, #tpu.memory_space<semaphore_mem>>) attributes {dimension_semantics = [#tpu.dimension_semantics<core_parallel>, #tpu.dimension_semantics<subcore_parallel>], iteration_bounds = array<i64: 2, 16>, scalar_prefetch = 0 : i64, scratch_operands = 12 : i64, tpu.core_type = #tpu.core_type<sc_vector_subcore>, window_params = [{transform_indices = #map}, {transform_indices = #map}, {transform_indices = #map1}, {transform_indices = #map1}, {transform_indices = #map1}, {transform_indices = #map1}, {transform_indices = #map2}, {transform_indices = #map}, {transform_indices = #map}]} {
    %iota3A = tpu.iota {dimensions = array<i32: 0>} : vector<16xi32>
    %mul3A = arith.constant 128 : i32
    %mul3A_0 = arith.muli %arg0, %mul3A : i32
    "tpu.region"() ({
      %run_scoped3A = tpu.sem_alloc : memref<!tpu.dma_semaphore, #tpu.memory_space<semaphore_mem>>
      %dma_start3A = tpu.memref_slice %arg7[%mul3A_0] : memref<256xf32, #tpu.memory_space<hbm>> -> memref<128xf32, #tpu.memory_space<hbm>>
      %dma_start3A_58 = tpu.memref_slice %arg7[%mul3A_0] : memref<256xf32, #tpu.memory_space<hbm>> -> memref<128xf32, #tpu.memory_space<hbm>>
      tpu.enqueue_dma source(%dma_start3A_58 : memref<128xf32, #tpu.memory_space<hbm>>) target(%arg20 : memref<128xf32, #tpu.memory_space<vmem>>) target_semaphore(%run_scoped3A : memref<!tpu.dma_semaphore, #tpu.memory_space<semaphore_mem>>)
      %dma_wait3A = tpu.memref_slice %arg7[%mul3A_0] : memref<256xf32, #tpu.memory_space<hbm>> -> memref<128xf32, #tpu.memory_space<hbm>>
      %dma_wait3A_59 = tpu.memref_slice %arg7[%mul3A_0] : memref<256xf32, #tpu.memory_space<hbm>> -> memref<128xf32, #tpu.memory_space<hbm>>
      tpu.wait_dma2 semaphore(%run_scoped3A : memref<!tpu.dma_semaphore, #tpu.memory_space<semaphore_mem>>) src(%dma_wait3A_59 : memref<128xf32, #tpu.memory_space<hbm>>) dst(%arg20 : memref<128xf32, #tpu.memory_space<vmem>>)
      tpu.yield
    }) : () -> ()
    %mul3A_1 = arith.constant 640 : i32
    %mul3A_2 = arith.muli %arg1, %mul3A_1 : i32
    %mul3A_3 = arith.constant 640 : i32
    %mul3A_4 = arith.muli %arg1, %mul3A_3 : i32
    "tpu.region"() ({
      %run_scoped3A = tpu.sem_alloc : memref<!tpu.dma_semaphore, #tpu.memory_space<semaphore_mem>>
      %dma_start3A = arith.constant 0 : i32
      %dma_start3A_58 = tpu.memref_slice %arg11[%mul3A_4, %dma_start3A] : memref<10240x128xf32, #tpu.memory_space<vmem_shared>> -> memref<640x128xf32, #tpu.memory_space<vmem_shared>>
      %dma_start3A_59 = arith.constant 0 : i32
      %dma_start3A_60 = tpu.memref_slice %arg8[%mul3A_2, %dma_start3A_59] : memref<10240x128xf32, #tpu.memory_space<hbm>> -> memref<640x128xf32, #tpu.memory_space<hbm>>
      tpu.enqueue_dma source(%dma_start3A_60 : memref<640x128xf32, #tpu.memory_space<hbm>>) target(%dma_start3A_58 : memref<640x128xf32, #tpu.memory_space<vmem_shared>>) target_semaphore(%run_scoped3A : memref<!tpu.dma_semaphore, #tpu.memory_space<semaphore_mem>>)
      %dma_wait3A = arith.constant 0 : i32
      %dma_wait3A_61 = tpu.memref_slice %arg11[%mul3A_4, %dma_wait3A] : memref<10240x128xf32, #tpu.memory_space<vmem_shared>> -> memref<640x128xf32, #tpu.memory_space<vmem_shared>>
      %dma_wait3A_62 = arith.constant 0 : i32
      %dma_wait3A_63 = tpu.memref_slice %arg8[%mul3A_2, %dma_wait3A_62] : memref<10240x128xf32, #tpu.memory_space<hbm>> -> memref<640x128xf32, #tpu.memory_space<hbm>>
      tpu.wait_dma2 semaphore(%run_scoped3A : memref<!tpu.dma_semaphore, #tpu.memory_space<semaphore_mem>>) src(%dma_wait3A_63 : memref<640x128xf32, #tpu.memory_space<hbm>>) dst(%dma_wait3A_61 : memref<640x128xf32, #tpu.memory_space<vmem_shared>>)
      tpu.yield
    }) : () -> ()
    %mul3A_5 = arith.constant 24 : i32
    %mul3A_6 = arith.muli %arg1, %mul3A_5 : i32
    %mul3A_7 = arith.constant 24 : i32
    %mul3A_8 = arith.muli %arg1, %mul3A_7 : i32
    "tpu.region"() ({
      %run_scoped3A = tpu.sem_alloc : memref<!tpu.dma_semaphore, #tpu.memory_space<semaphore_mem>>
      %dma_start3A = arith.constant 0 : i32
      %dma_start3A_58 = tpu.memref_slice %arg12[%mul3A_8, %dma_start3A] : memref<384x128xf32, #tpu.memory_space<vmem_shared>> -> memref<24x128xf32, #tpu.memory_space<vmem_shared>>
      %dma_start3A_59 = arith.constant 0 : i32
      %dma_start3A_60 = tpu.memref_slice %arg8[%mul3A_6, %dma_start3A_59] : memref<10240x128xf32, #tpu.memory_space<hbm>> -> memref<24x128xf32, #tpu.memory_space<hbm>>
      tpu.enqueue_dma source(%dma_start3A_60 : memref<24x128xf32, #tpu.memory_space<hbm>>) target(%dma_start3A_58 : memref<24x128xf32, #tpu.memory_space<vmem_shared>>) target_semaphore(%run_scoped3A : memref<!tpu.dma_semaphore, #tpu.memory_space<semaphore_mem>>)
      %dma_wait3A = arith.constant 0 : i32
      %dma_wait3A_61 = tpu.memref_slice %arg12[%mul3A_8, %dma_wait3A] : memref<384x128xf32, #tpu.memory_space<vmem_shared>> -> memref<24x128xf32, #tpu.memory_space<vmem_shared>>
      %dma_wait3A_62 = arith.constant 0 : i32
      %dma_wait3A_63 = tpu.memref_slice %arg8[%mul3A_6, %dma_wait3A_62] : memref<10240x128xf32, #tpu.memory_space<hbm>> -> memref<24x128xf32, #tpu.memory_space<hbm>>
      tpu.wait_dma2 semaphore(%run_scoped3A : memref<!tpu.dma_semaphore, #tpu.memory_space<semaphore_mem>>) src(%dma_wait3A_63 : memref<24x128xf32, #tpu.memory_space<hbm>>) dst(%dma_wait3A_61 : memref<24x128xf32, #tpu.memory_space<vmem_shared>>)
      tpu.yield
    }) : () -> ()
    %barrier3A = arith.constant 0 : index
    tpu.barrier barrier_id(%barrier3A)
    %scan3A = arith.constant 0 : i32
    %scan3A_9 = arith.constant 0 : i32
    %scan3A_10 = arith.constant 250 : i32
    %scan3A_11 = arith.addi %scan3A_9, %scan3A_10 : i32
    %scan3A_12 = arith.constant 1 : i32
    scf.for %scan3A_58 = %scan3A_9 to %scan3A_11 step %scan3A_12  : i32 {
      %mul3A_59 = arith.constant 20000 : i32
      %mul3A_60 = arith.muli %arg1, %mul3A_59 : i32
      %mul3A_61 = arith.constant 80 : i32
      %mul3A_62 = arith.muli %scan3A_58, %mul3A_61 : i32
      %add3A_63 = arith.addi %mul3A_60, %mul3A_62 : i32
      "tpu.region"() ({
        %run_scoped3A = tpu.sem_alloc : memref<!tpu.dma_semaphore, #tpu.memory_space<semaphore_mem>>
        %dma_start3A_96 = tpu.memref_slice %arg4[%add3A_63] : memref<320000xi32, #tpu.memory_space<hbm>> -> memref<80xi32, #tpu.memory_space<hbm>>
        %dma_start3A_97 = tpu.memref_slice %arg4[%add3A_63] : memref<320000xi32, #tpu.memory_space<hbm>> -> memref<80xi32, #tpu.memory_space<hbm>>
        tpu.enqueue_dma source(%dma_start3A_97 : memref<80xi32, #tpu.memory_space<hbm>>) target(%arg13 : memref<80xi32, #tpu.memory_space<vmem>>) target_semaphore(%run_scoped3A : memref<!tpu.dma_semaphore, #tpu.memory_space<semaphore_mem>>)
        %dma_wait3A_98 = tpu.memref_slice %arg4[%add3A_63] : memref<320000xi32, #tpu.memory_space<hbm>> -> memref<80xi32, #tpu.memory_space<hbm>>
        %dma_wait3A_99 = tpu.memref_slice %arg4[%add3A_63] : memref<320000xi32, #tpu.memory_space<hbm>> -> memref<80xi32, #tpu.memory_space<hbm>>
        tpu.wait_dma2 semaphore(%run_scoped3A : memref<!tpu.dma_semaphore, #tpu.memory_space<semaphore_mem>>) src(%dma_wait3A_99 : memref<80xi32, #tpu.memory_space<hbm>>) dst(%arg13 : memref<80xi32, #tpu.memory_space<vmem>>)
        tpu.yield
      }) : () -> ()
      "tpu.region"() ({
        %run_scoped3A = tpu.sem_alloc : memref<!tpu.dma_semaphore, #tpu.memory_space<semaphore_mem>>
        %dma_start3A_96 = tpu.memref_slice %arg5[%add3A_63] : memref<320000xi32, #tpu.memory_space<hbm>> -> memref<80xi32, #tpu.memory_space<hbm>>
        %dma_start3A_97 = tpu.memref_slice %arg5[%add3A_63] : memref<320000xi32, #tpu.memory_space<hbm>> -> memref<80xi32, #tpu.memory_space<hbm>>
        tpu.enqueue_dma source(%dma_start3A_97 : memref<80xi32, #tpu.memory_space<hbm>>) target(%arg14 : memref<80xi32, #tpu.memory_space<vmem>>) target_semaphore(%run_scoped3A : memref<!tpu.dma_semaphore, #tpu.memory_space<semaphore_mem>>)
        %dma_wait3A_98 = tpu.memref_slice %arg5[%add3A_63] : memref<320000xi32, #tpu.memory_space<hbm>> -> memref<80xi32, #tpu.memory_space<hbm>>
        %dma_wait3A_99 = tpu.memref_slice %arg5[%add3A_63] : memref<320000xi32, #tpu.memory_space<hbm>> -> memref<80xi32, #tpu.memory_space<hbm>>
        tpu.wait_dma2 semaphore(%run_scoped3A : memref<!tpu.dma_semaphore, #tpu.memory_space<semaphore_mem>>) src(%dma_wait3A_99 : memref<80xi32, #tpu.memory_space<hbm>>) dst(%arg14 : memref<80xi32, #tpu.memory_space<vmem>>)
        tpu.yield
      }) : () -> ()
      "tpu.region"() ({
        %run_scoped3A = tpu.sem_alloc : memref<!tpu.dma_semaphore, #tpu.memory_space<semaphore_mem>>
        %dma_start3A_96 = tpu.memref_slice %arg6[%add3A_63] : memref<320000xi32, #tpu.memory_space<hbm>> -> memref<80xi32, #tpu.memory_space<hbm>>
        %dma_start3A_97 = tpu.memref_slice %arg6[%add3A_63] : memref<320000xi32, #tpu.memory_space<hbm>> -> memref<80xi32, #tpu.memory_space<hbm>>
        tpu.enqueue_dma source(%dma_start3A_97 : memref<80xi32, #tpu.memory_space<hbm>>) target(%arg15 : memref<80xi32, #tpu.memory_space<vmem>>) target_semaphore(%run_scoped3A : memref<!tpu.dma_semaphore, #tpu.memory_space<semaphore_mem>>)
        %dma_wait3A_98 = tpu.memref_slice %arg6[%add3A_63] : memref<320000xi32, #tpu.memory_space<hbm>> -> memref<80xi32, #tpu.memory_space<hbm>>
        %dma_wait3A_99 = tpu.memref_slice %arg6[%add3A_63] : memref<320000xi32, #tpu.memory_space<hbm>> -> memref<80xi32, #tpu.memory_space<hbm>>
        tpu.wait_dma2 semaphore(%run_scoped3A : memref<!tpu.dma_semaphore, #tpu.memory_space<semaphore_mem>>) src(%dma_wait3A_99 : memref<80xi32, #tpu.memory_space<hbm>>) dst(%arg15 : memref<80xi32, #tpu.memory_space<vmem>>)
        tpu.yield
      }) : () -> ()
      %dma_start3A = arith.constant 0 : i32
      %dma_start3A_64 = arith.constant 0 : i32
      %dma_start3A_65 = tpu.memref_slice %arg2[%arg0, %dma_start3A, %dma_start3A_64] : memref<2x10000x128xf32, #tpu.memory_space<hbm>> -> memref<1x10000x128xf32, #tpu.memory_space<hbm>>
      %dma_start3A_66 = tpu.memref_squeeze %dma_start3A_65 : memref<1x10000x128xf32, #tpu.memory_space<hbm>> -> memref<10000x128xf32, #tpu.memory_space<hbm>>
      %dma_start3A_67 = arith.constant 0 : i32
      %dma_start3A_68 = arith.constant 0 : i32
      %dma_start3A_69 = tpu.memref_slice %dma_start3A_66[%dma_start3A_67, %dma_start3A_68] : memref<10000x128xf32, #tpu.memory_space<hbm>> -> memref<10000x128xf32, #tpu.memory_space<hbm>>
      tpu.enqueue_indirect_dma source(%dma_start3A_69 : memref<10000x128xf32, #tpu.memory_space<hbm>>) target(%arg16 : memref<80x128xf32, #tpu.memory_space<vmem>>) offsets(%arg13 : memref<80xi32, #tpu.memory_space<vmem>>) semaphore(%arg21 : memref<!tpu.dma_semaphore, #tpu.memory_space<semaphore_mem>>)
      %dma_start3A_70 = arith.constant 0 : i32
      %dma_start3A_71 = arith.constant 0 : i32
      %dma_start3A_72 = tpu.memref_slice %arg3[%arg0, %dma_start3A_70, %dma_start3A_71] : memref<2x10000x128xf32, #tpu.memory_space<hbm>> -> memref<1x10000x128xf32, #tpu.memory_space<hbm>>
      %dma_start3A_73 = tpu.memref_squeeze %dma_start3A_72 : memref<1x10000x128xf32, #tpu.memory_space<hbm>> -> memref<10000x128xf32, #tpu.memory_space<hbm>>
      %dma_start3A_74 = arith.constant 0 : i32
      %dma_start3A_75 = arith.constant 0 : i32
      %dma_start3A_76 = tpu.memref_slice %dma_start3A_73[%dma_start3A_74, %dma_start3A_75] : memref<10000x128xf32, #tpu.memory_space<hbm>> -> memref<10000x128xf32, #tpu.memory_space<hbm>>
      tpu.enqueue_indirect_dma source(%dma_start3A_76 : memref<10000x128xf32, #tpu.memory_space<hbm>>) target(%arg17 : memref<80x128xf32, #tpu.memory_space<vmem>>) offsets(%arg14 : memref<80xi32, #tpu.memory_space<vmem>>) semaphore(%arg22 : memref<!tpu.dma_semaphore, #tpu.memory_space<semaphore_mem>>)
      %dma_wait3A = arith.constant 0 : i32
      %dma_wait3A_77 = arith.constant 0 : i32
      %dma_wait3A_78 = tpu.memref_slice %arg2[%arg0, %dma_wait3A, %dma_wait3A_77] : memref<2x10000x128xf32, #tpu.memory_space<hbm>> -> memref<1x10000x128xf32, #tpu.memory_space<hbm>>
      %dma_wait3A_79 = tpu.memref_squeeze %dma_wait3A_78 : memref<1x10000x128xf32, #tpu.memory_space<hbm>> -> memref<10000x128xf32, #tpu.memory_space<hbm>>
      %dma_wait3A_80 = arith.constant 0 : i32
      %dma_wait3A_81 = arith.constant 0 : i32
      %dma_wait3A_82 = tpu.memref_slice %dma_wait3A_79[%dma_wait3A_80, %dma_wait3A_81] : memref<10000x128xf32, #tpu.memory_space<hbm>> -> memref<10000x128xf32, #tpu.memory_space<hbm>>
      tpu.wait_indirect_dma semaphore(%arg21 : memref<!tpu.dma_semaphore, #tpu.memory_space<semaphore_mem>>) src(%dma_wait3A_82 : memref<10000x128xf32, #tpu.memory_space<hbm>>) dst(%arg16 : memref<80x128xf32, #tpu.memory_space<vmem>>)
      %dma_wait3A_83 = arith.constant 0 : i32
      %dma_wait3A_84 = arith.constant 0 : i32
      %dma_wait3A_85 = tpu.memref_slice %arg3[%arg0, %dma_wait3A_83, %dma_wait3A_84] : memref<2x10000x128xf32, #tpu.memory_space<hbm>> -> memref<1x10000x128xf32, #tpu.memory_space<hbm>>
      %dma_wait3A_86 = tpu.memref_squeeze %dma_wait3A_85 : memref<1x10000x128xf32, #tpu.memory_space<hbm>> -> memref<10000x128xf32, #tpu.memory_space<hbm>>
      %dma_wait3A_87 = arith.constant 0 : i32
      %dma_wait3A_88 = arith.constant 0 : i32
      %dma_wait3A_89 = tpu.memref_slice %dma_wait3A_86[%dma_wait3A_87, %dma_wait3A_88] : memref<10000x128xf32, #tpu.memory_space<hbm>> -> memref<10000x128xf32, #tpu.memory_space<hbm>>
      tpu.wait_indirect_dma semaphore(%arg22 : memref<!tpu.dma_semaphore, #tpu.memory_space<semaphore_mem>>) src(%dma_wait3A_89 : memref<10000x128xf32, #tpu.memory_space<hbm>>) dst(%arg17 : memref<80x128xf32, #tpu.memory_space<vmem>>)
      %scan3A_90 = arith.constant 0 : i32
      %scan3A_91 = arith.constant 0 : i32
      %scan3A_92 = arith.constant 80 : i32
      %scan3A_93 = arith.addi %scan3A_91, %scan3A_92 : i32
      %scan3A_94 = arith.constant 1 : i32
      scf.for %scan3A_96 = %scan3A_91 to %scan3A_93 step %scan3A_94  : i32 {
        %jit3A = arith.constant 16 : i32
        %div3A = arith.divsi %scan3A_96, %jit3A : i32
        %sign3A = arith.constant 0 : i32
        %sign3A_97 = arith.cmpi sgt, %scan3A_96, %sign3A : i32
        %sign3A_98 = arith.extui %sign3A_97 : i1 to i32
        %sign3A_99 = arith.constant 0 : i32
        %sign3A_100 = arith.cmpi slt, %scan3A_96, %sign3A_99 : i32
        %sign3A_101 = arith.extui %sign3A_100 : i1 to i32
        %sign3A_102 = arith.subi %sign3A_98, %sign3A_101 : i32
        %sign3A_103 = arith.constant 0 : i32
        %sign3A_104 = arith.cmpi sgt, %jit3A, %sign3A_103 : i32
        %sign3A_105 = arith.extui %sign3A_104 : i1 to i32
        %sign3A_106 = arith.constant 0 : i32
        %sign3A_107 = arith.cmpi slt, %jit3A, %sign3A_106 : i32
        %sign3A_108 = arith.extui %sign3A_107 : i1 to i32
        %sign3A_109 = arith.subi %sign3A_105, %sign3A_108 : i32
        %ne3A = arith.cmpi ne, %sign3A_102, %sign3A_109 : i32
        %rem3A = arith.remsi %scan3A_96, %jit3A : i32
        %ne3A_110 = arith.constant 0 : i32
        %ne3A_111 = arith.cmpi ne, %rem3A, %ne3A_110 : i32
        %and3A = arith.andi %ne3A, %ne3A_111 : i1
        %sub3A = arith.constant 1 : i32
        %sub3A_112 = arith.subi %div3A, %sub3A : i32
        %select_n3A = arith.select %and3A, %sub3A_112, %div3A : i32
        %mul3A_113 = arith.constant 16 : i32
        %mul3A_114 = arith.muli %select_n3A, %mul3A_113 : i32
        %get3A = arith.index_cast %mul3A_114 : i32 to index
        %get3A_115 = tpu.vector_load %arg14[%get3A] {strides = array<i32>} : memref<80xi32, #tpu.memory_space<vmem>>, vector<16xi32>,
        %get3A_116 = vector.shape_cast %get3A_115 : vector<16xi32> to vector<16xi32>
        %broadcast_in_dim3A = arith.constant 0 : i32
        %broadcast_in_dim3A_117 = vector.broadcast %broadcast_in_dim3A : i32 to vector<16xi32>
        %mul3A_118 = arith.constant 16 : i32
        %mul3A_119 = arith.muli %select_n3A, %mul3A_118 : i32
        %sub3A_120 = arith.subi %scan3A_96, %mul3A_119 : i32
        %add3A_121 = vector.broadcast %sub3A_120 : i32 to vector<16xi32>
        %add3A_122 = arith.addi %broadcast_in_dim3A_117, %add3A_121 : vector<16xi32>
        %lt3A = arith.constant 0 : i32
        %lt3A_123 = vector.broadcast %lt3A : i32 to vector<16xi32>
        %lt3A_124 = arith.cmpi slt, %add3A_122, %lt3A_123 : vector<16xi32>
        %add3A_125 = arith.constant 16 : i32
        %add3A_126 = vector.broadcast %add3A_125 : i32 to vector<16xi32>
        %add3A_127 = arith.addi %add3A_122, %add3A_126 : vector<16xi32>
        %select_n3A_128 = arith.select %lt3A_124, %add3A_127, %add3A_122 : vector<16xi1>, vector<16xi32>
        %broadcast_in_dim3A_129 = vector.shape_cast %select_n3A_128 : vector<16xi32> to vector<16x1xi32>
        %gather3A = vector.shape_cast %broadcast_in_dim3A_129 : vector<16x1xi32> to vector<16xi32>
        %gather3A_130 = tpu.dynamic_gather %get3A_116[%gather3A] in [0] : vector<16xi32>, vector<16xi32> -> vector<16xi32>
        %broadcast_in_dim3A_131 = arith.constant 0.000000e+00 : f32
        %broadcast_in_dim3A_132 = vector.broadcast %broadcast_in_dim3A_131 : f32 to vector<16xf32>
        %get3A_133 = arith.index_cast %scan3A_96 : i32 to index
        %get3A_134 = arith.constant 0 : index
        %get3A_135 = tpu.vector_load %arg16[%get3A_133, %get3A_134] {strides = array<i32>} : memref<80x128xf32, #tpu.memory_space<vmem>>, vector<1x16xf32>,
        %get3A_136 = vector.shape_cast %get3A_135 : vector<1x16xf32> to vector<16xf32>
        %get3A_137 = arith.index_cast %scan3A_96 : i32 to index
        %get3A_138 = arith.constant 16 : index
        %get3A_139 = tpu.vector_load %arg16[%get3A_137, %get3A_138] {strides = array<i32>} : memref<80x128xf32, #tpu.memory_space<vmem>>, vector<1x16xf32>,
        %get3A_140 = vector.shape_cast %get3A_139 : vector<1x16xf32> to vector<16xf32>
        %get3A_141 = arith.constant 0 : index
        %get3A_142 = tpu.vector_load %arg20[%get3A_141] {strides = array<i32>} : memref<128xf32, #tpu.memory_space<vmem>>, vector<16xf32>,
        %get3A_143 = vector.shape_cast %get3A_142 : vector<16xf32> to vector<16xf32>
        %get3A_144 = arith.index_cast %scan3A_96 : i32 to index
        %get3A_145 = arith.constant 0 : index
        %get3A_146 = tpu.vector_load %arg17[%get3A_144, %get3A_145] {strides = array<i32>} : memref<80x128xf32, #tpu.memory_space<vmem>>, vector<1x16xf32>,
        %get3A_147 = vector.shape_cast %get3A_146 : vector<1x16xf32> to vector<16xf32>
        %add3A_148 = arith.addf %get3A_136, %get3A_147 : vector<16xf32>
        %max3A = arith.constant 0.000000e+00 : f32
        %max3A_149 = vector.broadcast %max3A : f32 to vector<16xf32>
        %max3A_150 = arith.maximumf %add3A_148, %max3A_149 : vector<16xf32>
        %min3A = arith.constant 0.000000e+00 : f32
        %min3A_151 = vector.broadcast %min3A : f32 to vector<16xf32>
        %min3A_152 = arith.minimumf %add3A_148, %min3A_151 : vector<16xf32>
        %mul3A_153 = arith.constant 2.000000e-01 : f32
        %mul3A_154 = vector.broadcast %mul3A_153 : f32 to vector<16xf32>
        %mul3A_155 = arith.mulf %mul3A_154, %min3A_152 : vector<16xf32>
        %add3A_156 = arith.addf %max3A_150, %mul3A_155 : vector<16xf32>
        %mul3A_157 = arith.mulf %get3A_143, %add3A_156 : vector<16xf32>
        %get3A_158 = arith.constant 16 : index
        %get3A_159 = tpu.vector_load %arg20[%get3A_158] {strides = array<i32>} : memref<128xf32, #tpu.memory_space<vmem>>, vector<16xf32>,
        %get3A_160 = vector.shape_cast %get3A_159 : vector<16xf32> to vector<16xf32>
        %get3A_161 = arith.index_cast %scan3A_96 : i32 to index
        %get3A_162 = arith.constant 16 : index
        %get3A_163 = tpu.vector_load %arg17[%get3A_161, %get3A_162] {strides = array<i32>} : memref<80x128xf32, #tpu.memory_space<vmem>>, vector<1x16xf32>,
        %get3A_164 = vector.shape_cast %get3A_163 : vector<1x16xf32> to vector<16xf32>
        %add3A_165 = arith.addf %get3A_140, %get3A_164 : vector<16xf32>
        %max3A_166 = arith.constant 0.000000e+00 : f32
        %max3A_167 = vector.broadcast %max3A_166 : f32 to vector<16xf32>
        %max3A_168 = arith.maximumf %add3A_165, %max3A_167 : vector<16xf32>
        %min3A_169 = arith.constant 0.000000e+00 : f32
        %min3A_170 = vector.broadcast %min3A_169 : f32 to vector<16xf32>
        %min3A_171 = arith.minimumf %add3A_165, %min3A_170 : vector<16xf32>
        %mul3A_172 = arith.constant 2.000000e-01 : f32
        %mul3A_173 = vector.broadcast %mul3A_172 : f32 to vector<16xf32>
        %mul3A_174 = arith.mulf %mul3A_173, %min3A_171 : vector<16xf32>
        %add3A_175 = arith.addf %max3A_168, %mul3A_174 : vector<16xf32>
        %mul3A_176 = arith.mulf %get3A_160, %add3A_175 : vector<16xf32>
        %add3A_177 = arith.addf %mul3A_157, %mul3A_176 : vector<16xf32>
        %iota3A_178 = tpu.iota {dimensions = array<i32: 0>} : vector<16xi32>
        %xor3A = arith.constant 1 : i32
        %xor3A_179 = vector.broadcast %xor3A : i32 to vector<16xi32>
        %xor3A_180 = arith.xori %iota3A_178, %xor3A_179 : vector<16xi32>
        %lt3A_181 = arith.constant 0 : i32
        %lt3A_182 = vector.broadcast %lt3A_181 : i32 to vector<16xi32>
        %lt3A_183 = arith.cmpi slt, %xor3A_180, %lt3A_182 : vector<16xi32>
        %add3A_184 = arith.constant 16 : i32
        %add3A_185 = vector.broadcast %add3A_184 : i32 to vector<16xi32>
        %add3A_186 = arith.addi %xor3A_180, %add3A_185 : vector<16xi32>
        %select_n3A_187 = arith.select %lt3A_183, %add3A_186, %xor3A_180 : vector<16xi1>, vector<16xi32>
        %broadcast_in_dim3A_188 = vector.shape_cast %select_n3A_187 : vector<16xi32> to vector<16x1xi32>
        %gather3A_189 = vector.shape_cast %broadcast_in_dim3A_188 : vector<16x1xi32> to vector<16xi32>
        %gather3A_190 = tpu.dynamic_gather %add3A_177[%gather3A_189] in [0] : vector<16xf32>, vector<16xi32> -> vector<16xf32>
        %add3A_191 = arith.addf %add3A_177, %gather3A_190 : vector<16xf32>
        %xor3A_192 = arith.constant 2 : i32
        %xor3A_193 = vector.broadcast %xor3A_192 : i32 to vector<16xi32>
        %xor3A_194 = arith.xori %iota3A_178, %xor3A_193 : vector<16xi32>
        %lt3A_195 = arith.constant 0 : i32
        %lt3A_196 = vector.broadcast %lt3A_195 : i32 to vector<16xi32>
        %lt3A_197 = arith.cmpi slt, %xor3A_194, %lt3A_196 : vector<16xi32>
        %add3A_198 = arith.constant 16 : i32
        %add3A_199 = vector.broadcast %add3A_198 : i32 to vector<16xi32>
        %add3A_200 = arith.addi %xor3A_194, %add3A_199 : vector<16xi32>
        %select_n3A_201 = arith.select %lt3A_197, %add3A_200, %xor3A_194 : vector<16xi1>, vector<16xi32>
        %broadcast_in_dim3A_202 = vector.shape_cast %select_n3A_201 : vector<16xi32> to vector<16x1xi32>
        %gather3A_203 = vector.shape_cast %broadcast_in_dim3A_202 : vector<16x1xi32> to vector<16xi32>
        %gather3A_204 = tpu.dynamic_gather %add3A_191[%gather3A_203] in [0] : vector<16xf32>, vector<16xi32> -> vector<16xf32>
        %add3A_205 = arith.addf %add3A_191, %gather3A_204 : vector<16xf32>
        %xor3A_206 = arith.constant 4 : i32
        %xor3A_207 = vector.broadcast %xor3A_206 : i32 to vector<16xi32>
        %xor3A_208 = arith.xori %iota3A_178, %xor3A_207 : vector<16xi32>
        %lt3A_209 = arith.constant 0 : i32
        %lt3A_210 = vector.broadcast %lt3A_209 : i32 to vector<16xi32>
        %lt3A_211 = arith.cmpi slt, %xor3A_208, %lt3A_210 : vector<16xi32>
        %add3A_212 = arith.constant 16 : i32
        %add3A_213 = vector.broadcast %add3A_212 : i32 to vector<16xi32>
        %add3A_214 = arith.addi %xor3A_208, %add3A_213 : vector<16xi32>
        %select_n3A_215 = arith.select %lt3A_211, %add3A_214, %xor3A_208 : vector<16xi1>, vector<16xi32>
        %broadcast_in_dim3A_216 = vector.shape_cast %select_n3A_215 : vector<16xi32> to vector<16x1xi32>
        %gather3A_217 = vector.shape_cast %broadcast_in_dim3A_216 : vector<16x1xi32> to vector<16xi32>
        %gather3A_218 = tpu.dynamic_gather %add3A_205[%gather3A_217] in [0] : vector<16xf32>, vector<16xi32> -> vector<16xf32>
        %add3A_219 = arith.addf %add3A_205, %gather3A_218 : vector<16xf32>
        %xor3A_220 = arith.constant 8 : i32
        %xor3A_221 = vector.broadcast %xor3A_220 : i32 to vector<16xi32>
        %xor3A_222 = arith.xori %iota3A_178, %xor3A_221 : vector<16xi32>
        %lt3A_223 = arith.constant 0 : i32
        %lt3A_224 = vector.broadcast %lt3A_223 : i32 to vector<16xi32>
        %lt3A_225 = arith.cmpi slt, %xor3A_222, %lt3A_224 : vector<16xi32>
        %add3A_226 = arith.constant 16 : i32
        %add3A_227 = vector.broadcast %add3A_226 : i32 to vector<16xi32>
        %add3A_228 = arith.addi %xor3A_222, %add3A_227 : vector<16xi32>
        %select_n3A_229 = arith.select %lt3A_225, %add3A_228, %xor3A_222 : vector<16xi1>, vector<16xi32>
        %broadcast_in_dim3A_230 = vector.shape_cast %select_n3A_229 : vector<16xi32> to vector<16x1xi32>
        %gather3A_231 = vector.shape_cast %broadcast_in_dim3A_230 : vector<16x1xi32> to vector<16xi32>
        %gather3A_232 = tpu.dynamic_gather %add3A_219[%gather3A_231] in [0] : vector<16xf32>, vector<16xi32> -> vector<16xf32>
        %add3A_233 = arith.addf %add3A_219, %gather3A_232 : vector<16xf32>
        %exp3A = math.exp %add3A_233 : vector<16xf32>
        %mul3A_234 = arith.mulf %exp3A, %get3A_136 : vector<16xf32>
        %swap3A = arith.index_cast %scan3A_96 : i32 to index
        %swap3A_235 = arith.constant 0 : index
        %swap3A_236 = tpu.vector_load %arg18[%swap3A, %swap3A_235] {strides = array<i32>} : memref<80x128xf32, #tpu.memory_space<vmem>>, vector<1x16xf32>,
        %swap3A_237 = vector.shape_cast %swap3A_236 : vector<1x16xf32> to vector<16xf32>
        %swap3A_238 = vector.shape_cast %mul3A_234 : vector<16xf32> to vector<1x16xf32>
        tpu.vector_store %arg18[%swap3A, %swap3A_235], %swap3A_238 {strides = array<i32>} : memref<80x128xf32, #tpu.memory_space<vmem>>, vector<1x16xf32>,
        %mul3A_239 = arith.mulf %exp3A, %get3A_140 : vector<16xf32>
        %swap3A_240 = arith.index_cast %scan3A_96 : i32 to index
        %swap3A_241 = arith.constant 16 : index
        %swap3A_242 = tpu.vector_load %arg18[%swap3A_240, %swap3A_241] {strides = array<i32>} : memref<80x128xf32, #tpu.memory_space<vmem>>, vector<1x16xf32>,
        %swap3A_243 = vector.shape_cast %swap3A_242 : vector<1x16xf32> to vector<16xf32>
        %swap3A_244 = vector.shape_cast %mul3A_239 : vector<16xf32> to vector<1x16xf32>
        tpu.vector_store %arg18[%swap3A_240, %swap3A_241], %swap3A_244 {strides = array<i32>} : memref<80x128xf32, #tpu.memory_space<vmem>>, vector<1x16xf32>,
        %eq3A = arith.constant 8 : i32
        %eq3A_245 = vector.broadcast %eq3A : i32 to vector<16xi32>
        %eq3A_246 = arith.cmpi eq, %iota3A, %eq3A_245 : vector<16xi32>
        %select_n3A_247 = arith.select %eq3A_246, %exp3A, %broadcast_in_dim3A_132 : vector<16xi1>, vector<16xf32>
        %get3A_248 = arith.index_cast %scan3A_96 : i32 to index
        %get3A_249 = arith.constant 32 : index
        %get3A_250 = tpu.vector_load %arg16[%get3A_248, %get3A_249] {strides = array<i32>} : memref<80x128xf32, #tpu.memory_space<vmem>>, vector<1x16xf32>,
        %get3A_251 = vector.shape_cast %get3A_250 : vector<1x16xf32> to vector<16xf32>
        %get3A_252 = arith.index_cast %scan3A_96 : i32 to index
        %get3A_253 = arith.constant 48 : index
        %get3A_254 = tpu.vector_load %arg16[%get3A_252, %get3A_253] {strides = array<i32>} : memref<80x128xf32, #tpu.memory_space<vmem>>, vector<1x16xf32>,
        %get3A_255 = vector.shape_cast %get3A_254 : vector<1x16xf32> to vector<16xf32>
        %get3A_256 = arith.constant 32 : index
        %get3A_257 = tpu.vector_load %arg20[%get3A_256] {strides = array<i32>} : memref<128xf32, #tpu.memory_space<vmem>>, vector<16xf32>,
        %get3A_258 = vector.shape_cast %get3A_257 : vector<16xf32> to vector<16xf32>
        %get3A_259 = arith.index_cast %scan3A_96 : i32 to index
        %get3A_260 = arith.constant 32 : index
        %get3A_261 = tpu.vector_load %arg17[%get3A_259, %get3A_260] {strides = array<i32>} : memref<80x128xf32, #tpu.memory_space<vmem>>, vector<1x16xf32>,
        %get3A_262 = vector.shape_cast %get3A_261 : vector<1x16xf32> to vector<16xf32>
        %add3A_263 = arith.addf %get3A_251, %get3A_262 : vector<16xf32>
        %max3A_264 = arith.constant 0.000000e+00 : f32
        %max3A_265 = vector.broadcast %max3A_264 : f32 to vector<16xf32>
        %max3A_266 = arith.maximumf %add3A_263, %max3A_265 : vector<16xf32>
        %min3A_267 = arith.constant 0.000000e+00 : f32
        %min3A_268 = vector.broadcast %min3A_267 : f32 to vector<16xf32>
        %min3A_269 = arith.minimumf %add3A_263, %min3A_268 : vector<16xf32>
        %mul3A_270 = arith.constant 2.000000e-01 : f32
        %mul3A_271 = vector.broadcast %mul3A_270 : f32 to vector<16xf32>
        %mul3A_272 = arith.mulf %mul3A_271, %min3A_269 : vector<16xf32>
        %add3A_273 = arith.addf %max3A_266, %mul3A_272 : vector<16xf32>
        %mul3A_274 = arith.mulf %get3A_258, %add3A_273 : vector<16xf32>
        %get3A_275 = arith.constant 48 : index
        %get3A_276 = tpu.vector_load %arg20[%get3A_275] {strides = array<i32>} : memref<128xf32, #tpu.memory_space<vmem>>, vector<16xf32>,
        %get3A_277 = vector.shape_cast %get3A_276 : vector<16xf32> to vector<16xf32>
        %get3A_278 = arith.index_cast %scan3A_96 : i32 to index
        %get3A_279 = arith.constant 48 : index
        %get3A_280 = tpu.vector_load %arg17[%get3A_278, %get3A_279] {strides = array<i32>} : memref<80x128xf32, #tpu.memory_space<vmem>>, vector<1x16xf32>,
        %get3A_281 = vector.shape_cast %get3A_280 : vector<1x16xf32> to vector<16xf32>
        %add3A_282 = arith.addf %get3A_255, %get3A_281 : vector<16xf32>
        %max3A_283 = arith.constant 0.000000e+00 : f32
        %max3A_284 = vector.broadcast %max3A_283 : f32 to vector<16xf32>
        %max3A_285 = arith.maximumf %add3A_282, %max3A_284 : vector<16xf32>
        %min3A_286 = arith.constant 0.000000e+00 : f32
        %min3A_287 = vector.broadcast %min3A_286 : f32 to vector<16xf32>
        %min3A_288 = arith.minimumf %add3A_282, %min3A_287 : vector<16xf32>
        %mul3A_289 = arith.constant 2.000000e-01 : f32
        %mul3A_290 = vector.broadcast %mul3A_289 : f32 to vector<16xf32>
        %mul3A_291 = arith.mulf %mul3A_290, %min3A_288 : vector<16xf32>
        %add3A_292 = arith.addf %max3A_285, %mul3A_291 : vector<16xf32>
        %mul3A_293 = arith.mulf %get3A_277, %add3A_292 : vector<16xf32>
        %add3A_294 = arith.addf %mul3A_274, %mul3A_293 : vector<16xf32>
        %iota3A_295 = tpu.iota {dimensions = array<i32: 0>} : vector<16xi32>
        %xor3A_296 = arith.constant 1 : i32
        %xor3A_297 = vector.broadcast %xor3A_296 : i32 to vector<16xi32>
        %xor3A_298 = arith.xori %iota3A_295, %xor3A_297 : vector<16xi32>
        %lt3A_299 = arith.constant 0 : i32
        %lt3A_300 = vector.broadcast %lt3A_299 : i32 to vector<16xi32>
        %lt3A_301 = arith.cmpi slt, %xor3A_298, %lt3A_300 : vector<16xi32>
        %add3A_302 = arith.constant 16 : i32
        %add3A_303 = vector.broadcast %add3A_302 : i32 to vector<16xi32>
        %add3A_304 = arith.addi %xor3A_298, %add3A_303 : vector<16xi32>
        %select_n3A_305 = arith.select %lt3A_301, %add3A_304, %xor3A_298 : vector<16xi1>, vector<16xi32>
        %broadcast_in_dim3A_306 = vector.shape_cast %select_n3A_305 : vector<16xi32> to vector<16x1xi32>
        %gather3A_307 = vector.shape_cast %broadcast_in_dim3A_306 : vector<16x1xi32> to vector<16xi32>
        %gather3A_308 = tpu.dynamic_gather %add3A_294[%gather3A_307] in [0] : vector<16xf32>, vector<16xi32> -> vector<16xf32>
        %add3A_309 = arith.addf %add3A_294, %gather3A_308 : vector<16xf32>
        %xor3A_310 = arith.constant 2 : i32
        %xor3A_311 = vector.broadcast %xor3A_310 : i32 to vector<16xi32>
        %xor3A_312 = arith.xori %iota3A_295, %xor3A_311 : vector<16xi32>
        %lt3A_313 = arith.constant 0 : i32
        %lt3A_314 = vector.broadcast %lt3A_313 : i32 to vector<16xi32>
        %lt3A_315 = arith.cmpi slt, %xor3A_312, %lt3A_314 : vector<16xi32>
        %add3A_316 = arith.constant 16 : i32
        %add3A_317 = vector.broadcast %add3A_316 : i32 to vector<16xi32>
        %add3A_318 = arith.addi %xor3A_312, %add3A_317 : vector<16xi32>
        %select_n3A_319 = arith.select %lt3A_315, %add3A_318, %xor3A_312 : vector<16xi1>, vector<16xi32>
        %broadcast_in_dim3A_320 = vector.shape_cast %select_n3A_319 : vector<16xi32> to vector<16x1xi32>
        %gather3A_321 = vector.shape_cast %broadcast_in_dim3A_320 : vector<16x1xi32> to vector<16xi32>
        %gather3A_322 = tpu.dynamic_gather %add3A_309[%gather3A_321] in [0] : vector<16xf32>, vector<16xi32> -> vector<16xf32>
        %add3A_323 = arith.addf %add3A_309, %gather3A_322 : vector<16xf32>
        %xor3A_324 = arith.constant 4 : i32
        %xor3A_325 = vector.broadcast %xor3A_324 : i32 to vector<16xi32>
        %xor3A_326 = arith.xori %iota3A_295, %xor3A_325 : vector<16xi32>
        %lt3A_327 = arith.constant 0 : i32
        %lt3A_328 = vector.broadcast %lt3A_327 : i32 to vector<16xi32>
        %lt3A_329 = arith.cmpi slt, %xor3A_326, %lt3A_328 : vector<16xi32>
        %add3A_330 = arith.constant 16 : i32
        %add3A_331 = vector.broadcast %add3A_330 : i32 to vector<16xi32>
        %add3A_332 = arith.addi %xor3A_326, %add3A_331 : vector<16xi32>
        %select_n3A_333 = arith.select %lt3A_329, %add3A_332, %xor3A_326 : vector<16xi1>, vector<16xi32>
        %broadcast_in_dim3A_334 = vector.shape_cast %select_n3A_333 : vector<16xi32> to vector<16x1xi32>
        %gather3A_335 = vector.shape_cast %broadcast_in_dim3A_334 : vector<16x1xi32> to vector<16xi32>
        %gather3A_336 = tpu.dynamic_gather %add3A_323[%gather3A_335] in [0] : vector<16xf32>, vector<16xi32> -> vector<16xf32>
        %add3A_337 = arith.addf %add3A_323, %gather3A_336 : vector<16xf32>
        %xor3A_338 = arith.constant 8 : i32
        %xor3A_339 = vector.broadcast %xor3A_338 : i32 to vector<16xi32>
        %xor3A_340 = arith.xori %iota3A_295, %xor3A_339 : vector<16xi32>
        %lt3A_341 = arith.constant 0 : i32
        %lt3A_342 = vector.broadcast %lt3A_341 : i32 to vector<16xi32>
        %lt3A_343 = arith.cmpi slt, %xor3A_340, %lt3A_342 : vector<16xi32>
        %add3A_344 = arith.constant 16 : i32
        %add3A_345 = vector.broadcast %add3A_344 : i32 to vector<16xi32>
        %add3A_346 = arith.addi %xor3A_340, %add3A_345 : vector<16xi32>
        %select_n3A_347 = arith.select %lt3A_343, %add3A_346, %xor3A_340 : vector<16xi1>, vector<16xi32>
        %broadcast_in_dim3A_348 = vector.shape_cast %select_n3A_347 : vector<16xi32> to vector<16x1xi32>
        %gather3A_349 = vector.shape_cast %broadcast_in_dim3A_348 : vector<16x1xi32> to vector<16xi32>
        %gather3A_350 = tpu.dynamic_gather %add3A_337[%gather3A_349] in [0] : vector<16xf32>, vector<16xi32> -> vector<16xf32>
        %add3A_351 = arith.addf %add3A_337, %gather3A_350 : vector<16xf32>
        %exp3A_352 = math.exp %add3A_351 : vector<16xf32>
        %mul3A_353 = arith.mulf %exp3A_352, %get3A_251 : vector<16xf32>
        %swap3A_354 = arith.index_cast %scan3A_96 : i32 to index
        %swap3A_355 = arith.constant 32 : index
        %swap3A_356 = tpu.vector_load %arg18[%swap3A_354, %swap3A_355] {strides = array<i32>} : memref<80x128xf32, #tpu.memory_space<vmem>>, vector<1x16xf32>,
        %swap3A_357 = vector.shape_cast %swap3A_356 : vector<1x16xf32> to vector<16xf32>
        %swap3A_358 = vector.shape_cast %mul3A_353 : vector<16xf32> to vector<1x16xf32>
        tpu.vector_store %arg18[%swap3A_354, %swap3A_355], %swap3A_358 {strides = array<i32>} : memref<80x128xf32, #tpu.memory_space<vmem>>, vector<1x16xf32>,
        %mul3A_359 = arith.mulf %exp3A_352, %get3A_255 : vector<16xf32>
        %swap3A_360 = arith.index_cast %scan3A_96 : i32 to index
        %swap3A_361 = arith.constant 48 : index
        %swap3A_362 = tpu.vector_load %arg18[%swap3A_360, %swap3A_361] {strides = array<i32>} : memref<80x128xf32, #tpu.memory_space<vmem>>, vector<1x16xf32>,
        %swap3A_363 = vector.shape_cast %swap3A_362 : vector<1x16xf32> to vector<16xf32>
        %swap3A_364 = vector.shape_cast %mul3A_359 : vector<16xf32> to vector<1x16xf32>
        tpu.vector_store %arg18[%swap3A_360, %swap3A_361], %swap3A_364 {strides = array<i32>} : memref<80x128xf32, #tpu.memory_space<vmem>>, vector<1x16xf32>,
        %eq3A_365 = arith.constant 9 : i32
        %eq3A_366 = vector.broadcast %eq3A_365 : i32 to vector<16xi32>
        %eq3A_367 = arith.cmpi eq, %iota3A, %eq3A_366 : vector<16xi32>
        %select_n3A_368 = arith.select %eq3A_367, %exp3A_352, %select_n3A_247 : vector<16xi1>, vector<16xf32>
        %get3A_369 = arith.index_cast %scan3A_96 : i32 to index
        %get3A_370 = arith.constant 64 : index
        %get3A_371 = tpu.vector_load %arg16[%get3A_369, %get3A_370] {strides = array<i32>} : memref<80x128xf32, #tpu.memory_space<vmem>>, vector<1x16xf32>,
        %get3A_372 = vector.shape_cast %get3A_371 : vector<1x16xf32> to vector<16xf32>
        %get3A_373 = arith.index_cast %scan3A_96 : i32 to index
        %get3A_374 = arith.constant 80 : index
        %get3A_375 = tpu.vector_load %arg16[%get3A_373, %get3A_374] {strides = array<i32>} : memref<80x128xf32, #tpu.memory_space<vmem>>, vector<1x16xf32>,
        %get3A_376 = vector.shape_cast %get3A_375 : vector<1x16xf32> to vector<16xf32>
        %get3A_377 = arith.constant 64 : index
        %get3A_378 = tpu.vector_load %arg20[%get3A_377] {strides = array<i32>} : memref<128xf32, #tpu.memory_space<vmem>>, vector<16xf32>,
        %get3A_379 = vector.shape_cast %get3A_378 : vector<16xf32> to vector<16xf32>
        %get3A_380 = arith.index_cast %scan3A_96 : i32 to index
        %get3A_381 = arith.constant 64 : index
        %get3A_382 = tpu.vector_load %arg17[%get3A_380, %get3A_381] {strides = array<i32>} : memref<80x128xf32, #tpu.memory_space<vmem>>, vector<1x16xf32>,
        %get3A_383 = vector.shape_cast %get3A_382 : vector<1x16xf32> to vector<16xf32>
        %add3A_384 = arith.addf %get3A_372, %get3A_383 : vector<16xf32>
        %max3A_385 = arith.constant 0.000000e+00 : f32
        %max3A_386 = vector.broadcast %max3A_385 : f32 to vector<16xf32>
        %max3A_387 = arith.maximumf %add3A_384, %max3A_386 : vector<16xf32>
        %min3A_388 = arith.constant 0.000000e+00 : f32
        %min3A_389 = vector.broadcast %min3A_388 : f32 to vector<16xf32>
        %min3A_390 = arith.minimumf %add3A_384, %min3A_389 : vector<16xf32>
        %mul3A_391 = arith.constant 2.000000e-01 : f32
        %mul3A_392 = vector.broadcast %mul3A_391 : f32 to vector<16xf32>
        %mul3A_393 = arith.mulf %mul3A_392, %min3A_390 : vector<16xf32>
        %add3A_394 = arith.addf %max3A_387, %mul3A_393 : vector<16xf32>
        %mul3A_395 = arith.mulf %get3A_379, %add3A_394 : vector<16xf32>
        %get3A_396 = arith.constant 80 : index
        %get3A_397 = tpu.vector_load %arg20[%get3A_396] {strides = array<i32>} : memref<128xf32, #tpu.memory_space<vmem>>, vector<16xf32>,
        %get3A_398 = vector.shape_cast %get3A_397 : vector<16xf32> to vector<16xf32>
        %get3A_399 = arith.index_cast %scan3A_96 : i32 to index
        %get3A_400 = arith.constant 80 : index
        %get3A_401 = tpu.vector_load %arg17[%get3A_399, %get3A_400] {strides = array<i32>} : memref<80x128xf32, #tpu.memory_space<vmem>>, vector<1x16xf32>,
        %get3A_402 = vector.shape_cast %get3A_401 : vector<1x16xf32> to vector<16xf32>
        %add3A_403 = arith.addf %get3A_376, %get3A_402 : vector<16xf32>
        %max3A_404 = arith.constant 0.000000e+00 : f32
        %max3A_405 = vector.broadcast %max3A_404 : f32 to vector<16xf32>
        %max3A_406 = arith.maximumf %add3A_403, %max3A_405 : vector<16xf32>
        %min3A_407 = arith.constant 0.000000e+00 : f32
        %min3A_408 = vector.broadcast %min3A_407 : f32 to vector<16xf32>
        %min3A_409 = arith.minimumf %add3A_403, %min3A_408 : vector<16xf32>
        %mul3A_410 = arith.constant 2.000000e-01 : f32
        %mul3A_411 = vector.broadcast %mul3A_410 : f32 to vector<16xf32>
        %mul3A_412 = arith.mulf %mul3A_411, %min3A_409 : vector<16xf32>
        %add3A_413 = arith.addf %max3A_406, %mul3A_412 : vector<16xf32>
        %mul3A_414 = arith.mulf %get3A_398, %add3A_413 : vector<16xf32>
        %add3A_415 = arith.addf %mul3A_395, %mul3A_414 : vector<16xf32>
        %iota3A_416 = tpu.iota {dimensions = array<i32: 0>} : vector<16xi32>
        %xor3A_417 = arith.constant 1 : i32
        %xor3A_418 = vector.broadcast %xor3A_417 : i32 to vector<16xi32>
        %xor3A_419 = arith.xori %iota3A_416, %xor3A_418 : vector<16xi32>
        %lt3A_420 = arith.constant 0 : i32
        %lt3A_421 = vector.broadcast %lt3A_420 : i32 to vector<16xi32>
        %lt3A_422 = arith.cmpi slt, %xor3A_419, %lt3A_421 : vector<16xi32>
        %add3A_423 = arith.constant 16 : i32
        %add3A_424 = vector.broadcast %add3A_423 : i32 to vector<16xi32>
        %add3A_425 = arith.addi %xor3A_419, %add3A_424 : vector<16xi32>
        %select_n3A_426 = arith.select %lt3A_422, %add3A_425, %xor3A_419 : vector<16xi1>, vector<16xi32>
        %broadcast_in_dim3A_427 = vector.shape_cast %select_n3A_426 : vector<16xi32> to vector<16x1xi32>
        %gather3A_428 = vector.shape_cast %broadcast_in_dim3A_427 : vector<16x1xi32> to vector<16xi32>
        %gather3A_429 = tpu.dynamic_gather %add3A_415[%gather3A_428] in [0] : vector<16xf32>, vector<16xi32> -> vector<16xf32>
        %add3A_430 = arith.addf %add3A_415, %gather3A_429 : vector<16xf32>
        %xor3A_431 = arith.constant 2 : i32
        %xor3A_432 = vector.broadcast %xor3A_431 : i32 to vector<16xi32>
        %xor3A_433 = arith.xori %iota3A_416, %xor3A_432 : vector<16xi32>
        %lt3A_434 = arith.constant 0 : i32
        %lt3A_435 = vector.broadcast %lt3A_434 : i32 to vector<16xi32>
        %lt3A_436 = arith.cmpi slt, %xor3A_433, %lt3A_435 : vector<16xi32>
        %add3A_437 = arith.constant 16 : i32
        %add3A_438 = vector.broadcast %add3A_437 : i32 to vector<16xi32>
        %add3A_439 = arith.addi %xor3A_433, %add3A_438 : vector<16xi32>
        %select_n3A_440 = arith.select %lt3A_436, %add3A_439, %xor3A_433 : vector<16xi1>, vector<16xi32>
        %broadcast_in_dim3A_441 = vector.shape_cast %select_n3A_440 : vector<16xi32> to vector<16x1xi32>
        %gather3A_442 = vector.shape_cast %broadcast_in_dim3A_441 : vector<16x1xi32> to vector<16xi32>
        %gather3A_443 = tpu.dynamic_gather %add3A_430[%gather3A_442] in [0] : vector<16xf32>, vector<16xi32> -> vector<16xf32>
        %add3A_444 = arith.addf %add3A_430, %gather3A_443 : vector<16xf32>
        %xor3A_445 = arith.constant 4 : i32
        %xor3A_446 = vector.broadcast %xor3A_445 : i32 to vector<16xi32>
        %xor3A_447 = arith.xori %iota3A_416, %xor3A_446 : vector<16xi32>
        %lt3A_448 = arith.constant 0 : i32
        %lt3A_449 = vector.broadcast %lt3A_448 : i32 to vector<16xi32>
        %lt3A_450 = arith.cmpi slt, %xor3A_447, %lt3A_449 : vector<16xi32>
        %add3A_451 = arith.constant 16 : i32
        %add3A_452 = vector.broadcast %add3A_451 : i32 to vector<16xi32>
        %add3A_453 = arith.addi %xor3A_447, %add3A_452 : vector<16xi32>
        %select_n3A_454 = arith.select %lt3A_450, %add3A_453, %xor3A_447 : vector<16xi1>, vector<16xi32>
        %broadcast_in_dim3A_455 = vector.shape_cast %select_n3A_454 : vector<16xi32> to vector<16x1xi32>
        %gather3A_456 = vector.shape_cast %broadcast_in_dim3A_455 : vector<16x1xi32> to vector<16xi32>
        %gather3A_457 = tpu.dynamic_gather %add3A_444[%gather3A_456] in [0] : vector<16xf32>, vector<16xi32> -> vector<16xf32>
        %add3A_458 = arith.addf %add3A_444, %gather3A_457 : vector<16xf32>
        %xor3A_459 = arith.constant 8 : i32
        %xor3A_460 = vector.broadcast %xor3A_459 : i32 to vector<16xi32>
        %xor3A_461 = arith.xori %iota3A_416, %xor3A_460 : vector<16xi32>
        %lt3A_462 = arith.constant 0 : i32
        %lt3A_463 = vector.broadcast %lt3A_462 : i32 to vector<16xi32>
        %lt3A_464 = arith.cmpi slt, %xor3A_461, %lt3A_463 : vector<16xi32>
        %add3A_465 = arith.constant 16 : i32
        %add3A_466 = vector.broadcast %add3A_465 : i32 to vector<16xi32>
        %add3A_467 = arith.addi %xor3A_461, %add3A_466 : vector<16xi32>
        %select_n3A_468 = arith.select %lt3A_464, %add3A_467, %xor3A_461 : vector<16xi1>, vector<16xi32>
        %broadcast_in_dim3A_469 = vector.shape_cast %select_n3A_468 : vector<16xi32> to vector<16x1xi32>
        %gather3A_470 = vector.shape_cast %broadcast_in_dim3A_469 : vector<16x1xi32> to vector<16xi32>
        %gather3A_471 = tpu.dynamic_gather %add3A_458[%gather3A_470] in [0] : vector<16xf32>, vector<16xi32> -> vector<16xf32>
        %add3A_472 = arith.addf %add3A_458, %gather3A_471 : vector<16xf32>
        %exp3A_473 = math.exp %add3A_472 : vector<16xf32>
        %mul3A_474 = arith.mulf %exp3A_473, %get3A_372 : vector<16xf32>
        %swap3A_475 = arith.index_cast %scan3A_96 : i32 to index
        %swap3A_476 = arith.constant 64 : index
        %swap3A_477 = tpu.vector_load %arg18[%swap3A_475, %swap3A_476] {strides = array<i32>} : memref<80x128xf32, #tpu.memory_space<vmem>>, vector<1x16xf32>,
        %swap3A_478 = vector.shape_cast %swap3A_477 : vector<1x16xf32> to vector<16xf32>
        %swap3A_479 = vector.shape_cast %mul3A_474 : vector<16xf32> to vector<1x16xf32>
        tpu.vector_store %arg18[%swap3A_475, %swap3A_476], %swap3A_479 {strides = array<i32>} : memref<80x128xf32, #tpu.memory_space<vmem>>, vector<1x16xf32>,
        %mul3A_480 = arith.mulf %exp3A_473, %get3A_376 : vector<16xf32>
        %swap3A_481 = arith.index_cast %scan3A_96 : i32 to index
        %swap3A_482 = arith.constant 80 : index
        %swap3A_483 = tpu.vector_load %arg18[%swap3A_481, %swap3A_482] {strides = array<i32>} : memref<80x128xf32, #tpu.memory_space<vmem>>, vector<1x16xf32>,
        %swap3A_484 = vector.shape_cast %swap3A_483 : vector<1x16xf32> to vector<16xf32>
        %swap3A_485 = vector.shape_cast %mul3A_480 : vector<16xf32> to vector<1x16xf32>
        tpu.vector_store %arg18[%swap3A_481, %swap3A_482], %swap3A_485 {strides = array<i32>} : memref<80x128xf32, #tpu.memory_space<vmem>>, vector<1x16xf32>,
        %eq3A_486 = arith.constant 10 : i32
        %eq3A_487 = vector.broadcast %eq3A_486 : i32 to vector<16xi32>
        %eq3A_488 = arith.cmpi eq, %iota3A, %eq3A_487 : vector<16xi32>
        %select_n3A_489 = arith.select %eq3A_488, %exp3A_473, %select_n3A_368 : vector<16xi1>, vector<16xf32>
        %get3A_490 = arith.index_cast %scan3A_96 : i32 to index
        %get3A_491 = arith.constant 96 : index
        %get3A_492 = tpu.vector_load %arg16[%get3A_490, %get3A_491] {strides = array<i32>} : memref<80x128xf32, #tpu.memory_space<vmem>>, vector<1x16xf32>,
        %get3A_493 = vector.shape_cast %get3A_492 : vector<1x16xf32> to vector<16xf32>
        %get3A_494 = arith.index_cast %scan3A_96 : i32 to index
        %get3A_495 = arith.constant 112 : index
        %get3A_496 = tpu.vector_load %arg16[%get3A_494, %get3A_495] {strides = array<i32>} : memref<80x128xf32, #tpu.memory_space<vmem>>, vector<1x16xf32>,
        %get3A_497 = vector.shape_cast %get3A_496 : vector<1x16xf32> to vector<16xf32>
        %get3A_498 = arith.constant 96 : index
        %get3A_499 = tpu.vector_load %arg20[%get3A_498] {strides = array<i32>} : memref<128xf32, #tpu.memory_space<vmem>>, vector<16xf32>,
        %get3A_500 = vector.shape_cast %get3A_499 : vector<16xf32> to vector<16xf32>
        %get3A_501 = arith.index_cast %scan3A_96 : i32 to index
        %get3A_502 = arith.constant 96 : index
        %get3A_503 = tpu.vector_load %arg17[%get3A_501, %get3A_502] {strides = array<i32>} : memref<80x128xf32, #tpu.memory_space<vmem>>, vector<1x16xf32>,
        %get3A_504 = vector.shape_cast %get3A_503 : vector<1x16xf32> to vector<16xf32>
        %add3A_505 = arith.addf %get3A_493, %get3A_504 : vector<16xf32>
        %max3A_506 = arith.constant 0.000000e+00 : f32
        %max3A_507 = vector.broadcast %max3A_506 : f32 to vector<16xf32>
        %max3A_508 = arith.maximumf %add3A_505, %max3A_507 : vector<16xf32>
        %min3A_509 = arith.constant 0.000000e+00 : f32
        %min3A_510 = vector.broadcast %min3A_509 : f32 to vector<16xf32>
        %min3A_511 = arith.minimumf %add3A_505, %min3A_510 : vector<16xf32>
        %mul3A_512 = arith.constant 2.000000e-01 : f32
        %mul3A_513 = vector.broadcast %mul3A_512 : f32 to vector<16xf32>
        %mul3A_514 = arith.mulf %mul3A_513, %min3A_511 : vector<16xf32>
        %add3A_515 = arith.addf %max3A_508, %mul3A_514 : vector<16xf32>
        %mul3A_516 = arith.mulf %get3A_500, %add3A_515 : vector<16xf32>
        %get3A_517 = arith.constant 112 : index
        %get3A_518 = tpu.vector_load %arg20[%get3A_517] {strides = array<i32>} : memref<128xf32, #tpu.memory_space<vmem>>, vector<16xf32>,
        %get3A_519 = vector.shape_cast %get3A_518 : vector<16xf32> to vector<16xf32>
        %get3A_520 = arith.index_cast %scan3A_96 : i32 to index
        %get3A_521 = arith.constant 112 : index
        %get3A_522 = tpu.vector_load %arg17[%get3A_520, %get3A_521] {strides = array<i32>} : memref<80x128xf32, #tpu.memory_space<vmem>>, vector<1x16xf32>,
        %get3A_523 = vector.shape_cast %get3A_522 : vector<1x16xf32> to vector<16xf32>
        %add3A_524 = arith.addf %get3A_497, %get3A_523 : vector<16xf32>
        %max3A_525 = arith.constant 0.000000e+00 : f32
        %max3A_526 = vector.broadcast %max3A_525 : f32 to vector<16xf32>
        %max3A_527 = arith.maximumf %add3A_524, %max3A_526 : vector<16xf32>
        %min3A_528 = arith.constant 0.000000e+00 : f32
        %min3A_529 = vector.broadcast %min3A_528 : f32 to vector<16xf32>
        %min3A_530 = arith.minimumf %add3A_524, %min3A_529 : vector<16xf32>
        %mul3A_531 = arith.constant 2.000000e-01 : f32
        %mul3A_532 = vector.broadcast %mul3A_531 : f32 to vector<16xf32>
        %mul3A_533 = arith.mulf %mul3A_532, %min3A_530 : vector<16xf32>
        %add3A_534 = arith.addf %max3A_527, %mul3A_533 : vector<16xf32>
        %mul3A_535 = arith.mulf %get3A_519, %add3A_534 : vector<16xf32>
        %add3A_536 = arith.addf %mul3A_516, %mul3A_535 : vector<16xf32>
        %iota3A_537 = tpu.iota {dimensions = array<i32: 0>} : vector<16xi32>
        %xor3A_538 = arith.constant 1 : i32
        %xor3A_539 = vector.broadcast %xor3A_538 : i32 to vector<16xi32>
        %xor3A_540 = arith.xori %iota3A_537, %xor3A_539 : vector<16xi32>
        %lt3A_541 = arith.constant 0 : i32
        %lt3A_542 = vector.broadcast %lt3A_541 : i32 to vector<16xi32>
        %lt3A_543 = arith.cmpi slt, %xor3A_540, %lt3A_542 : vector<16xi32>
        %add3A_544 = arith.constant 16 : i32
        %add3A_545 = vector.broadcast %add3A_544 : i32 to vector<16xi32>
        %add3A_546 = arith.addi %xor3A_540, %add3A_545 : vector<16xi32>
        %select_n3A_547 = arith.select %lt3A_543, %add3A_546, %xor3A_540 : vector<16xi1>, vector<16xi32>
        %broadcast_in_dim3A_548 = vector.shape_cast %select_n3A_547 : vector<16xi32> to vector<16x1xi32>
        %gather3A_549 = vector.shape_cast %broadcast_in_dim3A_548 : vector<16x1xi32> to vector<16xi32>
        %gather3A_550 = tpu.dynamic_gather %add3A_536[%gather3A_549] in [0] : vector<16xf32>, vector<16xi32> -> vector<16xf32>
        %add3A_551 = arith.addf %add3A_536, %gather3A_550 : vector<16xf32>
        %xor3A_552 = arith.constant 2 : i32
        %xor3A_553 = vector.broadcast %xor3A_552 : i32 to vector<16xi32>
        %xor3A_554 = arith.xori %iota3A_537, %xor3A_553 : vector<16xi32>
        %lt3A_555 = arith.constant 0 : i32
        %lt3A_556 = vector.broadcast %lt3A_555 : i32 to vector<16xi32>
        %lt3A_557 = arith.cmpi slt, %xor3A_554, %lt3A_556 : vector<16xi32>
        %add3A_558 = arith.constant 16 : i32
        %add3A_559 = vector.broadcast %add3A_558 : i32 to vector<16xi32>
        %add3A_560 = arith.addi %xor3A_554, %add3A_559 : vector<16xi32>
        %select_n3A_561 = arith.select %lt3A_557, %add3A_560, %xor3A_554 : vector<16xi1>, vector<16xi32>
        %broadcast_in_dim3A_562 = vector.shape_cast %select_n3A_561 : vector<16xi32> to vector<16x1xi32>
        %gather3A_563 = vector.shape_cast %broadcast_in_dim3A_562 : vector<16x1xi32> to vector<16xi32>
        %gather3A_564 = tpu.dynamic_gather %add3A_551[%gather3A_563] in [0] : vector<16xf32>, vector<16xi32> -> vector<16xf32>
        %add3A_565 = arith.addf %add3A_551, %gather3A_564 : vector<16xf32>
        %xor3A_566 = arith.constant 4 : i32
        %xor3A_567 = vector.broadcast %xor3A_566 : i32 to vector<16xi32>
        %xor3A_568 = arith.xori %iota3A_537, %xor3A_567 : vector<16xi32>
        %lt3A_569 = arith.constant 0 : i32
        %lt3A_570 = vector.broadcast %lt3A_569 : i32 to vector<16xi32>
        %lt3A_571 = arith.cmpi slt, %xor3A_568, %lt3A_570 : vector<16xi32>
        %add3A_572 = arith.constant 16 : i32
        %add3A_573 = vector.broadcast %add3A_572 : i32 to vector<16xi32>
        %add3A_574 = arith.addi %xor3A_568, %add3A_573 : vector<16xi32>
        %select_n3A_575 = arith.select %lt3A_571, %add3A_574, %xor3A_568 : vector<16xi1>, vector<16xi32>
        %broadcast_in_dim3A_576 = vector.shape_cast %select_n3A_575 : vector<16xi32> to vector<16x1xi32>
        %gather3A_577 = vector.shape_cast %broadcast_in_dim3A_576 : vector<16x1xi32> to vector<16xi32>
        %gather3A_578 = tpu.dynamic_gather %add3A_565[%gather3A_577] in [0] : vector<16xf32>, vector<16xi32> -> vector<16xf32>
        %add3A_579 = arith.addf %add3A_565, %gather3A_578 : vector<16xf32>
        %xor3A_580 = arith.constant 8 : i32
        %xor3A_581 = vector.broadcast %xor3A_580 : i32 to vector<16xi32>
        %xor3A_582 = arith.xori %iota3A_537, %xor3A_581 : vector<16xi32>
        %lt3A_583 = arith.constant 0 : i32
        %lt3A_584 = vector.broadcast %lt3A_583 : i32 to vector<16xi32>
        %lt3A_585 = arith.cmpi slt, %xor3A_582, %lt3A_584 : vector<16xi32>
        %add3A_586 = arith.constant 16 : i32
        %add3A_587 = vector.broadcast %add3A_586 : i32 to vector<16xi32>
        %add3A_588 = arith.addi %xor3A_582, %add3A_587 : vector<16xi32>
        %select_n3A_589 = arith.select %lt3A_585, %add3A_588, %xor3A_582 : vector<16xi1>, vector<16xi32>
        %broadcast_in_dim3A_590 = vector.shape_cast %select_n3A_589 : vector<16xi32> to vector<16x1xi32>
        %gather3A_591 = vector.shape_cast %broadcast_in_dim3A_590 : vector<16x1xi32> to vector<16xi32>
        %gather3A_592 = tpu.dynamic_gather %add3A_579[%gather3A_591] in [0] : vector<16xf32>, vector<16xi32> -> vector<16xf32>
        %add3A_593 = arith.addf %add3A_579, %gather3A_592 : vector<16xf32>
        %exp3A_594 = math.exp %add3A_593 : vector<16xf32>
        %mul3A_595 = arith.mulf %exp3A_594, %get3A_493 : vector<16xf32>
        %swap3A_596 = arith.index_cast %scan3A_96 : i32 to index
        %swap3A_597 = arith.constant 96 : index
        %swap3A_598 = tpu.vector_load %arg18[%swap3A_596, %swap3A_597] {strides = array<i32>} : memref<80x128xf32, #tpu.memory_space<vmem>>, vector<1x16xf32>,
        %swap3A_599 = vector.shape_cast %swap3A_598 : vector<1x16xf32> to vector<16xf32>
        %swap3A_600 = vector.shape_cast %mul3A_595 : vector<16xf32> to vector<1x16xf32>
        tpu.vector_store %arg18[%swap3A_596, %swap3A_597], %swap3A_600 {strides = array<i32>} : memref<80x128xf32, #tpu.memory_space<vmem>>, vector<1x16xf32>,
        %mul3A_601 = arith.mulf %exp3A_594, %get3A_497 : vector<16xf32>
        %swap3A_602 = arith.index_cast %scan3A_96 : i32 to index
        %swap3A_603 = arith.constant 112 : index
        %swap3A_604 = tpu.vector_load %arg18[%swap3A_602, %swap3A_603] {strides = array<i32>} : memref<80x128xf32, #tpu.memory_space<vmem>>, vector<1x16xf32>,
        %swap3A_605 = vector.shape_cast %swap3A_604 : vector<1x16xf32> to vector<16xf32>
        %swap3A_606 = vector.shape_cast %mul3A_601 : vector<16xf32> to vector<1x16xf32>
        tpu.vector_store %arg18[%swap3A_602, %swap3A_603], %swap3A_606 {strides = array<i32>} : memref<80x128xf32, #tpu.memory_space<vmem>>, vector<1x16xf32>,
        %eq3A_607 = arith.constant 11 : i32
        %eq3A_608 = vector.broadcast %eq3A_607 : i32 to vector<16xi32>
        %eq3A_609 = arith.cmpi eq, %iota3A, %eq3A_608 : vector<16xi32>
        %select_n3A_610 = arith.select %eq3A_609, %exp3A_594, %select_n3A_489 : vector<16xi1>, vector<16xf32>
        %jit3A_611 = arith.constant 32 : i32
        %eq3A_612 = arith.constant 0 : i32
        %eq3A_613 = arith.cmpi eq, %jit3A_611, %eq3A_612 : i32
        %jit3A_614 = arith.constant 1 : i32
        %select_n3A_615 = arith.select %eq3A_613, %jit3A_614, %jit3A_611 : i32
        %rem3A_616 = vector.broadcast %select_n3A_615 : i32 to vector<16xi32>
        %rem3A_617 = arith.remsi %gather3A_130, %rem3A_616 : vector<16xi32>
        %ne3A_618 = arith.constant 0 : i32
        %ne3A_619 = vector.broadcast %ne3A_618 : i32 to vector<16xi32>
        %ne3A_620 = arith.cmpi ne, %rem3A_617, %ne3A_619 : vector<16xi32>
        %lt3A_621 = arith.constant 0 : i32
        %lt3A_622 = vector.broadcast %lt3A_621 : i32 to vector<16xi32>
        %lt3A_623 = arith.cmpi slt, %rem3A_617, %lt3A_622 : vector<16xi32>
        %lt3A_624 = arith.constant 0 : i32
        %lt3A_625 = arith.cmpi slt, %select_n3A_615, %lt3A_624 : i32
        %ne3A_626 = vector.broadcast %lt3A_625 : i1 to vector<16xi1>
        %ne3A_627 = vector.broadcast %ne3A_626 : vector<16xi1> to vector<16xi1>
        %ne3A_628 = arith.xori %lt3A_623, %ne3A_627 : vector<16xi1>
        %and3A_629 = arith.andi %ne3A_628, %ne3A_620 : vector<16xi1>
        %add3A_630 = vector.broadcast %select_n3A_615 : i32 to vector<16xi32>
        %add3A_631 = arith.addi %rem3A_617, %add3A_630 : vector<16xi32>
        %select_n3A_632 = arith.select %and3A_629, %add3A_631, %rem3A_617 : vector<16xi1>, vector<16xi32>
        %mul3A_633 = arith.constant 4 : i32
        %mul3A_634 = vector.broadcast %mul3A_633 : i32 to vector<16xi32>
        %mul3A_635 = arith.muli %select_n3A_632, %mul3A_634 : vector<16xi32>
        %add3A_636 = arith.constant 8 : i32
        %add3A_637 = vector.broadcast %add3A_636 : i32 to vector<16xi32>
        %add3A_638 = arith.addi %iota3A, %add3A_637 : vector<16xi32>
        %sub3A_639 = arith.subi %add3A_638, %mul3A_635 : vector<16xi32>
        %ge3A = arith.constant 8 : i32
        %ge3A_640 = vector.broadcast %ge3A : i32 to vector<16xi32>
        %ge3A_641 = arith.cmpi sge, %sub3A_639, %ge3A_640 : vector<16xi32>
        %lt3A_642 = arith.constant 12 : i32
        %lt3A_643 = vector.broadcast %lt3A_642 : i32 to vector<16xi32>
        %lt3A_644 = arith.cmpi slt, %sub3A_639, %lt3A_643 : vector<16xi32>
        %and3A_645 = arith.andi %ge3A_641, %lt3A_644 : vector<16xi1>
        %lt3A_646 = arith.constant 0 : i32
        %lt3A_647 = vector.broadcast %lt3A_646 : i32 to vector<16xi32>
        %lt3A_648 = arith.cmpi slt, %sub3A_639, %lt3A_647 : vector<16xi32>
        %add3A_649 = arith.constant 16 : i32
        %add3A_650 = vector.broadcast %add3A_649 : i32 to vector<16xi32>
        %add3A_651 = arith.addi %sub3A_639, %add3A_650 : vector<16xi32>
        %select_n3A_652 = arith.select %lt3A_648, %add3A_651, %sub3A_639 : vector<16xi1>, vector<16xi32>
        %broadcast_in_dim3A_653 = vector.shape_cast %select_n3A_652 : vector<16xi32> to vector<16x1xi32>
        %gather3A_654 = vector.shape_cast %broadcast_in_dim3A_653 : vector<16x1xi32> to vector<16xi32>
        %gather3A_655 = tpu.dynamic_gather %select_n3A_610[%gather3A_654] in [0] : vector<16xf32>, vector<16xi32> -> vector<16xf32>
        %jit3A_656 = arith.constant 0.000000e+00 : f32
        %broadcast_in_dim3A_657 = vector.broadcast %jit3A_656 : f32 to vector<16xf32>
        %select_n3A_658 = arith.select %and3A_645, %gather3A_655, %broadcast_in_dim3A_657 : vector<16xi1>, vector<16xf32>
        %swap3A_659 = arith.index_cast %scan3A_96 : i32 to index
        %swap3A_660 = arith.constant 0 : index
        %swap3A_661 = tpu.vector_load %arg19[%swap3A_659, %swap3A_660] {strides = array<i32>} : memref<80x128xf32, #tpu.memory_space<vmem>>, vector<1x16xf32>,
        %swap3A_662 = vector.shape_cast %swap3A_661 : vector<1x16xf32> to vector<16xf32>
        %swap3A_663 = vector.shape_cast %select_n3A_658 : vector<16xf32> to vector<1x16xf32>
        tpu.vector_store %arg19[%swap3A_659, %swap3A_660], %swap3A_663 {strides = array<i32>} : memref<80x128xf32, #tpu.memory_space<vmem>>, vector<1x16xf32>,
        %add3A_664 = arith.constant 24 : i32
        %add3A_665 = vector.broadcast %add3A_664 : i32 to vector<16xi32>
        %add3A_666 = arith.addi %iota3A, %add3A_665 : vector<16xi32>
        %sub3A_667 = arith.subi %add3A_666, %mul3A_635 : vector<16xi32>
        %ge3A_668 = arith.constant 8 : i32
        %ge3A_669 = vector.broadcast %ge3A_668 : i32 to vector<16xi32>
        %ge3A_670 = arith.cmpi sge, %sub3A_667, %ge3A_669 : vector<16xi32>
        %lt3A_671 = arith.constant 12 : i32
        %lt3A_672 = vector.broadcast %lt3A_671 : i32 to vector<16xi32>
        %lt3A_673 = arith.cmpi slt, %sub3A_667, %lt3A_672 : vector<16xi32>
        %and3A_674 = arith.andi %ge3A_670, %lt3A_673 : vector<16xi1>
        %lt3A_675 = arith.constant 0 : i32
        %lt3A_676 = vector.broadcast %lt3A_675 : i32 to vector<16xi32>
        %lt3A_677 = arith.cmpi slt, %sub3A_667, %lt3A_676 : vector<16xi32>
        %add3A_678 = arith.constant 16 : i32
        %add3A_679 = vector.broadcast %add3A_678 : i32 to vector<16xi32>
        %add3A_680 = arith.addi %sub3A_667, %add3A_679 : vector<16xi32>
        %select_n3A_681 = arith.select %lt3A_677, %add3A_680, %sub3A_667 : vector<16xi1>, vector<16xi32>
        %broadcast_in_dim3A_682 = vector.shape_cast %select_n3A_681 : vector<16xi32> to vector<16x1xi32>
        %gather3A_683 = vector.shape_cast %broadcast_in_dim3A_682 : vector<16x1xi32> to vector<16xi32>
        %gather3A_684 = tpu.dynamic_gather %select_n3A_610[%gather3A_683] in [0] : vector<16xf32>, vector<16xi32> -> vector<16xf32>
        %jit3A_685 = arith.constant 0.000000e+00 : f32
        %broadcast_in_dim3A_686 = vector.broadcast %jit3A_685 : f32 to vector<16xf32>
        %select_n3A_687 = arith.select %and3A_674, %gather3A_684, %broadcast_in_dim3A_686 : vector<16xi1>, vector<16xf32>
        %swap3A_688 = arith.index_cast %scan3A_96 : i32 to index
        %swap3A_689 = arith.constant 16 : index
        %swap3A_690 = tpu.vector_load %arg19[%swap3A_688, %swap3A_689] {strides = array<i32>} : memref<80x128xf32, #tpu.memory_space<vmem>>, vector<1x16xf32>,
        %swap3A_691 = vector.shape_cast %swap3A_690 : vector<1x16xf32> to vector<16xf32>
        %swap3A_692 = vector.shape_cast %select_n3A_687 : vector<16xf32> to vector<1x16xf32>
        tpu.vector_store %arg19[%swap3A_688, %swap3A_689], %swap3A_692 {strides = array<i32>} : memref<80x128xf32, #tpu.memory_space<vmem>>, vector<1x16xf32>,
        %add3A_693 = arith.constant 40 : i32
        %add3A_694 = vector.broadcast %add3A_693 : i32 to vector<16xi32>
        %add3A_695 = arith.addi %iota3A, %add3A_694 : vector<16xi32>
        %sub3A_696 = arith.subi %add3A_695, %mul3A_635 : vector<16xi32>
        %ge3A_697 = arith.constant 8 : i32
        %ge3A_698 = vector.broadcast %ge3A_697 : i32 to vector<16xi32>
        %ge3A_699 = arith.cmpi sge, %sub3A_696, %ge3A_698 : vector<16xi32>
        %lt3A_700 = arith.constant 12 : i32
        %lt3A_701 = vector.broadcast %lt3A_700 : i32 to vector<16xi32>
        %lt3A_702 = arith.cmpi slt, %sub3A_696, %lt3A_701 : vector<16xi32>
        %and3A_703 = arith.andi %ge3A_699, %lt3A_702 : vector<16xi1>
        %lt3A_704 = arith.constant 0 : i32
        %lt3A_705 = vector.broadcast %lt3A_704 : i32 to vector<16xi32>
        %lt3A_706 = arith.cmpi slt, %sub3A_696, %lt3A_705 : vector<16xi32>
        %add3A_707 = arith.constant 16 : i32
        %add3A_708 = vector.broadcast %add3A_707 : i32 to vector<16xi32>
        %add3A_709 = arith.addi %sub3A_696, %add3A_708 : vector<16xi32>
        %select_n3A_710 = arith.select %lt3A_706, %add3A_709, %sub3A_696 : vector<16xi1>, vector<16xi32>
        %broadcast_in_dim3A_711 = vector.shape_cast %select_n3A_710 : vector<16xi32> to vector<16x1xi32>
        %gather3A_712 = vector.shape_cast %broadcast_in_dim3A_711 : vector<16x1xi32> to vector<16xi32>
        %gather3A_713 = tpu.dynamic_gather %select_n3A_610[%gather3A_712] in [0] : vector<16xf32>, vector<16xi32> -> vector<16xf32>
        %jit3A_714 = arith.constant 0.000000e+00 : f32
        %broadcast_in_dim3A_715 = vector.broadcast %jit3A_714 : f32 to vector<16xf32>
        %select_n3A_716 = arith.select %and3A_703, %gather3A_713, %broadcast_in_dim3A_715 : vector<16xi1>, vector<16xf32>
        %swap3A_717 = arith.index_cast %scan3A_96 : i32 to index
        %swap3A_718 = arith.constant 32 : index
        %swap3A_719 = tpu.vector_load %arg19[%swap3A_717, %swap3A_718] {strides = array<i32>} : memref<80x128xf32, #tpu.memory_space<vmem>>, vector<1x16xf32>,
        %swap3A_720 = vector.shape_cast %swap3A_719 : vector<1x16xf32> to vector<16xf32>
        %swap3A_721 = vector.shape_cast %select_n3A_716 : vector<16xf32> to vector<1x16xf32>
        tpu.vector_store %arg19[%swap3A_717, %swap3A_718], %swap3A_721 {strides = array<i32>} : memref<80x128xf32, #tpu.memory_space<vmem>>, vector<1x16xf32>,
        %add3A_722 = arith.constant 56 : i32
        %add3A_723 = vector.broadcast %add3A_722 : i32 to vector<16xi32>
        %add3A_724 = arith.addi %iota3A, %add3A_723 : vector<16xi32>
        %sub3A_725 = arith.subi %add3A_724, %mul3A_635 : vector<16xi32>
        %ge3A_726 = arith.constant 8 : i32
        %ge3A_727 = vector.broadcast %ge3A_726 : i32 to vector<16xi32>
        %ge3A_728 = arith.cmpi sge, %sub3A_725, %ge3A_727 : vector<16xi32>
        %lt3A_729 = arith.constant 12 : i32
        %lt3A_730 = vector.broadcast %lt3A_729 : i32 to vector<16xi32>
        %lt3A_731 = arith.cmpi slt, %sub3A_725, %lt3A_730 : vector<16xi32>
        %and3A_732 = arith.andi %ge3A_728, %lt3A_731 : vector<16xi1>
        %lt3A_733 = arith.constant 0 : i32
        %lt3A_734 = vector.broadcast %lt3A_733 : i32 to vector<16xi32>
        %lt3A_735 = arith.cmpi slt, %sub3A_725, %lt3A_734 : vector<16xi32>
        %add3A_736 = arith.constant 16 : i32
        %add3A_737 = vector.broadcast %add3A_736 : i32 to vector<16xi32>
        %add3A_738 = arith.addi %sub3A_725, %add3A_737 : vector<16xi32>
        %select_n3A_739 = arith.select %lt3A_735, %add3A_738, %sub3A_725 : vector<16xi1>, vector<16xi32>
        %broadcast_in_dim3A_740 = vector.shape_cast %select_n3A_739 : vector<16xi32> to vector<16x1xi32>
        %gather3A_741 = vector.shape_cast %broadcast_in_dim3A_740 : vector<16x1xi32> to vector<16xi32>
        %gather3A_742 = tpu.dynamic_gather %select_n3A_610[%gather3A_741] in [0] : vector<16xf32>, vector<16xi32> -> vector<16xf32>
        %jit3A_743 = arith.constant 0.000000e+00 : f32
        %broadcast_in_dim3A_744 = vector.broadcast %jit3A_743 : f32 to vector<16xf32>
        %select_n3A_745 = arith.select %and3A_732, %gather3A_742, %broadcast_in_dim3A_744 : vector<16xi1>, vector<16xf32>
        %swap3A_746 = arith.index_cast %scan3A_96 : i32 to index
        %swap3A_747 = arith.constant 48 : index
        %swap3A_748 = tpu.vector_load %arg19[%swap3A_746, %swap3A_747] {strides = array<i32>} : memref<80x128xf32, #tpu.memory_space<vmem>>, vector<1x16xf32>,
        %swap3A_749 = vector.shape_cast %swap3A_748 : vector<1x16xf32> to vector<16xf32>
        %swap3A_750 = vector.shape_cast %select_n3A_745 : vector<16xf32> to vector<1x16xf32>
        tpu.vector_store %arg19[%swap3A_746, %swap3A_747], %swap3A_750 {strides = array<i32>} : memref<80x128xf32, #tpu.memory_space<vmem>>, vector<1x16xf32>,
        %add3A_751 = arith.constant 72 : i32
        %add3A_752 = vector.broadcast %add3A_751 : i32 to vector<16xi32>
        %add3A_753 = arith.addi %iota3A, %add3A_752 : vector<16xi32>
        %sub3A_754 = arith.subi %add3A_753, %mul3A_635 : vector<16xi32>
        %ge3A_755 = arith.constant 8 : i32
        %ge3A_756 = vector.broadcast %ge3A_755 : i32 to vector<16xi32>
        %ge3A_757 = arith.cmpi sge, %sub3A_754, %ge3A_756 : vector<16xi32>
        %lt3A_758 = arith.constant 12 : i32
        %lt3A_759 = vector.broadcast %lt3A_758 : i32 to vector<16xi32>
        %lt3A_760 = arith.cmpi slt, %sub3A_754, %lt3A_759 : vector<16xi32>
        %and3A_761 = arith.andi %ge3A_757, %lt3A_760 : vector<16xi1>
        %lt3A_762 = arith.constant 0 : i32
        %lt3A_763 = vector.broadcast %lt3A_762 : i32 to vector<16xi32>
        %lt3A_764 = arith.cmpi slt, %sub3A_754, %lt3A_763 : vector<16xi32>
        %add3A_765 = arith.constant 16 : i32
        %add3A_766 = vector.broadcast %add3A_765 : i32 to vector<16xi32>
        %add3A_767 = arith.addi %sub3A_754, %add3A_766 : vector<16xi32>
        %select_n3A_768 = arith.select %lt3A_764, %add3A_767, %sub3A_754 : vector<16xi1>, vector<16xi32>
        %broadcast_in_dim3A_769 = vector.shape_cast %select_n3A_768 : vector<16xi32> to vector<16x1xi32>
        %gather3A_770 = vector.shape_cast %broadcast_in_dim3A_769 : vector<16x1xi32> to vector<16xi32>
        %gather3A_771 = tpu.dynamic_gather %select_n3A_610[%gather3A_770] in [0] : vector<16xf32>, vector<16xi32> -> vector<16xf32>
        %jit3A_772 = arith.constant 0.000000e+00 : f32
        %broadcast_in_dim3A_773 = vector.broadcast %jit3A_772 : f32 to vector<16xf32>
        %select_n3A_774 = arith.select %and3A_761, %gather3A_771, %broadcast_in_dim3A_773 : vector<16xi1>, vector<16xf32>
        %swap3A_775 = arith.index_cast %scan3A_96 : i32 to index
        %swap3A_776 = arith.constant 64 : index
        %swap3A_777 = tpu.vector_load %arg19[%swap3A_775, %swap3A_776] {strides = array<i32>} : memref<80x128xf32, #tpu.memory_space<vmem>>, vector<1x16xf32>,
        %swap3A_778 = vector.shape_cast %swap3A_777 : vector<1x16xf32> to vector<16xf32>
        %swap3A_779 = vector.shape_cast %select_n3A_774 : vector<16xf32> to vector<1x16xf32>
        tpu.vector_store %arg19[%swap3A_775, %swap3A_776], %swap3A_779 {strides = array<i32>} : memref<80x128xf32, #tpu.memory_space<vmem>>, vector<1x16xf32>,
        %add3A_780 = arith.constant 88 : i32
        %add3A_781 = vector.broadcast %add3A_780 : i32 to vector<16xi32>
        %add3A_782 = arith.addi %iota3A, %add3A_781 : vector<16xi32>
        %sub3A_783 = arith.subi %add3A_782, %mul3A_635 : vector<16xi32>
        %ge3A_784 = arith.constant 8 : i32
        %ge3A_785 = vector.broadcast %ge3A_784 : i32 to vector<16xi32>
        %ge3A_786 = arith.cmpi sge, %sub3A_783, %ge3A_785 : vector<16xi32>
        %lt3A_787 = arith.constant 12 : i32
        %lt3A_788 = vector.broadcast %lt3A_787 : i32 to vector<16xi32>
        %lt3A_789 = arith.cmpi slt, %sub3A_783, %lt3A_788 : vector<16xi32>
        %and3A_790 = arith.andi %ge3A_786, %lt3A_789 : vector<16xi1>
        %lt3A_791 = arith.constant 0 : i32
        %lt3A_792 = vector.broadcast %lt3A_791 : i32 to vector<16xi32>
        %lt3A_793 = arith.cmpi slt, %sub3A_783, %lt3A_792 : vector<16xi32>
        %add3A_794 = arith.constant 16 : i32
        %add3A_795 = vector.broadcast %add3A_794 : i32 to vector<16xi32>
        %add3A_796 = arith.addi %sub3A_783, %add3A_795 : vector<16xi32>
        %select_n3A_797 = arith.select %lt3A_793, %add3A_796, %sub3A_783 : vector<16xi1>, vector<16xi32>
        %broadcast_in_dim3A_798 = vector.shape_cast %select_n3A_797 : vector<16xi32> to vector<16x1xi32>
        %gather3A_799 = vector.shape_cast %broadcast_in_dim3A_798 : vector<16x1xi32> to vector<16xi32>
        %gather3A_800 = tpu.dynamic_gather %select_n3A_610[%gather3A_799] in [0] : vector<16xf32>, vector<16xi32> -> vector<16xf32>
        %jit3A_801 = arith.constant 0.000000e+00 : f32
        %broadcast_in_dim3A_802 = vector.broadcast %jit3A_801 : f32 to vector<16xf32>
        %select_n3A_803 = arith.select %and3A_790, %gather3A_800, %broadcast_in_dim3A_802 : vector<16xi1>, vector<16xf32>
        %swap3A_804 = arith.index_cast %scan3A_96 : i32 to index
        %swap3A_805 = arith.constant 80 : index
        %swap3A_806 = tpu.vector_load %arg19[%swap3A_804, %swap3A_805] {strides = array<i32>} : memref<80x128xf32, #tpu.memory_space<vmem>>, vector<1x16xf32>,
        %swap3A_807 = vector.shape_cast %swap3A_806 : vector<1x16xf32> to vector<16xf32>
        %swap3A_808 = vector.shape_cast %select_n3A_803 : vector<16xf32> to vector<1x16xf32>
        tpu.vector_store %arg19[%swap3A_804, %swap3A_805], %swap3A_808 {strides = array<i32>} : memref<80x128xf32, #tpu.memory_space<vmem>>, vector<1x16xf32>,
        %add3A_809 = arith.constant 104 : i32
        %add3A_810 = vector.broadcast %add3A_809 : i32 to vector<16xi32>
        %add3A_811 = arith.addi %iota3A, %add3A_810 : vector<16xi32>
        %sub3A_812 = arith.subi %add3A_811, %mul3A_635 : vector<16xi32>
        %ge3A_813 = arith.constant 8 : i32
        %ge3A_814 = vector.broadcast %ge3A_813 : i32 to vector<16xi32>
        %ge3A_815 = arith.cmpi sge, %sub3A_812, %ge3A_814 : vector<16xi32>
        %lt3A_816 = arith.constant 12 : i32
        %lt3A_817 = vector.broadcast %lt3A_816 : i32 to vector<16xi32>
        %lt3A_818 = arith.cmpi slt, %sub3A_812, %lt3A_817 : vector<16xi32>
        %and3A_819 = arith.andi %ge3A_815, %lt3A_818 : vector<16xi1>
        %lt3A_820 = arith.constant 0 : i32
        %lt3A_821 = vector.broadcast %lt3A_820 : i32 to vector<16xi32>
        %lt3A_822 = arith.cmpi slt, %sub3A_812, %lt3A_821 : vector<16xi32>
        %add3A_823 = arith.constant 16 : i32
        %add3A_824 = vector.broadcast %add3A_823 : i32 to vector<16xi32>
        %add3A_825 = arith.addi %sub3A_812, %add3A_824 : vector<16xi32>
        %select_n3A_826 = arith.select %lt3A_822, %add3A_825, %sub3A_812 : vector<16xi1>, vector<16xi32>
        %broadcast_in_dim3A_827 = vector.shape_cast %select_n3A_826 : vector<16xi32> to vector<16x1xi32>
        %gather3A_828 = vector.shape_cast %broadcast_in_dim3A_827 : vector<16x1xi32> to vector<16xi32>
        %gather3A_829 = tpu.dynamic_gather %select_n3A_610[%gather3A_828] in [0] : vector<16xf32>, vector<16xi32> -> vector<16xf32>
        %jit3A_830 = arith.constant 0.000000e+00 : f32
        %broadcast_in_dim3A_831 = vector.broadcast %jit3A_830 : f32 to vector<16xf32>
        %select_n3A_832 = arith.select %and3A_819, %gather3A_829, %broadcast_in_dim3A_831 : vector<16xi1>, vector<16xf32>
        %swap3A_833 = arith.index_cast %scan3A_96 : i32 to index
        %swap3A_834 = arith.constant 96 : index
        %swap3A_835 = tpu.vector_load %arg19[%swap3A_833, %swap3A_834] {strides = array<i32>} : memref<80x128xf32, #tpu.memory_space<vmem>>, vector<1x16xf32>,
        %swap3A_836 = vector.shape_cast %swap3A_835 : vector<1x16xf32> to vector<16xf32>
        %swap3A_837 = vector.shape_cast %select_n3A_832 : vector<16xf32> to vector<1x16xf32>
        tpu.vector_store %arg19[%swap3A_833, %swap3A_834], %swap3A_837 {strides = array<i32>} : memref<80x128xf32, #tpu.memory_space<vmem>>, vector<1x16xf32>,
        %add3A_838 = arith.constant 120 : i32
        %add3A_839 = vector.broadcast %add3A_838 : i32 to vector<16xi32>
        %add3A_840 = arith.addi %iota3A, %add3A_839 : vector<16xi32>
        %sub3A_841 = arith.subi %add3A_840, %mul3A_635 : vector<16xi32>
        %ge3A_842 = arith.constant 8 : i32
        %ge3A_843 = vector.broadcast %ge3A_842 : i32 to vector<16xi32>
        %ge3A_844 = arith.cmpi sge, %sub3A_841, %ge3A_843 : vector<16xi32>
        %lt3A_845 = arith.constant 12 : i32
        %lt3A_846 = vector.broadcast %lt3A_845 : i32 to vector<16xi32>
        %lt3A_847 = arith.cmpi slt, %sub3A_841, %lt3A_846 : vector<16xi32>
        %and3A_848 = arith.andi %ge3A_844, %lt3A_847 : vector<16xi1>
        %lt3A_849 = arith.constant 0 : i32
        %lt3A_850 = vector.broadcast %lt3A_849 : i32 to vector<16xi32>
        %lt3A_851 = arith.cmpi slt, %sub3A_841, %lt3A_850 : vector<16xi32>
        %add3A_852 = arith.constant 16 : i32
        %add3A_853 = vector.broadcast %add3A_852 : i32 to vector<16xi32>
        %add3A_854 = arith.addi %sub3A_841, %add3A_853 : vector<16xi32>
        %select_n3A_855 = arith.select %lt3A_851, %add3A_854, %sub3A_841 : vector<16xi1>, vector<16xi32>
        %broadcast_in_dim3A_856 = vector.shape_cast %select_n3A_855 : vector<16xi32> to vector<16x1xi32>
        %gather3A_857 = vector.shape_cast %broadcast_in_dim3A_856 : vector<16x1xi32> to vector<16xi32>
        %gather3A_858 = tpu.dynamic_gather %select_n3A_610[%gather3A_857] in [0] : vector<16xf32>, vector<16xi32> -> vector<16xf32>
        %jit3A_859 = arith.constant 0.000000e+00 : f32
        %broadcast_in_dim3A_860 = vector.broadcast %jit3A_859 : f32 to vector<16xf32>
        %select_n3A_861 = arith.select %and3A_848, %gather3A_858, %broadcast_in_dim3A_860 : vector<16xi1>, vector<16xf32>
        %swap3A_862 = arith.index_cast %scan3A_96 : i32 to index
        %swap3A_863 = arith.constant 112 : index
        %swap3A_864 = tpu.vector_load %arg19[%swap3A_862, %swap3A_863] {strides = array<i32>} : memref<80x128xf32, #tpu.memory_space<vmem>>, vector<1x16xf32>,
        %swap3A_865 = vector.shape_cast %swap3A_864 : vector<1x16xf32> to vector<16xf32>
        %swap3A_866 = vector.shape_cast %select_n3A_861 : vector<16xf32> to vector<1x16xf32>
        tpu.vector_store %arg19[%swap3A_862, %swap3A_863], %swap3A_866 {strides = array<i32>} : memref<80x128xf32, #tpu.memory_space<vmem>>, vector<1x16xf32>,
      }
      %scan3A_95 = arith.constant 80 : i32
      "tpu.region"() ({
        %run_scoped3A = tpu.sem_alloc : memref<!tpu.dma_semaphore, #tpu.memory_space<semaphore_mem>>
        %dma_start3A_96 = arith.constant 0 : i32
        %dma_start3A_97 = arith.constant 0 : i32
        %dma_start3A_98 = tpu.memref_slice %arg11[%dma_start3A_96, %dma_start3A_97] : memref<10240x128xf32, #tpu.memory_space<vmem_shared>> -> memref<10240x128xf32, #tpu.memory_space<vmem_shared>>
        tpu.enqueue_indirect_dma source(%arg18 : memref<80x128xf32, #tpu.memory_space<vmem>>) target(%dma_start3A_98 : memref<10240x128xf32, #tpu.memory_space<vmem_shared>>) offsets(%arg14 : memref<80xi32, #tpu.memory_space<vmem>>) semaphore(%run_scoped3A : memref<!tpu.dma_semaphore, #tpu.memory_space<semaphore_mem>>) {add = true}
        %dma_wait3A_99 = arith.constant 0 : i32
        %dma_wait3A_100 = arith.constant 0 : i32
        %dma_wait3A_101 = tpu.memref_slice %arg11[%dma_wait3A_99, %dma_wait3A_100] : memref<10240x128xf32, #tpu.memory_space<vmem_shared>> -> memref<10240x128xf32, #tpu.memory_space<vmem_shared>>
        tpu.wait_indirect_dma semaphore(%run_scoped3A : memref<!tpu.dma_semaphore, #tpu.memory_space<semaphore_mem>>) src(%arg18 : memref<80x128xf32, #tpu.memory_space<vmem>>) dst(%dma_wait3A_101 : memref<10240x128xf32, #tpu.memory_space<vmem_shared>>)
        tpu.yield
      }) : () -> ()
      "tpu.region"() ({
        %run_scoped3A = tpu.sem_alloc : memref<!tpu.dma_semaphore, #tpu.memory_space<semaphore_mem>>
        %dma_start3A_96 = arith.constant 0 : i32
        %dma_start3A_97 = arith.constant 0 : i32
        %dma_start3A_98 = tpu.memref_slice %arg12[%dma_start3A_96, %dma_start3A_97] : memref<384x128xf32, #tpu.memory_space<vmem_shared>> -> memref<384x128xf32, #tpu.memory_space<vmem_shared>>
        tpu.enqueue_indirect_dma source(%arg19 : memref<80x128xf32, #tpu.memory_space<vmem>>) target(%dma_start3A_98 : memref<384x128xf32, #tpu.memory_space<vmem_shared>>) offsets(%arg15 : memref<80xi32, #tpu.memory_space<vmem>>) semaphore(%run_scoped3A : memref<!tpu.dma_semaphore, #tpu.memory_space<semaphore_mem>>) {add = true}
        %dma_wait3A_99 = arith.constant 0 : i32
        %dma_wait3A_100 = arith.constant 0 : i32
        %dma_wait3A_101 = tpu.memref_slice %arg12[%dma_wait3A_99, %dma_wait3A_100] : memref<384x128xf32, #tpu.memory_space<vmem_shared>> -> memref<384x128xf32, #tpu.memory_space<vmem_shared>>
        tpu.wait_indirect_dma semaphore(%run_scoped3A : memref<!tpu.dma_semaphore, #tpu.memory_space<semaphore_mem>>) src(%arg19 : memref<80x128xf32, #tpu.memory_space<vmem>>) dst(%dma_wait3A_101 : memref<384x128xf32, #tpu.memory_space<vmem_shared>>)
        tpu.yield
      }) : () -> ()
    }
    %scan3A_13 = arith.constant 250 : i32
    %barrier3A_14 = arith.constant 0 : index
    tpu.barrier barrier_id(%barrier3A_14)
    %mul3A_15 = arith.constant 640 : i32
    %mul3A_16 = arith.muli %arg1, %mul3A_15 : i32
    %add3A = arith.constant 0 : i32
    %add3A_17 = arith.addi %mul3A_16, %add3A : i32
    "tpu.region"() ({
      %run_scoped3A = tpu.sem_alloc : memref<!tpu.dma_semaphore, #tpu.memory_space<semaphore_mem>>
      %dma_start3A = arith.constant 0 : i32
      %dma_start3A_58 = arith.constant 0 : i32
      %dma_start3A_59 = tpu.memref_slice %arg18[%dma_start3A, %dma_start3A_58] : memref<80x128xf32, #tpu.memory_space<vmem>> -> memref<64x128xf32, #tpu.memory_space<vmem>>
      %dma_start3A_60 = arith.constant 0 : i32
      %dma_start3A_61 = tpu.memref_slice %arg11[%add3A_17, %dma_start3A_60] : memref<10240x128xf32, #tpu.memory_space<vmem_shared>> -> memref<64x128xf32, #tpu.memory_space<vmem_shared>>
      %dma_start3A_62 = arith.constant 0 : i32
      %dma_start3A_63 = arith.constant 0 : i32
      %dma_start3A_64 = tpu.memref_slice %arg18[%dma_start3A_62, %dma_start3A_63] : memref<80x128xf32, #tpu.memory_space<vmem>> -> memref<64x128xf32, #tpu.memory_space<vmem>>
      %dma_start3A_65 = arith.constant 0 : i32
      %dma_start3A_66 = tpu.memref_slice %arg11[%add3A_17, %dma_start3A_65] : memref<10240x128xf32, #tpu.memory_space<vmem_shared>> -> memref<64x128xf32, #tpu.memory_space<vmem_shared>>
      tpu.enqueue_dma source(%dma_start3A_66 : memref<64x128xf32, #tpu.memory_space<vmem_shared>>) target(%dma_start3A_64 : memref<64x128xf32, #tpu.memory_space<vmem>>) target_semaphore(%run_scoped3A : memref<!tpu.dma_semaphore, #tpu.memory_space<semaphore_mem>>)
      %dma_wait3A = arith.constant 0 : i32
      %dma_wait3A_67 = arith.constant 0 : i32
      %dma_wait3A_68 = tpu.memref_slice %arg18[%dma_wait3A, %dma_wait3A_67] : memref<80x128xf32, #tpu.memory_space<vmem>> -> memref<64x128xf32, #tpu.memory_space<vmem>>
      %dma_wait3A_69 = arith.constant 0 : i32
      %dma_wait3A_70 = tpu.memref_slice %arg11[%add3A_17, %dma_wait3A_69] : memref<10240x128xf32, #tpu.memory_space<vmem_shared>> -> memref<64x128xf32, #tpu.memory_space<vmem_shared>>
      %dma_wait3A_71 = arith.constant 0 : i32
      %dma_wait3A_72 = arith.constant 0 : i32
      %dma_wait3A_73 = tpu.memref_slice %arg18[%dma_wait3A_71, %dma_wait3A_72] : memref<80x128xf32, #tpu.memory_space<vmem>> -> memref<64x128xf32, #tpu.memory_space<vmem>>
      %dma_wait3A_74 = arith.constant 0 : i32
      %dma_wait3A_75 = tpu.memref_slice %arg11[%add3A_17, %dma_wait3A_74] : memref<10240x128xf32, #tpu.memory_space<vmem_shared>> -> memref<64x128xf32, #tpu.memory_space<vmem_shared>>
      tpu.wait_dma2 semaphore(%run_scoped3A : memref<!tpu.dma_semaphore, #tpu.memory_space<semaphore_mem>>) src(%dma_wait3A_75 : memref<64x128xf32, #tpu.memory_space<vmem_shared>>) dst(%dma_wait3A_73 : memref<64x128xf32, #tpu.memory_space<vmem>>)
      tpu.yield
    }) : () -> ()
    "tpu.region"() ({
      %run_scoped3A = tpu.sem_alloc : memref<!tpu.dma_semaphore, #tpu.memory_space<semaphore_mem>>
      %dma_start3A = arith.constant 0 : i32
      %dma_start3A_58 = arith.constant 0 : i32
      %dma_start3A_59 = tpu.memref_slice %arg18[%dma_start3A, %dma_start3A_58] : memref<80x128xf32, #tpu.memory_space<vmem>> -> memref<64x128xf32, #tpu.memory_space<vmem>>
      %dma_start3A_60 = arith.constant 0 : i32
      %dma_start3A_61 = tpu.memref_slice %arg9[%arg0, %add3A_17, %dma_start3A_60] : memref<2x10240x128xf32, #tpu.memory_space<hbm>> -> memref<1x64x128xf32, #tpu.memory_space<hbm>>
      %dma_start3A_62 = tpu.memref_squeeze %dma_start3A_61 : memref<1x64x128xf32, #tpu.memory_space<hbm>> -> memref<64x128xf32, #tpu.memory_space<hbm>>
      %dma_start3A_63 = arith.constant 0 : i32
      %dma_start3A_64 = tpu.memref_slice %arg9[%arg0, %add3A_17, %dma_start3A_63] : memref<2x10240x128xf32, #tpu.memory_space<hbm>> -> memref<1x64x128xf32, #tpu.memory_space<hbm>>
      %dma_start3A_65 = tpu.memref_squeeze %dma_start3A_64 : memref<1x64x128xf32, #tpu.memory_space<hbm>> -> memref<64x128xf32, #tpu.memory_space<hbm>>
      %dma_start3A_66 = arith.constant 0 : i32
      %dma_start3A_67 = arith.constant 0 : i32
      %dma_start3A_68 = tpu.memref_slice %arg18[%dma_start3A_66, %dma_start3A_67] : memref<80x128xf32, #tpu.memory_space<vmem>> -> memref<64x128xf32, #tpu.memory_space<vmem>>
      tpu.enqueue_dma source(%dma_start3A_68 : memref<64x128xf32, #tpu.memory_space<vmem>>) target(%dma_start3A_65 : memref<64x128xf32, #tpu.memory_space<hbm>>) target_semaphore(%run_scoped3A : memref<!tpu.dma_semaphore, #tpu.memory_space<semaphore_mem>>)
      %dma_wait3A = arith.constant 0 : i32
      %dma_wait3A_69 = arith.constant 0 : i32
      %dma_wait3A_70 = tpu.memref_slice %arg18[%dma_wait3A, %dma_wait3A_69] : memref<80x128xf32, #tpu.memory_space<vmem>> -> memref<64x128xf32, #tpu.memory_space<vmem>>
      %dma_wait3A_71 = arith.constant 0 : i32
      %dma_wait3A_72 = tpu.memref_slice %arg9[%arg0, %add3A_17, %dma_wait3A_71] : memref<2x10240x128xf32, #tpu.memory_space<hbm>> -> memref<1x64x128xf32, #tpu.memory_space<hbm>>
      %dma_wait3A_73 = tpu.memref_squeeze %dma_wait3A_72 : memref<1x64x128xf32, #tpu.memory_space<hbm>> -> memref<64x128xf32, #tpu.memory_space<hbm>>
      %dma_wait3A_74 = arith.constant 0 : i32
      %dma_wait3A_75 = tpu.memref_slice %arg9[%arg0, %add3A_17, %dma_wait3A_74] : memref<2x10240x128xf32, #tpu.memory_space<hbm>> -> memref<1x64x128xf32, #tpu.memory_space<hbm>>
      %dma_wait3A_76 = tpu.memref_squeeze %dma_wait3A_75 : memref<1x64x128xf32, #tpu.memory_space<hbm>> -> memref<64x128xf32, #tpu.memory_space<hbm>>
      %dma_wait3A_77 = arith.constant 0 : i32
      %dma_wait3A_78 = arith.constant 0 : i32
      %dma_wait3A_79 = tpu.memref_slice %arg18[%dma_wait3A_77, %dma_wait3A_78] : memref<80x128xf32, #tpu.memory_space<vmem>> -> memref<64x128xf32, #tpu.memory_space<vmem>>
      tpu.wait_dma2 semaphore(%run_scoped3A : memref<!tpu.dma_semaphore, #tpu.memory_space<semaphore_mem>>) src(%dma_wait3A_79 : memref<64x128xf32, #tpu.memory_space<vmem>>) dst(%dma_wait3A_76 : memref<64x128xf32, #tpu.memory_space<hbm>>)
      tpu.yield
    }) : () -> ()
    %mul3A_18 = arith.constant 640 : i32
    %mul3A_19 = arith.muli %arg1, %mul3A_18 : i32
    %add3A_20 = arith.constant 64 : i32
    %add3A_21 = arith.addi %mul3A_19, %add3A_20 : i32
    "tpu.region"() ({
      %run_scoped3A = tpu.sem_alloc : memref<!tpu.dma_semaphore, #tpu.memory_space<semaphore_mem>>
      %dma_start3A = arith.constant 0 : i32
      %dma_start3A_58 = arith.constant 0 : i32
      %dma_start3A_59 = tpu.memref_slice %arg18[%dma_start3A, %dma_start3A_58] : memref<80x128xf32, #tpu.memory_space<vmem>> -> memref<64x128xf32, #tpu.memory_space<vmem>>
      %dma_start3A_60 = arith.constant 0 : i32
      %dma_start3A_61 = tpu.memref_slice %arg11[%add3A_21, %dma_start3A_60] : memref<10240x128xf32, #tpu.memory_space<vmem_shared>> -> memref<64x128xf32, #tpu.memory_space<vmem_shared>>
      %dma_start3A_62 = arith.constant 0 : i32
      %dma_start3A_63 = arith.constant 0 : i32
      %dma_start3A_64 = tpu.memref_slice %arg18[%dma_start3A_62, %dma_start3A_63] : memref<80x128xf32, #tpu.memory_space<vmem>> -> memref<64x128xf32, #tpu.memory_space<vmem>>
      %dma_start3A_65 = arith.constant 0 : i32
      %dma_start3A_66 = tpu.memref_slice %arg11[%add3A_21, %dma_start3A_65] : memref<10240x128xf32, #tpu.memory_space<vmem_shared>> -> memref<64x128xf32, #tpu.memory_space<vmem_shared>>
      tpu.enqueue_dma source(%dma_start3A_66 : memref<64x128xf32, #tpu.memory_space<vmem_shared>>) target(%dma_start3A_64 : memref<64x128xf32, #tpu.memory_space<vmem>>) target_semaphore(%run_scoped3A : memref<!tpu.dma_semaphore, #tpu.memory_space<semaphore_mem>>)
      %dma_wait3A = arith.constant 0 : i32
      %dma_wait3A_67 = arith.constant 0 : i32
      %dma_wait3A_68 = tpu.memref_slice %arg18[%dma_wait3A, %dma_wait3A_67] : memref<80x128xf32, #tpu.memory_space<vmem>> -> memref<64x128xf32, #tpu.memory_space<vmem>>
      %dma_wait3A_69 = arith.constant 0 : i32
      %dma_wait3A_70 = tpu.memref_slice %arg11[%add3A_21, %dma_wait3A_69] : memref<10240x128xf32, #tpu.memory_space<vmem_shared>> -> memref<64x128xf32, #tpu.memory_space<vmem_shared>>
      %dma_wait3A_71 = arith.constant 0 : i32
      %dma_wait3A_72 = arith.constant 0 : i32
      %dma_wait3A_73 = tpu.memref_slice %arg18[%dma_wait3A_71, %dma_wait3A_72] : memref<80x128xf32, #tpu.memory_space<vmem>> -> memref<64x128xf32, #tpu.memory_space<vmem>>
      %dma_wait3A_74 = arith.constant 0 : i32
      %dma_wait3A_75 = tpu.memref_slice %arg11[%add3A_21, %dma_wait3A_74] : memref<10240x128xf32, #tpu.memory_space<vmem_shared>> -> memref<64x128xf32, #tpu.memory_space<vmem_shared>>
      tpu.wait_dma2 semaphore(%run_scoped3A : memref<!tpu.dma_semaphore, #tpu.memory_space<semaphore_mem>>) src(%dma_wait3A_75 : memref<64x128xf32, #tpu.memory_space<vmem_shared>>) dst(%dma_wait3A_73 : memref<64x128xf32, #tpu.memory_space<vmem>>)
      tpu.yield
    }) : () -> ()
    "tpu.region"() ({
      %run_scoped3A = tpu.sem_alloc : memref<!tpu.dma_semaphore, #tpu.memory_space<semaphore_mem>>
      %dma_start3A = arith.constant 0 : i32
      %dma_start3A_58 = arith.constant 0 : i32
      %dma_start3A_59 = tpu.memref_slice %arg18[%dma_start3A, %dma_start3A_58] : memref<80x128xf32, #tpu.memory_space<vmem>> -> memref<64x128xf32, #tpu.memory_space<vmem>>
      %dma_start3A_60 = arith.constant 0 : i32
      %dma_start3A_61 = tpu.memref_slice %arg9[%arg0, %add3A_21, %dma_start3A_60] : memref<2x10240x128xf32, #tpu.memory_space<hbm>> -> memref<1x64x128xf32, #tpu.memory_space<hbm>>
      %dma_start3A_62 = tpu.memref_squeeze %dma_start3A_61 : memref<1x64x128xf32, #tpu.memory_space<hbm>> -> memref<64x128xf32, #tpu.memory_space<hbm>>
      %dma_start3A_63 = arith.constant 0 : i32
      %dma_start3A_64 = tpu.memref_slice %arg9[%arg0, %add3A_21, %dma_start3A_63] : memref<2x10240x128xf32, #tpu.memory_space<hbm>> -> memref<1x64x128xf32, #tpu.memory_space<hbm>>
      %dma_start3A_65 = tpu.memref_squeeze %dma_start3A_64 : memref<1x64x128xf32, #tpu.memory_space<hbm>> -> memref<64x128xf32, #tpu.memory_space<hbm>>
      %dma_start3A_66 = arith.constant 0 : i32
      %dma_start3A_67 = arith.constant 0 : i32
      %dma_start3A_68 = tpu.memref_slice %arg18[%dma_start3A_66, %dma_start3A_67] : memref<80x128xf32, #tpu.memory_space<vmem>> -> memref<64x128xf32, #tpu.memory_space<vmem>>
      tpu.enqueue_dma source(%dma_start3A_68 : memref<64x128xf32, #tpu.memory_space<vmem>>) target(%dma_start3A_65 : memref<64x128xf32, #tpu.memory_space<hbm>>) target_semaphore(%run_scoped3A : memref<!tpu.dma_semaphore, #tpu.memory_space<semaphore_mem>>)
      %dma_wait3A = arith.constant 0 : i32
      %dma_wait3A_69 = arith.constant 0 : i32
      %dma_wait3A_70 = tpu.memref_slice %arg18[%dma_wait3A, %dma_wait3A_69] : memref<80x128xf32, #tpu.memory_space<vmem>> -> memref<64x128xf32, #tpu.memory_space<vmem>>
      %dma_wait3A_71 = arith.constant 0 : i32
      %dma_wait3A_72 = tpu.memref_slice %arg9[%arg0, %add3A_21, %dma_wait3A_71] : memref<2x10240x128xf32, #tpu.memory_space<hbm>> -> memref<1x64x128xf32, #tpu.memory_space<hbm>>
      %dma_wait3A_73 = tpu.memref_squeeze %dma_wait3A_72 : memref<1x64x128xf32, #tpu.memory_space<hbm>> -> memref<64x128xf32, #tpu.memory_space<hbm>>
      %dma_wait3A_74 = arith.constant 0 : i32
      %dma_wait3A_75 = tpu.memref_slice %arg9[%arg0, %add3A_21, %dma_wait3A_74] : memref<2x10240x128xf32, #tpu.memory_space<hbm>> -> memref<1x64x128xf32, #tpu.memory_space<hbm>>
      %dma_wait3A_76 = tpu.memref_squeeze %dma_wait3A_75 : memref<1x64x128xf32, #tpu.memory_space<hbm>> -> memref<64x128xf32, #tpu.memory_space<hbm>>
      %dma_wait3A_77 = arith.constant 0 : i32
      %dma_wait3A_78 = arith.constant 0 : i32
      %dma_wait3A_79 = tpu.memref_slice %arg18[%dma_wait3A_77, %dma_wait3A_78] : memref<80x128xf32, #tpu.memory_space<vmem>> -> memref<64x128xf32, #tpu.memory_space<vmem>>
      tpu.wait_dma2 semaphore(%run_scoped3A : memref<!tpu.dma_semaphore, #tpu.memory_space<semaphore_mem>>) src(%dma_wait3A_79 : memref<64x128xf32, #tpu.memory_space<vmem>>) dst(%dma_wait3A_76 : memref<64x128xf32, #tpu.memory_space<hbm>>)
      tpu.yield
    }) : () -> ()
    %mul3A_22 = arith.constant 640 : i32
    %mul3A_23 = arith.muli %arg1, %mul3A_22 : i32
    %add3A_24 = arith.constant 128 : i32
    %add3A_25 = arith.addi %mul3A_23, %add3A_24 : i32
    "tpu.region"() ({
      %run_scoped3A = tpu.sem_alloc : memref<!tpu.dma_semaphore, #tpu.memory_space<semaphore_mem>>
      %dma_start3A = arith.constant 0 : i32
      %dma_start3A_58 = arith.constant 0 : i32
      %dma_start3A_59 = tpu.memref_slice %arg18[%dma_start3A, %dma_start3A_58] : memref<80x128xf32, #tpu.memory_space<vmem>> -> memref<64x128xf32, #tpu.memory_space<vmem>>
      %dma_start3A_60 = arith.constant 0 : i32
      %dma_start3A_61 = tpu.memref_slice %arg11[%add3A_25, %dma_start3A_60] : memref<10240x128xf32, #tpu.memory_space<vmem_shared>> -> memref<64x128xf32, #tpu.memory_space<vmem_shared>>
      %dma_start3A_62 = arith.constant 0 : i32
      %dma_start3A_63 = arith.constant 0 : i32
      %dma_start3A_64 = tpu.memref_slice %arg18[%dma_start3A_62, %dma_start3A_63] : memref<80x128xf32, #tpu.memory_space<vmem>> -> memref<64x128xf32, #tpu.memory_space<vmem>>
      %dma_start3A_65 = arith.constant 0 : i32
      %dma_start3A_66 = tpu.memref_slice %arg11[%add3A_25, %dma_start3A_65] : memref<10240x128xf32, #tpu.memory_space<vmem_shared>> -> memref<64x128xf32, #tpu.memory_space<vmem_shared>>
      tpu.enqueue_dma source(%dma_start3A_66 : memref<64x128xf32, #tpu.memory_space<vmem_shared>>) target(%dma_start3A_64 : memref<64x128xf32, #tpu.memory_space<vmem>>) target_semaphore(%run_scoped3A : memref<!tpu.dma_semaphore, #tpu.memory_space<semaphore_mem>>)
      %dma_wait3A = arith.constant 0 : i32
      %dma_wait3A_67 = arith.constant 0 : i32
      %dma_wait3A_68 = tpu.memref_slice %arg18[%dma_wait3A, %dma_wait3A_67] : memref<80x128xf32, #tpu.memory_space<vmem>> -> memref<64x128xf32, #tpu.memory_space<vmem>>
      %dma_wait3A_69 = arith.constant 0 : i32
      %dma_wait3A_70 = tpu.memref_slice %arg11[%add3A_25, %dma_wait3A_69] : memref<10240x128xf32, #tpu.memory_space<vmem_shared>> -> memref<64x128xf32, #tpu.memory_space<vmem_shared>>
      %dma_wait3A_71 = arith.constant 0 : i32
      %dma_wait3A_72 = arith.constant 0 : i32
      %dma_wait3A_73 = tpu.memref_slice %arg18[%dma_wait3A_71, %dma_wait3A_72] : memref<80x128xf32, #tpu.memory_space<vmem>> -> memref<64x128xf32, #tpu.memory_space<vmem>>
      %dma_wait3A_74 = arith.constant 0 : i32
      %dma_wait3A_75 = tpu.memref_slice %arg11[%add3A_25, %dma_wait3A_74] : memref<10240x128xf32, #tpu.memory_space<vmem_shared>> -> memref<64x128xf32, #tpu.memory_space<vmem_shared>>
      tpu.wait_dma2 semaphore(%run_scoped3A : memref<!tpu.dma_semaphore, #tpu.memory_space<semaphore_mem>>) src(%dma_wait3A_75 : memref<64x128xf32, #tpu.memory_space<vmem_shared>>) dst(%dma_wait3A_73 : memref<64x128xf32, #tpu.memory_space<vmem>>)
      tpu.yield
    }) : () -> ()
    "tpu.region"() ({
      %run_scoped3A = tpu.sem_alloc : memref<!tpu.dma_semaphore, #tpu.memory_space<semaphore_mem>>
      %dma_start3A = arith.constant 0 : i32
      %dma_start3A_58 = arith.constant 0 : i32
      %dma_start3A_59 = tpu.memref_slice %arg18[%dma_start3A, %dma_start3A_58] : memref<80x128xf32, #tpu.memory_space<vmem>> -> memref<64x128xf32, #tpu.memory_space<vmem>>
      %dma_start3A_60 = arith.constant 0 : i32
      %dma_start3A_61 = tpu.memref_slice %arg9[%arg0, %add3A_25, %dma_start3A_60] : memref<2x10240x128xf32, #tpu.memory_space<hbm>> -> memref<1x64x128xf32, #tpu.memory_space<hbm>>
      %dma_start3A_62 = tpu.memref_squeeze %dma_start3A_61 : memref<1x64x128xf32, #tpu.memory_space<hbm>> -> memref<64x128xf32, #tpu.memory_space<hbm>>
      %dma_start3A_63 = arith.constant 0 : i32
      %dma_start3A_64 = tpu.memref_slice %arg9[%arg0, %add3A_25, %dma_start3A_63] : memref<2x10240x128xf32, #tpu.memory_space<hbm>> -> memref<1x64x128xf32, #tpu.memory_space<hbm>>
      %dma_start3A_65 = tpu.memref_squeeze %dma_start3A_64 : memref<1x64x128xf32, #tpu.memory_space<hbm>> -> memref<64x128xf32, #tpu.memory_space<hbm>>
      %dma_start3A_66 = arith.constant 0 : i32
      %dma_start3A_67 = arith.constant 0 : i32
      %dma_start3A_68 = tpu.memref_slice %arg18[%dma_start3A_66, %dma_start3A_67] : memref<80x128xf32, #tpu.memory_space<vmem>> -> memref<64x128xf32, #tpu.memory_space<vmem>>
      tpu.enqueue_dma source(%dma_start3A_68 : memref<64x128xf32, #tpu.memory_space<vmem>>) target(%dma_start3A_65 : memref<64x128xf32, #tpu.memory_space<hbm>>) target_semaphore(%run_scoped3A : memref<!tpu.dma_semaphore, #tpu.memory_space<semaphore_mem>>)
      %dma_wait3A = arith.constant 0 : i32
      %dma_wait3A_69 = arith.constant 0 : i32
      %dma_wait3A_70 = tpu.memref_slice %arg18[%dma_wait3A, %dma_wait3A_69] : memref<80x128xf32, #tpu.memory_space<vmem>> -> memref<64x128xf32, #tpu.memory_space<vmem>>
      %dma_wait3A_71 = arith.constant 0 : i32
      %dma_wait3A_72 = tpu.memref_slice %arg9[%arg0, %add3A_25, %dma_wait3A_71] : memref<2x10240x128xf32, #tpu.memory_space<hbm>> -> memref<1x64x128xf32, #tpu.memory_space<hbm>>
      %dma_wait3A_73 = tpu.memref_squeeze %dma_wait3A_72 : memref<1x64x128xf32, #tpu.memory_space<hbm>> -> memref<64x128xf32, #tpu.memory_space<hbm>>
      %dma_wait3A_74 = arith.constant 0 : i32
      %dma_wait3A_75 = tpu.memref_slice %arg9[%arg0, %add3A_25, %dma_wait3A_74] : memref<2x10240x128xf32, #tpu.memory_space<hbm>> -> memref<1x64x128xf32, #tpu.memory_space<hbm>>
      %dma_wait3A_76 = tpu.memref_squeeze %dma_wait3A_75 : memref<1x64x128xf32, #tpu.memory_space<hbm>> -> memref<64x128xf32, #tpu.memory_space<hbm>>
      %dma_wait3A_77 = arith.constant 0 : i32
      %dma_wait3A_78 = arith.constant 0 : i32
      %dma_wait3A_79 = tpu.memref_slice %arg18[%dma_wait3A_77, %dma_wait3A_78] : memref<80x128xf32, #tpu.memory_space<vmem>> -> memref<64x128xf32, #tpu.memory_space<vmem>>
      tpu.wait_dma2 semaphore(%run_scoped3A : memref<!tpu.dma_semaphore, #tpu.memory_space<semaphore_mem>>) src(%dma_wait3A_79 : memref<64x128xf32, #tpu.memory_space<vmem>>) dst(%dma_wait3A_76 : memref<64x128xf32, #tpu.memory_space<hbm>>)
      tpu.yield
    }) : () -> ()
    %mul3A_26 = arith.constant 640 : i32
    %mul3A_27 = arith.muli %arg1, %mul3A_26 : i32
    %add3A_28 = arith.constant 192 : i32
    %add3A_29 = arith.addi %mul3A_27, %add3A_28 : i32
    "tpu.region"() ({
      %run_scoped3A = tpu.sem_alloc : memref<!tpu.dma_semaphore, #tpu.memory_space<semaphore_mem>>
      %dma_start3A = arith.constant 0 : i32
      %dma_start3A_58 = arith.constant 0 : i32
      %dma_start3A_59 = tpu.memref_slice %arg18[%dma_start3A, %dma_start3A_58] : memref<80x128xf32, #tpu.memory_space<vmem>> -> memref<64x128xf32, #tpu.memory_space<vmem>>
      %dma_start3A_60 = arith.constant 0 : i32
      %dma_start3A_61 = tpu.memref_slice %arg11[%add3A_29, %dma_start3A_60] : memref<10240x128xf32, #tpu.memory_space<vmem_shared>> -> memref<64x128xf32, #tpu.memory_space<vmem_shared>>
      %dma_start3A_62 = arith.constant 0 : i32
      %dma_start3A_63 = arith.constant 0 : i32
      %dma_start3A_64 = tpu.memref_slice %arg18[%dma_start3A_62, %dma_start3A_63] : memref<80x128xf32, #tpu.memory_space<vmem>> -> memref<64x128xf32, #tpu.memory_space<vmem>>
      %dma_start3A_65 = arith.constant 0 : i32
      %dma_start3A_66 = tpu.memref_slice %arg11[%add3A_29, %dma_start3A_65] : memref<10240x128xf32, #tpu.memory_space<vmem_shared>> -> memref<64x128xf32, #tpu.memory_space<vmem_shared>>
      tpu.enqueue_dma source(%dma_start3A_66 : memref<64x128xf32, #tpu.memory_space<vmem_shared>>) target(%dma_start3A_64 : memref<64x128xf32, #tpu.memory_space<vmem>>) target_semaphore(%run_scoped3A : memref<!tpu.dma_semaphore, #tpu.memory_space<semaphore_mem>>)
      %dma_wait3A = arith.constant 0 : i32
      %dma_wait3A_67 = arith.constant 0 : i32
      %dma_wait3A_68 = tpu.memref_slice %arg18[%dma_wait3A, %dma_wait3A_67] : memref<80x128xf32, #tpu.memory_space<vmem>> -> memref<64x128xf32, #tpu.memory_space<vmem>>
      %dma_wait3A_69 = arith.constant 0 : i32
      %dma_wait3A_70 = tpu.memref_slice %arg11[%add3A_29, %dma_wait3A_69] : memref<10240x128xf32, #tpu.memory_space<vmem_shared>> -> memref<64x128xf32, #tpu.memory_space<vmem_shared>>
      %dma_wait3A_71 = arith.constant 0 : i32
      %dma_wait3A_72 = arith.constant 0 : i32
      %dma_wait3A_73 = tpu.memref_slice %arg18[%dma_wait3A_71, %dma_wait3A_72] : memref<80x128xf32, #tpu.memory_space<vmem>> -> memref<64x128xf32, #tpu.memory_space<vmem>>
      %dma_wait3A_74 = arith.constant 0 : i32
      %dma_wait3A_75 = tpu.memref_slice %arg11[%add3A_29, %dma_wait3A_74] : memref<10240x128xf32, #tpu.memory_space<vmem_shared>> -> memref<64x128xf32, #tpu.memory_space<vmem_shared>>
      tpu.wait_dma2 semaphore(%run_scoped3A : memref<!tpu.dma_semaphore, #tpu.memory_space<semaphore_mem>>) src(%dma_wait3A_75 : memref<64x128xf32, #tpu.memory_space<vmem_shared>>) dst(%dma_wait3A_73 : memref<64x128xf32, #tpu.memory_space<vmem>>)
      tpu.yield
    }) : () -> ()
    "tpu.region"() ({
      %run_scoped3A = tpu.sem_alloc : memref<!tpu.dma_semaphore, #tpu.memory_space<semaphore_mem>>
      %dma_start3A = arith.constant 0 : i32
      %dma_start3A_58 = arith.constant 0 : i32
      %dma_start3A_59 = tpu.memref_slice %arg18[%dma_start3A, %dma_start3A_58] : memref<80x128xf32, #tpu.memory_space<vmem>> -> memref<64x128xf32, #tpu.memory_space<vmem>>
      %dma_start3A_60 = arith.constant 0 : i32
      %dma_start3A_61 = tpu.memref_slice %arg9[%arg0, %add3A_29, %dma_start3A_60] : memref<2x10240x128xf32, #tpu.memory_space<hbm>> -> memref<1x64x128xf32, #tpu.memory_space<hbm>>
      %dma_start3A_62 = tpu.memref_squeeze %dma_start3A_61 : memref<1x64x128xf32, #tpu.memory_space<hbm>> -> memref<64x128xf32, #tpu.memory_space<hbm>>
      %dma_start3A_63 = arith.constant 0 : i32
      %dma_start3A_64 = tpu.memref_slice %arg9[%arg0, %add3A_29, %dma_start3A_63] : memref<2x10240x128xf32, #tpu.memory_space<hbm>> -> memref<1x64x128xf32, #tpu.memory_space<hbm>>
      %dma_start3A_65 = tpu.memref_squeeze %dma_start3A_64 : memref<1x64x128xf32, #tpu.memory_space<hbm>> -> memref<64x128xf32, #tpu.memory_space<hbm>>
      %dma_start3A_66 = arith.constant 0 : i32
      %dma_start3A_67 = arith.constant 0 : i32
      %dma_start3A_68 = tpu.memref_slice %arg18[%dma_start3A_66, %dma_start3A_67] : memref<80x128xf32, #tpu.memory_space<vmem>> -> memref<64x128xf32, #tpu.memory_space<vmem>>
      tpu.enqueue_dma source(%dma_start3A_68 : memref<64x128xf32, #tpu.memory_space<vmem>>) target(%dma_start3A_65 : memref<64x128xf32, #tpu.memory_space<hbm>>) target_semaphore(%run_scoped3A : memref<!tpu.dma_semaphore, #tpu.memory_space<semaphore_mem>>)
      %dma_wait3A = arith.constant 0 : i32
      %dma_wait3A_69 = arith.constant 0 : i32
      %dma_wait3A_70 = tpu.memref_slice %arg18[%dma_wait3A, %dma_wait3A_69] : memref<80x128xf32, #tpu.memory_space<vmem>> -> memref<64x128xf32, #tpu.memory_space<vmem>>
      %dma_wait3A_71 = arith.constant 0 : i32
      %dma_wait3A_72 = tpu.memref_slice %arg9[%arg0, %add3A_29, %dma_wait3A_71] : memref<2x10240x128xf32, #tpu.memory_space<hbm>> -> memref<1x64x128xf32, #tpu.memory_space<hbm>>
      %dma_wait3A_73 = tpu.memref_squeeze %dma_wait3A_72 : memref<1x64x128xf32, #tpu.memory_space<hbm>> -> memref<64x128xf32, #tpu.memory_space<hbm>>
      %dma_wait3A_74 = arith.constant 0 : i32
      %dma_wait3A_75 = tpu.memref_slice %arg9[%arg0, %add3A_29, %dma_wait3A_74] : memref<2x10240x128xf32, #tpu.memory_space<hbm>> -> memref<1x64x128xf32, #tpu.memory_space<hbm>>
      %dma_wait3A_76 = tpu.memref_squeeze %dma_wait3A_75 : memref<1x64x128xf32, #tpu.memory_space<hbm>> -> memref<64x128xf32, #tpu.memory_space<hbm>>
      %dma_wait3A_77 = arith.constant 0 : i32
      %dma_wait3A_78 = arith.constant 0 : i32
      %dma_wait3A_79 = tpu.memref_slice %arg18[%dma_wait3A_77, %dma_wait3A_78] : memref<80x128xf32, #tpu.memory_space<vmem>> -> memref<64x128xf32, #tpu.memory_space<vmem>>
      tpu.wait_dma2 semaphore(%run_scoped3A : memref<!tpu.dma_semaphore, #tpu.memory_space<semaphore_mem>>) src(%dma_wait3A_79 : memref<64x128xf32, #tpu.memory_space<vmem>>) dst(%dma_wait3A_76 : memref<64x128xf32, #tpu.memory_space<hbm>>)
      tpu.yield
    }) : () -> ()
    %mul3A_30 = arith.constant 640 : i32
    %mul3A_31 = arith.muli %arg1, %mul3A_30 : i32
    %add3A_32 = arith.constant 256 : i32
    %add3A_33 = arith.addi %mul3A_31, %add3A_32 : i32
    "tpu.region"() ({
      %run_scoped3A = tpu.sem_alloc : memref<!tpu.dma_semaphore, #tpu.memory_space<semaphore_mem>>
      %dma_start3A = arith.constant 0 : i32
      %dma_start3A_58 = arith.constant 0 : i32
      %dma_start3A_59 = tpu.memref_slice %arg18[%dma_start3A, %dma_start3A_58] : memref<80x128xf32, #tpu.memory_space<vmem>> -> memref<64x128xf32, #tpu.memory_space<vmem>>
      %dma_start3A_60 = arith.constant 0 : i32
      %dma_start3A_61 = tpu.memref_slice %arg11[%add3A_33, %dma_start3A_60] : memref<10240x128xf32, #tpu.memory_space<vmem_shared>> -> memref<64x128xf32, #tpu.memory_space<vmem_shared>>
      %dma_start3A_62 = arith.constant 0 : i32
      %dma_start3A_63 = arith.constant 0 : i32
      %dma_start3A_64 = tpu.memref_slice %arg18[%dma_start3A_62, %dma_start3A_63] : memref<80x128xf32, #tpu.memory_space<vmem>> -> memref<64x128xf32, #tpu.memory_space<vmem>>
      %dma_start3A_65 = arith.constant 0 : i32
      %dma_start3A_66 = tpu.memref_slice %arg11[%add3A_33, %dma_start3A_65] : memref<10240x128xf32, #tpu.memory_space<vmem_shared>> -> memref<64x128xf32, #tpu.memory_space<vmem_shared>>
      tpu.enqueue_dma source(%dma_start3A_66 : memref<64x128xf32, #tpu.memory_space<vmem_shared>>) target(%dma_start3A_64 : memref<64x128xf32, #tpu.memory_space<vmem>>) target_semaphore(%run_scoped3A : memref<!tpu.dma_semaphore, #tpu.memory_space<semaphore_mem>>)
      %dma_wait3A = arith.constant 0 : i32
      %dma_wait3A_67 = arith.constant 0 : i32
      %dma_wait3A_68 = tpu.memref_slice %arg18[%dma_wait3A, %dma_wait3A_67] : memref<80x128xf32, #tpu.memory_space<vmem>> -> memref<64x128xf32, #tpu.memory_space<vmem>>
      %dma_wait3A_69 = arith.constant 0 : i32
      %dma_wait3A_70 = tpu.memref_slice %arg11[%add3A_33, %dma_wait3A_69] : memref<10240x128xf32, #tpu.memory_space<vmem_shared>> -> memref<64x128xf32, #tpu.memory_space<vmem_shared>>
      %dma_wait3A_71 = arith.constant 0 : i32
      %dma_wait3A_72 = arith.constant 0 : i32
      %dma_wait3A_73 = tpu.memref_slice %arg18[%dma_wait3A_71, %dma_wait3A_72] : memref<80x128xf32, #tpu.memory_space<vmem>> -> memref<64x128xf32, #tpu.memory_space<vmem>>
      %dma_wait3A_74 = arith.constant 0 : i32
      %dma_wait3A_75 = tpu.memref_slice %arg11[%add3A_33, %dma_wait3A_74] : memref<10240x128xf32, #tpu.memory_space<vmem_shared>> -> memref<64x128xf32, #tpu.memory_space<vmem_shared>>
      tpu.wait_dma2 semaphore(%run_scoped3A : memref<!tpu.dma_semaphore, #tpu.memory_space<semaphore_mem>>) src(%dma_wait3A_75 : memref<64x128xf32, #tpu.memory_space<vmem_shared>>) dst(%dma_wait3A_73 : memref<64x128xf32, #tpu.memory_space<vmem>>)
      tpu.yield
    }) : () -> ()
    "tpu.region"() ({
      %run_scoped3A = tpu.sem_alloc : memref<!tpu.dma_semaphore, #tpu.memory_space<semaphore_mem>>
      %dma_start3A = arith.constant 0 : i32
      %dma_start3A_58 = arith.constant 0 : i32
      %dma_start3A_59 = tpu.memref_slice %arg18[%dma_start3A, %dma_start3A_58] : memref<80x128xf32, #tpu.memory_space<vmem>> -> memref<64x128xf32, #tpu.memory_space<vmem>>
      %dma_start3A_60 = arith.constant 0 : i32
      %dma_start3A_61 = tpu.memref_slice %arg9[%arg0, %add3A_33, %dma_start3A_60] : memref<2x10240x128xf32, #tpu.memory_space<hbm>> -> memref<1x64x128xf32, #tpu.memory_space<hbm>>
      %dma_start3A_62 = tpu.memref_squeeze %dma_start3A_61 : memref<1x64x128xf32, #tpu.memory_space<hbm>> -> memref<64x128xf32, #tpu.memory_space<hbm>>
      %dma_start3A_63 = arith.constant 0 : i32
      %dma_start3A_64 = tpu.memref_slice %arg9[%arg0, %add3A_33, %dma_start3A_63] : memref<2x10240x128xf32, #tpu.memory_space<hbm>> -> memref<1x64x128xf32, #tpu.memory_space<hbm>>
      %dma_start3A_65 = tpu.memref_squeeze %dma_start3A_64 : memref<1x64x128xf32, #tpu.memory_space<hbm>> -> memref<64x128xf32, #tpu.memory_space<hbm>>
      %dma_start3A_66 = arith.constant 0 : i32
      %dma_start3A_67 = arith.constant 0 : i32
      %dma_start3A_68 = tpu.memref_slice %arg18[%dma_start3A_66, %dma_start3A_67] : memref<80x128xf32, #tpu.memory_space<vmem>> -> memref<64x128xf32, #tpu.memory_space<vmem>>
      tpu.enqueue_dma source(%dma_start3A_68 : memref<64x128xf32, #tpu.memory_space<vmem>>) target(%dma_start3A_65 : memref<64x128xf32, #tpu.memory_space<hbm>>) target_semaphore(%run_scoped3A : memref<!tpu.dma_semaphore, #tpu.memory_space<semaphore_mem>>)
      %dma_wait3A = arith.constant 0 : i32
      %dma_wait3A_69 = arith.constant 0 : i32
      %dma_wait3A_70 = tpu.memref_slice %arg18[%dma_wait3A, %dma_wait3A_69] : memref<80x128xf32, #tpu.memory_space<vmem>> -> memref<64x128xf32, #tpu.memory_space<vmem>>
      %dma_wait3A_71 = arith.constant 0 : i32
      %dma_wait3A_72 = tpu.memref_slice %arg9[%arg0, %add3A_33, %dma_wait3A_71] : memref<2x10240x128xf32, #tpu.memory_space<hbm>> -> memref<1x64x128xf32, #tpu.memory_space<hbm>>
      %dma_wait3A_73 = tpu.memref_squeeze %dma_wait3A_72 : memref<1x64x128xf32, #tpu.memory_space<hbm>> -> memref<64x128xf32, #tpu.memory_space<hbm>>
      %dma_wait3A_74 = arith.constant 0 : i32
      %dma_wait3A_75 = tpu.memref_slice %arg9[%arg0, %add3A_33, %dma_wait3A_74] : memref<2x10240x128xf32, #tpu.memory_space<hbm>> -> memref<1x64x128xf32, #tpu.memory_space<hbm>>
      %dma_wait3A_76 = tpu.memref_squeeze %dma_wait3A_75 : memref<1x64x128xf32, #tpu.memory_space<hbm>> -> memref<64x128xf32, #tpu.memory_space<hbm>>
      %dma_wait3A_77 = arith.constant 0 : i32
      %dma_wait3A_78 = arith.constant 0 : i32
      %dma_wait3A_79 = tpu.memref_slice %arg18[%dma_wait3A_77, %dma_wait3A_78] : memref<80x128xf32, #tpu.memory_space<vmem>> -> memref<64x128xf32, #tpu.memory_space<vmem>>
      tpu.wait_dma2 semaphore(%run_scoped3A : memref<!tpu.dma_semaphore, #tpu.memory_space<semaphore_mem>>) src(%dma_wait3A_79 : memref<64x128xf32, #tpu.memory_space<vmem>>) dst(%dma_wait3A_76 : memref<64x128xf32, #tpu.memory_space<hbm>>)
      tpu.yield
    }) : () -> ()
    %mul3A_34 = arith.constant 640 : i32
    %mul3A_35 = arith.muli %arg1, %mul3A_34 : i32
    %add3A_36 = arith.constant 320 : i32
    %add3A_37 = arith.addi %mul3A_35, %add3A_36 : i32
    "tpu.region"() ({
      %run_scoped3A = tpu.sem_alloc : memref<!tpu.dma_semaphore, #tpu.memory_space<semaphore_mem>>
      %dma_start3A = arith.constant 0 : i32
      %dma_start3A_58 = arith.constant 0 : i32
      %dma_start3A_59 = tpu.memref_slice %arg18[%dma_start3A, %dma_start3A_58] : memref<80x128xf32, #tpu.memory_space<vmem>> -> memref<64x128xf32, #tpu.memory_space<vmem>>
      %dma_start3A_60 = arith.constant 0 : i32
      %dma_start3A_61 = tpu.memref_slice %arg11[%add3A_37, %dma_start3A_60] : memref<10240x128xf32, #tpu.memory_space<vmem_shared>> -> memref<64x128xf32, #tpu.memory_space<vmem_shared>>
      %dma_start3A_62 = arith.constant 0 : i32
      %dma_start3A_63 = arith.constant 0 : i32
      %dma_start3A_64 = tpu.memref_slice %arg18[%dma_start3A_62, %dma_start3A_63] : memref<80x128xf32, #tpu.memory_space<vmem>> -> memref<64x128xf32, #tpu.memory_space<vmem>>
      %dma_start3A_65 = arith.constant 0 : i32
      %dma_start3A_66 = tpu.memref_slice %arg11[%add3A_37, %dma_start3A_65] : memref<10240x128xf32, #tpu.memory_space<vmem_shared>> -> memref<64x128xf32, #tpu.memory_space<vmem_shared>>
      tpu.enqueue_dma source(%dma_start3A_66 : memref<64x128xf32, #tpu.memory_space<vmem_shared>>) target(%dma_start3A_64 : memref<64x128xf32, #tpu.memory_space<vmem>>) target_semaphore(%run_scoped3A : memref<!tpu.dma_semaphore, #tpu.memory_space<semaphore_mem>>)
      %dma_wait3A = arith.constant 0 : i32
      %dma_wait3A_67 = arith.constant 0 : i32
      %dma_wait3A_68 = tpu.memref_slice %arg18[%dma_wait3A, %dma_wait3A_67] : memref<80x128xf32, #tpu.memory_space<vmem>> -> memref<64x128xf32, #tpu.memory_space<vmem>>
      %dma_wait3A_69 = arith.constant 0 : i32
      %dma_wait3A_70 = tpu.memref_slice %arg11[%add3A_37, %dma_wait3A_69] : memref<10240x128xf32, #tpu.memory_space<vmem_shared>> -> memref<64x128xf32, #tpu.memory_space<vmem_shared>>
      %dma_wait3A_71 = arith.constant 0 : i32
      %dma_wait3A_72 = arith.constant 0 : i32
      %dma_wait3A_73 = tpu.memref_slice %arg18[%dma_wait3A_71, %dma_wait3A_72] : memref<80x128xf32, #tpu.memory_space<vmem>> -> memref<64x128xf32, #tpu.memory_space<vmem>>
      %dma_wait3A_74 = arith.constant 0 : i32
      %dma_wait3A_75 = tpu.memref_slice %arg11[%add3A_37, %dma_wait3A_74] : memref<10240x128xf32, #tpu.memory_space<vmem_shared>> -> memref<64x128xf32, #tpu.memory_space<vmem_shared>>
      tpu.wait_dma2 semaphore(%run_scoped3A : memref<!tpu.dma_semaphore, #tpu.memory_space<semaphore_mem>>) src(%dma_wait3A_75 : memref<64x128xf32, #tpu.memory_space<vmem_shared>>) dst(%dma_wait3A_73 : memref<64x128xf32, #tpu.memory_space<vmem>>)
      tpu.yield
    }) : () -> ()
    "tpu.region"() ({
      %run_scoped3A = tpu.sem_alloc : memref<!tpu.dma_semaphore, #tpu.memory_space<semaphore_mem>>
      %dma_start3A = arith.constant 0 : i32
      %dma_start3A_58 = arith.constant 0 : i32
      %dma_start3A_59 = tpu.memref_slice %arg18[%dma_start3A, %dma_start3A_58] : memref<80x128xf32, #tpu.memory_space<vmem>> -> memref<64x128xf32, #tpu.memory_space<vmem>>
      %dma_start3A_60 = arith.constant 0 : i32
      %dma_start3A_61 = tpu.memref_slice %arg9[%arg0, %add3A_37, %dma_start3A_60] : memref<2x10240x128xf32, #tpu.memory_space<hbm>> -> memref<1x64x128xf32, #tpu.memory_space<hbm>>
      %dma_start3A_62 = tpu.memref_squeeze %dma_start3A_61 : memref<1x64x128xf32, #tpu.memory_space<hbm>> -> memref<64x128xf32, #tpu.memory_space<hbm>>
      %dma_start3A_63 = arith.constant 0 : i32
      %dma_start3A_64 = tpu.memref_slice %arg9[%arg0, %add3A_37, %dma_start3A_63] : memref<2x10240x128xf32, #tpu.memory_space<hbm>> -> memref<1x64x128xf32, #tpu.memory_space<hbm>>
      %dma_start3A_65 = tpu.memref_squeeze %dma_start3A_64 : memref<1x64x128xf32, #tpu.memory_space<hbm>> -> memref<64x128xf32, #tpu.memory_space<hbm>>
      %dma_start3A_66 = arith.constant 0 : i32
      %dma_start3A_67 = arith.constant 0 : i32
      %dma_start3A_68 = tpu.memref_slice %arg18[%dma_start3A_66, %dma_start3A_67] : memref<80x128xf32, #tpu.memory_space<vmem>> -> memref<64x128xf32, #tpu.memory_space<vmem>>
      tpu.enqueue_dma source(%dma_start3A_68 : memref<64x128xf32, #tpu.memory_space<vmem>>) target(%dma_start3A_65 : memref<64x128xf32, #tpu.memory_space<hbm>>) target_semaphore(%run_scoped3A : memref<!tpu.dma_semaphore, #tpu.memory_space<semaphore_mem>>)
      %dma_wait3A = arith.constant 0 : i32
      %dma_wait3A_69 = arith.constant 0 : i32
      %dma_wait3A_70 = tpu.memref_slice %arg18[%dma_wait3A, %dma_wait3A_69] : memref<80x128xf32, #tpu.memory_space<vmem>> -> memref<64x128xf32, #tpu.memory_space<vmem>>
      %dma_wait3A_71 = arith.constant 0 : i32
      %dma_wait3A_72 = tpu.memref_slice %arg9[%arg0, %add3A_37, %dma_wait3A_71] : memref<2x10240x128xf32, #tpu.memory_space<hbm>> -> memref<1x64x128xf32, #tpu.memory_space<hbm>>
      %dma_wait3A_73 = tpu.memref_squeeze %dma_wait3A_72 : memref<1x64x128xf32, #tpu.memory_space<hbm>> -> memref<64x128xf32, #tpu.memory_space<hbm>>
      %dma_wait3A_74 = arith.constant 0 : i32
      %dma_wait3A_75 = tpu.memref_slice %arg9[%arg0, %add3A_37, %dma_wait3A_74] : memref<2x10240x128xf32, #tpu.memory_space<hbm>> -> memref<1x64x128xf32, #tpu.memory_space<hbm>>
      %dma_wait3A_76 = tpu.memref_squeeze %dma_wait3A_75 : memref<1x64x128xf32, #tpu.memory_space<hbm>> -> memref<64x128xf32, #tpu.memory_space<hbm>>
      %dma_wait3A_77 = arith.constant 0 : i32
      %dma_wait3A_78 = arith.constant 0 : i32
      %dma_wait3A_79 = tpu.memref_slice %arg18[%dma_wait3A_77, %dma_wait3A_78] : memref<80x128xf32, #tpu.memory_space<vmem>> -> memref<64x128xf32, #tpu.memory_space<vmem>>
      tpu.wait_dma2 semaphore(%run_scoped3A : memref<!tpu.dma_semaphore, #tpu.memory_space<semaphore_mem>>) src(%dma_wait3A_79 : memref<64x128xf32, #tpu.memory_space<vmem>>) dst(%dma_wait3A_76 : memref<64x128xf32, #tpu.memory_space<hbm>>)
      tpu.yield
    }) : () -> ()
    %mul3A_38 = arith.constant 640 : i32
    %mul3A_39 = arith.muli %arg1, %mul3A_38 : i32
    %add3A_40 = arith.constant 384 : i32
    %add3A_41 = arith.addi %mul3A_39, %add3A_40 : i32
    "tpu.region"() ({
      %run_scoped3A = tpu.sem_alloc : memref<!tpu.dma_semaphore, #tpu.memory_space<semaphore_mem>>
      %dma_start3A = arith.constant 0 : i32
      %dma_start3A_58 = arith.constant 0 : i32
      %dma_start3A_59 = tpu.memref_slice %arg18[%dma_start3A, %dma_start3A_58] : memref<80x128xf32, #tpu.memory_space<vmem>> -> memref<64x128xf32, #tpu.memory_space<vmem>>
      %dma_start3A_60 = arith.constant 0 : i32
      %dma_start3A_61 = tpu.memref_slice %arg11[%add3A_41, %dma_start3A_60] : memref<10240x128xf32, #tpu.memory_space<vmem_shared>> -> memref<64x128xf32, #tpu.memory_space<vmem_shared>>
      %dma_start3A_62 = arith.constant 0 : i32
      %dma_start3A_63 = arith.constant 0 : i32
      %dma_start3A_64 = tpu.memref_slice %arg18[%dma_start3A_62, %dma_start3A_63] : memref<80x128xf32, #tpu.memory_space<vmem>> -> memref<64x128xf32, #tpu.memory_space<vmem>>
      %dma_start3A_65 = arith.constant 0 : i32
      %dma_start3A_66 = tpu.memref_slice %arg11[%add3A_41, %dma_start3A_65] : memref<10240x128xf32, #tpu.memory_space<vmem_shared>> -> memref<64x128xf32, #tpu.memory_space<vmem_shared>>
      tpu.enqueue_dma source(%dma_start3A_66 : memref<64x128xf32, #tpu.memory_space<vmem_shared>>) target(%dma_start3A_64 : memref<64x128xf32, #tpu.memory_space<vmem>>) target_semaphore(%run_scoped3A : memref<!tpu.dma_semaphore, #tpu.memory_space<semaphore_mem>>)
      %dma_wait3A = arith.constant 0 : i32
      %dma_wait3A_67 = arith.constant 0 : i32
      %dma_wait3A_68 = tpu.memref_slice %arg18[%dma_wait3A, %dma_wait3A_67] : memref<80x128xf32, #tpu.memory_space<vmem>> -> memref<64x128xf32, #tpu.memory_space<vmem>>
      %dma_wait3A_69 = arith.constant 0 : i32
      %dma_wait3A_70 = tpu.memref_slice %arg11[%add3A_41, %dma_wait3A_69] : memref<10240x128xf32, #tpu.memory_space<vmem_shared>> -> memref<64x128xf32, #tpu.memory_space<vmem_shared>>
      %dma_wait3A_71 = arith.constant 0 : i32
      %dma_wait3A_72 = arith.constant 0 : i32
      %dma_wait3A_73 = tpu.memref_slice %arg18[%dma_wait3A_71, %dma_wait3A_72] : memref<80x128xf32, #tpu.memory_space<vmem>> -> memref<64x128xf32, #tpu.memory_space<vmem>>
      %dma_wait3A_74 = arith.constant 0 : i32
      %dma_wait3A_75 = tpu.memref_slice %arg11[%add3A_41, %dma_wait3A_74] : memref<10240x128xf32, #tpu.memory_space<vmem_shared>> -> memref<64x128xf32, #tpu.memory_space<vmem_shared>>
      tpu.wait_dma2 semaphore(%run_scoped3A : memref<!tpu.dma_semaphore, #tpu.memory_space<semaphore_mem>>) src(%dma_wait3A_75 : memref<64x128xf32, #tpu.memory_space<vmem_shared>>) dst(%dma_wait3A_73 : memref<64x128xf32, #tpu.memory_space<vmem>>)
      tpu.yield
    }) : () -> ()
    "tpu.region"() ({
      %run_scoped3A = tpu.sem_alloc : memref<!tpu.dma_semaphore, #tpu.memory_space<semaphore_mem>>
      %dma_start3A = arith.constant 0 : i32
      %dma_start3A_58 = arith.constant 0 : i32
      %dma_start3A_59 = tpu.memref_slice %arg18[%dma_start3A, %dma_start3A_58] : memref<80x128xf32, #tpu.memory_space<vmem>> -> memref<64x128xf32, #tpu.memory_space<vmem>>
      %dma_start3A_60 = arith.constant 0 : i32
      %dma_start3A_61 = tpu.memref_slice %arg9[%arg0, %add3A_41, %dma_start3A_60] : memref<2x10240x128xf32, #tpu.memory_space<hbm>> -> memref<1x64x128xf32, #tpu.memory_space<hbm>>
      %dma_start3A_62 = tpu.memref_squeeze %dma_start3A_61 : memref<1x64x128xf32, #tpu.memory_space<hbm>> -> memref<64x128xf32, #tpu.memory_space<hbm>>
      %dma_start3A_63 = arith.constant 0 : i32
      %dma_start3A_64 = tpu.memref_slice %arg9[%arg0, %add3A_41, %dma_start3A_63] : memref<2x10240x128xf32, #tpu.memory_space<hbm>> -> memref<1x64x128xf32, #tpu.memory_space<hbm>>
      %dma_start3A_65 = tpu.memref_squeeze %dma_start3A_64 : memref<1x64x128xf32, #tpu.memory_space<hbm>> -> memref<64x128xf32, #tpu.memory_space<hbm>>
      %dma_start3A_66 = arith.constant 0 : i32
      %dma_start3A_67 = arith.constant 0 : i32
      %dma_start3A_68 = tpu.memref_slice %arg18[%dma_start3A_66, %dma_start3A_67] : memref<80x128xf32, #tpu.memory_space<vmem>> -> memref<64x128xf32, #tpu.memory_space<vmem>>
      tpu.enqueue_dma source(%dma_start3A_68 : memref<64x128xf32, #tpu.memory_space<vmem>>) target(%dma_start3A_65 : memref<64x128xf32, #tpu.memory_space<hbm>>) target_semaphore(%run_scoped3A : memref<!tpu.dma_semaphore, #tpu.memory_space<semaphore_mem>>)
      %dma_wait3A = arith.constant 0 : i32
      %dma_wait3A_69 = arith.constant 0 : i32
      %dma_wait3A_70 = tpu.memref_slice %arg18[%dma_wait3A, %dma_wait3A_69] : memref<80x128xf32, #tpu.memory_space<vmem>> -> memref<64x128xf32, #tpu.memory_space<vmem>>
      %dma_wait3A_71 = arith.constant 0 : i32
      %dma_wait3A_72 = tpu.memref_slice %arg9[%arg0, %add3A_41, %dma_wait3A_71] : memref<2x10240x128xf32, #tpu.memory_space<hbm>> -> memref<1x64x128xf32, #tpu.memory_space<hbm>>
      %dma_wait3A_73 = tpu.memref_squeeze %dma_wait3A_72 : memref<1x64x128xf32, #tpu.memory_space<hbm>> -> memref<64x128xf32, #tpu.memory_space<hbm>>
      %dma_wait3A_74 = arith.constant 0 : i32
      %dma_wait3A_75 = tpu.memref_slice %arg9[%arg0, %add3A_41, %dma_wait3A_74] : memref<2x10240x128xf32, #tpu.memory_space<hbm>> -> memref<1x64x128xf32, #tpu.memory_space<hbm>>
      %dma_wait3A_76 = tpu.memref_squeeze %dma_wait3A_75 : memref<1x64x128xf32, #tpu.memory_space<hbm>> -> memref<64x128xf32, #tpu.memory_space<hbm>>
      %dma_wait3A_77 = arith.constant 0 : i32
      %dma_wait3A_78 = arith.constant 0 : i32
      %dma_wait3A_79 = tpu.memref_slice %arg18[%dma_wait3A_77, %dma_wait3A_78] : memref<80x128xf32, #tpu.memory_space<vmem>> -> memref<64x128xf32, #tpu.memory_space<vmem>>
      tpu.wait_dma2 semaphore(%run_scoped3A : memref<!tpu.dma_semaphore, #tpu.memory_space<semaphore_mem>>) src(%dma_wait3A_79 : memref<64x128xf32, #tpu.memory_space<vmem>>) dst(%dma_wait3A_76 : memref<64x128xf32, #tpu.memory_space<hbm>>)
      tpu.yield
    }) : () -> ()
    %mul3A_42 = arith.constant 640 : i32
    %mul3A_43 = arith.muli %arg1, %mul3A_42 : i32
    %add3A_44 = arith.constant 448 : i32
    %add3A_45 = arith.addi %mul3A_43, %add3A_44 : i32
    "tpu.region"() ({
      %run_scoped3A = tpu.sem_alloc : memref<!tpu.dma_semaphore, #tpu.memory_space<semaphore_mem>>
      %dma_start3A = arith.constant 0 : i32
      %dma_start3A_58 = arith.constant 0 : i32
      %dma_start3A_59 = tpu.memref_slice %arg18[%dma_start3A, %dma_start3A_58] : memref<80x128xf32, #tpu.memory_space<vmem>> -> memref<64x128xf32, #tpu.memory_space<vmem>>
      %dma_start3A_60 = arith.constant 0 : i32
      %dma_start3A_61 = tpu.memref_slice %arg11[%add3A_45, %dma_start3A_60] : memref<10240x128xf32, #tpu.memory_space<vmem_shared>> -> memref<64x128xf32, #tpu.memory_space<vmem_shared>>
      %dma_start3A_62 = arith.constant 0 : i32
      %dma_start3A_63 = arith.constant 0 : i32
      %dma_start3A_64 = tpu.memref_slice %arg18[%dma_start3A_62, %dma_start3A_63] : memref<80x128xf32, #tpu.memory_space<vmem>> -> memref<64x128xf32, #tpu.memory_space<vmem>>
      %dma_start3A_65 = arith.constant 0 : i32
      %dma_start3A_66 = tpu.memref_slice %arg11[%add3A_45, %dma_start3A_65] : memref<10240x128xf32, #tpu.memory_space<vmem_shared>> -> memref<64x128xf32, #tpu.memory_space<vmem_shared>>
      tpu.enqueue_dma source(%dma_start3A_66 : memref<64x128xf32, #tpu.memory_space<vmem_shared>>) target(%dma_start3A_64 : memref<64x128xf32, #tpu.memory_space<vmem>>) target_semaphore(%run_scoped3A : memref<!tpu.dma_semaphore, #tpu.memory_space<semaphore_mem>>)
      %dma_wait3A = arith.constant 0 : i32
      %dma_wait3A_67 = arith.constant 0 : i32
      %dma_wait3A_68 = tpu.memref_slice %arg18[%dma_wait3A, %dma_wait3A_67] : memref<80x128xf32, #tpu.memory_space<vmem>> -> memref<64x128xf32, #tpu.memory_space<vmem>>
      %dma_wait3A_69 = arith.constant 0 : i32
      %dma_wait3A_70 = tpu.memref_slice %arg11[%add3A_45, %dma_wait3A_69] : memref<10240x128xf32, #tpu.memory_space<vmem_shared>> -> memref<64x128xf32, #tpu.memory_space<vmem_shared>>
      %dma_wait3A_71 = arith.constant 0 : i32
      %dma_wait3A_72 = arith.constant 0 : i32
      %dma_wait3A_73 = tpu.memref_slice %arg18[%dma_wait3A_71, %dma_wait3A_72] : memref<80x128xf32, #tpu.memory_space<vmem>> -> memref<64x128xf32, #tpu.memory_space<vmem>>
      %dma_wait3A_74 = arith.constant 0 : i32
      %dma_wait3A_75 = tpu.memref_slice %arg11[%add3A_45, %dma_wait3A_74] : memref<10240x128xf32, #tpu.memory_space<vmem_shared>> -> memref<64x128xf32, #tpu.memory_space<vmem_shared>>
      tpu.wait_dma2 semaphore(%run_scoped3A : memref<!tpu.dma_semaphore, #tpu.memory_space<semaphore_mem>>) src(%dma_wait3A_75 : memref<64x128xf32, #tpu.memory_space<vmem_shared>>) dst(%dma_wait3A_73 : memref<64x128xf32, #tpu.memory_space<vmem>>)
      tpu.yield
    }) : () -> ()
    "tpu.region"() ({
      %run_scoped3A = tpu.sem_alloc : memref<!tpu.dma_semaphore, #tpu.memory_space<semaphore_mem>>
      %dma_start3A = arith.constant 0 : i32
      %dma_start3A_58 = arith.constant 0 : i32
      %dma_start3A_59 = tpu.memref_slice %arg18[%dma_start3A, %dma_start3A_58] : memref<80x128xf32, #tpu.memory_space<vmem>> -> memref<64x128xf32, #tpu.memory_space<vmem>>
      %dma_start3A_60 = arith.constant 0 : i32
      %dma_start3A_61 = tpu.memref_slice %arg9[%arg0, %add3A_45, %dma_start3A_60] : memref<2x10240x128xf32, #tpu.memory_space<hbm>> -> memref<1x64x128xf32, #tpu.memory_space<hbm>>
      %dma_start3A_62 = tpu.memref_squeeze %dma_start3A_61 : memref<1x64x128xf32, #tpu.memory_space<hbm>> -> memref<64x128xf32, #tpu.memory_space<hbm>>
      %dma_start3A_63 = arith.constant 0 : i32
      %dma_start3A_64 = tpu.memref_slice %arg9[%arg0, %add3A_45, %dma_start3A_63] : memref<2x10240x128xf32, #tpu.memory_space<hbm>> -> memref<1x64x128xf32, #tpu.memory_space<hbm>>
      %dma_start3A_65 = tpu.memref_squeeze %dma_start3A_64 : memref<1x64x128xf32, #tpu.memory_space<hbm>> -> memref<64x128xf32, #tpu.memory_space<hbm>>
      %dma_start3A_66 = arith.constant 0 : i32
      %dma_start3A_67 = arith.constant 0 : i32
      %dma_start3A_68 = tpu.memref_slice %arg18[%dma_start3A_66, %dma_start3A_67] : memref<80x128xf32, #tpu.memory_space<vmem>> -> memref<64x128xf32, #tpu.memory_space<vmem>>
      tpu.enqueue_dma source(%dma_start3A_68 : memref<64x128xf32, #tpu.memory_space<vmem>>) target(%dma_start3A_65 : memref<64x128xf32, #tpu.memory_space<hbm>>) target_semaphore(%run_scoped3A : memref<!tpu.dma_semaphore, #tpu.memory_space<semaphore_mem>>)
      %dma_wait3A = arith.constant 0 : i32
      %dma_wait3A_69 = arith.constant 0 : i32
      %dma_wait3A_70 = tpu.memref_slice %arg18[%dma_wait3A, %dma_wait3A_69] : memref<80x128xf32, #tpu.memory_space<vmem>> -> memref<64x128xf32, #tpu.memory_space<vmem>>
      %dma_wait3A_71 = arith.constant 0 : i32
      %dma_wait3A_72 = tpu.memref_slice %arg9[%arg0, %add3A_45, %dma_wait3A_71] : memref<2x10240x128xf32, #tpu.memory_space<hbm>> -> memref<1x64x128xf32, #tpu.memory_space<hbm>>
      %dma_wait3A_73 = tpu.memref_squeeze %dma_wait3A_72 : memref<1x64x128xf32, #tpu.memory_space<hbm>> -> memref<64x128xf32, #tpu.memory_space<hbm>>
      %dma_wait3A_74 = arith.constant 0 : i32
      %dma_wait3A_75 = tpu.memref_slice %arg9[%arg0, %add3A_45, %dma_wait3A_74] : memref<2x10240x128xf32, #tpu.memory_space<hbm>> -> memref<1x64x128xf32, #tpu.memory_space<hbm>>
      %dma_wait3A_76 = tpu.memref_squeeze %dma_wait3A_75 : memref<1x64x128xf32, #tpu.memory_space<hbm>> -> memref<64x128xf32, #tpu.memory_space<hbm>>
      %dma_wait3A_77 = arith.constant 0 : i32
      %dma_wait3A_78 = arith.constant 0 : i32
      %dma_wait3A_79 = tpu.memref_slice %arg18[%dma_wait3A_77, %dma_wait3A_78] : memref<80x128xf32, #tpu.memory_space<vmem>> -> memref<64x128xf32, #tpu.memory_space<vmem>>
      tpu.wait_dma2 semaphore(%run_scoped3A : memref<!tpu.dma_semaphore, #tpu.memory_space<semaphore_mem>>) src(%dma_wait3A_79 : memref<64x128xf32, #tpu.memory_space<vmem>>) dst(%dma_wait3A_76 : memref<64x128xf32, #tpu.memory_space<hbm>>)
      tpu.yield
    }) : () -> ()
    %mul3A_46 = arith.constant 640 : i32
    %mul3A_47 = arith.muli %arg1, %mul3A_46 : i32
    %add3A_48 = arith.constant 512 : i32
    %add3A_49 = arith.addi %mul3A_47, %add3A_48 : i32
    "tpu.region"() ({
      %run_scoped3A = tpu.sem_alloc : memref<!tpu.dma_semaphore, #tpu.memory_space<semaphore_mem>>
      %dma_start3A = arith.constant 0 : i32
      %dma_start3A_58 = arith.constant 0 : i32
      %dma_start3A_59 = tpu.memref_slice %arg18[%dma_start3A, %dma_start3A_58] : memref<80x128xf32, #tpu.memory_space<vmem>> -> memref<64x128xf32, #tpu.memory_space<vmem>>
      %dma_start3A_60 = arith.constant 0 : i32
      %dma_start3A_61 = tpu.memref_slice %arg11[%add3A_49, %dma_start3A_60] : memref<10240x128xf32, #tpu.memory_space<vmem_shared>> -> memref<64x128xf32, #tpu.memory_space<vmem_shared>>
      %dma_start3A_62 = arith.constant 0 : i32
      %dma_start3A_63 = arith.constant 0 : i32
      %dma_start3A_64 = tpu.memref_slice %arg18[%dma_start3A_62, %dma_start3A_63] : memref<80x128xf32, #tpu.memory_space<vmem>> -> memref<64x128xf32, #tpu.memory_space<vmem>>
      %dma_start3A_65 = arith.constant 0 : i32
      %dma_start3A_66 = tpu.memref_slice %arg11[%add3A_49, %dma_start3A_65] : memref<10240x128xf32, #tpu.memory_space<vmem_shared>> -> memref<64x128xf32, #tpu.memory_space<vmem_shared>>
      tpu.enqueue_dma source(%dma_start3A_66 : memref<64x128xf32, #tpu.memory_space<vmem_shared>>) target(%dma_start3A_64 : memref<64x128xf32, #tpu.memory_space<vmem>>) target_semaphore(%run_scoped3A : memref<!tpu.dma_semaphore, #tpu.memory_space<semaphore_mem>>)
      %dma_wait3A = arith.constant 0 : i32
      %dma_wait3A_67 = arith.constant 0 : i32
      %dma_wait3A_68 = tpu.memref_slice %arg18[%dma_wait3A, %dma_wait3A_67] : memref<80x128xf32, #tpu.memory_space<vmem>> -> memref<64x128xf32, #tpu.memory_space<vmem>>
      %dma_wait3A_69 = arith.constant 0 : i32
      %dma_wait3A_70 = tpu.memref_slice %arg11[%add3A_49, %dma_wait3A_69] : memref<10240x128xf32, #tpu.memory_space<vmem_shared>> -> memref<64x128xf32, #tpu.memory_space<vmem_shared>>
      %dma_wait3A_71 = arith.constant 0 : i32
      %dma_wait3A_72 = arith.constant 0 : i32
      %dma_wait3A_73 = tpu.memref_slice %arg18[%dma_wait3A_71, %dma_wait3A_72] : memref<80x128xf32, #tpu.memory_space<vmem>> -> memref<64x128xf32, #tpu.memory_space<vmem>>
      %dma_wait3A_74 = arith.constant 0 : i32
      %dma_wait3A_75 = tpu.memref_slice %arg11[%add3A_49, %dma_wait3A_74] : memref<10240x128xf32, #tpu.memory_space<vmem_shared>> -> memref<64x128xf32, #tpu.memory_space<vmem_shared>>
      tpu.wait_dma2 semaphore(%run_scoped3A : memref<!tpu.dma_semaphore, #tpu.memory_space<semaphore_mem>>) src(%dma_wait3A_75 : memref<64x128xf32, #tpu.memory_space<vmem_shared>>) dst(%dma_wait3A_73 : memref<64x128xf32, #tpu.memory_space<vmem>>)
      tpu.yield
    }) : () -> ()
    "tpu.region"() ({
      %run_scoped3A = tpu.sem_alloc : memref<!tpu.dma_semaphore, #tpu.memory_space<semaphore_mem>>
      %dma_start3A = arith.constant 0 : i32
      %dma_start3A_58 = arith.constant 0 : i32
      %dma_start3A_59 = tpu.memref_slice %arg18[%dma_start3A, %dma_start3A_58] : memref<80x128xf32, #tpu.memory_space<vmem>> -> memref<64x128xf32, #tpu.memory_space<vmem>>
      %dma_start3A_60 = arith.constant 0 : i32
      %dma_start3A_61 = tpu.memref_slice %arg9[%arg0, %add3A_49, %dma_start3A_60] : memref<2x10240x128xf32, #tpu.memory_space<hbm>> -> memref<1x64x128xf32, #tpu.memory_space<hbm>>
      %dma_start3A_62 = tpu.memref_squeeze %dma_start3A_61 : memref<1x64x128xf32, #tpu.memory_space<hbm>> -> memref<64x128xf32, #tpu.memory_space<hbm>>
      %dma_start3A_63 = arith.constant 0 : i32
      %dma_start3A_64 = tpu.memref_slice %arg9[%arg0, %add3A_49, %dma_start3A_63] : memref<2x10240x128xf32, #tpu.memory_space<hbm>> -> memref<1x64x128xf32, #tpu.memory_space<hbm>>
      %dma_start3A_65 = tpu.memref_squeeze %dma_start3A_64 : memref<1x64x128xf32, #tpu.memory_space<hbm>> -> memref<64x128xf32, #tpu.memory_space<hbm>>
      %dma_start3A_66 = arith.constant 0 : i32
      %dma_start3A_67 = arith.constant 0 : i32
      %dma_start3A_68 = tpu.memref_slice %arg18[%dma_start3A_66, %dma_start3A_67] : memref<80x128xf32, #tpu.memory_space<vmem>> -> memref<64x128xf32, #tpu.memory_space<vmem>>
      tpu.enqueue_dma source(%dma_start3A_68 : memref<64x128xf32, #tpu.memory_space<vmem>>) target(%dma_start3A_65 : memref<64x128xf32, #tpu.memory_space<hbm>>) target_semaphore(%run_scoped3A : memref<!tpu.dma_semaphore, #tpu.memory_space<semaphore_mem>>)
      %dma_wait3A = arith.constant 0 : i32
      %dma_wait3A_69 = arith.constant 0 : i32
      %dma_wait3A_70 = tpu.memref_slice %arg18[%dma_wait3A, %dma_wait3A_69] : memref<80x128xf32, #tpu.memory_space<vmem>> -> memref<64x128xf32, #tpu.memory_space<vmem>>
      %dma_wait3A_71 = arith.constant 0 : i32
      %dma_wait3A_72 = tpu.memref_slice %arg9[%arg0, %add3A_49, %dma_wait3A_71] : memref<2x10240x128xf32, #tpu.memory_space<hbm>> -> memref<1x64x128xf32, #tpu.memory_space<hbm>>
      %dma_wait3A_73 = tpu.memref_squeeze %dma_wait3A_72 : memref<1x64x128xf32, #tpu.memory_space<hbm>> -> memref<64x128xf32, #tpu.memory_space<hbm>>
      %dma_wait3A_74 = arith.constant 0 : i32
      %dma_wait3A_75 = tpu.memref_slice %arg9[%arg0, %add3A_49, %dma_wait3A_74] : memref<2x10240x128xf32, #tpu.memory_space<hbm>> -> memref<1x64x128xf32, #tpu.memory_space<hbm>>
      %dma_wait3A_76 = tpu.memref_squeeze %dma_wait3A_75 : memref<1x64x128xf32, #tpu.memory_space<hbm>> -> memref<64x128xf32, #tpu.memory_space<hbm>>
      %dma_wait3A_77 = arith.constant 0 : i32
      %dma_wait3A_78 = arith.constant 0 : i32
      %dma_wait3A_79 = tpu.memref_slice %arg18[%dma_wait3A_77, %dma_wait3A_78] : memref<80x128xf32, #tpu.memory_space<vmem>> -> memref<64x128xf32, #tpu.memory_space<vmem>>
      tpu.wait_dma2 semaphore(%run_scoped3A : memref<!tpu.dma_semaphore, #tpu.memory_space<semaphore_mem>>) src(%dma_wait3A_79 : memref<64x128xf32, #tpu.memory_space<vmem>>) dst(%dma_wait3A_76 : memref<64x128xf32, #tpu.memory_space<hbm>>)
      tpu.yield
    }) : () -> ()
    %mul3A_50 = arith.constant 640 : i32
    %mul3A_51 = arith.muli %arg1, %mul3A_50 : i32
    %add3A_52 = arith.constant 576 : i32
    %add3A_53 = arith.addi %mul3A_51, %add3A_52 : i32
    "tpu.region"() ({
      %run_scoped3A = tpu.sem_alloc : memref<!tpu.dma_semaphore, #tpu.memory_space<semaphore_mem>>
      %dma_start3A = arith.constant 0 : i32
      %dma_start3A_58 = arith.constant 0 : i32
      %dma_start3A_59 = tpu.memref_slice %arg18[%dma_start3A, %dma_start3A_58] : memref<80x128xf32, #tpu.memory_space<vmem>> -> memref<64x128xf32, #tpu.memory_space<vmem>>
      %dma_start3A_60 = arith.constant 0 : i32
      %dma_start3A_61 = tpu.memref_slice %arg11[%add3A_53, %dma_start3A_60] : memref<10240x128xf32, #tpu.memory_space<vmem_shared>> -> memref<64x128xf32, #tpu.memory_space<vmem_shared>>
      %dma_start3A_62 = arith.constant 0 : i32
      %dma_start3A_63 = arith.constant 0 : i32
      %dma_start3A_64 = tpu.memref_slice %arg18[%dma_start3A_62, %dma_start3A_63] : memref<80x128xf32, #tpu.memory_space<vmem>> -> memref<64x128xf32, #tpu.memory_space<vmem>>
      %dma_start3A_65 = arith.constant 0 : i32
      %dma_start3A_66 = tpu.memref_slice %arg11[%add3A_53, %dma_start3A_65] : memref<10240x128xf32, #tpu.memory_space<vmem_shared>> -> memref<64x128xf32, #tpu.memory_space<vmem_shared>>
      tpu.enqueue_dma source(%dma_start3A_66 : memref<64x128xf32, #tpu.memory_space<vmem_shared>>) target(%dma_start3A_64 : memref<64x128xf32, #tpu.memory_space<vmem>>) target_semaphore(%run_scoped3A : memref<!tpu.dma_semaphore, #tpu.memory_space<semaphore_mem>>)
      %dma_wait3A = arith.constant 0 : i32
      %dma_wait3A_67 = arith.constant 0 : i32
      %dma_wait3A_68 = tpu.memref_slice %arg18[%dma_wait3A, %dma_wait3A_67] : memref<80x128xf32, #tpu.memory_space<vmem>> -> memref<64x128xf32, #tpu.memory_space<vmem>>
      %dma_wait3A_69 = arith.constant 0 : i32
      %dma_wait3A_70 = tpu.memref_slice %arg11[%add3A_53, %dma_wait3A_69] : memref<10240x128xf32, #tpu.memory_space<vmem_shared>> -> memref<64x128xf32, #tpu.memory_space<vmem_shared>>
      %dma_wait3A_71 = arith.constant 0 : i32
      %dma_wait3A_72 = arith.constant 0 : i32
      %dma_wait3A_73 = tpu.memref_slice %arg18[%dma_wait3A_71, %dma_wait3A_72] : memref<80x128xf32, #tpu.memory_space<vmem>> -> memref<64x128xf32, #tpu.memory_space<vmem>>
      %dma_wait3A_74 = arith.constant 0 : i32
      %dma_wait3A_75 = tpu.memref_slice %arg11[%add3A_53, %dma_wait3A_74] : memref<10240x128xf32, #tpu.memory_space<vmem_shared>> -> memref<64x128xf32, #tpu.memory_space<vmem_shared>>
      tpu.wait_dma2 semaphore(%run_scoped3A : memref<!tpu.dma_semaphore, #tpu.memory_space<semaphore_mem>>) src(%dma_wait3A_75 : memref<64x128xf32, #tpu.memory_space<vmem_shared>>) dst(%dma_wait3A_73 : memref<64x128xf32, #tpu.memory_space<vmem>>)
      tpu.yield
    }) : () -> ()
    "tpu.region"() ({
      %run_scoped3A = tpu.sem_alloc : memref<!tpu.dma_semaphore, #tpu.memory_space<semaphore_mem>>
      %dma_start3A = arith.constant 0 : i32
      %dma_start3A_58 = arith.constant 0 : i32
      %dma_start3A_59 = tpu.memref_slice %arg18[%dma_start3A, %dma_start3A_58] : memref<80x128xf32, #tpu.memory_space<vmem>> -> memref<64x128xf32, #tpu.memory_space<vmem>>
      %dma_start3A_60 = arith.constant 0 : i32
      %dma_start3A_61 = tpu.memref_slice %arg9[%arg0, %add3A_53, %dma_start3A_60] : memref<2x10240x128xf32, #tpu.memory_space<hbm>> -> memref<1x64x128xf32, #tpu.memory_space<hbm>>
      %dma_start3A_62 = tpu.memref_squeeze %dma_start3A_61 : memref<1x64x128xf32, #tpu.memory_space<hbm>> -> memref<64x128xf32, #tpu.memory_space<hbm>>
      %dma_start3A_63 = arith.constant 0 : i32
      %dma_start3A_64 = tpu.memref_slice %arg9[%arg0, %add3A_53, %dma_start3A_63] : memref<2x10240x128xf32, #tpu.memory_space<hbm>> -> memref<1x64x128xf32, #tpu.memory_space<hbm>>
      %dma_start3A_65 = tpu.memref_squeeze %dma_start3A_64 : memref<1x64x128xf32, #tpu.memory_space<hbm>> -> memref<64x128xf32, #tpu.memory_space<hbm>>
      %dma_start3A_66 = arith.constant 0 : i32
      %dma_start3A_67 = arith.constant 0 : i32
      %dma_start3A_68 = tpu.memref_slice %arg18[%dma_start3A_66, %dma_start3A_67] : memref<80x128xf32, #tpu.memory_space<vmem>> -> memref<64x128xf32, #tpu.memory_space<vmem>>
      tpu.enqueue_dma source(%dma_start3A_68 : memref<64x128xf32, #tpu.memory_space<vmem>>) target(%dma_start3A_65 : memref<64x128xf32, #tpu.memory_space<hbm>>) target_semaphore(%run_scoped3A : memref<!tpu.dma_semaphore, #tpu.memory_space<semaphore_mem>>)
      %dma_wait3A = arith.constant 0 : i32
      %dma_wait3A_69 = arith.constant 0 : i32
      %dma_wait3A_70 = tpu.memref_slice %arg18[%dma_wait3A, %dma_wait3A_69] : memref<80x128xf32, #tpu.memory_space<vmem>> -> memref<64x128xf32, #tpu.memory_space<vmem>>
      %dma_wait3A_71 = arith.constant 0 : i32
      %dma_wait3A_72 = tpu.memref_slice %arg9[%arg0, %add3A_53, %dma_wait3A_71] : memref<2x10240x128xf32, #tpu.memory_space<hbm>> -> memref<1x64x128xf32, #tpu.memory_space<hbm>>
      %dma_wait3A_73 = tpu.memref_squeeze %dma_wait3A_72 : memref<1x64x128xf32, #tpu.memory_space<hbm>> -> memref<64x128xf32, #tpu.memory_space<hbm>>
      %dma_wait3A_74 = arith.constant 0 : i32
      %dma_wait3A_75 = tpu.memref_slice %arg9[%arg0, %add3A_53, %dma_wait3A_74] : memref<2x10240x128xf32, #tpu.memory_space<hbm>> -> memref<1x64x128xf32, #tpu.memory_space<hbm>>
      %dma_wait3A_76 = tpu.memref_squeeze %dma_wait3A_75 : memref<1x64x128xf32, #tpu.memory_space<hbm>> -> memref<64x128xf32, #tpu.memory_space<hbm>>
      %dma_wait3A_77 = arith.constant 0 : i32
      %dma_wait3A_78 = arith.constant 0 : i32
      %dma_wait3A_79 = tpu.memref_slice %arg18[%dma_wait3A_77, %dma_wait3A_78] : memref<80x128xf32, #tpu.memory_space<vmem>> -> memref<64x128xf32, #tpu.memory_space<vmem>>
      tpu.wait_dma2 semaphore(%run_scoped3A : memref<!tpu.dma_semaphore, #tpu.memory_space<semaphore_mem>>) src(%dma_wait3A_79 : memref<64x128xf32, #tpu.memory_space<vmem>>) dst(%dma_wait3A_76 : memref<64x128xf32, #tpu.memory_space<hbm>>)
      tpu.yield
    }) : () -> ()
    %mul3A_54 = arith.constant 24 : i32
    %mul3A_55 = arith.muli %arg1, %mul3A_54 : i32
    "tpu.region"() ({
      %run_scoped3A = tpu.sem_alloc : memref<!tpu.dma_semaphore, #tpu.memory_space<semaphore_mem>>
      %dma_start3A = arith.constant 0 : i32
      %dma_start3A_58 = arith.constant 0 : i32
      %dma_start3A_59 = tpu.memref_slice %arg19[%dma_start3A, %dma_start3A_58] : memref<80x128xf32, #tpu.memory_space<vmem>> -> memref<24x128xf32, #tpu.memory_space<vmem>>
      %dma_start3A_60 = arith.constant 0 : i32
      %dma_start3A_61 = tpu.memref_slice %arg12[%mul3A_55, %dma_start3A_60] : memref<384x128xf32, #tpu.memory_space<vmem_shared>> -> memref<24x128xf32, #tpu.memory_space<vmem_shared>>
      %dma_start3A_62 = arith.constant 0 : i32
      %dma_start3A_63 = arith.constant 0 : i32
      %dma_start3A_64 = tpu.memref_slice %arg19[%dma_start3A_62, %dma_start3A_63] : memref<80x128xf32, #tpu.memory_space<vmem>> -> memref<24x128xf32, #tpu.memory_space<vmem>>
      %dma_start3A_65 = arith.constant 0 : i32
      %dma_start3A_66 = tpu.memref_slice %arg12[%mul3A_55, %dma_start3A_65] : memref<384x128xf32, #tpu.memory_space<vmem_shared>> -> memref<24x128xf32, #tpu.memory_space<vmem_shared>>
      tpu.enqueue_dma source(%dma_start3A_66 : memref<24x128xf32, #tpu.memory_space<vmem_shared>>) target(%dma_start3A_64 : memref<24x128xf32, #tpu.memory_space<vmem>>) target_semaphore(%run_scoped3A : memref<!tpu.dma_semaphore, #tpu.memory_space<semaphore_mem>>)
      %dma_wait3A = arith.constant 0 : i32
      %dma_wait3A_67 = arith.constant 0 : i32
      %dma_wait3A_68 = tpu.memref_slice %arg19[%dma_wait3A, %dma_wait3A_67] : memref<80x128xf32, #tpu.memory_space<vmem>> -> memref<24x128xf32, #tpu.memory_space<vmem>>
      %dma_wait3A_69 = arith.constant 0 : i32
      %dma_wait3A_70 = tpu.memref_slice %arg12[%mul3A_55, %dma_wait3A_69] : memref<384x128xf32, #tpu.memory_space<vmem_shared>> -> memref<24x128xf32, #tpu.memory_space<vmem_shared>>
      %dma_wait3A_71 = arith.constant 0 : i32
      %dma_wait3A_72 = arith.constant 0 : i32
      %dma_wait3A_73 = tpu.memref_slice %arg19[%dma_wait3A_71, %dma_wait3A_72] : memref<80x128xf32, #tpu.memory_space<vmem>> -> memref<24x128xf32, #tpu.memory_space<vmem>>
      %dma_wait3A_74 = arith.constant 0 : i32
      %dma_wait3A_75 = tpu.memref_slice %arg12[%mul3A_55, %dma_wait3A_74] : memref<384x128xf32, #tpu.memory_space<vmem_shared>> -> memref<24x128xf32, #tpu.memory_space<vmem_shared>>
      tpu.wait_dma2 semaphore(%run_scoped3A : memref<!tpu.dma_semaphore, #tpu.memory_space<semaphore_mem>>) src(%dma_wait3A_75 : memref<24x128xf32, #tpu.memory_space<vmem_shared>>) dst(%dma_wait3A_73 : memref<24x128xf32, #tpu.memory_space<vmem>>)
      tpu.yield
    }) : () -> ()
    %mul3A_56 = arith.constant 24 : i32
    %mul3A_57 = arith.muli %arg1, %mul3A_56 : i32
    "tpu.region"() ({
      %run_scoped3A = tpu.sem_alloc : memref<!tpu.dma_semaphore, #tpu.memory_space<semaphore_mem>>
      %dma_start3A = arith.constant 0 : i32
      %dma_start3A_58 = arith.constant 0 : i32
      %dma_start3A_59 = tpu.memref_slice %arg19[%dma_start3A, %dma_start3A_58] : memref<80x128xf32, #tpu.memory_space<vmem>> -> memref<24x128xf32, #tpu.memory_space<vmem>>
      %dma_start3A_60 = arith.constant 0 : i32
      %dma_start3A_61 = tpu.memref_slice %arg10[%arg0, %mul3A_57, %dma_start3A_60] : memref<2x384x128xf32, #tpu.memory_space<hbm>> -> memref<1x24x128xf32, #tpu.memory_space<hbm>>
      %dma_start3A_62 = tpu.memref_squeeze %dma_start3A_61 : memref<1x24x128xf32, #tpu.memory_space<hbm>> -> memref<24x128xf32, #tpu.memory_space<hbm>>
      %dma_start3A_63 = arith.constant 0 : i32
      %dma_start3A_64 = tpu.memref_slice %arg10[%arg0, %mul3A_57, %dma_start3A_63] : memref<2x384x128xf32, #tpu.memory_space<hbm>> -> memref<1x24x128xf32, #tpu.memory_space<hbm>>
      %dma_start3A_65 = tpu.memref_squeeze %dma_start3A_64 : memref<1x24x128xf32, #tpu.memory_space<hbm>> -> memref<24x128xf32, #tpu.memory_space<hbm>>
      %dma_start3A_66 = arith.constant 0 : i32
      %dma_start3A_67 = arith.constant 0 : i32
      %dma_start3A_68 = tpu.memref_slice %arg19[%dma_start3A_66, %dma_start3A_67] : memref<80x128xf32, #tpu.memory_space<vmem>> -> memref<24x128xf32, #tpu.memory_space<vmem>>
      tpu.enqueue_dma source(%dma_start3A_68 : memref<24x128xf32, #tpu.memory_space<vmem>>) target(%dma_start3A_65 : memref<24x128xf32, #tpu.memory_space<hbm>>) target_semaphore(%run_scoped3A : memref<!tpu.dma_semaphore, #tpu.memory_space<semaphore_mem>>)
      %dma_wait3A = arith.constant 0 : i32
      %dma_wait3A_69 = arith.constant 0 : i32
      %dma_wait3A_70 = tpu.memref_slice %arg19[%dma_wait3A, %dma_wait3A_69] : memref<80x128xf32, #tpu.memory_space<vmem>> -> memref<24x128xf32, #tpu.memory_space<vmem>>
      %dma_wait3A_71 = arith.constant 0 : i32
      %dma_wait3A_72 = tpu.memref_slice %arg10[%arg0, %mul3A_57, %dma_wait3A_71] : memref<2x384x128xf32, #tpu.memory_space<hbm>> -> memref<1x24x128xf32, #tpu.memory_space<hbm>>
      %dma_wait3A_73 = tpu.memref_squeeze %dma_wait3A_72 : memref<1x24x128xf32, #tpu.memory_space<hbm>> -> memref<24x128xf32, #tpu.memory_space<hbm>>
      %dma_wait3A_74 = arith.constant 0 : i32
      %dma_wait3A_75 = tpu.memref_slice %arg10[%arg0, %mul3A_57, %dma_wait3A_74] : memref<2x384x128xf32, #tpu.memory_space<hbm>> -> memref<1x24x128xf32, #tpu.memory_space<hbm>>
      %dma_wait3A_76 = tpu.memref_squeeze %dma_wait3A_75 : memref<1x24x128xf32, #tpu.memory_space<hbm>> -> memref<24x128xf32, #tpu.memory_space<hbm>>
      %dma_wait3A_77 = arith.constant 0 : i32
      %dma_wait3A_78 = arith.constant 0 : i32
      %dma_wait3A_79 = tpu.memref_slice %arg19[%dma_wait3A_77, %dma_wait3A_78] : memref<80x128xf32, #tpu.memory_space<vmem>> -> memref<24x128xf32, #tpu.memory_space<vmem>>
      tpu.wait_dma2 semaphore(%run_scoped3A : memref<!tpu.dma_semaphore, #tpu.memory_space<semaphore_mem>>) src(%dma_wait3A_79 : memref<24x128xf32, #tpu.memory_space<vmem>>) dst(%dma_wait3A_76 : memref<24x128xf32, #tpu.memory_space<hbm>>)
      tpu.yield
    }) : () -> ()
    return
  }
}

#map = affine_map<(d0, d1) -> (0, 0)>
#map1 = affine_map<(d0, d1) -> (0)>
#map2 = affine_map<(d0, d1) -> (0, 0, 0)>
module attributes {stable_mosaic.version = 14 : i64} {
  func.func @_s2_body(%arg0: i32, %arg1: i32, %arg2: memref<10000x128xf32, #tpu.memory_space<hbm>>, %arg3: memref<320000xi32, #tpu.memory_space<hbm>>, %arg4: memref<320000xi32, #tpu.memory_space<hbm>>, %arg5: memref<64xf32, #tpu.memory_space<hbm>>, %arg6: memref<10240x128xf32, #tpu.memory_space<hbm>>, %arg7: memref<2x10240x128xf32, #tpu.memory_space<hbm>>, %arg8: memref<10240x128xf32, #tpu.memory_space<vmem_shared>>, %arg9: memref<80xi32, #tpu.memory_space<vmem>>, %arg10: memref<80xi32, #tpu.memory_space<vmem>>, %arg11: memref<80x128xf32, #tpu.memory_space<vmem>>, %arg12: memref<80x128xf32, #tpu.memory_space<vmem>>, %arg13: memref<80x128xf32, #tpu.memory_space<vmem>>, %arg14: memref<64xf32, #tpu.memory_space<vmem>>, %arg15: memref<!tpu.dma_semaphore, #tpu.memory_space<semaphore_mem>>, %arg16: memref<!tpu.dma_semaphore, #tpu.memory_space<semaphore_mem>>) attributes {dimension_semantics = [#tpu.dimension_semantics<core_parallel>, #tpu.dimension_semantics<subcore_parallel>], iteration_bounds = array<i64: 2, 16>, scalar_prefetch = 0 : i64, scratch_operands = 9 : i64, tpu.core_type = #tpu.core_type<sc_vector_subcore>, window_params = [{transform_indices = #map}, {transform_indices = #map1}, {transform_indices = #map1}, {transform_indices = #map1}, {transform_indices = #map}, {transform_indices = #map2}]} {
    %iota3A = tpu.iota {dimensions = array<i32: 0>} : vector<16xi32>
    %mul3A = arith.constant 2 : i32
    %mul3A_0 = arith.muli %arg1, %mul3A : i32
    %add3A = arith.addi %mul3A_0, %arg0 : i32
    "tpu.region"() ({
      %run_scoped3A = tpu.sem_alloc : memref<!tpu.dma_semaphore, #tpu.memory_space<semaphore_mem>>
      tpu.enqueue_dma source(%arg5 : memref<64xf32, #tpu.memory_space<hbm>>) target(%arg14 : memref<64xf32, #tpu.memory_space<vmem>>) target_semaphore(%run_scoped3A : memref<!tpu.dma_semaphore, #tpu.memory_space<semaphore_mem>>)
      tpu.wait_dma2 semaphore(%run_scoped3A : memref<!tpu.dma_semaphore, #tpu.memory_space<semaphore_mem>>) src(%arg5 : memref<64xf32, #tpu.memory_space<hbm>>) dst(%arg14 : memref<64xf32, #tpu.memory_space<vmem>>)
      tpu.yield
    }) : () -> ()
    %mul3A_1 = arith.constant 640 : i32
    %mul3A_2 = arith.muli %arg1, %mul3A_1 : i32
    %mul3A_3 = arith.constant 640 : i32
    %mul3A_4 = arith.muli %arg1, %mul3A_3 : i32
    "tpu.region"() ({
      %run_scoped3A = tpu.sem_alloc : memref<!tpu.dma_semaphore, #tpu.memory_space<semaphore_mem>>
      %dma_start3A = arith.constant 0 : i32
      %dma_start3A_57 = tpu.memref_slice %arg8[%mul3A_4, %dma_start3A] : memref<10240x128xf32, #tpu.memory_space<vmem_shared>> -> memref<640x128xf32, #tpu.memory_space<vmem_shared>>
      %dma_start3A_58 = arith.constant 0 : i32
      %dma_start3A_59 = tpu.memref_slice %arg6[%mul3A_2, %dma_start3A_58] : memref<10240x128xf32, #tpu.memory_space<hbm>> -> memref<640x128xf32, #tpu.memory_space<hbm>>
      tpu.enqueue_dma source(%dma_start3A_59 : memref<640x128xf32, #tpu.memory_space<hbm>>) target(%dma_start3A_57 : memref<640x128xf32, #tpu.memory_space<vmem_shared>>) target_semaphore(%run_scoped3A : memref<!tpu.dma_semaphore, #tpu.memory_space<semaphore_mem>>)
      %dma_wait3A = arith.constant 0 : i32
      %dma_wait3A_60 = tpu.memref_slice %arg8[%mul3A_4, %dma_wait3A] : memref<10240x128xf32, #tpu.memory_space<vmem_shared>> -> memref<640x128xf32, #tpu.memory_space<vmem_shared>>
      %dma_wait3A_61 = arith.constant 0 : i32
      %dma_wait3A_62 = tpu.memref_slice %arg6[%mul3A_2, %dma_wait3A_61] : memref<10240x128xf32, #tpu.memory_space<hbm>> -> memref<640x128xf32, #tpu.memory_space<hbm>>
      tpu.wait_dma2 semaphore(%run_scoped3A : memref<!tpu.dma_semaphore, #tpu.memory_space<semaphore_mem>>) src(%dma_wait3A_62 : memref<640x128xf32, #tpu.memory_space<hbm>>) dst(%dma_wait3A_60 : memref<640x128xf32, #tpu.memory_space<vmem_shared>>)
      tpu.yield
    }) : () -> ()
    %scan3A = arith.constant 0 : i32
    %scan3A_5 = arith.constant 0 : i32
    %scan3A_6 = arith.constant 80 : i32
    %scan3A_7 = arith.addi %scan3A_5, %scan3A_6 : i32
    %scan3A_8 = arith.constant 1 : i32
    scf.for %scan3A_57 = %scan3A_5 to %scan3A_7 step %scan3A_8  : i32 {
      %broadcast_in_dim3A = arith.constant 0.000000e+00 : f32
      %broadcast_in_dim3A_58 = vector.broadcast %broadcast_in_dim3A : f32 to vector<16xf32>
      %swap3A = arith.index_cast %scan3A_57 : i32 to index
      %swap3A_59 = arith.constant 80 : index
      %swap3A_60 = tpu.vector_load %arg13[%swap3A, %swap3A_59] {strides = array<i32>} : memref<80x128xf32, #tpu.memory_space<vmem>>, vector<1x16xf32>,
      %swap3A_61 = vector.shape_cast %swap3A_60 : vector<1x16xf32> to vector<16xf32>
      %swap3A_62 = vector.shape_cast %broadcast_in_dim3A_58 : vector<16xf32> to vector<1x16xf32>
      tpu.vector_store %arg13[%swap3A, %swap3A_59], %swap3A_62 {strides = array<i32>} : memref<80x128xf32, #tpu.memory_space<vmem>>, vector<1x16xf32>,
      %broadcast_in_dim3A_63 = arith.constant 0.000000e+00 : f32
      %broadcast_in_dim3A_64 = vector.broadcast %broadcast_in_dim3A_63 : f32 to vector<16xf32>
      %swap3A_65 = arith.index_cast %scan3A_57 : i32 to index
      %swap3A_66 = arith.constant 96 : index
      %swap3A_67 = tpu.vector_load %arg13[%swap3A_65, %swap3A_66] {strides = array<i32>} : memref<80x128xf32, #tpu.memory_space<vmem>>, vector<1x16xf32>,
      %swap3A_68 = vector.shape_cast %swap3A_67 : vector<1x16xf32> to vector<16xf32>
      %swap3A_69 = vector.shape_cast %broadcast_in_dim3A_64 : vector<16xf32> to vector<1x16xf32>
      tpu.vector_store %arg13[%swap3A_65, %swap3A_66], %swap3A_69 {strides = array<i32>} : memref<80x128xf32, #tpu.memory_space<vmem>>, vector<1x16xf32>,
      %broadcast_in_dim3A_70 = arith.constant 0.000000e+00 : f32
      %broadcast_in_dim3A_71 = vector.broadcast %broadcast_in_dim3A_70 : f32 to vector<16xf32>
      %swap3A_72 = arith.index_cast %scan3A_57 : i32 to index
      %swap3A_73 = arith.constant 112 : index
      %swap3A_74 = tpu.vector_load %arg13[%swap3A_72, %swap3A_73] {strides = array<i32>} : memref<80x128xf32, #tpu.memory_space<vmem>>, vector<1x16xf32>,
      %swap3A_75 = vector.shape_cast %swap3A_74 : vector<1x16xf32> to vector<16xf32>
      %swap3A_76 = vector.shape_cast %broadcast_in_dim3A_71 : vector<16xf32> to vector<1x16xf32>
      tpu.vector_store %arg13[%swap3A_72, %swap3A_73], %swap3A_76 {strides = array<i32>} : memref<80x128xf32, #tpu.memory_space<vmem>>, vector<1x16xf32>,
    }
    %scan3A_9 = arith.constant 80 : i32
    %barrier3A = arith.constant 0 : index
    tpu.barrier barrier_id(%barrier3A)
    %scan3A_10 = arith.constant 0 : i32
    %scan3A_11 = arith.constant 0 : i32
    %scan3A_12 = arith.constant 125 : i32
    %scan3A_13 = arith.addi %scan3A_11, %scan3A_12 : i32
    %scan3A_14 = arith.constant 1 : i32
    scf.for %scan3A_57 = %scan3A_11 to %scan3A_13 step %scan3A_14  : i32 {
      %mul3A_58 = arith.constant 10000 : i32
      %mul3A_59 = arith.muli %add3A, %mul3A_58 : i32
      %mul3A_60 = arith.constant 80 : i32
      %mul3A_61 = arith.muli %scan3A_57, %mul3A_60 : i32
      %add3A_62 = arith.addi %mul3A_59, %mul3A_61 : i32
      "tpu.region"() ({
        %run_scoped3A = tpu.sem_alloc : memref<!tpu.dma_semaphore, #tpu.memory_space<semaphore_mem>>
        %dma_start3A_79 = tpu.memref_slice %arg3[%add3A_62] : memref<320000xi32, #tpu.memory_space<hbm>> -> memref<80xi32, #tpu.memory_space<hbm>>
        %dma_start3A_80 = tpu.memref_slice %arg3[%add3A_62] : memref<320000xi32, #tpu.memory_space<hbm>> -> memref<80xi32, #tpu.memory_space<hbm>>
        tpu.enqueue_dma source(%dma_start3A_80 : memref<80xi32, #tpu.memory_space<hbm>>) target(%arg9 : memref<80xi32, #tpu.memory_space<vmem>>) target_semaphore(%run_scoped3A : memref<!tpu.dma_semaphore, #tpu.memory_space<semaphore_mem>>)
        %dma_wait3A_81 = tpu.memref_slice %arg3[%add3A_62] : memref<320000xi32, #tpu.memory_space<hbm>> -> memref<80xi32, #tpu.memory_space<hbm>>
        %dma_wait3A_82 = tpu.memref_slice %arg3[%add3A_62] : memref<320000xi32, #tpu.memory_space<hbm>> -> memref<80xi32, #tpu.memory_space<hbm>>
        tpu.wait_dma2 semaphore(%run_scoped3A : memref<!tpu.dma_semaphore, #tpu.memory_space<semaphore_mem>>) src(%dma_wait3A_82 : memref<80xi32, #tpu.memory_space<hbm>>) dst(%arg9 : memref<80xi32, #tpu.memory_space<vmem>>)
        tpu.yield
      }) : () -> ()
      "tpu.region"() ({
        %run_scoped3A = tpu.sem_alloc : memref<!tpu.dma_semaphore, #tpu.memory_space<semaphore_mem>>
        %dma_start3A_79 = tpu.memref_slice %arg4[%add3A_62] : memref<320000xi32, #tpu.memory_space<hbm>> -> memref<80xi32, #tpu.memory_space<hbm>>
        %dma_start3A_80 = tpu.memref_slice %arg4[%add3A_62] : memref<320000xi32, #tpu.memory_space<hbm>> -> memref<80xi32, #tpu.memory_space<hbm>>
        tpu.enqueue_dma source(%dma_start3A_80 : memref<80xi32, #tpu.memory_space<hbm>>) target(%arg10 : memref<80xi32, #tpu.memory_space<vmem>>) target_semaphore(%run_scoped3A : memref<!tpu.dma_semaphore, #tpu.memory_space<semaphore_mem>>)
        %dma_wait3A_81 = tpu.memref_slice %arg4[%add3A_62] : memref<320000xi32, #tpu.memory_space<hbm>> -> memref<80xi32, #tpu.memory_space<hbm>>
        %dma_wait3A_82 = tpu.memref_slice %arg4[%add3A_62] : memref<320000xi32, #tpu.memory_space<hbm>> -> memref<80xi32, #tpu.memory_space<hbm>>
        tpu.wait_dma2 semaphore(%run_scoped3A : memref<!tpu.dma_semaphore, #tpu.memory_space<semaphore_mem>>) src(%dma_wait3A_82 : memref<80xi32, #tpu.memory_space<hbm>>) dst(%arg10 : memref<80xi32, #tpu.memory_space<vmem>>)
        tpu.yield
      }) : () -> ()
      %dma_start3A = arith.constant 0 : i32
      %dma_start3A_63 = arith.constant 0 : i32
      %dma_start3A_64 = tpu.memref_slice %arg2[%dma_start3A, %dma_start3A_63] : memref<10000x128xf32, #tpu.memory_space<hbm>> -> memref<10000x128xf32, #tpu.memory_space<hbm>>
      tpu.enqueue_indirect_dma source(%dma_start3A_64 : memref<10000x128xf32, #tpu.memory_space<hbm>>) target(%arg11 : memref<80x128xf32, #tpu.memory_space<vmem>>) offsets(%arg9 : memref<80xi32, #tpu.memory_space<vmem>>) semaphore(%arg15 : memref<!tpu.dma_semaphore, #tpu.memory_space<semaphore_mem>>)
      %dma_start3A_65 = arith.constant 0 : i32
      %dma_start3A_66 = arith.constant 0 : i32
      %dma_start3A_67 = tpu.memref_slice %arg2[%dma_start3A_65, %dma_start3A_66] : memref<10000x128xf32, #tpu.memory_space<hbm>> -> memref<10000x128xf32, #tpu.memory_space<hbm>>
      tpu.enqueue_indirect_dma source(%dma_start3A_67 : memref<10000x128xf32, #tpu.memory_space<hbm>>) target(%arg12 : memref<80x128xf32, #tpu.memory_space<vmem>>) offsets(%arg10 : memref<80xi32, #tpu.memory_space<vmem>>) semaphore(%arg16 : memref<!tpu.dma_semaphore, #tpu.memory_space<semaphore_mem>>)
      %dma_wait3A = arith.constant 0 : i32
      %dma_wait3A_68 = arith.constant 0 : i32
      %dma_wait3A_69 = tpu.memref_slice %arg2[%dma_wait3A, %dma_wait3A_68] : memref<10000x128xf32, #tpu.memory_space<hbm>> -> memref<10000x128xf32, #tpu.memory_space<hbm>>
      tpu.wait_indirect_dma semaphore(%arg15 : memref<!tpu.dma_semaphore, #tpu.memory_space<semaphore_mem>>) src(%dma_wait3A_69 : memref<10000x128xf32, #tpu.memory_space<hbm>>) dst(%arg11 : memref<80x128xf32, #tpu.memory_space<vmem>>)
      %dma_wait3A_70 = arith.constant 0 : i32
      %dma_wait3A_71 = arith.constant 0 : i32
      %dma_wait3A_72 = tpu.memref_slice %arg2[%dma_wait3A_70, %dma_wait3A_71] : memref<10000x128xf32, #tpu.memory_space<hbm>> -> memref<10000x128xf32, #tpu.memory_space<hbm>>
      tpu.wait_indirect_dma semaphore(%arg16 : memref<!tpu.dma_semaphore, #tpu.memory_space<semaphore_mem>>) src(%dma_wait3A_72 : memref<10000x128xf32, #tpu.memory_space<hbm>>) dst(%arg12 : memref<80x128xf32, #tpu.memory_space<vmem>>)
      %scan3A_73 = arith.constant 0 : i32
      %scan3A_74 = arith.constant 0 : i32
      %scan3A_75 = arith.constant 80 : i32
      %scan3A_76 = arith.addi %scan3A_74, %scan3A_75 : i32
      %scan3A_77 = arith.constant 1 : i32
      scf.for %scan3A_79 = %scan3A_74 to %scan3A_76 step %scan3A_77  : i32 {
        %get3A = arith.constant 0 : index
        %get3A_80 = tpu.vector_load %arg14[%get3A] {strides = array<i32>} : memref<64xf32, #tpu.memory_space<vmem>>, vector<16xf32>,
        %get3A_81 = vector.shape_cast %get3A_80 : vector<16xf32> to vector<16xf32>
        %get3A_82 = arith.index_cast %scan3A_79 : i32 to index
        %get3A_83 = arith.constant 0 : index
        %get3A_84 = tpu.vector_load %arg11[%get3A_82, %get3A_83] {strides = array<i32>} : memref<80x128xf32, #tpu.memory_space<vmem>>, vector<1x16xf32>,
        %get3A_85 = vector.shape_cast %get3A_84 : vector<1x16xf32> to vector<16xf32>
        %get3A_86 = arith.index_cast %scan3A_79 : i32 to index
        %get3A_87 = arith.constant 64 : index
        %get3A_88 = tpu.vector_load %arg12[%get3A_86, %get3A_87] {strides = array<i32>} : memref<80x128xf32, #tpu.memory_space<vmem>>, vector<1x16xf32>,
        %get3A_89 = vector.shape_cast %get3A_88 : vector<1x16xf32> to vector<16xf32>
        %add3A_90 = arith.addf %get3A_85, %get3A_89 : vector<16xf32>
        %max3A = arith.constant 0.000000e+00 : f32
        %max3A_91 = vector.broadcast %max3A : f32 to vector<16xf32>
        %max3A_92 = arith.maximumf %add3A_90, %max3A_91 : vector<16xf32>
        %min3A = arith.constant 0.000000e+00 : f32
        %min3A_93 = vector.broadcast %min3A : f32 to vector<16xf32>
        %min3A_94 = arith.minimumf %add3A_90, %min3A_93 : vector<16xf32>
        %mul3A_95 = arith.constant 2.000000e-01 : f32
        %mul3A_96 = vector.broadcast %mul3A_95 : f32 to vector<16xf32>
        %mul3A_97 = arith.mulf %mul3A_96, %min3A_94 : vector<16xf32>
        %add3A_98 = arith.addf %max3A_92, %mul3A_97 : vector<16xf32>
        %mul3A_99 = arith.mulf %get3A_81, %add3A_98 : vector<16xf32>
        %get3A_100 = arith.constant 16 : index
        %get3A_101 = tpu.vector_load %arg14[%get3A_100] {strides = array<i32>} : memref<64xf32, #tpu.memory_space<vmem>>, vector<16xf32>,
        %get3A_102 = vector.shape_cast %get3A_101 : vector<16xf32> to vector<16xf32>
        %get3A_103 = arith.index_cast %scan3A_79 : i32 to index
        %get3A_104 = arith.constant 16 : index
        %get3A_105 = tpu.vector_load %arg11[%get3A_103, %get3A_104] {strides = array<i32>} : memref<80x128xf32, #tpu.memory_space<vmem>>, vector<1x16xf32>,
        %get3A_106 = vector.shape_cast %get3A_105 : vector<1x16xf32> to vector<16xf32>
        %get3A_107 = arith.index_cast %scan3A_79 : i32 to index
        %get3A_108 = arith.constant 80 : index
        %get3A_109 = tpu.vector_load %arg12[%get3A_107, %get3A_108] {strides = array<i32>} : memref<80x128xf32, #tpu.memory_space<vmem>>, vector<1x16xf32>,
        %get3A_110 = vector.shape_cast %get3A_109 : vector<1x16xf32> to vector<16xf32>
        %add3A_111 = arith.addf %get3A_106, %get3A_110 : vector<16xf32>
        %max3A_112 = arith.constant 0.000000e+00 : f32
        %max3A_113 = vector.broadcast %max3A_112 : f32 to vector<16xf32>
        %max3A_114 = arith.maximumf %add3A_111, %max3A_113 : vector<16xf32>
        %min3A_115 = arith.constant 0.000000e+00 : f32
        %min3A_116 = vector.broadcast %min3A_115 : f32 to vector<16xf32>
        %min3A_117 = arith.minimumf %add3A_111, %min3A_116 : vector<16xf32>
        %mul3A_118 = arith.constant 2.000000e-01 : f32
        %mul3A_119 = vector.broadcast %mul3A_118 : f32 to vector<16xf32>
        %mul3A_120 = arith.mulf %mul3A_119, %min3A_117 : vector<16xf32>
        %add3A_121 = arith.addf %max3A_114, %mul3A_120 : vector<16xf32>
        %mul3A_122 = arith.mulf %get3A_102, %add3A_121 : vector<16xf32>
        %add3A_123 = arith.addf %mul3A_99, %mul3A_122 : vector<16xf32>
        %get3A_124 = arith.constant 32 : index
        %get3A_125 = tpu.vector_load %arg14[%get3A_124] {strides = array<i32>} : memref<64xf32, #tpu.memory_space<vmem>>, vector<16xf32>,
        %get3A_126 = vector.shape_cast %get3A_125 : vector<16xf32> to vector<16xf32>
        %get3A_127 = arith.index_cast %scan3A_79 : i32 to index
        %get3A_128 = arith.constant 32 : index
        %get3A_129 = tpu.vector_load %arg11[%get3A_127, %get3A_128] {strides = array<i32>} : memref<80x128xf32, #tpu.memory_space<vmem>>, vector<1x16xf32>,
        %get3A_130 = vector.shape_cast %get3A_129 : vector<1x16xf32> to vector<16xf32>
        %get3A_131 = arith.index_cast %scan3A_79 : i32 to index
        %get3A_132 = arith.constant 96 : index
        %get3A_133 = tpu.vector_load %arg12[%get3A_131, %get3A_132] {strides = array<i32>} : memref<80x128xf32, #tpu.memory_space<vmem>>, vector<1x16xf32>,
        %get3A_134 = vector.shape_cast %get3A_133 : vector<1x16xf32> to vector<16xf32>
        %add3A_135 = arith.addf %get3A_130, %get3A_134 : vector<16xf32>
        %max3A_136 = arith.constant 0.000000e+00 : f32
        %max3A_137 = vector.broadcast %max3A_136 : f32 to vector<16xf32>
        %max3A_138 = arith.maximumf %add3A_135, %max3A_137 : vector<16xf32>
        %min3A_139 = arith.constant 0.000000e+00 : f32
        %min3A_140 = vector.broadcast %min3A_139 : f32 to vector<16xf32>
        %min3A_141 = arith.minimumf %add3A_135, %min3A_140 : vector<16xf32>
        %mul3A_142 = arith.constant 2.000000e-01 : f32
        %mul3A_143 = vector.broadcast %mul3A_142 : f32 to vector<16xf32>
        %mul3A_144 = arith.mulf %mul3A_143, %min3A_141 : vector<16xf32>
        %add3A_145 = arith.addf %max3A_138, %mul3A_144 : vector<16xf32>
        %mul3A_146 = arith.mulf %get3A_126, %add3A_145 : vector<16xf32>
        %add3A_147 = arith.addf %add3A_123, %mul3A_146 : vector<16xf32>
        %get3A_148 = arith.constant 48 : index
        %get3A_149 = tpu.vector_load %arg14[%get3A_148] {strides = array<i32>} : memref<64xf32, #tpu.memory_space<vmem>>, vector<16xf32>,
        %get3A_150 = vector.shape_cast %get3A_149 : vector<16xf32> to vector<16xf32>
        %get3A_151 = arith.index_cast %scan3A_79 : i32 to index
        %get3A_152 = arith.constant 48 : index
        %get3A_153 = tpu.vector_load %arg11[%get3A_151, %get3A_152] {strides = array<i32>} : memref<80x128xf32, #tpu.memory_space<vmem>>, vector<1x16xf32>,
        %get3A_154 = vector.shape_cast %get3A_153 : vector<1x16xf32> to vector<16xf32>
        %get3A_155 = arith.index_cast %scan3A_79 : i32 to index
        %get3A_156 = arith.constant 112 : index
        %get3A_157 = tpu.vector_load %arg12[%get3A_155, %get3A_156] {strides = array<i32>} : memref<80x128xf32, #tpu.memory_space<vmem>>, vector<1x16xf32>,
        %get3A_158 = vector.shape_cast %get3A_157 : vector<1x16xf32> to vector<16xf32>
        %add3A_159 = arith.addf %get3A_154, %get3A_158 : vector<16xf32>
        %max3A_160 = arith.constant 0.000000e+00 : f32
        %max3A_161 = vector.broadcast %max3A_160 : f32 to vector<16xf32>
        %max3A_162 = arith.maximumf %add3A_159, %max3A_161 : vector<16xf32>
        %min3A_163 = arith.constant 0.000000e+00 : f32
        %min3A_164 = vector.broadcast %min3A_163 : f32 to vector<16xf32>
        %min3A_165 = arith.minimumf %add3A_159, %min3A_164 : vector<16xf32>
        %mul3A_166 = arith.constant 2.000000e-01 : f32
        %mul3A_167 = vector.broadcast %mul3A_166 : f32 to vector<16xf32>
        %mul3A_168 = arith.mulf %mul3A_167, %min3A_165 : vector<16xf32>
        %add3A_169 = arith.addf %max3A_162, %mul3A_168 : vector<16xf32>
        %mul3A_170 = arith.mulf %get3A_150, %add3A_169 : vector<16xf32>
        %add3A_171 = arith.addf %add3A_147, %mul3A_170 : vector<16xf32>
        %iota3A_172 = tpu.iota {dimensions = array<i32: 0>} : vector<16xi32>
        %xor3A = arith.constant 1 : i32
        %xor3A_173 = vector.broadcast %xor3A : i32 to vector<16xi32>
        %xor3A_174 = arith.xori %iota3A_172, %xor3A_173 : vector<16xi32>
        %lt3A = arith.constant 0 : i32
        %lt3A_175 = vector.broadcast %lt3A : i32 to vector<16xi32>
        %lt3A_176 = arith.cmpi slt, %xor3A_174, %lt3A_175 : vector<16xi32>
        %add3A_177 = arith.constant 16 : i32
        %add3A_178 = vector.broadcast %add3A_177 : i32 to vector<16xi32>
        %add3A_179 = arith.addi %xor3A_174, %add3A_178 : vector<16xi32>
        %select_n3A = arith.select %lt3A_176, %add3A_179, %xor3A_174 : vector<16xi1>, vector<16xi32>
        %broadcast_in_dim3A = vector.shape_cast %select_n3A : vector<16xi32> to vector<16x1xi32>
        %gather3A = vector.shape_cast %broadcast_in_dim3A : vector<16x1xi32> to vector<16xi32>
        %gather3A_180 = tpu.dynamic_gather %add3A_171[%gather3A] in [0] : vector<16xf32>, vector<16xi32> -> vector<16xf32>
        %add3A_181 = arith.addf %add3A_171, %gather3A_180 : vector<16xf32>
        %xor3A_182 = arith.constant 2 : i32
        %xor3A_183 = vector.broadcast %xor3A_182 : i32 to vector<16xi32>
        %xor3A_184 = arith.xori %iota3A_172, %xor3A_183 : vector<16xi32>
        %lt3A_185 = arith.constant 0 : i32
        %lt3A_186 = vector.broadcast %lt3A_185 : i32 to vector<16xi32>
        %lt3A_187 = arith.cmpi slt, %xor3A_184, %lt3A_186 : vector<16xi32>
        %add3A_188 = arith.constant 16 : i32
        %add3A_189 = vector.broadcast %add3A_188 : i32 to vector<16xi32>
        %add3A_190 = arith.addi %xor3A_184, %add3A_189 : vector<16xi32>
        %select_n3A_191 = arith.select %lt3A_187, %add3A_190, %xor3A_184 : vector<16xi1>, vector<16xi32>
        %broadcast_in_dim3A_192 = vector.shape_cast %select_n3A_191 : vector<16xi32> to vector<16x1xi32>
        %gather3A_193 = vector.shape_cast %broadcast_in_dim3A_192 : vector<16x1xi32> to vector<16xi32>
        %gather3A_194 = tpu.dynamic_gather %add3A_181[%gather3A_193] in [0] : vector<16xf32>, vector<16xi32> -> vector<16xf32>
        %add3A_195 = arith.addf %add3A_181, %gather3A_194 : vector<16xf32>
        %xor3A_196 = arith.constant 4 : i32
        %xor3A_197 = vector.broadcast %xor3A_196 : i32 to vector<16xi32>
        %xor3A_198 = arith.xori %iota3A_172, %xor3A_197 : vector<16xi32>
        %lt3A_199 = arith.constant 0 : i32
        %lt3A_200 = vector.broadcast %lt3A_199 : i32 to vector<16xi32>
        %lt3A_201 = arith.cmpi slt, %xor3A_198, %lt3A_200 : vector<16xi32>
        %add3A_202 = arith.constant 16 : i32
        %add3A_203 = vector.broadcast %add3A_202 : i32 to vector<16xi32>
        %add3A_204 = arith.addi %xor3A_198, %add3A_203 : vector<16xi32>
        %select_n3A_205 = arith.select %lt3A_201, %add3A_204, %xor3A_198 : vector<16xi1>, vector<16xi32>
        %broadcast_in_dim3A_206 = vector.shape_cast %select_n3A_205 : vector<16xi32> to vector<16x1xi32>
        %gather3A_207 = vector.shape_cast %broadcast_in_dim3A_206 : vector<16x1xi32> to vector<16xi32>
        %gather3A_208 = tpu.dynamic_gather %add3A_195[%gather3A_207] in [0] : vector<16xf32>, vector<16xi32> -> vector<16xf32>
        %add3A_209 = arith.addf %add3A_195, %gather3A_208 : vector<16xf32>
        %xor3A_210 = arith.constant 8 : i32
        %xor3A_211 = vector.broadcast %xor3A_210 : i32 to vector<16xi32>
        %xor3A_212 = arith.xori %iota3A_172, %xor3A_211 : vector<16xi32>
        %lt3A_213 = arith.constant 0 : i32
        %lt3A_214 = vector.broadcast %lt3A_213 : i32 to vector<16xi32>
        %lt3A_215 = arith.cmpi slt, %xor3A_212, %lt3A_214 : vector<16xi32>
        %add3A_216 = arith.constant 16 : i32
        %add3A_217 = vector.broadcast %add3A_216 : i32 to vector<16xi32>
        %add3A_218 = arith.addi %xor3A_212, %add3A_217 : vector<16xi32>
        %select_n3A_219 = arith.select %lt3A_215, %add3A_218, %xor3A_212 : vector<16xi1>, vector<16xi32>
        %broadcast_in_dim3A_220 = vector.shape_cast %select_n3A_219 : vector<16xi32> to vector<16x1xi32>
        %gather3A_221 = vector.shape_cast %broadcast_in_dim3A_220 : vector<16x1xi32> to vector<16xi32>
        %gather3A_222 = tpu.dynamic_gather %add3A_209[%gather3A_221] in [0] : vector<16xf32>, vector<16xi32> -> vector<16xf32>
        %add3A_223 = arith.addf %add3A_209, %gather3A_222 : vector<16xf32>
        %exp3A = math.exp %add3A_223 : vector<16xf32>
        %get3A_224 = arith.index_cast %scan3A_79 : i32 to index
        %get3A_225 = arith.constant 0 : index
        %get3A_226 = tpu.vector_load %arg11[%get3A_224, %get3A_225] {strides = array<i32>} : memref<80x128xf32, #tpu.memory_space<vmem>>, vector<1x16xf32>,
        %get3A_227 = vector.shape_cast %get3A_226 : vector<1x16xf32> to vector<16xf32>
        %mul3A_228 = arith.mulf %exp3A, %get3A_227 : vector<16xf32>
        %swap3A = arith.index_cast %scan3A_79 : i32 to index
        %swap3A_229 = arith.constant 0 : index
        %swap3A_230 = tpu.vector_load %arg13[%swap3A, %swap3A_229] {strides = array<i32>} : memref<80x128xf32, #tpu.memory_space<vmem>>, vector<1x16xf32>,
        %swap3A_231 = vector.shape_cast %swap3A_230 : vector<1x16xf32> to vector<16xf32>
        %swap3A_232 = vector.shape_cast %mul3A_228 : vector<16xf32> to vector<1x16xf32>
        tpu.vector_store %arg13[%swap3A, %swap3A_229], %swap3A_232 {strides = array<i32>} : memref<80x128xf32, #tpu.memory_space<vmem>>, vector<1x16xf32>,
        %get3A_233 = arith.index_cast %scan3A_79 : i32 to index
        %get3A_234 = arith.constant 16 : index
        %get3A_235 = tpu.vector_load %arg11[%get3A_233, %get3A_234] {strides = array<i32>} : memref<80x128xf32, #tpu.memory_space<vmem>>, vector<1x16xf32>,
        %get3A_236 = vector.shape_cast %get3A_235 : vector<1x16xf32> to vector<16xf32>
        %mul3A_237 = arith.mulf %exp3A, %get3A_236 : vector<16xf32>
        %swap3A_238 = arith.index_cast %scan3A_79 : i32 to index
        %swap3A_239 = arith.constant 16 : index
        %swap3A_240 = tpu.vector_load %arg13[%swap3A_238, %swap3A_239] {strides = array<i32>} : memref<80x128xf32, #tpu.memory_space<vmem>>, vector<1x16xf32>,
        %swap3A_241 = vector.shape_cast %swap3A_240 : vector<1x16xf32> to vector<16xf32>
        %swap3A_242 = vector.shape_cast %mul3A_237 : vector<16xf32> to vector<1x16xf32>
        tpu.vector_store %arg13[%swap3A_238, %swap3A_239], %swap3A_242 {strides = array<i32>} : memref<80x128xf32, #tpu.memory_space<vmem>>, vector<1x16xf32>,
        %get3A_243 = arith.index_cast %scan3A_79 : i32 to index
        %get3A_244 = arith.constant 32 : index
        %get3A_245 = tpu.vector_load %arg11[%get3A_243, %get3A_244] {strides = array<i32>} : memref<80x128xf32, #tpu.memory_space<vmem>>, vector<1x16xf32>,
        %get3A_246 = vector.shape_cast %get3A_245 : vector<1x16xf32> to vector<16xf32>
        %mul3A_247 = arith.mulf %exp3A, %get3A_246 : vector<16xf32>
        %swap3A_248 = arith.index_cast %scan3A_79 : i32 to index
        %swap3A_249 = arith.constant 32 : index
        %swap3A_250 = tpu.vector_load %arg13[%swap3A_248, %swap3A_249] {strides = array<i32>} : memref<80x128xf32, #tpu.memory_space<vmem>>, vector<1x16xf32>,
        %swap3A_251 = vector.shape_cast %swap3A_250 : vector<1x16xf32> to vector<16xf32>
        %swap3A_252 = vector.shape_cast %mul3A_247 : vector<16xf32> to vector<1x16xf32>
        tpu.vector_store %arg13[%swap3A_248, %swap3A_249], %swap3A_252 {strides = array<i32>} : memref<80x128xf32, #tpu.memory_space<vmem>>, vector<1x16xf32>,
        %get3A_253 = arith.index_cast %scan3A_79 : i32 to index
        %get3A_254 = arith.constant 48 : index
        %get3A_255 = tpu.vector_load %arg11[%get3A_253, %get3A_254] {strides = array<i32>} : memref<80x128xf32, #tpu.memory_space<vmem>>, vector<1x16xf32>,
        %get3A_256 = vector.shape_cast %get3A_255 : vector<1x16xf32> to vector<16xf32>
        %mul3A_257 = arith.mulf %exp3A, %get3A_256 : vector<16xf32>
        %swap3A_258 = arith.index_cast %scan3A_79 : i32 to index
        %swap3A_259 = arith.constant 48 : index
        %swap3A_260 = tpu.vector_load %arg13[%swap3A_258, %swap3A_259] {strides = array<i32>} : memref<80x128xf32, #tpu.memory_space<vmem>>, vector<1x16xf32>,
        %swap3A_261 = vector.shape_cast %swap3A_260 : vector<1x16xf32> to vector<16xf32>
        %swap3A_262 = vector.shape_cast %mul3A_257 : vector<16xf32> to vector<1x16xf32>
        tpu.vector_store %arg13[%swap3A_258, %swap3A_259], %swap3A_262 {strides = array<i32>} : memref<80x128xf32, #tpu.memory_space<vmem>>, vector<1x16xf32>,
        %eq3A = arith.constant 0 : i32
        %eq3A_263 = vector.broadcast %eq3A : i32 to vector<16xi32>
        %eq3A_264 = arith.cmpi eq, %iota3A, %eq3A_263 : vector<16xi32>
        %jit3A = arith.constant 0.000000e+00 : f32
        %broadcast_in_dim3A_265 = vector.broadcast %jit3A : f32 to vector<16xf32>
        %select_n3A_266 = arith.select %eq3A_264, %exp3A, %broadcast_in_dim3A_265 : vector<16xi1>, vector<16xf32>
        %swap3A_267 = arith.index_cast %scan3A_79 : i32 to index
        %swap3A_268 = arith.constant 64 : index
        %swap3A_269 = tpu.vector_load %arg13[%swap3A_267, %swap3A_268] {strides = array<i32>} : memref<80x128xf32, #tpu.memory_space<vmem>>, vector<1x16xf32>,
        %swap3A_270 = vector.shape_cast %swap3A_269 : vector<1x16xf32> to vector<16xf32>
        %swap3A_271 = vector.shape_cast %select_n3A_266 : vector<16xf32> to vector<1x16xf32>
        tpu.vector_store %arg13[%swap3A_267, %swap3A_268], %swap3A_271 {strides = array<i32>} : memref<80x128xf32, #tpu.memory_space<vmem>>, vector<1x16xf32>,
      }
      %scan3A_78 = arith.constant 80 : i32
      "tpu.region"() ({
        %run_scoped3A = tpu.sem_alloc : memref<!tpu.dma_semaphore, #tpu.memory_space<semaphore_mem>>
        %dma_start3A_79 = arith.constant 0 : i32
        %dma_start3A_80 = arith.constant 0 : i32
        %dma_start3A_81 = tpu.memref_slice %arg8[%dma_start3A_79, %dma_start3A_80] : memref<10240x128xf32, #tpu.memory_space<vmem_shared>> -> memref<10240x128xf32, #tpu.memory_space<vmem_shared>>
        tpu.enqueue_indirect_dma source(%arg13 : memref<80x128xf32, #tpu.memory_space<vmem>>) target(%dma_start3A_81 : memref<10240x128xf32, #tpu.memory_space<vmem_shared>>) offsets(%arg10 : memref<80xi32, #tpu.memory_space<vmem>>) semaphore(%run_scoped3A : memref<!tpu.dma_semaphore, #tpu.memory_space<semaphore_mem>>) {add = true}
        %dma_wait3A_82 = arith.constant 0 : i32
        %dma_wait3A_83 = arith.constant 0 : i32
        %dma_wait3A_84 = tpu.memref_slice %arg8[%dma_wait3A_82, %dma_wait3A_83] : memref<10240x128xf32, #tpu.memory_space<vmem_shared>> -> memref<10240x128xf32, #tpu.memory_space<vmem_shared>>
        tpu.wait_indirect_dma semaphore(%run_scoped3A : memref<!tpu.dma_semaphore, #tpu.memory_space<semaphore_mem>>) src(%arg13 : memref<80x128xf32, #tpu.memory_space<vmem>>) dst(%dma_wait3A_84 : memref<10240x128xf32, #tpu.memory_space<vmem_shared>>)
        tpu.yield
      }) : () -> ()
    }
    %scan3A_15 = arith.constant 125 : i32
    %barrier3A_16 = arith.constant 0 : index
    tpu.barrier barrier_id(%barrier3A_16)
    %mul3A_17 = arith.constant 640 : i32
    %mul3A_18 = arith.muli %arg1, %mul3A_17 : i32
    %add3A_19 = arith.constant 0 : i32
    %add3A_20 = arith.addi %mul3A_18, %add3A_19 : i32
    "tpu.region"() ({
      %run_scoped3A = tpu.sem_alloc : memref<!tpu.dma_semaphore, #tpu.memory_space<semaphore_mem>>
      %dma_start3A = arith.constant 0 : i32
      %dma_start3A_57 = arith.constant 0 : i32
      %dma_start3A_58 = tpu.memref_slice %arg13[%dma_start3A, %dma_start3A_57] : memref<80x128xf32, #tpu.memory_space<vmem>> -> memref<64x128xf32, #tpu.memory_space<vmem>>
      %dma_start3A_59 = arith.constant 0 : i32
      %dma_start3A_60 = tpu.memref_slice %arg8[%add3A_20, %dma_start3A_59] : memref<10240x128xf32, #tpu.memory_space<vmem_shared>> -> memref<64x128xf32, #tpu.memory_space<vmem_shared>>
      %dma_start3A_61 = arith.constant 0 : i32
      %dma_start3A_62 = arith.constant 0 : i32
      %dma_start3A_63 = tpu.memref_slice %arg13[%dma_start3A_61, %dma_start3A_62] : memref<80x128xf32, #tpu.memory_space<vmem>> -> memref<64x128xf32, #tpu.memory_space<vmem>>
      %dma_start3A_64 = arith.constant 0 : i32
      %dma_start3A_65 = tpu.memref_slice %arg8[%add3A_20, %dma_start3A_64] : memref<10240x128xf32, #tpu.memory_space<vmem_shared>> -> memref<64x128xf32, #tpu.memory_space<vmem_shared>>
      tpu.enqueue_dma source(%dma_start3A_65 : memref<64x128xf32, #tpu.memory_space<vmem_shared>>) target(%dma_start3A_63 : memref<64x128xf32, #tpu.memory_space<vmem>>) target_semaphore(%run_scoped3A : memref<!tpu.dma_semaphore, #tpu.memory_space<semaphore_mem>>)
      %dma_wait3A = arith.constant 0 : i32
      %dma_wait3A_66 = arith.constant 0 : i32
      %dma_wait3A_67 = tpu.memref_slice %arg13[%dma_wait3A, %dma_wait3A_66] : memref<80x128xf32, #tpu.memory_space<vmem>> -> memref<64x128xf32, #tpu.memory_space<vmem>>
      %dma_wait3A_68 = arith.constant 0 : i32
      %dma_wait3A_69 = tpu.memref_slice %arg8[%add3A_20, %dma_wait3A_68] : memref<10240x128xf32, #tpu.memory_space<vmem_shared>> -> memref<64x128xf32, #tpu.memory_space<vmem_shared>>
      %dma_wait3A_70 = arith.constant 0 : i32
      %dma_wait3A_71 = arith.constant 0 : i32
      %dma_wait3A_72 = tpu.memref_slice %arg13[%dma_wait3A_70, %dma_wait3A_71] : memref<80x128xf32, #tpu.memory_space<vmem>> -> memref<64x128xf32, #tpu.memory_space<vmem>>
      %dma_wait3A_73 = arith.constant 0 : i32
      %dma_wait3A_74 = tpu.memref_slice %arg8[%add3A_20, %dma_wait3A_73] : memref<10240x128xf32, #tpu.memory_space<vmem_shared>> -> memref<64x128xf32, #tpu.memory_space<vmem_shared>>
      tpu.wait_dma2 semaphore(%run_scoped3A : memref<!tpu.dma_semaphore, #tpu.memory_space<semaphore_mem>>) src(%dma_wait3A_74 : memref<64x128xf32, #tpu.memory_space<vmem_shared>>) dst(%dma_wait3A_72 : memref<64x128xf32, #tpu.memory_space<vmem>>)
      tpu.yield
    }) : () -> ()
    "tpu.region"() ({
      %run_scoped3A = tpu.sem_alloc : memref<!tpu.dma_semaphore, #tpu.memory_space<semaphore_mem>>
      %dma_start3A = arith.constant 0 : i32
      %dma_start3A_57 = arith.constant 0 : i32
      %dma_start3A_58 = tpu.memref_slice %arg13[%dma_start3A, %dma_start3A_57] : memref<80x128xf32, #tpu.memory_space<vmem>> -> memref<64x128xf32, #tpu.memory_space<vmem>>
      %dma_start3A_59 = arith.constant 0 : i32
      %dma_start3A_60 = tpu.memref_slice %arg7[%arg0, %add3A_20, %dma_start3A_59] : memref<2x10240x128xf32, #tpu.memory_space<hbm>> -> memref<1x64x128xf32, #tpu.memory_space<hbm>>
      %dma_start3A_61 = tpu.memref_squeeze %dma_start3A_60 : memref<1x64x128xf32, #tpu.memory_space<hbm>> -> memref<64x128xf32, #tpu.memory_space<hbm>>
      %dma_start3A_62 = arith.constant 0 : i32
      %dma_start3A_63 = tpu.memref_slice %arg7[%arg0, %add3A_20, %dma_start3A_62] : memref<2x10240x128xf32, #tpu.memory_space<hbm>> -> memref<1x64x128xf32, #tpu.memory_space<hbm>>
      %dma_start3A_64 = tpu.memref_squeeze %dma_start3A_63 : memref<1x64x128xf32, #tpu.memory_space<hbm>> -> memref<64x128xf32, #tpu.memory_space<hbm>>
      %dma_start3A_65 = arith.constant 0 : i32
      %dma_start3A_66 = arith.constant 0 : i32
      %dma_start3A_67 = tpu.memref_slice %arg13[%dma_start3A_65, %dma_start3A_66] : memref<80x128xf32, #tpu.memory_space<vmem>> -> memref<64x128xf32, #tpu.memory_space<vmem>>
      tpu.enqueue_dma source(%dma_start3A_67 : memref<64x128xf32, #tpu.memory_space<vmem>>) target(%dma_start3A_64 : memref<64x128xf32, #tpu.memory_space<hbm>>) target_semaphore(%run_scoped3A : memref<!tpu.dma_semaphore, #tpu.memory_space<semaphore_mem>>)
      %dma_wait3A = arith.constant 0 : i32
      %dma_wait3A_68 = arith.constant 0 : i32
      %dma_wait3A_69 = tpu.memref_slice %arg13[%dma_wait3A, %dma_wait3A_68] : memref<80x128xf32, #tpu.memory_space<vmem>> -> memref<64x128xf32, #tpu.memory_space<vmem>>
      %dma_wait3A_70 = arith.constant 0 : i32
      %dma_wait3A_71 = tpu.memref_slice %arg7[%arg0, %add3A_20, %dma_wait3A_70] : memref<2x10240x128xf32, #tpu.memory_space<hbm>> -> memref<1x64x128xf32, #tpu.memory_space<hbm>>
      %dma_wait3A_72 = tpu.memref_squeeze %dma_wait3A_71 : memref<1x64x128xf32, #tpu.memory_space<hbm>> -> memref<64x128xf32, #tpu.memory_space<hbm>>
      %dma_wait3A_73 = arith.constant 0 : i32
      %dma_wait3A_74 = tpu.memref_slice %arg7[%arg0, %add3A_20, %dma_wait3A_73] : memref<2x10240x128xf32, #tpu.memory_space<hbm>> -> memref<1x64x128xf32, #tpu.memory_space<hbm>>
      %dma_wait3A_75 = tpu.memref_squeeze %dma_wait3A_74 : memref<1x64x128xf32, #tpu.memory_space<hbm>> -> memref<64x128xf32, #tpu.memory_space<hbm>>
      %dma_wait3A_76 = arith.constant 0 : i32
      %dma_wait3A_77 = arith.constant 0 : i32
      %dma_wait3A_78 = tpu.memref_slice %arg13[%dma_wait3A_76, %dma_wait3A_77] : memref<80x128xf32, #tpu.memory_space<vmem>> -> memref<64x128xf32, #tpu.memory_space<vmem>>
      tpu.wait_dma2 semaphore(%run_scoped3A : memref<!tpu.dma_semaphore, #tpu.memory_space<semaphore_mem>>) src(%dma_wait3A_78 : memref<64x128xf32, #tpu.memory_space<vmem>>) dst(%dma_wait3A_75 : memref<64x128xf32, #tpu.memory_space<hbm>>)
      tpu.yield
    }) : () -> ()
    %mul3A_21 = arith.constant 640 : i32
    %mul3A_22 = arith.muli %arg1, %mul3A_21 : i32
    %add3A_23 = arith.constant 64 : i32
    %add3A_24 = arith.addi %mul3A_22, %add3A_23 : i32
    "tpu.region"() ({
      %run_scoped3A = tpu.sem_alloc : memref<!tpu.dma_semaphore, #tpu.memory_space<semaphore_mem>>
      %dma_start3A = arith.constant 0 : i32
      %dma_start3A_57 = arith.constant 0 : i32
      %dma_start3A_58 = tpu.memref_slice %arg13[%dma_start3A, %dma_start3A_57] : memref<80x128xf32, #tpu.memory_space<vmem>> -> memref<64x128xf32, #tpu.memory_space<vmem>>
      %dma_start3A_59 = arith.constant 0 : i32
      %dma_start3A_60 = tpu.memref_slice %arg8[%add3A_24, %dma_start3A_59] : memref<10240x128xf32, #tpu.memory_space<vmem_shared>> -> memref<64x128xf32, #tpu.memory_space<vmem_shared>>
      %dma_start3A_61 = arith.constant 0 : i32
      %dma_start3A_62 = arith.constant 0 : i32
      %dma_start3A_63 = tpu.memref_slice %arg13[%dma_start3A_61, %dma_start3A_62] : memref<80x128xf32, #tpu.memory_space<vmem>> -> memref<64x128xf32, #tpu.memory_space<vmem>>
      %dma_start3A_64 = arith.constant 0 : i32
      %dma_start3A_65 = tpu.memref_slice %arg8[%add3A_24, %dma_start3A_64] : memref<10240x128xf32, #tpu.memory_space<vmem_shared>> -> memref<64x128xf32, #tpu.memory_space<vmem_shared>>
      tpu.enqueue_dma source(%dma_start3A_65 : memref<64x128xf32, #tpu.memory_space<vmem_shared>>) target(%dma_start3A_63 : memref<64x128xf32, #tpu.memory_space<vmem>>) target_semaphore(%run_scoped3A : memref<!tpu.dma_semaphore, #tpu.memory_space<semaphore_mem>>)
      %dma_wait3A = arith.constant 0 : i32
      %dma_wait3A_66 = arith.constant 0 : i32
      %dma_wait3A_67 = tpu.memref_slice %arg13[%dma_wait3A, %dma_wait3A_66] : memref<80x128xf32, #tpu.memory_space<vmem>> -> memref<64x128xf32, #tpu.memory_space<vmem>>
      %dma_wait3A_68 = arith.constant 0 : i32
      %dma_wait3A_69 = tpu.memref_slice %arg8[%add3A_24, %dma_wait3A_68] : memref<10240x128xf32, #tpu.memory_space<vmem_shared>> -> memref<64x128xf32, #tpu.memory_space<vmem_shared>>
      %dma_wait3A_70 = arith.constant 0 : i32
      %dma_wait3A_71 = arith.constant 0 : i32
      %dma_wait3A_72 = tpu.memref_slice %arg13[%dma_wait3A_70, %dma_wait3A_71] : memref<80x128xf32, #tpu.memory_space<vmem>> -> memref<64x128xf32, #tpu.memory_space<vmem>>
      %dma_wait3A_73 = arith.constant 0 : i32
      %dma_wait3A_74 = tpu.memref_slice %arg8[%add3A_24, %dma_wait3A_73] : memref<10240x128xf32, #tpu.memory_space<vmem_shared>> -> memref<64x128xf32, #tpu.memory_space<vmem_shared>>
      tpu.wait_dma2 semaphore(%run_scoped3A : memref<!tpu.dma_semaphore, #tpu.memory_space<semaphore_mem>>) src(%dma_wait3A_74 : memref<64x128xf32, #tpu.memory_space<vmem_shared>>) dst(%dma_wait3A_72 : memref<64x128xf32, #tpu.memory_space<vmem>>)
      tpu.yield
    }) : () -> ()
    "tpu.region"() ({
      %run_scoped3A = tpu.sem_alloc : memref<!tpu.dma_semaphore, #tpu.memory_space<semaphore_mem>>
      %dma_start3A = arith.constant 0 : i32
      %dma_start3A_57 = arith.constant 0 : i32
      %dma_start3A_58 = tpu.memref_slice %arg13[%dma_start3A, %dma_start3A_57] : memref<80x128xf32, #tpu.memory_space<vmem>> -> memref<64x128xf32, #tpu.memory_space<vmem>>
      %dma_start3A_59 = arith.constant 0 : i32
      %dma_start3A_60 = tpu.memref_slice %arg7[%arg0, %add3A_24, %dma_start3A_59] : memref<2x10240x128xf32, #tpu.memory_space<hbm>> -> memref<1x64x128xf32, #tpu.memory_space<hbm>>
      %dma_start3A_61 = tpu.memref_squeeze %dma_start3A_60 : memref<1x64x128xf32, #tpu.memory_space<hbm>> -> memref<64x128xf32, #tpu.memory_space<hbm>>
      %dma_start3A_62 = arith.constant 0 : i32
      %dma_start3A_63 = tpu.memref_slice %arg7[%arg0, %add3A_24, %dma_start3A_62] : memref<2x10240x128xf32, #tpu.memory_space<hbm>> -> memref<1x64x128xf32, #tpu.memory_space<hbm>>
      %dma_start3A_64 = tpu.memref_squeeze %dma_start3A_63 : memref<1x64x128xf32, #tpu.memory_space<hbm>> -> memref<64x128xf32, #tpu.memory_space<hbm>>
      %dma_start3A_65 = arith.constant 0 : i32
      %dma_start3A_66 = arith.constant 0 : i32
      %dma_start3A_67 = tpu.memref_slice %arg13[%dma_start3A_65, %dma_start3A_66] : memref<80x128xf32, #tpu.memory_space<vmem>> -> memref<64x128xf32, #tpu.memory_space<vmem>>
      tpu.enqueue_dma source(%dma_start3A_67 : memref<64x128xf32, #tpu.memory_space<vmem>>) target(%dma_start3A_64 : memref<64x128xf32, #tpu.memory_space<hbm>>) target_semaphore(%run_scoped3A : memref<!tpu.dma_semaphore, #tpu.memory_space<semaphore_mem>>)
      %dma_wait3A = arith.constant 0 : i32
      %dma_wait3A_68 = arith.constant 0 : i32
      %dma_wait3A_69 = tpu.memref_slice %arg13[%dma_wait3A, %dma_wait3A_68] : memref<80x128xf32, #tpu.memory_space<vmem>> -> memref<64x128xf32, #tpu.memory_space<vmem>>
      %dma_wait3A_70 = arith.constant 0 : i32
      %dma_wait3A_71 = tpu.memref_slice %arg7[%arg0, %add3A_24, %dma_wait3A_70] : memref<2x10240x128xf32, #tpu.memory_space<hbm>> -> memref<1x64x128xf32, #tpu.memory_space<hbm>>
      %dma_wait3A_72 = tpu.memref_squeeze %dma_wait3A_71 : memref<1x64x128xf32, #tpu.memory_space<hbm>> -> memref<64x128xf32, #tpu.memory_space<hbm>>
      %dma_wait3A_73 = arith.constant 0 : i32
      %dma_wait3A_74 = tpu.memref_slice %arg7[%arg0, %add3A_24, %dma_wait3A_73] : memref<2x10240x128xf32, #tpu.memory_space<hbm>> -> memref<1x64x128xf32, #tpu.memory_space<hbm>>
      %dma_wait3A_75 = tpu.memref_squeeze %dma_wait3A_74 : memref<1x64x128xf32, #tpu.memory_space<hbm>> -> memref<64x128xf32, #tpu.memory_space<hbm>>
      %dma_wait3A_76 = arith.constant 0 : i32
      %dma_wait3A_77 = arith.constant 0 : i32
      %dma_wait3A_78 = tpu.memref_slice %arg13[%dma_wait3A_76, %dma_wait3A_77] : memref<80x128xf32, #tpu.memory_space<vmem>> -> memref<64x128xf32, #tpu.memory_space<vmem>>
      tpu.wait_dma2 semaphore(%run_scoped3A : memref<!tpu.dma_semaphore, #tpu.memory_space<semaphore_mem>>) src(%dma_wait3A_78 : memref<64x128xf32, #tpu.memory_space<vmem>>) dst(%dma_wait3A_75 : memref<64x128xf32, #tpu.memory_space<hbm>>)
      tpu.yield
    }) : () -> ()
    %mul3A_25 = arith.constant 640 : i32
    %mul3A_26 = arith.muli %arg1, %mul3A_25 : i32
    %add3A_27 = arith.constant 128 : i32
    %add3A_28 = arith.addi %mul3A_26, %add3A_27 : i32
    "tpu.region"() ({
      %run_scoped3A = tpu.sem_alloc : memref<!tpu.dma_semaphore, #tpu.memory_space<semaphore_mem>>
      %dma_start3A = arith.constant 0 : i32
      %dma_start3A_57 = arith.constant 0 : i32
      %dma_start3A_58 = tpu.memref_slice %arg13[%dma_start3A, %dma_start3A_57] : memref<80x128xf32, #tpu.memory_space<vmem>> -> memref<64x128xf32, #tpu.memory_space<vmem>>
      %dma_start3A_59 = arith.constant 0 : i32
      %dma_start3A_60 = tpu.memref_slice %arg8[%add3A_28, %dma_start3A_59] : memref<10240x128xf32, #tpu.memory_space<vmem_shared>> -> memref<64x128xf32, #tpu.memory_space<vmem_shared>>
      %dma_start3A_61 = arith.constant 0 : i32
      %dma_start3A_62 = arith.constant 0 : i32
      %dma_start3A_63 = tpu.memref_slice %arg13[%dma_start3A_61, %dma_start3A_62] : memref<80x128xf32, #tpu.memory_space<vmem>> -> memref<64x128xf32, #tpu.memory_space<vmem>>
      %dma_start3A_64 = arith.constant 0 : i32
      %dma_start3A_65 = tpu.memref_slice %arg8[%add3A_28, %dma_start3A_64] : memref<10240x128xf32, #tpu.memory_space<vmem_shared>> -> memref<64x128xf32, #tpu.memory_space<vmem_shared>>
      tpu.enqueue_dma source(%dma_start3A_65 : memref<64x128xf32, #tpu.memory_space<vmem_shared>>) target(%dma_start3A_63 : memref<64x128xf32, #tpu.memory_space<vmem>>) target_semaphore(%run_scoped3A : memref<!tpu.dma_semaphore, #tpu.memory_space<semaphore_mem>>)
      %dma_wait3A = arith.constant 0 : i32
      %dma_wait3A_66 = arith.constant 0 : i32
      %dma_wait3A_67 = tpu.memref_slice %arg13[%dma_wait3A, %dma_wait3A_66] : memref<80x128xf32, #tpu.memory_space<vmem>> -> memref<64x128xf32, #tpu.memory_space<vmem>>
      %dma_wait3A_68 = arith.constant 0 : i32
      %dma_wait3A_69 = tpu.memref_slice %arg8[%add3A_28, %dma_wait3A_68] : memref<10240x128xf32, #tpu.memory_space<vmem_shared>> -> memref<64x128xf32, #tpu.memory_space<vmem_shared>>
      %dma_wait3A_70 = arith.constant 0 : i32
      %dma_wait3A_71 = arith.constant 0 : i32
      %dma_wait3A_72 = tpu.memref_slice %arg13[%dma_wait3A_70, %dma_wait3A_71] : memref<80x128xf32, #tpu.memory_space<vmem>> -> memref<64x128xf32, #tpu.memory_space<vmem>>
      %dma_wait3A_73 = arith.constant 0 : i32
      %dma_wait3A_74 = tpu.memref_slice %arg8[%add3A_28, %dma_wait3A_73] : memref<10240x128xf32, #tpu.memory_space<vmem_shared>> -> memref<64x128xf32, #tpu.memory_space<vmem_shared>>
      tpu.wait_dma2 semaphore(%run_scoped3A : memref<!tpu.dma_semaphore, #tpu.memory_space<semaphore_mem>>) src(%dma_wait3A_74 : memref<64x128xf32, #tpu.memory_space<vmem_shared>>) dst(%dma_wait3A_72 : memref<64x128xf32, #tpu.memory_space<vmem>>)
      tpu.yield
    }) : () -> ()
    "tpu.region"() ({
      %run_scoped3A = tpu.sem_alloc : memref<!tpu.dma_semaphore, #tpu.memory_space<semaphore_mem>>
      %dma_start3A = arith.constant 0 : i32
      %dma_start3A_57 = arith.constant 0 : i32
      %dma_start3A_58 = tpu.memref_slice %arg13[%dma_start3A, %dma_start3A_57] : memref<80x128xf32, #tpu.memory_space<vmem>> -> memref<64x128xf32, #tpu.memory_space<vmem>>
      %dma_start3A_59 = arith.constant 0 : i32
      %dma_start3A_60 = tpu.memref_slice %arg7[%arg0, %add3A_28, %dma_start3A_59] : memref<2x10240x128xf32, #tpu.memory_space<hbm>> -> memref<1x64x128xf32, #tpu.memory_space<hbm>>
      %dma_start3A_61 = tpu.memref_squeeze %dma_start3A_60 : memref<1x64x128xf32, #tpu.memory_space<hbm>> -> memref<64x128xf32, #tpu.memory_space<hbm>>
      %dma_start3A_62 = arith.constant 0 : i32
      %dma_start3A_63 = tpu.memref_slice %arg7[%arg0, %add3A_28, %dma_start3A_62] : memref<2x10240x128xf32, #tpu.memory_space<hbm>> -> memref<1x64x128xf32, #tpu.memory_space<hbm>>
      %dma_start3A_64 = tpu.memref_squeeze %dma_start3A_63 : memref<1x64x128xf32, #tpu.memory_space<hbm>> -> memref<64x128xf32, #tpu.memory_space<hbm>>
      %dma_start3A_65 = arith.constant 0 : i32
      %dma_start3A_66 = arith.constant 0 : i32
      %dma_start3A_67 = tpu.memref_slice %arg13[%dma_start3A_65, %dma_start3A_66] : memref<80x128xf32, #tpu.memory_space<vmem>> -> memref<64x128xf32, #tpu.memory_space<vmem>>
      tpu.enqueue_dma source(%dma_start3A_67 : memref<64x128xf32, #tpu.memory_space<vmem>>) target(%dma_start3A_64 : memref<64x128xf32, #tpu.memory_space<hbm>>) target_semaphore(%run_scoped3A : memref<!tpu.dma_semaphore, #tpu.memory_space<semaphore_mem>>)
      %dma_wait3A = arith.constant 0 : i32
      %dma_wait3A_68 = arith.constant 0 : i32
      %dma_wait3A_69 = tpu.memref_slice %arg13[%dma_wait3A, %dma_wait3A_68] : memref<80x128xf32, #tpu.memory_space<vmem>> -> memref<64x128xf32, #tpu.memory_space<vmem>>
      %dma_wait3A_70 = arith.constant 0 : i32
      %dma_wait3A_71 = tpu.memref_slice %arg7[%arg0, %add3A_28, %dma_wait3A_70] : memref<2x10240x128xf32, #tpu.memory_space<hbm>> -> memref<1x64x128xf32, #tpu.memory_space<hbm>>
      %dma_wait3A_72 = tpu.memref_squeeze %dma_wait3A_71 : memref<1x64x128xf32, #tpu.memory_space<hbm>> -> memref<64x128xf32, #tpu.memory_space<hbm>>
      %dma_wait3A_73 = arith.constant 0 : i32
      %dma_wait3A_74 = tpu.memref_slice %arg7[%arg0, %add3A_28, %dma_wait3A_73] : memref<2x10240x128xf32, #tpu.memory_space<hbm>> -> memref<1x64x128xf32, #tpu.memory_space<hbm>>
      %dma_wait3A_75 = tpu.memref_squeeze %dma_wait3A_74 : memref<1x64x128xf32, #tpu.memory_space<hbm>> -> memref<64x128xf32, #tpu.memory_space<hbm>>
      %dma_wait3A_76 = arith.constant 0 : i32
      %dma_wait3A_77 = arith.constant 0 : i32
      %dma_wait3A_78 = tpu.memref_slice %arg13[%dma_wait3A_76, %dma_wait3A_77] : memref<80x128xf32, #tpu.memory_space<vmem>> -> memref<64x128xf32, #tpu.memory_space<vmem>>
      tpu.wait_dma2 semaphore(%run_scoped3A : memref<!tpu.dma_semaphore, #tpu.memory_space<semaphore_mem>>) src(%dma_wait3A_78 : memref<64x128xf32, #tpu.memory_space<vmem>>) dst(%dma_wait3A_75 : memref<64x128xf32, #tpu.memory_space<hbm>>)
      tpu.yield
    }) : () -> ()
    %mul3A_29 = arith.constant 640 : i32
    %mul3A_30 = arith.muli %arg1, %mul3A_29 : i32
    %add3A_31 = arith.constant 192 : i32
    %add3A_32 = arith.addi %mul3A_30, %add3A_31 : i32
    "tpu.region"() ({
      %run_scoped3A = tpu.sem_alloc : memref<!tpu.dma_semaphore, #tpu.memory_space<semaphore_mem>>
      %dma_start3A = arith.constant 0 : i32
      %dma_start3A_57 = arith.constant 0 : i32
      %dma_start3A_58 = tpu.memref_slice %arg13[%dma_start3A, %dma_start3A_57] : memref<80x128xf32, #tpu.memory_space<vmem>> -> memref<64x128xf32, #tpu.memory_space<vmem>>
      %dma_start3A_59 = arith.constant 0 : i32
      %dma_start3A_60 = tpu.memref_slice %arg8[%add3A_32, %dma_start3A_59] : memref<10240x128xf32, #tpu.memory_space<vmem_shared>> -> memref<64x128xf32, #tpu.memory_space<vmem_shared>>
      %dma_start3A_61 = arith.constant 0 : i32
      %dma_start3A_62 = arith.constant 0 : i32
      %dma_start3A_63 = tpu.memref_slice %arg13[%dma_start3A_61, %dma_start3A_62] : memref<80x128xf32, #tpu.memory_space<vmem>> -> memref<64x128xf32, #tpu.memory_space<vmem>>
      %dma_start3A_64 = arith.constant 0 : i32
      %dma_start3A_65 = tpu.memref_slice %arg8[%add3A_32, %dma_start3A_64] : memref<10240x128xf32, #tpu.memory_space<vmem_shared>> -> memref<64x128xf32, #tpu.memory_space<vmem_shared>>
      tpu.enqueue_dma source(%dma_start3A_65 : memref<64x128xf32, #tpu.memory_space<vmem_shared>>) target(%dma_start3A_63 : memref<64x128xf32, #tpu.memory_space<vmem>>) target_semaphore(%run_scoped3A : memref<!tpu.dma_semaphore, #tpu.memory_space<semaphore_mem>>)
      %dma_wait3A = arith.constant 0 : i32
      %dma_wait3A_66 = arith.constant 0 : i32
      %dma_wait3A_67 = tpu.memref_slice %arg13[%dma_wait3A, %dma_wait3A_66] : memref<80x128xf32, #tpu.memory_space<vmem>> -> memref<64x128xf32, #tpu.memory_space<vmem>>
      %dma_wait3A_68 = arith.constant 0 : i32
      %dma_wait3A_69 = tpu.memref_slice %arg8[%add3A_32, %dma_wait3A_68] : memref<10240x128xf32, #tpu.memory_space<vmem_shared>> -> memref<64x128xf32, #tpu.memory_space<vmem_shared>>
      %dma_wait3A_70 = arith.constant 0 : i32
      %dma_wait3A_71 = arith.constant 0 : i32
      %dma_wait3A_72 = tpu.memref_slice %arg13[%dma_wait3A_70, %dma_wait3A_71] : memref<80x128xf32, #tpu.memory_space<vmem>> -> memref<64x128xf32, #tpu.memory_space<vmem>>
      %dma_wait3A_73 = arith.constant 0 : i32
      %dma_wait3A_74 = tpu.memref_slice %arg8[%add3A_32, %dma_wait3A_73] : memref<10240x128xf32, #tpu.memory_space<vmem_shared>> -> memref<64x128xf32, #tpu.memory_space<vmem_shared>>
      tpu.wait_dma2 semaphore(%run_scoped3A : memref<!tpu.dma_semaphore, #tpu.memory_space<semaphore_mem>>) src(%dma_wait3A_74 : memref<64x128xf32, #tpu.memory_space<vmem_shared>>) dst(%dma_wait3A_72 : memref<64x128xf32, #tpu.memory_space<vmem>>)
      tpu.yield
    }) : () -> ()
    "tpu.region"() ({
      %run_scoped3A = tpu.sem_alloc : memref<!tpu.dma_semaphore, #tpu.memory_space<semaphore_mem>>
      %dma_start3A = arith.constant 0 : i32
      %dma_start3A_57 = arith.constant 0 : i32
      %dma_start3A_58 = tpu.memref_slice %arg13[%dma_start3A, %dma_start3A_57] : memref<80x128xf32, #tpu.memory_space<vmem>> -> memref<64x128xf32, #tpu.memory_space<vmem>>
      %dma_start3A_59 = arith.constant 0 : i32
      %dma_start3A_60 = tpu.memref_slice %arg7[%arg0, %add3A_32, %dma_start3A_59] : memref<2x10240x128xf32, #tpu.memory_space<hbm>> -> memref<1x64x128xf32, #tpu.memory_space<hbm>>
      %dma_start3A_61 = tpu.memref_squeeze %dma_start3A_60 : memref<1x64x128xf32, #tpu.memory_space<hbm>> -> memref<64x128xf32, #tpu.memory_space<hbm>>
      %dma_start3A_62 = arith.constant 0 : i32
      %dma_start3A_63 = tpu.memref_slice %arg7[%arg0, %add3A_32, %dma_start3A_62] : memref<2x10240x128xf32, #tpu.memory_space<hbm>> -> memref<1x64x128xf32, #tpu.memory_space<hbm>>
      %dma_start3A_64 = tpu.memref_squeeze %dma_start3A_63 : memref<1x64x128xf32, #tpu.memory_space<hbm>> -> memref<64x128xf32, #tpu.memory_space<hbm>>
      %dma_start3A_65 = arith.constant 0 : i32
      %dma_start3A_66 = arith.constant 0 : i32
      %dma_start3A_67 = tpu.memref_slice %arg13[%dma_start3A_65, %dma_start3A_66] : memref<80x128xf32, #tpu.memory_space<vmem>> -> memref<64x128xf32, #tpu.memory_space<vmem>>
      tpu.enqueue_dma source(%dma_start3A_67 : memref<64x128xf32, #tpu.memory_space<vmem>>) target(%dma_start3A_64 : memref<64x128xf32, #tpu.memory_space<hbm>>) target_semaphore(%run_scoped3A : memref<!tpu.dma_semaphore, #tpu.memory_space<semaphore_mem>>)
      %dma_wait3A = arith.constant 0 : i32
      %dma_wait3A_68 = arith.constant 0 : i32
      %dma_wait3A_69 = tpu.memref_slice %arg13[%dma_wait3A, %dma_wait3A_68] : memref<80x128xf32, #tpu.memory_space<vmem>> -> memref<64x128xf32, #tpu.memory_space<vmem>>
      %dma_wait3A_70 = arith.constant 0 : i32
      %dma_wait3A_71 = tpu.memref_slice %arg7[%arg0, %add3A_32, %dma_wait3A_70] : memref<2x10240x128xf32, #tpu.memory_space<hbm>> -> memref<1x64x128xf32, #tpu.memory_space<hbm>>
      %dma_wait3A_72 = tpu.memref_squeeze %dma_wait3A_71 : memref<1x64x128xf32, #tpu.memory_space<hbm>> -> memref<64x128xf32, #tpu.memory_space<hbm>>
      %dma_wait3A_73 = arith.constant 0 : i32
      %dma_wait3A_74 = tpu.memref_slice %arg7[%arg0, %add3A_32, %dma_wait3A_73] : memref<2x10240x128xf32, #tpu.memory_space<hbm>> -> memref<1x64x128xf32, #tpu.memory_space<hbm>>
      %dma_wait3A_75 = tpu.memref_squeeze %dma_wait3A_74 : memref<1x64x128xf32, #tpu.memory_space<hbm>> -> memref<64x128xf32, #tpu.memory_space<hbm>>
      %dma_wait3A_76 = arith.constant 0 : i32
      %dma_wait3A_77 = arith.constant 0 : i32
      %dma_wait3A_78 = tpu.memref_slice %arg13[%dma_wait3A_76, %dma_wait3A_77] : memref<80x128xf32, #tpu.memory_space<vmem>> -> memref<64x128xf32, #tpu.memory_space<vmem>>
      tpu.wait_dma2 semaphore(%run_scoped3A : memref<!tpu.dma_semaphore, #tpu.memory_space<semaphore_mem>>) src(%dma_wait3A_78 : memref<64x128xf32, #tpu.memory_space<vmem>>) dst(%dma_wait3A_75 : memref<64x128xf32, #tpu.memory_space<hbm>>)
      tpu.yield
    }) : () -> ()
    %mul3A_33 = arith.constant 640 : i32
    %mul3A_34 = arith.muli %arg1, %mul3A_33 : i32
    %add3A_35 = arith.constant 256 : i32
    %add3A_36 = arith.addi %mul3A_34, %add3A_35 : i32
    "tpu.region"() ({
      %run_scoped3A = tpu.sem_alloc : memref<!tpu.dma_semaphore, #tpu.memory_space<semaphore_mem>>
      %dma_start3A = arith.constant 0 : i32
      %dma_start3A_57 = arith.constant 0 : i32
      %dma_start3A_58 = tpu.memref_slice %arg13[%dma_start3A, %dma_start3A_57] : memref<80x128xf32, #tpu.memory_space<vmem>> -> memref<64x128xf32, #tpu.memory_space<vmem>>
      %dma_start3A_59 = arith.constant 0 : i32
      %dma_start3A_60 = tpu.memref_slice %arg8[%add3A_36, %dma_start3A_59] : memref<10240x128xf32, #tpu.memory_space<vmem_shared>> -> memref<64x128xf32, #tpu.memory_space<vmem_shared>>
      %dma_start3A_61 = arith.constant 0 : i32
      %dma_start3A_62 = arith.constant 0 : i32
      %dma_start3A_63 = tpu.memref_slice %arg13[%dma_start3A_61, %dma_start3A_62] : memref<80x128xf32, #tpu.memory_space<vmem>> -> memref<64x128xf32, #tpu.memory_space<vmem>>
      %dma_start3A_64 = arith.constant 0 : i32
      %dma_start3A_65 = tpu.memref_slice %arg8[%add3A_36, %dma_start3A_64] : memref<10240x128xf32, #tpu.memory_space<vmem_shared>> -> memref<64x128xf32, #tpu.memory_space<vmem_shared>>
      tpu.enqueue_dma source(%dma_start3A_65 : memref<64x128xf32, #tpu.memory_space<vmem_shared>>) target(%dma_start3A_63 : memref<64x128xf32, #tpu.memory_space<vmem>>) target_semaphore(%run_scoped3A : memref<!tpu.dma_semaphore, #tpu.memory_space<semaphore_mem>>)
      %dma_wait3A = arith.constant 0 : i32
      %dma_wait3A_66 = arith.constant 0 : i32
      %dma_wait3A_67 = tpu.memref_slice %arg13[%dma_wait3A, %dma_wait3A_66] : memref<80x128xf32, #tpu.memory_space<vmem>> -> memref<64x128xf32, #tpu.memory_space<vmem>>
      %dma_wait3A_68 = arith.constant 0 : i32
      %dma_wait3A_69 = tpu.memref_slice %arg8[%add3A_36, %dma_wait3A_68] : memref<10240x128xf32, #tpu.memory_space<vmem_shared>> -> memref<64x128xf32, #tpu.memory_space<vmem_shared>>
      %dma_wait3A_70 = arith.constant 0 : i32
      %dma_wait3A_71 = arith.constant 0 : i32
      %dma_wait3A_72 = tpu.memref_slice %arg13[%dma_wait3A_70, %dma_wait3A_71] : memref<80x128xf32, #tpu.memory_space<vmem>> -> memref<64x128xf32, #tpu.memory_space<vmem>>
      %dma_wait3A_73 = arith.constant 0 : i32
      %dma_wait3A_74 = tpu.memref_slice %arg8[%add3A_36, %dma_wait3A_73] : memref<10240x128xf32, #tpu.memory_space<vmem_shared>> -> memref<64x128xf32, #tpu.memory_space<vmem_shared>>
      tpu.wait_dma2 semaphore(%run_scoped3A : memref<!tpu.dma_semaphore, #tpu.memory_space<semaphore_mem>>) src(%dma_wait3A_74 : memref<64x128xf32, #tpu.memory_space<vmem_shared>>) dst(%dma_wait3A_72 : memref<64x128xf32, #tpu.memory_space<vmem>>)
      tpu.yield
    }) : () -> ()
    "tpu.region"() ({
      %run_scoped3A = tpu.sem_alloc : memref<!tpu.dma_semaphore, #tpu.memory_space<semaphore_mem>>
      %dma_start3A = arith.constant 0 : i32
      %dma_start3A_57 = arith.constant 0 : i32
      %dma_start3A_58 = tpu.memref_slice %arg13[%dma_start3A, %dma_start3A_57] : memref<80x128xf32, #tpu.memory_space<vmem>> -> memref<64x128xf32, #tpu.memory_space<vmem>>
      %dma_start3A_59 = arith.constant 0 : i32
      %dma_start3A_60 = tpu.memref_slice %arg7[%arg0, %add3A_36, %dma_start3A_59] : memref<2x10240x128xf32, #tpu.memory_space<hbm>> -> memref<1x64x128xf32, #tpu.memory_space<hbm>>
      %dma_start3A_61 = tpu.memref_squeeze %dma_start3A_60 : memref<1x64x128xf32, #tpu.memory_space<hbm>> -> memref<64x128xf32, #tpu.memory_space<hbm>>
      %dma_start3A_62 = arith.constant 0 : i32
      %dma_start3A_63 = tpu.memref_slice %arg7[%arg0, %add3A_36, %dma_start3A_62] : memref<2x10240x128xf32, #tpu.memory_space<hbm>> -> memref<1x64x128xf32, #tpu.memory_space<hbm>>
      %dma_start3A_64 = tpu.memref_squeeze %dma_start3A_63 : memref<1x64x128xf32, #tpu.memory_space<hbm>> -> memref<64x128xf32, #tpu.memory_space<hbm>>
      %dma_start3A_65 = arith.constant 0 : i32
      %dma_start3A_66 = arith.constant 0 : i32
      %dma_start3A_67 = tpu.memref_slice %arg13[%dma_start3A_65, %dma_start3A_66] : memref<80x128xf32, #tpu.memory_space<vmem>> -> memref<64x128xf32, #tpu.memory_space<vmem>>
      tpu.enqueue_dma source(%dma_start3A_67 : memref<64x128xf32, #tpu.memory_space<vmem>>) target(%dma_start3A_64 : memref<64x128xf32, #tpu.memory_space<hbm>>) target_semaphore(%run_scoped3A : memref<!tpu.dma_semaphore, #tpu.memory_space<semaphore_mem>>)
      %dma_wait3A = arith.constant 0 : i32
      %dma_wait3A_68 = arith.constant 0 : i32
      %dma_wait3A_69 = tpu.memref_slice %arg13[%dma_wait3A, %dma_wait3A_68] : memref<80x128xf32, #tpu.memory_space<vmem>> -> memref<64x128xf32, #tpu.memory_space<vmem>>
      %dma_wait3A_70 = arith.constant 0 : i32
      %dma_wait3A_71 = tpu.memref_slice %arg7[%arg0, %add3A_36, %dma_wait3A_70] : memref<2x10240x128xf32, #tpu.memory_space<hbm>> -> memref<1x64x128xf32, #tpu.memory_space<hbm>>
      %dma_wait3A_72 = tpu.memref_squeeze %dma_wait3A_71 : memref<1x64x128xf32, #tpu.memory_space<hbm>> -> memref<64x128xf32, #tpu.memory_space<hbm>>
      %dma_wait3A_73 = arith.constant 0 : i32
      %dma_wait3A_74 = tpu.memref_slice %arg7[%arg0, %add3A_36, %dma_wait3A_73] : memref<2x10240x128xf32, #tpu.memory_space<hbm>> -> memref<1x64x128xf32, #tpu.memory_space<hbm>>
      %dma_wait3A_75 = tpu.memref_squeeze %dma_wait3A_74 : memref<1x64x128xf32, #tpu.memory_space<hbm>> -> memref<64x128xf32, #tpu.memory_space<hbm>>
      %dma_wait3A_76 = arith.constant 0 : i32
      %dma_wait3A_77 = arith.constant 0 : i32
      %dma_wait3A_78 = tpu.memref_slice %arg13[%dma_wait3A_76, %dma_wait3A_77] : memref<80x128xf32, #tpu.memory_space<vmem>> -> memref<64x128xf32, #tpu.memory_space<vmem>>
      tpu.wait_dma2 semaphore(%run_scoped3A : memref<!tpu.dma_semaphore, #tpu.memory_space<semaphore_mem>>) src(%dma_wait3A_78 : memref<64x128xf32, #tpu.memory_space<vmem>>) dst(%dma_wait3A_75 : memref<64x128xf32, #tpu.memory_space<hbm>>)
      tpu.yield
    }) : () -> ()
    %mul3A_37 = arith.constant 640 : i32
    %mul3A_38 = arith.muli %arg1, %mul3A_37 : i32
    %add3A_39 = arith.constant 320 : i32
    %add3A_40 = arith.addi %mul3A_38, %add3A_39 : i32
    "tpu.region"() ({
      %run_scoped3A = tpu.sem_alloc : memref<!tpu.dma_semaphore, #tpu.memory_space<semaphore_mem>>
      %dma_start3A = arith.constant 0 : i32
      %dma_start3A_57 = arith.constant 0 : i32
      %dma_start3A_58 = tpu.memref_slice %arg13[%dma_start3A, %dma_start3A_57] : memref<80x128xf32, #tpu.memory_space<vmem>> -> memref<64x128xf32, #tpu.memory_space<vmem>>
      %dma_start3A_59 = arith.constant 0 : i32
      %dma_start3A_60 = tpu.memref_slice %arg8[%add3A_40, %dma_start3A_59] : memref<10240x128xf32, #tpu.memory_space<vmem_shared>> -> memref<64x128xf32, #tpu.memory_space<vmem_shared>>
      %dma_start3A_61 = arith.constant 0 : i32
      %dma_start3A_62 = arith.constant 0 : i32
      %dma_start3A_63 = tpu.memref_slice %arg13[%dma_start3A_61, %dma_start3A_62] : memref<80x128xf32, #tpu.memory_space<vmem>> -> memref<64x128xf32, #tpu.memory_space<vmem>>
      %dma_start3A_64 = arith.constant 0 : i32
      %dma_start3A_65 = tpu.memref_slice %arg8[%add3A_40, %dma_start3A_64] : memref<10240x128xf32, #tpu.memory_space<vmem_shared>> -> memref<64x128xf32, #tpu.memory_space<vmem_shared>>
      tpu.enqueue_dma source(%dma_start3A_65 : memref<64x128xf32, #tpu.memory_space<vmem_shared>>) target(%dma_start3A_63 : memref<64x128xf32, #tpu.memory_space<vmem>>) target_semaphore(%run_scoped3A : memref<!tpu.dma_semaphore, #tpu.memory_space<semaphore_mem>>)
      %dma_wait3A = arith.constant 0 : i32
      %dma_wait3A_66 = arith.constant 0 : i32
      %dma_wait3A_67 = tpu.memref_slice %arg13[%dma_wait3A, %dma_wait3A_66] : memref<80x128xf32, #tpu.memory_space<vmem>> -> memref<64x128xf32, #tpu.memory_space<vmem>>
      %dma_wait3A_68 = arith.constant 0 : i32
      %dma_wait3A_69 = tpu.memref_slice %arg8[%add3A_40, %dma_wait3A_68] : memref<10240x128xf32, #tpu.memory_space<vmem_shared>> -> memref<64x128xf32, #tpu.memory_space<vmem_shared>>
      %dma_wait3A_70 = arith.constant 0 : i32
      %dma_wait3A_71 = arith.constant 0 : i32
      %dma_wait3A_72 = tpu.memref_slice %arg13[%dma_wait3A_70, %dma_wait3A_71] : memref<80x128xf32, #tpu.memory_space<vmem>> -> memref<64x128xf32, #tpu.memory_space<vmem>>
      %dma_wait3A_73 = arith.constant 0 : i32
      %dma_wait3A_74 = tpu.memref_slice %arg8[%add3A_40, %dma_wait3A_73] : memref<10240x128xf32, #tpu.memory_space<vmem_shared>> -> memref<64x128xf32, #tpu.memory_space<vmem_shared>>
      tpu.wait_dma2 semaphore(%run_scoped3A : memref<!tpu.dma_semaphore, #tpu.memory_space<semaphore_mem>>) src(%dma_wait3A_74 : memref<64x128xf32, #tpu.memory_space<vmem_shared>>) dst(%dma_wait3A_72 : memref<64x128xf32, #tpu.memory_space<vmem>>)
      tpu.yield
    }) : () -> ()
    "tpu.region"() ({
      %run_scoped3A = tpu.sem_alloc : memref<!tpu.dma_semaphore, #tpu.memory_space<semaphore_mem>>
      %dma_start3A = arith.constant 0 : i32
      %dma_start3A_57 = arith.constant 0 : i32
      %dma_start3A_58 = tpu.memref_slice %arg13[%dma_start3A, %dma_start3A_57] : memref<80x128xf32, #tpu.memory_space<vmem>> -> memref<64x128xf32, #tpu.memory_space<vmem>>
      %dma_start3A_59 = arith.constant 0 : i32
      %dma_start3A_60 = tpu.memref_slice %arg7[%arg0, %add3A_40, %dma_start3A_59] : memref<2x10240x128xf32, #tpu.memory_space<hbm>> -> memref<1x64x128xf32, #tpu.memory_space<hbm>>
      %dma_start3A_61 = tpu.memref_squeeze %dma_start3A_60 : memref<1x64x128xf32, #tpu.memory_space<hbm>> -> memref<64x128xf32, #tpu.memory_space<hbm>>
      %dma_start3A_62 = arith.constant 0 : i32
      %dma_start3A_63 = tpu.memref_slice %arg7[%arg0, %add3A_40, %dma_start3A_62] : memref<2x10240x128xf32, #tpu.memory_space<hbm>> -> memref<1x64x128xf32, #tpu.memory_space<hbm>>
      %dma_start3A_64 = tpu.memref_squeeze %dma_start3A_63 : memref<1x64x128xf32, #tpu.memory_space<hbm>> -> memref<64x128xf32, #tpu.memory_space<hbm>>
      %dma_start3A_65 = arith.constant 0 : i32
      %dma_start3A_66 = arith.constant 0 : i32
      %dma_start3A_67 = tpu.memref_slice %arg13[%dma_start3A_65, %dma_start3A_66] : memref<80x128xf32, #tpu.memory_space<vmem>> -> memref<64x128xf32, #tpu.memory_space<vmem>>
      tpu.enqueue_dma source(%dma_start3A_67 : memref<64x128xf32, #tpu.memory_space<vmem>>) target(%dma_start3A_64 : memref<64x128xf32, #tpu.memory_space<hbm>>) target_semaphore(%run_scoped3A : memref<!tpu.dma_semaphore, #tpu.memory_space<semaphore_mem>>)
      %dma_wait3A = arith.constant 0 : i32
      %dma_wait3A_68 = arith.constant 0 : i32
      %dma_wait3A_69 = tpu.memref_slice %arg13[%dma_wait3A, %dma_wait3A_68] : memref<80x128xf32, #tpu.memory_space<vmem>> -> memref<64x128xf32, #tpu.memory_space<vmem>>
      %dma_wait3A_70 = arith.constant 0 : i32
      %dma_wait3A_71 = tpu.memref_slice %arg7[%arg0, %add3A_40, %dma_wait3A_70] : memref<2x10240x128xf32, #tpu.memory_space<hbm>> -> memref<1x64x128xf32, #tpu.memory_space<hbm>>
      %dma_wait3A_72 = tpu.memref_squeeze %dma_wait3A_71 : memref<1x64x128xf32, #tpu.memory_space<hbm>> -> memref<64x128xf32, #tpu.memory_space<hbm>>
      %dma_wait3A_73 = arith.constant 0 : i32
      %dma_wait3A_74 = tpu.memref_slice %arg7[%arg0, %add3A_40, %dma_wait3A_73] : memref<2x10240x128xf32, #tpu.memory_space<hbm>> -> memref<1x64x128xf32, #tpu.memory_space<hbm>>
      %dma_wait3A_75 = tpu.memref_squeeze %dma_wait3A_74 : memref<1x64x128xf32, #tpu.memory_space<hbm>> -> memref<64x128xf32, #tpu.memory_space<hbm>>
      %dma_wait3A_76 = arith.constant 0 : i32
      %dma_wait3A_77 = arith.constant 0 : i32
      %dma_wait3A_78 = tpu.memref_slice %arg13[%dma_wait3A_76, %dma_wait3A_77] : memref<80x128xf32, #tpu.memory_space<vmem>> -> memref<64x128xf32, #tpu.memory_space<vmem>>
      tpu.wait_dma2 semaphore(%run_scoped3A : memref<!tpu.dma_semaphore, #tpu.memory_space<semaphore_mem>>) src(%dma_wait3A_78 : memref<64x128xf32, #tpu.memory_space<vmem>>) dst(%dma_wait3A_75 : memref<64x128xf32, #tpu.memory_space<hbm>>)
      tpu.yield
    }) : () -> ()
    %mul3A_41 = arith.constant 640 : i32
    %mul3A_42 = arith.muli %arg1, %mul3A_41 : i32
    %add3A_43 = arith.constant 384 : i32
    %add3A_44 = arith.addi %mul3A_42, %add3A_43 : i32
    "tpu.region"() ({
      %run_scoped3A = tpu.sem_alloc : memref<!tpu.dma_semaphore, #tpu.memory_space<semaphore_mem>>
      %dma_start3A = arith.constant 0 : i32
      %dma_start3A_57 = arith.constant 0 : i32
      %dma_start3A_58 = tpu.memref_slice %arg13[%dma_start3A, %dma_start3A_57] : memref<80x128xf32, #tpu.memory_space<vmem>> -> memref<64x128xf32, #tpu.memory_space<vmem>>
      %dma_start3A_59 = arith.constant 0 : i32
      %dma_start3A_60 = tpu.memref_slice %arg8[%add3A_44, %dma_start3A_59] : memref<10240x128xf32, #tpu.memory_space<vmem_shared>> -> memref<64x128xf32, #tpu.memory_space<vmem_shared>>
      %dma_start3A_61 = arith.constant 0 : i32
      %dma_start3A_62 = arith.constant 0 : i32
      %dma_start3A_63 = tpu.memref_slice %arg13[%dma_start3A_61, %dma_start3A_62] : memref<80x128xf32, #tpu.memory_space<vmem>> -> memref<64x128xf32, #tpu.memory_space<vmem>>
      %dma_start3A_64 = arith.constant 0 : i32
      %dma_start3A_65 = tpu.memref_slice %arg8[%add3A_44, %dma_start3A_64] : memref<10240x128xf32, #tpu.memory_space<vmem_shared>> -> memref<64x128xf32, #tpu.memory_space<vmem_shared>>
      tpu.enqueue_dma source(%dma_start3A_65 : memref<64x128xf32, #tpu.memory_space<vmem_shared>>) target(%dma_start3A_63 : memref<64x128xf32, #tpu.memory_space<vmem>>) target_semaphore(%run_scoped3A : memref<!tpu.dma_semaphore, #tpu.memory_space<semaphore_mem>>)
      %dma_wait3A = arith.constant 0 : i32
      %dma_wait3A_66 = arith.constant 0 : i32
      %dma_wait3A_67 = tpu.memref_slice %arg13[%dma_wait3A, %dma_wait3A_66] : memref<80x128xf32, #tpu.memory_space<vmem>> -> memref<64x128xf32, #tpu.memory_space<vmem>>
      %dma_wait3A_68 = arith.constant 0 : i32
      %dma_wait3A_69 = tpu.memref_slice %arg8[%add3A_44, %dma_wait3A_68] : memref<10240x128xf32, #tpu.memory_space<vmem_shared>> -> memref<64x128xf32, #tpu.memory_space<vmem_shared>>
      %dma_wait3A_70 = arith.constant 0 : i32
      %dma_wait3A_71 = arith.constant 0 : i32
      %dma_wait3A_72 = tpu.memref_slice %arg13[%dma_wait3A_70, %dma_wait3A_71] : memref<80x128xf32, #tpu.memory_space<vmem>> -> memref<64x128xf32, #tpu.memory_space<vmem>>
      %dma_wait3A_73 = arith.constant 0 : i32
      %dma_wait3A_74 = tpu.memref_slice %arg8[%add3A_44, %dma_wait3A_73] : memref<10240x128xf32, #tpu.memory_space<vmem_shared>> -> memref<64x128xf32, #tpu.memory_space<vmem_shared>>
      tpu.wait_dma2 semaphore(%run_scoped3A : memref<!tpu.dma_semaphore, #tpu.memory_space<semaphore_mem>>) src(%dma_wait3A_74 : memref<64x128xf32, #tpu.memory_space<vmem_shared>>) dst(%dma_wait3A_72 : memref<64x128xf32, #tpu.memory_space<vmem>>)
      tpu.yield
    }) : () -> ()
    "tpu.region"() ({
      %run_scoped3A = tpu.sem_alloc : memref<!tpu.dma_semaphore, #tpu.memory_space<semaphore_mem>>
      %dma_start3A = arith.constant 0 : i32
      %dma_start3A_57 = arith.constant 0 : i32
      %dma_start3A_58 = tpu.memref_slice %arg13[%dma_start3A, %dma_start3A_57] : memref<80x128xf32, #tpu.memory_space<vmem>> -> memref<64x128xf32, #tpu.memory_space<vmem>>
      %dma_start3A_59 = arith.constant 0 : i32
      %dma_start3A_60 = tpu.memref_slice %arg7[%arg0, %add3A_44, %dma_start3A_59] : memref<2x10240x128xf32, #tpu.memory_space<hbm>> -> memref<1x64x128xf32, #tpu.memory_space<hbm>>
      %dma_start3A_61 = tpu.memref_squeeze %dma_start3A_60 : memref<1x64x128xf32, #tpu.memory_space<hbm>> -> memref<64x128xf32, #tpu.memory_space<hbm>>
      %dma_start3A_62 = arith.constant 0 : i32
      %dma_start3A_63 = tpu.memref_slice %arg7[%arg0, %add3A_44, %dma_start3A_62] : memref<2x10240x128xf32, #tpu.memory_space<hbm>> -> memref<1x64x128xf32, #tpu.memory_space<hbm>>
      %dma_start3A_64 = tpu.memref_squeeze %dma_start3A_63 : memref<1x64x128xf32, #tpu.memory_space<hbm>> -> memref<64x128xf32, #tpu.memory_space<hbm>>
      %dma_start3A_65 = arith.constant 0 : i32
      %dma_start3A_66 = arith.constant 0 : i32
      %dma_start3A_67 = tpu.memref_slice %arg13[%dma_start3A_65, %dma_start3A_66] : memref<80x128xf32, #tpu.memory_space<vmem>> -> memref<64x128xf32, #tpu.memory_space<vmem>>
      tpu.enqueue_dma source(%dma_start3A_67 : memref<64x128xf32, #tpu.memory_space<vmem>>) target(%dma_start3A_64 : memref<64x128xf32, #tpu.memory_space<hbm>>) target_semaphore(%run_scoped3A : memref<!tpu.dma_semaphore, #tpu.memory_space<semaphore_mem>>)
      %dma_wait3A = arith.constant 0 : i32
      %dma_wait3A_68 = arith.constant 0 : i32
      %dma_wait3A_69 = tpu.memref_slice %arg13[%dma_wait3A, %dma_wait3A_68] : memref<80x128xf32, #tpu.memory_space<vmem>> -> memref<64x128xf32, #tpu.memory_space<vmem>>
      %dma_wait3A_70 = arith.constant 0 : i32
      %dma_wait3A_71 = tpu.memref_slice %arg7[%arg0, %add3A_44, %dma_wait3A_70] : memref<2x10240x128xf32, #tpu.memory_space<hbm>> -> memref<1x64x128xf32, #tpu.memory_space<hbm>>
      %dma_wait3A_72 = tpu.memref_squeeze %dma_wait3A_71 : memref<1x64x128xf32, #tpu.memory_space<hbm>> -> memref<64x128xf32, #tpu.memory_space<hbm>>
      %dma_wait3A_73 = arith.constant 0 : i32
      %dma_wait3A_74 = tpu.memref_slice %arg7[%arg0, %add3A_44, %dma_wait3A_73] : memref<2x10240x128xf32, #tpu.memory_space<hbm>> -> memref<1x64x128xf32, #tpu.memory_space<hbm>>
      %dma_wait3A_75 = tpu.memref_squeeze %dma_wait3A_74 : memref<1x64x128xf32, #tpu.memory_space<hbm>> -> memref<64x128xf32, #tpu.memory_space<hbm>>
      %dma_wait3A_76 = arith.constant 0 : i32
      %dma_wait3A_77 = arith.constant 0 : i32
      %dma_wait3A_78 = tpu.memref_slice %arg13[%dma_wait3A_76, %dma_wait3A_77] : memref<80x128xf32, #tpu.memory_space<vmem>> -> memref<64x128xf32, #tpu.memory_space<vmem>>
      tpu.wait_dma2 semaphore(%run_scoped3A : memref<!tpu.dma_semaphore, #tpu.memory_space<semaphore_mem>>) src(%dma_wait3A_78 : memref<64x128xf32, #tpu.memory_space<vmem>>) dst(%dma_wait3A_75 : memref<64x128xf32, #tpu.memory_space<hbm>>)
      tpu.yield
    }) : () -> ()
    %mul3A_45 = arith.constant 640 : i32
    %mul3A_46 = arith.muli %arg1, %mul3A_45 : i32
    %add3A_47 = arith.constant 448 : i32
    %add3A_48 = arith.addi %mul3A_46, %add3A_47 : i32
    "tpu.region"() ({
      %run_scoped3A = tpu.sem_alloc : memref<!tpu.dma_semaphore, #tpu.memory_space<semaphore_mem>>
      %dma_start3A = arith.constant 0 : i32
      %dma_start3A_57 = arith.constant 0 : i32
      %dma_start3A_58 = tpu.memref_slice %arg13[%dma_start3A, %dma_start3A_57] : memref<80x128xf32, #tpu.memory_space<vmem>> -> memref<64x128xf32, #tpu.memory_space<vmem>>
      %dma_start3A_59 = arith.constant 0 : i32
      %dma_start3A_60 = tpu.memref_slice %arg8[%add3A_48, %dma_start3A_59] : memref<10240x128xf32, #tpu.memory_space<vmem_shared>> -> memref<64x128xf32, #tpu.memory_space<vmem_shared>>
      %dma_start3A_61 = arith.constant 0 : i32
      %dma_start3A_62 = arith.constant 0 : i32
      %dma_start3A_63 = tpu.memref_slice %arg13[%dma_start3A_61, %dma_start3A_62] : memref<80x128xf32, #tpu.memory_space<vmem>> -> memref<64x128xf32, #tpu.memory_space<vmem>>
      %dma_start3A_64 = arith.constant 0 : i32
      %dma_start3A_65 = tpu.memref_slice %arg8[%add3A_48, %dma_start3A_64] : memref<10240x128xf32, #tpu.memory_space<vmem_shared>> -> memref<64x128xf32, #tpu.memory_space<vmem_shared>>
      tpu.enqueue_dma source(%dma_start3A_65 : memref<64x128xf32, #tpu.memory_space<vmem_shared>>) target(%dma_start3A_63 : memref<64x128xf32, #tpu.memory_space<vmem>>) target_semaphore(%run_scoped3A : memref<!tpu.dma_semaphore, #tpu.memory_space<semaphore_mem>>)
      %dma_wait3A = arith.constant 0 : i32
      %dma_wait3A_66 = arith.constant 0 : i32
      %dma_wait3A_67 = tpu.memref_slice %arg13[%dma_wait3A, %dma_wait3A_66] : memref<80x128xf32, #tpu.memory_space<vmem>> -> memref<64x128xf32, #tpu.memory_space<vmem>>
      %dma_wait3A_68 = arith.constant 0 : i32
      %dma_wait3A_69 = tpu.memref_slice %arg8[%add3A_48, %dma_wait3A_68] : memref<10240x128xf32, #tpu.memory_space<vmem_shared>> -> memref<64x128xf32, #tpu.memory_space<vmem_shared>>
      %dma_wait3A_70 = arith.constant 0 : i32
      %dma_wait3A_71 = arith.constant 0 : i32
      %dma_wait3A_72 = tpu.memref_slice %arg13[%dma_wait3A_70, %dma_wait3A_71] : memref<80x128xf32, #tpu.memory_space<vmem>> -> memref<64x128xf32, #tpu.memory_space<vmem>>
      %dma_wait3A_73 = arith.constant 0 : i32
      %dma_wait3A_74 = tpu.memref_slice %arg8[%add3A_48, %dma_wait3A_73] : memref<10240x128xf32, #tpu.memory_space<vmem_shared>> -> memref<64x128xf32, #tpu.memory_space<vmem_shared>>
      tpu.wait_dma2 semaphore(%run_scoped3A : memref<!tpu.dma_semaphore, #tpu.memory_space<semaphore_mem>>) src(%dma_wait3A_74 : memref<64x128xf32, #tpu.memory_space<vmem_shared>>) dst(%dma_wait3A_72 : memref<64x128xf32, #tpu.memory_space<vmem>>)
      tpu.yield
    }) : () -> ()
    "tpu.region"() ({
      %run_scoped3A = tpu.sem_alloc : memref<!tpu.dma_semaphore, #tpu.memory_space<semaphore_mem>>
      %dma_start3A = arith.constant 0 : i32
      %dma_start3A_57 = arith.constant 0 : i32
      %dma_start3A_58 = tpu.memref_slice %arg13[%dma_start3A, %dma_start3A_57] : memref<80x128xf32, #tpu.memory_space<vmem>> -> memref<64x128xf32, #tpu.memory_space<vmem>>
      %dma_start3A_59 = arith.constant 0 : i32
      %dma_start3A_60 = tpu.memref_slice %arg7[%arg0, %add3A_48, %dma_start3A_59] : memref<2x10240x128xf32, #tpu.memory_space<hbm>> -> memref<1x64x128xf32, #tpu.memory_space<hbm>>
      %dma_start3A_61 = tpu.memref_squeeze %dma_start3A_60 : memref<1x64x128xf32, #tpu.memory_space<hbm>> -> memref<64x128xf32, #tpu.memory_space<hbm>>
      %dma_start3A_62 = arith.constant 0 : i32
      %dma_start3A_63 = tpu.memref_slice %arg7[%arg0, %add3A_48, %dma_start3A_62] : memref<2x10240x128xf32, #tpu.memory_space<hbm>> -> memref<1x64x128xf32, #tpu.memory_space<hbm>>
      %dma_start3A_64 = tpu.memref_squeeze %dma_start3A_63 : memref<1x64x128xf32, #tpu.memory_space<hbm>> -> memref<64x128xf32, #tpu.memory_space<hbm>>
      %dma_start3A_65 = arith.constant 0 : i32
      %dma_start3A_66 = arith.constant 0 : i32
      %dma_start3A_67 = tpu.memref_slice %arg13[%dma_start3A_65, %dma_start3A_66] : memref<80x128xf32, #tpu.memory_space<vmem>> -> memref<64x128xf32, #tpu.memory_space<vmem>>
      tpu.enqueue_dma source(%dma_start3A_67 : memref<64x128xf32, #tpu.memory_space<vmem>>) target(%dma_start3A_64 : memref<64x128xf32, #tpu.memory_space<hbm>>) target_semaphore(%run_scoped3A : memref<!tpu.dma_semaphore, #tpu.memory_space<semaphore_mem>>)
      %dma_wait3A = arith.constant 0 : i32
      %dma_wait3A_68 = arith.constant 0 : i32
      %dma_wait3A_69 = tpu.memref_slice %arg13[%dma_wait3A, %dma_wait3A_68] : memref<80x128xf32, #tpu.memory_space<vmem>> -> memref<64x128xf32, #tpu.memory_space<vmem>>
      %dma_wait3A_70 = arith.constant 0 : i32
      %dma_wait3A_71 = tpu.memref_slice %arg7[%arg0, %add3A_48, %dma_wait3A_70] : memref<2x10240x128xf32, #tpu.memory_space<hbm>> -> memref<1x64x128xf32, #tpu.memory_space<hbm>>
      %dma_wait3A_72 = tpu.memref_squeeze %dma_wait3A_71 : memref<1x64x128xf32, #tpu.memory_space<hbm>> -> memref<64x128xf32, #tpu.memory_space<hbm>>
      %dma_wait3A_73 = arith.constant 0 : i32
      %dma_wait3A_74 = tpu.memref_slice %arg7[%arg0, %add3A_48, %dma_wait3A_73] : memref<2x10240x128xf32, #tpu.memory_space<hbm>> -> memref<1x64x128xf32, #tpu.memory_space<hbm>>
      %dma_wait3A_75 = tpu.memref_squeeze %dma_wait3A_74 : memref<1x64x128xf32, #tpu.memory_space<hbm>> -> memref<64x128xf32, #tpu.memory_space<hbm>>
      %dma_wait3A_76 = arith.constant 0 : i32
      %dma_wait3A_77 = arith.constant 0 : i32
      %dma_wait3A_78 = tpu.memref_slice %arg13[%dma_wait3A_76, %dma_wait3A_77] : memref<80x128xf32, #tpu.memory_space<vmem>> -> memref<64x128xf32, #tpu.memory_space<vmem>>
      tpu.wait_dma2 semaphore(%run_scoped3A : memref<!tpu.dma_semaphore, #tpu.memory_space<semaphore_mem>>) src(%dma_wait3A_78 : memref<64x128xf32, #tpu.memory_space<vmem>>) dst(%dma_wait3A_75 : memref<64x128xf32, #tpu.memory_space<hbm>>)
      tpu.yield
    }) : () -> ()
    %mul3A_49 = arith.constant 640 : i32
    %mul3A_50 = arith.muli %arg1, %mul3A_49 : i32
    %add3A_51 = arith.constant 512 : i32
    %add3A_52 = arith.addi %mul3A_50, %add3A_51 : i32
    "tpu.region"() ({
      %run_scoped3A = tpu.sem_alloc : memref<!tpu.dma_semaphore, #tpu.memory_space<semaphore_mem>>
      %dma_start3A = arith.constant 0 : i32
      %dma_start3A_57 = arith.constant 0 : i32
      %dma_start3A_58 = tpu.memref_slice %arg13[%dma_start3A, %dma_start3A_57] : memref<80x128xf32, #tpu.memory_space<vmem>> -> memref<64x128xf32, #tpu.memory_space<vmem>>
      %dma_start3A_59 = arith.constant 0 : i32
      %dma_start3A_60 = tpu.memref_slice %arg8[%add3A_52, %dma_start3A_59] : memref<10240x128xf32, #tpu.memory_space<vmem_shared>> -> memref<64x128xf32, #tpu.memory_space<vmem_shared>>
      %dma_start3A_61 = arith.constant 0 : i32
      %dma_start3A_62 = arith.constant 0 : i32
      %dma_start3A_63 = tpu.memref_slice %arg13[%dma_start3A_61, %dma_start3A_62] : memref<80x128xf32, #tpu.memory_space<vmem>> -> memref<64x128xf32, #tpu.memory_space<vmem>>
      %dma_start3A_64 = arith.constant 0 : i32
      %dma_start3A_65 = tpu.memref_slice %arg8[%add3A_52, %dma_start3A_64] : memref<10240x128xf32, #tpu.memory_space<vmem_shared>> -> memref<64x128xf32, #tpu.memory_space<vmem_shared>>
      tpu.enqueue_dma source(%dma_start3A_65 : memref<64x128xf32, #tpu.memory_space<vmem_shared>>) target(%dma_start3A_63 : memref<64x128xf32, #tpu.memory_space<vmem>>) target_semaphore(%run_scoped3A : memref<!tpu.dma_semaphore, #tpu.memory_space<semaphore_mem>>)
      %dma_wait3A = arith.constant 0 : i32
      %dma_wait3A_66 = arith.constant 0 : i32
      %dma_wait3A_67 = tpu.memref_slice %arg13[%dma_wait3A, %dma_wait3A_66] : memref<80x128xf32, #tpu.memory_space<vmem>> -> memref<64x128xf32, #tpu.memory_space<vmem>>
      %dma_wait3A_68 = arith.constant 0 : i32
      %dma_wait3A_69 = tpu.memref_slice %arg8[%add3A_52, %dma_wait3A_68] : memref<10240x128xf32, #tpu.memory_space<vmem_shared>> -> memref<64x128xf32, #tpu.memory_space<vmem_shared>>
      %dma_wait3A_70 = arith.constant 0 : i32
      %dma_wait3A_71 = arith.constant 0 : i32
      %dma_wait3A_72 = tpu.memref_slice %arg13[%dma_wait3A_70, %dma_wait3A_71] : memref<80x128xf32, #tpu.memory_space<vmem>> -> memref<64x128xf32, #tpu.memory_space<vmem>>
      %dma_wait3A_73 = arith.constant 0 : i32
      %dma_wait3A_74 = tpu.memref_slice %arg8[%add3A_52, %dma_wait3A_73] : memref<10240x128xf32, #tpu.memory_space<vmem_shared>> -> memref<64x128xf32, #tpu.memory_space<vmem_shared>>
      tpu.wait_dma2 semaphore(%run_scoped3A : memref<!tpu.dma_semaphore, #tpu.memory_space<semaphore_mem>>) src(%dma_wait3A_74 : memref<64x128xf32, #tpu.memory_space<vmem_shared>>) dst(%dma_wait3A_72 : memref<64x128xf32, #tpu.memory_space<vmem>>)
      tpu.yield
    }) : () -> ()
    "tpu.region"() ({
      %run_scoped3A = tpu.sem_alloc : memref<!tpu.dma_semaphore, #tpu.memory_space<semaphore_mem>>
      %dma_start3A = arith.constant 0 : i32
      %dma_start3A_57 = arith.constant 0 : i32
      %dma_start3A_58 = tpu.memref_slice %arg13[%dma_start3A, %dma_start3A_57] : memref<80x128xf32, #tpu.memory_space<vmem>> -> memref<64x128xf32, #tpu.memory_space<vmem>>
      %dma_start3A_59 = arith.constant 0 : i32
      %dma_start3A_60 = tpu.memref_slice %arg7[%arg0, %add3A_52, %dma_start3A_59] : memref<2x10240x128xf32, #tpu.memory_space<hbm>> -> memref<1x64x128xf32, #tpu.memory_space<hbm>>
      %dma_start3A_61 = tpu.memref_squeeze %dma_start3A_60 : memref<1x64x128xf32, #tpu.memory_space<hbm>> -> memref<64x128xf32, #tpu.memory_space<hbm>>
      %dma_start3A_62 = arith.constant 0 : i32
      %dma_start3A_63 = tpu.memref_slice %arg7[%arg0, %add3A_52, %dma_start3A_62] : memref<2x10240x128xf32, #tpu.memory_space<hbm>> -> memref<1x64x128xf32, #tpu.memory_space<hbm>>
      %dma_start3A_64 = tpu.memref_squeeze %dma_start3A_63 : memref<1x64x128xf32, #tpu.memory_space<hbm>> -> memref<64x128xf32, #tpu.memory_space<hbm>>
      %dma_start3A_65 = arith.constant 0 : i32
      %dma_start3A_66 = arith.constant 0 : i32
      %dma_start3A_67 = tpu.memref_slice %arg13[%dma_start3A_65, %dma_start3A_66] : memref<80x128xf32, #tpu.memory_space<vmem>> -> memref<64x128xf32, #tpu.memory_space<vmem>>
      tpu.enqueue_dma source(%dma_start3A_67 : memref<64x128xf32, #tpu.memory_space<vmem>>) target(%dma_start3A_64 : memref<64x128xf32, #tpu.memory_space<hbm>>) target_semaphore(%run_scoped3A : memref<!tpu.dma_semaphore, #tpu.memory_space<semaphore_mem>>)
      %dma_wait3A = arith.constant 0 : i32
      %dma_wait3A_68 = arith.constant 0 : i32
      %dma_wait3A_69 = tpu.memref_slice %arg13[%dma_wait3A, %dma_wait3A_68] : memref<80x128xf32, #tpu.memory_space<vmem>> -> memref<64x128xf32, #tpu.memory_space<vmem>>
      %dma_wait3A_70 = arith.constant 0 : i32
      %dma_wait3A_71 = tpu.memref_slice %arg7[%arg0, %add3A_52, %dma_wait3A_70] : memref<2x10240x128xf32, #tpu.memory_space<hbm>> -> memref<1x64x128xf32, #tpu.memory_space<hbm>>
      %dma_wait3A_72 = tpu.memref_squeeze %dma_wait3A_71 : memref<1x64x128xf32, #tpu.memory_space<hbm>> -> memref<64x128xf32, #tpu.memory_space<hbm>>
      %dma_wait3A_73 = arith.constant 0 : i32
      %dma_wait3A_74 = tpu.memref_slice %arg7[%arg0, %add3A_52, %dma_wait3A_73] : memref<2x10240x128xf32, #tpu.memory_space<hbm>> -> memref<1x64x128xf32, #tpu.memory_space<hbm>>
      %dma_wait3A_75 = tpu.memref_squeeze %dma_wait3A_74 : memref<1x64x128xf32, #tpu.memory_space<hbm>> -> memref<64x128xf32, #tpu.memory_space<hbm>>
      %dma_wait3A_76 = arith.constant 0 : i32
      %dma_wait3A_77 = arith.constant 0 : i32
      %dma_wait3A_78 = tpu.memref_slice %arg13[%dma_wait3A_76, %dma_wait3A_77] : memref<80x128xf32, #tpu.memory_space<vmem>> -> memref<64x128xf32, #tpu.memory_space<vmem>>
      tpu.wait_dma2 semaphore(%run_scoped3A : memref<!tpu.dma_semaphore, #tpu.memory_space<semaphore_mem>>) src(%dma_wait3A_78 : memref<64x128xf32, #tpu.memory_space<vmem>>) dst(%dma_wait3A_75 : memref<64x128xf32, #tpu.memory_space<hbm>>)
      tpu.yield
    }) : () -> ()
    %mul3A_53 = arith.constant 640 : i32
    %mul3A_54 = arith.muli %arg1, %mul3A_53 : i32
    %add3A_55 = arith.constant 576 : i32
    %add3A_56 = arith.addi %mul3A_54, %add3A_55 : i32
    "tpu.region"() ({
      %run_scoped3A = tpu.sem_alloc : memref<!tpu.dma_semaphore, #tpu.memory_space<semaphore_mem>>
      %dma_start3A = arith.constant 0 : i32
      %dma_start3A_57 = arith.constant 0 : i32
      %dma_start3A_58 = tpu.memref_slice %arg13[%dma_start3A, %dma_start3A_57] : memref<80x128xf32, #tpu.memory_space<vmem>> -> memref<64x128xf32, #tpu.memory_space<vmem>>
      %dma_start3A_59 = arith.constant 0 : i32
      %dma_start3A_60 = tpu.memref_slice %arg8[%add3A_56, %dma_start3A_59] : memref<10240x128xf32, #tpu.memory_space<vmem_shared>> -> memref<64x128xf32, #tpu.memory_space<vmem_shared>>
      %dma_start3A_61 = arith.constant 0 : i32
      %dma_start3A_62 = arith.constant 0 : i32
      %dma_start3A_63 = tpu.memref_slice %arg13[%dma_start3A_61, %dma_start3A_62] : memref<80x128xf32, #tpu.memory_space<vmem>> -> memref<64x128xf32, #tpu.memory_space<vmem>>
      %dma_start3A_64 = arith.constant 0 : i32
      %dma_start3A_65 = tpu.memref_slice %arg8[%add3A_56, %dma_start3A_64] : memref<10240x128xf32, #tpu.memory_space<vmem_shared>> -> memref<64x128xf32, #tpu.memory_space<vmem_shared>>
      tpu.enqueue_dma source(%dma_start3A_65 : memref<64x128xf32, #tpu.memory_space<vmem_shared>>) target(%dma_start3A_63 : memref<64x128xf32, #tpu.memory_space<vmem>>) target_semaphore(%run_scoped3A : memref<!tpu.dma_semaphore, #tpu.memory_space<semaphore_mem>>)
      %dma_wait3A = arith.constant 0 : i32
      %dma_wait3A_66 = arith.constant 0 : i32
      %dma_wait3A_67 = tpu.memref_slice %arg13[%dma_wait3A, %dma_wait3A_66] : memref<80x128xf32, #tpu.memory_space<vmem>> -> memref<64x128xf32, #tpu.memory_space<vmem>>
      %dma_wait3A_68 = arith.constant 0 : i32
      %dma_wait3A_69 = tpu.memref_slice %arg8[%add3A_56, %dma_wait3A_68] : memref<10240x128xf32, #tpu.memory_space<vmem_shared>> -> memref<64x128xf32, #tpu.memory_space<vmem_shared>>
      %dma_wait3A_70 = arith.constant 0 : i32
      %dma_wait3A_71 = arith.constant 0 : i32
      %dma_wait3A_72 = tpu.memref_slice %arg13[%dma_wait3A_70, %dma_wait3A_71] : memref<80x128xf32, #tpu.memory_space<vmem>> -> memref<64x128xf32, #tpu.memory_space<vmem>>
      %dma_wait3A_73 = arith.constant 0 : i32
      %dma_wait3A_74 = tpu.memref_slice %arg8[%add3A_56, %dma_wait3A_73] : memref<10240x128xf32, #tpu.memory_space<vmem_shared>> -> memref<64x128xf32, #tpu.memory_space<vmem_shared>>
      tpu.wait_dma2 semaphore(%run_scoped3A : memref<!tpu.dma_semaphore, #tpu.memory_space<semaphore_mem>>) src(%dma_wait3A_74 : memref<64x128xf32, #tpu.memory_space<vmem_shared>>) dst(%dma_wait3A_72 : memref<64x128xf32, #tpu.memory_space<vmem>>)
      tpu.yield
    }) : () -> ()
    "tpu.region"() ({
      %run_scoped3A = tpu.sem_alloc : memref<!tpu.dma_semaphore, #tpu.memory_space<semaphore_mem>>
      %dma_start3A = arith.constant 0 : i32
      %dma_start3A_57 = arith.constant 0 : i32
      %dma_start3A_58 = tpu.memref_slice %arg13[%dma_start3A, %dma_start3A_57] : memref<80x128xf32, #tpu.memory_space<vmem>> -> memref<64x128xf32, #tpu.memory_space<vmem>>
      %dma_start3A_59 = arith.constant 0 : i32
      %dma_start3A_60 = tpu.memref_slice %arg7[%arg0, %add3A_56, %dma_start3A_59] : memref<2x10240x128xf32, #tpu.memory_space<hbm>> -> memref<1x64x128xf32, #tpu.memory_space<hbm>>
      %dma_start3A_61 = tpu.memref_squeeze %dma_start3A_60 : memref<1x64x128xf32, #tpu.memory_space<hbm>> -> memref<64x128xf32, #tpu.memory_space<hbm>>
      %dma_start3A_62 = arith.constant 0 : i32
      %dma_start3A_63 = tpu.memref_slice %arg7[%arg0, %add3A_56, %dma_start3A_62] : memref<2x10240x128xf32, #tpu.memory_space<hbm>> -> memref<1x64x128xf32, #tpu.memory_space<hbm>>
      %dma_start3A_64 = tpu.memref_squeeze %dma_start3A_63 : memref<1x64x128xf32, #tpu.memory_space<hbm>> -> memref<64x128xf32, #tpu.memory_space<hbm>>
      %dma_start3A_65 = arith.constant 0 : i32
      %dma_start3A_66 = arith.constant 0 : i32
      %dma_start3A_67 = tpu.memref_slice %arg13[%dma_start3A_65, %dma_start3A_66] : memref<80x128xf32, #tpu.memory_space<vmem>> -> memref<64x128xf32, #tpu.memory_space<vmem>>
      tpu.enqueue_dma source(%dma_start3A_67 : memref<64x128xf32, #tpu.memory_space<vmem>>) target(%dma_start3A_64 : memref<64x128xf32, #tpu.memory_space<hbm>>) target_semaphore(%run_scoped3A : memref<!tpu.dma_semaphore, #tpu.memory_space<semaphore_mem>>)
      %dma_wait3A = arith.constant 0 : i32
      %dma_wait3A_68 = arith.constant 0 : i32
      %dma_wait3A_69 = tpu.memref_slice %arg13[%dma_wait3A, %dma_wait3A_68] : memref<80x128xf32, #tpu.memory_space<vmem>> -> memref<64x128xf32, #tpu.memory_space<vmem>>
      %dma_wait3A_70 = arith.constant 0 : i32
      %dma_wait3A_71 = tpu.memref_slice %arg7[%arg0, %add3A_56, %dma_wait3A_70] : memref<2x10240x128xf32, #tpu.memory_space<hbm>> -> memref<1x64x128xf32, #tpu.memory_space<hbm>>
      %dma_wait3A_72 = tpu.memref_squeeze %dma_wait3A_71 : memref<1x64x128xf32, #tpu.memory_space<hbm>> -> memref<64x128xf32, #tpu.memory_space<hbm>>
      %dma_wait3A_73 = arith.constant 0 : i32
      %dma_wait3A_74 = tpu.memref_slice %arg7[%arg0, %add3A_56, %dma_wait3A_73] : memref<2x10240x128xf32, #tpu.memory_space<hbm>> -> memref<1x64x128xf32, #tpu.memory_space<hbm>>
      %dma_wait3A_75 = tpu.memref_squeeze %dma_wait3A_74 : memref<1x64x128xf32, #tpu.memory_space<hbm>> -> memref<64x128xf32, #tpu.memory_space<hbm>>
      %dma_wait3A_76 = arith.constant 0 : i32
      %dma_wait3A_77 = arith.constant 0 : i32
      %dma_wait3A_78 = tpu.memref_slice %arg13[%dma_wait3A_76, %dma_wait3A_77] : memref<80x128xf32, #tpu.memory_space<vmem>> -> memref<64x128xf32, #tpu.memory_space<vmem>>
      tpu.wait_dma2 semaphore(%run_scoped3A : memref<!tpu.dma_semaphore, #tpu.memory_space<semaphore_mem>>) src(%dma_wait3A_78 : memref<64x128xf32, #tpu.memory_space<vmem>>) dst(%dma_wait3A_75 : memref<64x128xf32, #tpu.memory_space<hbm>>)
      tpu.yield
    }) : () -> ()
    return
  }
}

module attributes {stable_mosaic.version = 14 : i64} {
  func.func @_k1_body(%arg0: i32, %arg1: memref<1000x128xf32, #tpu.memory_space<vmem>>, %arg2: memref<128x256xf32, #tpu.memory_space<vmem>>, %arg3: memref<128x256xf32, #tpu.memory_space<vmem>>, %arg4: memref<2x1000x128xf32, #tpu.memory_space<vmem>>, %arg5: memref<2x1000x128xf32, #tpu.memory_space<vmem>>) attributes {dimension_semantics = [#tpu.dimension_semantics<arbitrary>], iteration_bounds = array<i64: 10>, scalar_prefetch = 0 : i64, scratch_operands = 0 : i64, tpu.core_type = #tpu.core_type<tc>, window_params = [{transform_indices = @transform_0, window_bounds = array<i64: 1000, 128>}, {pipeline_mode = #tpu.pipeline_mode<synchronous>, transform_indices = @transform_1, window_bounds = array<i64: 128, 256>}, {pipeline_mode = #tpu.pipeline_mode<synchronous>, transform_indices = @transform_2, window_bounds = array<i64: 128, 256>}, {transform_indices = @transform_3, window_bounds = array<i64: 2, 1000, 128>}, {transform_indices = @transform_4, window_bounds = array<i64: 2, 1000, 128>}]} {
    %get3A = arith.constant 0 : index
    %get3A_0 = arith.constant 0 : index
    %get3A_1 = vector.load %arg1[%get3A, %get3A_0] : memref<1000x128xf32, #tpu.memory_space<vmem>>, vector<1000x128xf32>
    %get3A_2 = arith.constant 0 : index
    %get3A_3 = arith.constant 0 : index
    %get3A_4 = vector.load %arg2[%get3A_2, %get3A_3] : memref<128x256xf32, #tpu.memory_space<vmem>>, vector<128x128xf32>
    %dot_general3A = arith.constant dense<0.000000e+00> : vector<1000x128xf32>
    %dot_general3A_5 = tpu.matmul %get3A_1, %get3A_4, %dot_general3A {dimension_numbers = #tpu.dot_dimension_numbers<[1], [0], [0], [1], [0, 0, 1, 1], [], []>, transpose_lhs_hint = false} : vector<1000x128xf32>, vector<128x128xf32>, vector<1000x128xf32> -> vector<1000x128xf32>
    %swap3A = arith.constant 0 : index
    %swap3A_6 = arith.constant 0 : index
    %swap3A_7 = arith.constant 0 : index
    %swap3A_8 = vector.load %arg4[%swap3A, %swap3A_6, %swap3A_7] : memref<2x1000x128xf32, #tpu.memory_space<vmem>>, vector<1x1000x128xf32>
    %swap3A_9 = vector.shape_cast %swap3A_8 : vector<1x1000x128xf32> to vector<1000x128xf32>
    %swap3A_10 = vector.shape_cast %dot_general3A_5 : vector<1000x128xf32> to vector<1x1000x128xf32>
    tpu.vector_store %arg4[%swap3A, %swap3A_6, %swap3A_7], %swap3A_10 {strides = array<i32>} : memref<2x1000x128xf32, #tpu.memory_space<vmem>>, vector<1x1000x128xf32>,
    %get3A_11 = arith.constant 0 : index
    %get3A_12 = arith.constant 128 : index
    %get3A_13 = vector.load %arg2[%get3A_11, %get3A_12] : memref<128x256xf32, #tpu.memory_space<vmem>>, vector<128x128xf32>
    %dot_general3A_14 = arith.constant dense<0.000000e+00> : vector<1000x128xf32>
    %dot_general3A_15 = tpu.matmul %get3A_1, %get3A_13, %dot_general3A_14 {dimension_numbers = #tpu.dot_dimension_numbers<[1], [0], [0], [1], [0, 0, 1, 1], [], []>, transpose_lhs_hint = false} : vector<1000x128xf32>, vector<128x128xf32>, vector<1000x128xf32> -> vector<1000x128xf32>
    %swap3A_16 = arith.constant 1 : index
    %swap3A_17 = arith.constant 0 : index
    %swap3A_18 = arith.constant 0 : index
    %swap3A_19 = vector.load %arg4[%swap3A_16, %swap3A_17, %swap3A_18] : memref<2x1000x128xf32, #tpu.memory_space<vmem>>, vector<1x1000x128xf32>
    %swap3A_20 = vector.shape_cast %swap3A_19 : vector<1x1000x128xf32> to vector<1000x128xf32>
    %swap3A_21 = vector.shape_cast %dot_general3A_15 : vector<1000x128xf32> to vector<1x1000x128xf32>
    tpu.vector_store %arg4[%swap3A_16, %swap3A_17, %swap3A_18], %swap3A_21 {strides = array<i32>} : memref<2x1000x128xf32, #tpu.memory_space<vmem>>, vector<1x1000x128xf32>,
    %get3A_22 = arith.constant 0 : index
    %get3A_23 = arith.constant 0 : index
    %get3A_24 = vector.load %arg3[%get3A_22, %get3A_23] : memref<128x256xf32, #tpu.memory_space<vmem>>, vector<128x128xf32>
    %dot_general3A_25 = arith.constant dense<0.000000e+00> : vector<1000x128xf32>
    %dot_general3A_26 = tpu.matmul %get3A_1, %get3A_24, %dot_general3A_25 {dimension_numbers = #tpu.dot_dimension_numbers<[1], [0], [0], [1], [0, 0, 1, 1], [], []>, transpose_lhs_hint = false} : vector<1000x128xf32>, vector<128x128xf32>, vector<1000x128xf32> -> vector<1000x128xf32>
    %swap3A_27 = arith.constant 0 : index
    %swap3A_28 = arith.constant 0 : index
    %swap3A_29 = arith.constant 0 : index
    %swap3A_30 = vector.load %arg5[%swap3A_27, %swap3A_28, %swap3A_29] : memref<2x1000x128xf32, #tpu.memory_space<vmem>>, vector<1x1000x128xf32>
    %swap3A_31 = vector.shape_cast %swap3A_30 : vector<1x1000x128xf32> to vector<1000x128xf32>
    %swap3A_32 = vector.shape_cast %dot_general3A_26 : vector<1000x128xf32> to vector<1x1000x128xf32>
    tpu.vector_store %arg5[%swap3A_27, %swap3A_28, %swap3A_29], %swap3A_32 {strides = array<i32>} : memref<2x1000x128xf32, #tpu.memory_space<vmem>>, vector<1x1000x128xf32>,
    %get3A_33 = arith.constant 0 : index
    %get3A_34 = arith.constant 128 : index
    %get3A_35 = vector.load %arg3[%get3A_33, %get3A_34] : memref<128x256xf32, #tpu.memory_space<vmem>>, vector<128x128xf32>
    %dot_general3A_36 = arith.constant dense<0.000000e+00> : vector<1000x128xf32>
    %dot_general3A_37 = tpu.matmul %get3A_1, %get3A_35, %dot_general3A_36 {dimension_numbers = #tpu.dot_dimension_numbers<[1], [0], [0], [1], [0, 0, 1, 1], [], []>, transpose_lhs_hint = false} : vector<1000x128xf32>, vector<128x128xf32>, vector<1000x128xf32> -> vector<1000x128xf32>
    %swap3A_38 = arith.constant 1 : index
    %swap3A_39 = arith.constant 0 : index
    %swap3A_40 = arith.constant 0 : index
    %swap3A_41 = vector.load %arg5[%swap3A_38, %swap3A_39, %swap3A_40] : memref<2x1000x128xf32, #tpu.memory_space<vmem>>, vector<1x1000x128xf32>
    %swap3A_42 = vector.shape_cast %swap3A_41 : vector<1x1000x128xf32> to vector<1000x128xf32>
    %swap3A_43 = vector.shape_cast %dot_general3A_37 : vector<1000x128xf32> to vector<1x1000x128xf32>
    tpu.vector_store %arg5[%swap3A_38, %swap3A_39, %swap3A_40], %swap3A_43 {strides = array<i32>} : memref<2x1000x128xf32, #tpu.memory_space<vmem>>, vector<1x1000x128xf32>,
    return
  }
  func.func @transform_0(%arg0: i32) -> (i32, i32) {
    %c0_i32 = arith.constant 0 : i32
    %c0_i32_0 = arith.constant 0 : i32
    return %arg0, %c0_i32 : i32, i32
  }
  func.func @transform_1(%arg0: i32) -> (i32, i32) {
    %c0_i32 = arith.constant 0 : i32
    %c0_i32_0 = arith.constant 0 : i32
    %c0_i32_1 = arith.constant 0 : i32
    return %c0_i32, %c0_i32_0 : i32, i32
  }
  func.func @transform_2(%arg0: i32) -> (i32, i32) {
    %c0_i32 = arith.constant 0 : i32
    %c0_i32_0 = arith.constant 0 : i32
    %c0_i32_1 = arith.constant 0 : i32
    return %c0_i32, %c0_i32_0 : i32, i32
  }
  func.func @transform_3(%arg0: i32) -> (i32, i32, i32) {
    %c0_i32 = arith.constant 0 : i32
    %c0_i32_0 = arith.constant 0 : i32
    %c0_i32_1 = arith.constant 0 : i32
    return %c0_i32, %arg0, %c0_i32_0 : i32, i32, i32
  }
  func.func @transform_4(%arg0: i32) -> (i32, i32, i32) {
    %c0_i32 = arith.constant 0 : i32
    %c0_i32_0 = arith.constant 0 : i32
    %c0_i32_1 = arith.constant 0 : i32
    return %c0_i32, %arg0, %c0_i32_0 : i32, i32, i32
  }
}

module attributes {stable_mosaic.version = 14 : i64} {
  func.func @_k2_body(%arg0: i32, %arg1: memref<2x1000x128xf32, #tpu.memory_space<vmem>>, %arg2: memref<1000x8xf32, #tpu.memory_space<vmem>>, %arg3: memref<1x256xf32, #tpu.memory_space<vmem>>, %arg4: memref<256x128xf32, #tpu.memory_space<vmem>>, %arg5: memref<1000x128xf32, #tpu.memory_space<vmem>>) attributes {dimension_semantics = [#tpu.dimension_semantics<arbitrary>], iteration_bounds = array<i64: 10>, scalar_prefetch = 0 : i64, scratch_operands = 0 : i64, tpu.core_type = #tpu.core_type<tc>, window_params = [{transform_indices = @transform_0, window_bounds = array<i64: 2, 1000, 128>}, {transform_indices = @transform_1, window_bounds = array<i64: 1000, 8>}, {pipeline_mode = #tpu.pipeline_mode<synchronous>, transform_indices = @transform_2, window_bounds = array<i64: 1, 256>}, {pipeline_mode = #tpu.pipeline_mode<synchronous>, transform_indices = @transform_3, window_bounds = array<i64: 256, 128>}, {transform_indices = @transform_4, window_bounds = array<i64: 1000, 128>}]} {
    %get3A = arith.constant 0 : index
    %get3A_0 = arith.constant 0 : index
    %get3A_1 = arith.constant 0 : index
    %get3A_2 = vector.load %arg1[%get3A, %get3A_0, %get3A_1] : memref<2x1000x128xf32, #tpu.memory_space<vmem>>, vector<1x1000x128xf32>
    %get3A_3 = vector.shape_cast %get3A_2 : vector<1x1000x128xf32> to vector<1000x128xf32>
    %get3A_4 = arith.constant 1 : index
    %get3A_5 = arith.constant 0 : index
    %get3A_6 = arith.constant 0 : index
    %get3A_7 = vector.load %arg1[%get3A_4, %get3A_5, %get3A_6] : memref<2x1000x128xf32, #tpu.memory_space<vmem>>, vector<1x1000x128xf32>
    %get3A_8 = vector.shape_cast %get3A_7 : vector<1x1000x128xf32> to vector<1000x128xf32>
    %concatenate3A = tpu.concatenate %get3A_3, %get3A_8 in 1 : vector<1000x128xf32>, vector<1000x128xf32> -> vector<1000x256xf32>
    %iota3A = tpu.iota {dimensions = array<i32: 0>} : vector<8x256xi32>
    %iota3A_9 = tpu.iota {dimensions = array<i32: 1>} : vector<8x256xi32>
    %jit3A = arith.constant 32 : i32
    %div3A = vector.broadcast %jit3A : i32 to vector<8x256xi32>
    %div3A_10 = arith.divsi %iota3A_9, %div3A : vector<8x256xi32>
    %sign3A = arith.constant 0 : i32
    %sign3A_11 = vector.broadcast %sign3A : i32 to vector<8x256xi32>
    %sign3A_12 = arith.cmpi sgt, %iota3A_9, %sign3A_11 : vector<8x256xi32>
    %sign3A_13 = arith.extui %sign3A_12 : vector<8x256xi1> to vector<8x256xi32>
    %sign3A_14 = arith.constant 0 : i32
    %sign3A_15 = vector.broadcast %sign3A_14 : i32 to vector<8x256xi32>
    %sign3A_16 = arith.cmpi slt, %iota3A_9, %sign3A_15 : vector<8x256xi32>
    %sign3A_17 = arith.extui %sign3A_16 : vector<8x256xi1> to vector<8x256xi32>
    %sign3A_18 = arith.subi %sign3A_13, %sign3A_17 : vector<8x256xi32>
    %sign3A_19 = arith.constant 0 : i32
    %sign3A_20 = arith.cmpi sgt, %jit3A, %sign3A_19 : i32
    %sign3A_21 = arith.extui %sign3A_20 : i1 to i32
    %sign3A_22 = arith.constant 0 : i32
    %sign3A_23 = arith.cmpi slt, %jit3A, %sign3A_22 : i32
    %sign3A_24 = arith.extui %sign3A_23 : i1 to i32
    %sign3A_25 = arith.subi %sign3A_21, %sign3A_24 : i32
    %ne3A = vector.broadcast %sign3A_25 : i32 to vector<8x256xi32>
    %ne3A_26 = arith.cmpi ne, %sign3A_18, %ne3A : vector<8x256xi32>
    %rem3A = vector.broadcast %jit3A : i32 to vector<8x256xi32>
    %rem3A_27 = arith.remsi %iota3A_9, %rem3A : vector<8x256xi32>
    %ne3A_28 = arith.constant 0 : i32
    %ne3A_29 = vector.broadcast %ne3A_28 : i32 to vector<8x256xi32>
    %ne3A_30 = arith.cmpi ne, %rem3A_27, %ne3A_29 : vector<8x256xi32>
    %and3A = arith.andi %ne3A_26, %ne3A_30 : vector<8x256xi1>
    %sub3A = arith.constant 1 : i32
    %sub3A_31 = vector.broadcast %sub3A : i32 to vector<8x256xi32>
    %sub3A_32 = arith.subi %div3A_10, %sub3A_31 : vector<8x256xi32>
    %select_n3A = arith.select %and3A, %sub3A_32, %div3A_10 : vector<8x256xi1>, vector<8x256xi32>
    %eq3A = arith.cmpi eq, %iota3A, %select_n3A : vector<8x256xi32>
    %convert_element_type3A = arith.extui %eq3A : vector<8x256xi1> to vector<8x256xi32>
    %convert_element_type3A_33 = arith.sitofp %convert_element_type3A : vector<8x256xi32> to vector<8x256xf32>
    %get3A_34 = arith.constant 0 : index
    %get3A_35 = arith.constant 0 : index
    %get3A_36 = vector.load %arg2[%get3A_34, %get3A_35] : memref<1000x8xf32, #tpu.memory_space<vmem>>, vector<1000x8xf32>
    %dot_general3A = arith.constant dense<0.000000e+00> : vector<1000x256xf32>
    %dot_general3A_37 = tpu.matmul %get3A_36, %convert_element_type3A_33, %dot_general3A {dimension_numbers = #tpu.dot_dimension_numbers<[1], [0], [0], [1], [0, 0, 1, 1], [], []>, transpose_lhs_hint = false} : vector<1000x8xf32>, vector<8x256xf32>, vector<1000x256xf32> -> vector<1000x256xf32>
    %add3A = arith.constant 1.000000e-16 : f32
    %add3A_38 = vector.broadcast %add3A : f32 to vector<1000x256xf32>
    %add3A_39 = arith.addf %dot_general3A_37, %add3A_38 : vector<1000x256xf32>
    %div3A_40 = arith.divf %concatenate3A, %add3A_39 : vector<1000x256xf32>
    %get3A_41 = arith.constant 0 : index
    %get3A_42 = arith.constant 0 : index
    %get3A_43 = vector.load %arg3[%get3A_41, %get3A_42] : memref<1x256xf32, #tpu.memory_space<vmem>>, vector<1x256xf32>
    %add3A_44 = vector.broadcast %get3A_43 : vector<1x256xf32> to vector<1000x256xf32>
    %add3A_45 = arith.addf %div3A_40, %add3A_44 : vector<1000x256xf32>
    %gt3A = arith.constant 0.000000e+00 : f32
    %gt3A_46 = vector.broadcast %gt3A : f32 to vector<1000x256xf32>
    %gt3A_47 = arith.cmpf ogt, %add3A_45, %gt3A_46 : vector<1000x256xf32>
    %min3A = arith.constant 0.000000e+00 : f32
    %min3A_48 = vector.broadcast %min3A : f32 to vector<1000x256xf32>
    %min3A_49 = arith.minimumf %add3A_45, %min3A_48 : vector<1000x256xf32>
    %exp3A = math.exp %min3A_49 : vector<1000x256xf32>
    %sub3A_50 = arith.constant 1.000000e+00 : f32
    %sub3A_51 = vector.broadcast %sub3A_50 : f32 to vector<1000x256xf32>
    %sub3A_52 = arith.subf %exp3A, %sub3A_51 : vector<1000x256xf32>
    %select_n3A_53 = arith.select %gt3A_47, %add3A_45, %sub3A_52 : vector<1000x256xi1>, vector<1000x256xf32>
    %get3A_54 = arith.constant 0 : index
    %get3A_55 = arith.constant 0 : index
    %get3A_56 = vector.load %arg4[%get3A_54, %get3A_55] : memref<256x128xf32, #tpu.memory_space<vmem>>, vector<256x128xf32>
    %dot_general3A_57 = arith.constant dense<0.000000e+00> : vector<1000x128xf32>
    %dot_general3A_58 = tpu.matmul %select_n3A_53, %get3A_56, %dot_general3A_57 {dimension_numbers = #tpu.dot_dimension_numbers<[1], [0], [0], [1], [0, 0, 1, 1], [], []>, transpose_lhs_hint = false} : vector<1000x256xf32>, vector<256x128xf32>, vector<1000x128xf32> -> vector<1000x128xf32>
    %swap3A = arith.constant 0 : index
    %swap3A_59 = arith.constant 0 : index
    %swap3A_60 = vector.load %arg5[%swap3A, %swap3A_59] : memref<1000x128xf32, #tpu.memory_space<vmem>>, vector<1000x128xf32>
    tpu.vector_store %arg5[%swap3A, %swap3A_59], %dot_general3A_58 {strides = array<i32>} : memref<1000x128xf32, #tpu.memory_space<vmem>>, vector<1000x128xf32>,
    return
  }
  func.func @transform_0(%arg0: i32) -> (i32, i32, i32) {
    %c0_i32 = arith.constant 0 : i32
    %c0_i32_0 = arith.constant 0 : i32
    %c0_i32_1 = arith.constant 0 : i32
    return %c0_i32, %arg0, %c0_i32_0 : i32, i32, i32
  }
  func.func @transform_1(%arg0: i32) -> (i32, i32) {
    %c0_i32 = arith.constant 0 : i32
    %c0_i32_0 = arith.constant 0 : i32
    return %arg0, %c0_i32 : i32, i32
  }
  func.func @transform_2(%arg0: i32) -> (i32, i32) {
    %c0_i32 = arith.constant 0 : i32
    %c0_i32_0 = arith.constant 0 : i32
    %c0_i32_1 = arith.constant 0 : i32
    return %c0_i32, %c0_i32_0 : i32, i32
  }
  func.func @transform_3(%arg0: i32) -> (i32, i32) {
    %c0_i32 = arith.constant 0 : i32
    %c0_i32_0 = arith.constant 0 : i32
    %c0_i32_1 = arith.constant 0 : i32
    return %c0_i32, %c0_i32_0 : i32, i32
  }
  func.func @transform_4(%arg0: i32) -> (i32, i32) {
    %c0_i32 = arith.constant 0 : i32
    %c0_i32_0 = arith.constant 0 : i32
    return %arg0, %c0_i32 : i32, i32
  }
}

module attributes {stable_mosaic.version = 14 : i64} {
  func.func @_k3_body(%arg0: i32, %arg1: memref<2x1000x128xf32, #tpu.memory_space<vmem>>, %arg2: memref<1x64xf32, #tpu.memory_space<vmem>>, %arg3: memref<1000x64xf32, #tpu.memory_space<vmem>>) attributes {dimension_semantics = [#tpu.dimension_semantics<arbitrary>], iteration_bounds = array<i64: 10>, scalar_prefetch = 0 : i64, scratch_operands = 0 : i64, tpu.core_type = #tpu.core_type<tc>, window_params = [{transform_indices = @transform_0, window_bounds = array<i64: 2, 1000, 128>}, {pipeline_mode = #tpu.pipeline_mode<synchronous>, transform_indices = @transform_1, window_bounds = array<i64: 1, 64>}, {transform_indices = @transform_2, window_bounds = array<i64: 1000, 64>}]} {
    %get3A = arith.constant 0 : index
    %get3A_0 = arith.constant 0 : index
    %get3A_1 = arith.constant 0 : index
    %get3A_2 = vector.load %arg1[%get3A, %get3A_0, %get3A_1] : memref<2x1000x128xf32, #tpu.memory_space<vmem>>, vector<1x1000x128xf32>
    %get3A_3 = vector.shape_cast %get3A_2 : vector<1x1000x128xf32> to vector<1000x128xf32>
    %get3A_4 = arith.constant 1 : index
    %get3A_5 = arith.constant 0 : index
    %get3A_6 = arith.constant 0 : index
    %get3A_7 = vector.load %arg1[%get3A_4, %get3A_5, %get3A_6] : memref<2x1000x128xf32, #tpu.memory_space<vmem>>, vector<1x1000x128xf32>
    %get3A_8 = vector.shape_cast %get3A_7 : vector<1x1000x128xf32> to vector<1000x128xf32>
    %slice3A = vector.extract_strided_slice %get3A_3 {offsets = [0, 0], sizes = [1000, 64], strides = [1, 1]} : vector<1000x128xf32> to vector<1000x64xf32>
    %slice3A_9 = vector.extract_strided_slice %get3A_8 {offsets = [0, 0], sizes = [1000, 64], strides = [1, 1]} : vector<1000x128xf32> to vector<1000x64xf32>
    %add3A = arith.addf %slice3A, %slice3A_9 : vector<1000x64xf32>
    %slice3A_10 = vector.extract_strided_slice %get3A_3 {offsets = [0, 64], sizes = [1000, 1], strides = [1, 1]} : vector<1000x128xf32> to vector<1000x1xf32>
    %slice3A_11 = vector.extract_strided_slice %get3A_8 {offsets = [0, 64], sizes = [1000, 1], strides = [1, 1]} : vector<1000x128xf32> to vector<1000x1xf32>
    %add3A_12 = arith.addf %slice3A_10, %slice3A_11 : vector<1000x1xf32>
    %add3A_13 = arith.constant 1.000000e-16 : f32
    %add3A_14 = vector.broadcast %add3A_13 : f32 to vector<1000x1xf32>
    %add3A_15 = arith.addf %add3A_12, %add3A_14 : vector<1000x1xf32>
    %div3A = vector.broadcast %add3A_15 : vector<1000x1xf32> to vector<1000x64xf32>
    %div3A_16 = arith.divf %add3A, %div3A : vector<1000x64xf32>
    %get3A_17 = arith.constant 0 : index
    %get3A_18 = arith.constant 0 : index
    %get3A_19 = vector.load %arg2[%get3A_17, %get3A_18] : memref<1x64xf32, #tpu.memory_space<vmem>>, vector<1x64xf32>
    %add3A_20 = vector.broadcast %get3A_19 : vector<1x64xf32> to vector<1000x64xf32>
    %add3A_21 = arith.addf %div3A_16, %add3A_20 : vector<1000x64xf32>
    %swap3A = arith.constant 0 : index
    %swap3A_22 = arith.constant 0 : index
    %swap3A_23 = vector.load %arg3[%swap3A, %swap3A_22] : memref<1000x64xf32, #tpu.memory_space<vmem>>, vector<1000x64xf32>
    tpu.vector_store %arg3[%swap3A, %swap3A_22], %add3A_21 {strides = array<i32>} : memref<1000x64xf32, #tpu.memory_space<vmem>>, vector<1000x64xf32>,
    return
  }
  func.func @transform_0(%arg0: i32) -> (i32, i32, i32) {
    %c0_i32 = arith.constant 0 : i32
    %c0_i32_0 = arith.constant 0 : i32
    %c0_i32_1 = arith.constant 0 : i32
    return %c0_i32, %arg0, %c0_i32_0 : i32, i32, i32
  }
  func.func @transform_1(%arg0: i32) -> (i32, i32) {
    %c0_i32 = arith.constant 0 : i32
    %c0_i32_0 = arith.constant 0 : i32
    %c0_i32_1 = arith.constant 0 : i32
    return %c0_i32, %c0_i32_0 : i32, i32
  }
  func.func @transform_2(%arg0: i32) -> (i32, i32) {
    %c0_i32 = arith.constant 0 : i32
    %c0_i32_0 = arith.constant 0 : i32
    return %arg0, %c0_i32 : i32, i32
  }
}

</mosaic_0001>

<sc_bundles>
// kernel: kernel.10.cloned.1.call-start
scs
__scs_entry_jumppad:
0x0: {  	(pc) =	sbr.rel $0x88, $3  }
0x1: {  	(tag) =	ssettag $0x0;
	lr =	simm.s32 $0x1  }
0x2: {  	[smem:$0x3F97] =	sst lr;
	_ =	strace $0xD0000000  }
0x3: {  	_ = 	snop  }
0x4: {  	_ = 	snop  }
0x5: {  	_ = 	snop  }
0x6: {  	_ = 	snop  }
0x7: {  	_ = 	snop  }
__scs_overlays_trampoline_lowered:
0x8: {  	[smem:$0x3FA6] =	sst s0  }
0x9: {  	[smem:$0x3FA7] =	sst s1  }
0xa: {  	[smem:$0x3FA8] =	sst s2  }
0xb: {  	[smem:$0x3FA9] =	sst s3  }
0xc: {  	[smem:$0x3FAA] =	sst s4  }
0xd: {  	[smem:$0x3FAB] =	sst s5  }
0xe: {  	[smem:$0x3FAC] =	sst s6  }
0xf: {  	[smem:$0x3FAD] =	sst s7  }
0x10: {  	[smem:$0x3FAE] =	sst s8  }
0x11: {  	[smem:$0x3FAF] =	sst s9;
	s0 =	simm.s32 @!p0 $0x0  }
0x12: {  	s1 =	sld [smem:$0x3F95];
	s0 =	simm.s32 @p0 $0x1  }
0x13: {  	[smem:$0x3FB0] =	sst s0;
	s0 =	simm.s32 @!p1 $0x0  }
0x14: {  	s2 =	sld [smem:$0x3F94];
	s0 =	simm.s32 @p1 $0x1  }
0x15: {  	[smem:$0x3FB1] =	sst s0;
	s0 =	simm.s32 @!p2 $0x0  }
0x16: {  	s3 =	sld [smem:$0x3FDB];
	s0 =	simm.s32 @p2 $0x1  }
0x17: {  	s4 =	simm.s32 $0x1BF5;
	[smem:$0x3FB3] =	sst s0  }
0x18: {  	s0 =	sld [smem:$0x3F96];
	_ =	swait.ge [sflag:s4], $0x0  }
0x19: {  	s7 =	sld [smem:$0x3F97]  }
0x1a: {  	s8 =	sadd.s32 $0xFFFFE003, lr  }
0x1b: {  	s9 =	sadd.s32 $0xFFFFFEF7, lr;
	s5 =	simm.s32 $0xFFFFFFFF;
	p2 =	slt.u32 s8, $0xFFFFF086  }
0x1c: {  	p1 =	slt.u32 s9, $0xF7A;
	s5 =	simm.s32 @!p2 $0x0  }
0x1d: {  	s5 =	simm.s32 @p1 $0x1;
	p0 =	seq.s32 s7, s2  }
0x1e: {  	s7 =	smul.u32 @!p0 $0xF7A, s2;
	p2 =	seq.s32 @!p0 s5, $0x0  }
0x1f: {  	s9 =	smul.u32 $0xF7A, s1;
	s8 =	simm.s32 @!p0 $0x1BF5;
	p2 =	por !p2, p0  }
0x20: {  	[sflag:s8] =	ssyncset.s32 @!p0 $0xFFFFF086;
	s6 =	sadd.s32 @!p0 s3, s7;
	s7 =	simm.s32 @!p0 $0x108  }
0x21: {  	s3 =	sadd.s32 s3, s9;
	s6 =	sadd.s32 @!p0 $0x88, s6;
	s7 =	simm.s32 @p2 $0x1082  }
0x22: {  	[simem:s7], [sflag:s8] =	dma.local @!p0 [hbm:s6], $0xF7A  }
0x23: {  	s9 =	sor.u32 $0xD0000000, s2;
	s6 =	simm.s32 $0x108;
	_ =	swait.ge @!p0 [sflag:s8], $0x0  }
0x24: {  	s3 =	sadd.s32 $0x88, s3;
	s6 =	simm.s32 @!p1 $0x1082;
	[sflag:s4] =	ssyncset.s32 $0xFFFFF086  }
0x25: {  	[simem:s6], [sflag:s4] =	dma.local [hbm:s3], $0xF7A  }
0x26: {  	[smem:$0x3F97] =	sst s1;
	(tag) =	ssettag s2;
	_ =	strace s9  }
0x27: {  	s1 =	sld [smem:$0x3FA7]  }
0x28: {  	s2 =	sld [smem:$0x3FA8]  }
0x29: {  	s4 =	sld [smem:$0x3FAA]  }
0x2a: {  	p0 =	seq.s32 s5, $0x0;
	s5 =	sld [smem:$0x3FAB]  }
0x2b: {  	s6 =	sld [smem:$0x3FAC]  }
0x2c: {  	s7 =	sld [smem:$0x3FAD]  }
0x2d: {  	s3 =	simm.s32 $0x108;
	s8 =	sld [smem:$0x3FAE]  }
0x2e: {  	s3 =	simm.s32 @!p0 $0x1082;
	s9 =	sld [smem:$0x3FAF]  }
0x2f: {  	lr =	sadd.s32 s0, s3;
	s0 =	sld [smem:$0x3FA6]  }
0x30: {  	s3 =	sld [smem:$0x3FA9]  }
0x31: {  	[smem:$0x3FB2] =	sst s10  }
0x32: {  	s10 =	sld [smem:$0x3FB0];
	_ =	sdelay $0x3  }
0x33: {  	p0 =	seq.s32 s10, $0x1;
	s10 =	sld [smem:$0x3FB2];
	_ =	sdelay $0x3  }
0x34: {  	[smem:$0x3FB2] =	sst s10  }
0x35: {  	s10 =	sld [smem:$0x3FB1];
	_ =	sdelay $0x3  }
0x36: {  	p1 =	seq.s32 s10, $0x1;
	s10 =	sld [smem:$0x3FB2];
	_ =	sdelay $0x3  }
0x37: {  	[smem:$0x3FB2] =	sst s10  }
0x38: {  	s10 =	sld [smem:$0x3FB3]  }
0x39: {  	_ = 	snop;
	(pc) =	sbr.ind lr, $3  }
0x3a: {  	_ = 	snop  }
0x3b: {  	_ = 	snop  }
0x3c: {  	p2 =	seq.s32 s10, $0x1;
	s10 =	sld [smem:$0x3FB2]  }
0x3d: {  	_ =	shalt  }
0x3e: {  	_ =	shalt  }
0x3f: {  	_ =	shalt  }
0x40: {  	_ =	shalt  }
0x41: {  	_ =	shalt  }
0x42: {  	_ =	shalt  }
0x43: {  	_ =	shalt  }
0x44: {  	_ =	shalt  }
0x45: {  	_ =	shalt  }
0x46: {  	_ =	shalt  }
0x47: {  	_ =	shalt  }
0x48: {  	_ =	shalt  }
0x49: {  	_ =	shalt  }
0x4a: {  	_ =	shalt  }
0x4b: {  	_ =	shalt  }
0x4c: {  	_ =	shalt  }
0x4d: {  	_ =	shalt  }
0x4e: {  	_ =	shalt  }
0x4f: {  	_ =	shalt  }
0x50: {  	_ =	shalt  }
0x51: {  	_ =	shalt  }
0x52: {  	_ =	shalt  }
0x53: {  	_ =	shalt  }
0x54: {  	_ =	shalt  }
0x55: {  	_ =	shalt  }
0x56: {  	_ =	shalt  }
0x57: {  	_ =	shalt  }
0x58: {  	_ =	shalt  }
0x59: {  	_ =	shalt  }
0x5a: {  	_ =	shalt  }
0x5b: {  	_ =	shalt  }
0x5c: {  	_ =	shalt  }
0x5d: {  	_ =	shalt  }
0x5e: {  	_ =	shalt  }
0x5f: {  	_ =	shalt  }
0x60: {  	_ =	shalt  }
0x61: {  	_ =	shalt  }
0x62: {  	_ =	shalt  }
0x63: {  	_ =	shalt  }
0x64: {  	_ =	shalt  }
0x65: {  	_ =	shalt  }
0x66: {  	_ =	shalt  }
0x67: {  	_ =	shalt  }
0x68: {  	_ =	shalt  }
0x69: {  	_ =	shalt  }
0x6a: {  	_ =	shalt  }
0x6b: {  	_ =	shalt  }
0x6c: {  	_ =	shalt  }
0x6d: {  	_ =	shalt  }
0x6e: {  	_ =	shalt  }
0x6f: {  	_ =	shalt  }
0x70: {  	_ =	shalt  }
0x71: {  	_ =	shalt  }
0x72: {  	_ =	shalt  }
0x73: {  	_ =	shalt  }
0x74: {  	_ =	shalt  }
0x75: {  	_ =	shalt  }
0x76: {  	_ =	shalt  }
0x77: {  	_ =	shalt  }
0x78: {  	_ =	shalt  }
0x79: {  	_ =	shalt  }
0x7a: {  	_ =	shalt  }
0x7b: {  	_ =	shalt  }
0x7c: {  	_ =	shalt  }
0x7d: {  	_ =	shalt  }
0x7e: {  	_ =	shalt  }
0x7f: {  	_ =	shalt  }
0x80: {  	_ =	shalt  }
0x81: {  	_ =	shalt  }
0x82: {  	_ =	shalt  }
0x83: {  	_ =	shalt  }
0x84: {  	_ =	shalt  }
0x85: {  	_ =	shalt  }
0x86: {  	_ =	shalt  }
0x87: {  	_ =	shalt  }
.Lfunc_end0:
.L_simem_size_0:
called_computation.1_lowered:
.L_overlay_start_0:
0x88: {  	s2 =	sld [smem:$0x3FD9]  }
0x89: {  	s3 =	sld [smem:$0x3FFE];
	_ =	sdelay $0x1  }
0x8a: {  	s1 =	srdreg.scid  }
0x8b: {  	s0 =	sand.u32 $0x1, s1  }
0x8c: {  	s17 =	sshll.u32 s0, $0xA;
	s2 =	sadd.s32 s3, s2  }
0x8d: {  	s2 =	sadd.s32 s2, s17  }
0x8e: {  	[smem:$0x3FBE] =	sst s2  }
0x8f: {  	_ = 	snop  }
0x90: {  	s2 =	sld [smem:$0x3FC1]  }
0x91: {  	s18 =	sld [smem:$0x3FD0];
	(tm) =	ssettm $0x1  }
0x92: {  	s4 =	sld [smem:$0x3FFB];
	_ =	sdelay $0x3  }
0x93: {  	_ =	strace s4  }
0x94: {  	s4 =	sld [smem:$0x3FFC];
	_ =	sdelay $0x3  }
0x95: {  	_ =	strace s4  }
0x96: {  	s4 =	sld [smem:$0x3FFD];
	_ =	sdelay $0x3  }
0x97: {  	_ =	strace s4  }
0x98: {  	_ =	strace $0x8FFFFFFF  }
0x99: {  	s19 =	sld [smem:$0x3FDB];
	_ =	sdelay $0x1  }
0x9a: {  	s5 =	simm.s32 $_scs_section_size  }
0x9b: {  	s6 =	simm.s32 $_size__tile_overlayer_lowered;
	s7 =	simm.s32 $_tile_overlayer_lowered  }
0x9c: {  	s22 =	simm.s32 $0x1BFF;
	s21 =	sshll.u32 s7, $0x1;
	s4 =	sadd.s32 s5, s19  }
0x9d: {  	s8 =	simm.s32 $0x0;
	s20 =	sshll.u32 s6, $0x1;
	s6 =	sadd.s32 s21, s4  }
0x9e: {  	[timem:s8], [sflag:s22] =	dma.local [hbm:s6], s20  }
0x9f: {  	_ =	swait.ge [sflag:s22], s20  }
0xa0: {  	s5 =	ssub.s32 $0x0, s20;
	[sflag:s22] =	ssyncset.done $0x0  }
0xa1: {  	[sflag:s22] =	ssyncadd.s32 s5;
	_ =	sdelay $0x1  }
0xa2: {  	s23 =	simm.s32 $0x1B8B  }
0xa3: {  	_ =	swait.ge [sflag:s23], $0x1  }
0xa4: {  	[sflag:s23] =	ssyncset.done $0x0  }
0xa5: {  	s25 =	simm.s32 $0x1B8E;
	s24 =	sld [smem:$0x3FFE];
	[sflag:s23] =	ssyncadd.s32 $0xFFFFFFFF  }
0xa6: {  	s26 =	simm.s32 $execute0_lowered;
	[smem:$0x3FD2] =	sst s25  }
0xa7: {  	s6 =	sshll.u32 s26, $0x1;
	_ =	strace $0x80000049;
	[dreg:$0x1] =	wrdreg $0xFFFFFFFF  }
0xa8: {  	s28 =	simm.s32 $_size_execute0_lowered;
	s4 =	sadd.s32 s4, s6;
	[dreg:$0x0] =	wrdreg $0x0  }
0xa9: {  	s6 =	sshll.u32 s28, $0x1;
	[dreg:$0x2] =	wrdreg s4  }
0xaa: {  	[dreg:$0x3] =	wrdreg s6  }
0xab: {  	[dreg:$0x4] =	wrdreg $0xC0  }
0xac: {  	_ =	task [dreg:s8], $0x5FFFF  }
0xad: {  	[dreg:$0x1] =	wrdreg $0xFFFFFFFF  }
0xae: {  	[dreg:$0x0] =	wrdreg $0x60  }
0xaf: {  	[dreg:$0x2] =	wrdreg s24  }
0xb0: {  	[dreg:$0x3] =	wrdreg s18  }
0xb1: {  	[dreg:$0x4] =	wrdreg s2  }
0xb2: {  	[dreg:$0x5] =	wrdreg $0x0  }
0xb3: {  	[dreg:$0x6] =	wrdreg $0x9  }
0xb4: {  	_ =	task.clear_ibuf [dreg:s8], $0x7FFFF;
	_ =	strace $0x90000049  }
0xb5: {  	s29 =	simm.s32 $0x9;
	_ =	strace $0x8000004B  }
0xb6: {  	_ =	swait.ge [sflag:s29], $0x1  }
0xb7: {  	[sflag:s29] =	ssyncadd.s32 $0xFFFFFFFF  }
0xb8: {  	_ =	strace $0x9000004B  }
0xb9: {  	_ =	sfence  }
0xba: {  	s30 =	sld [smem:$0x0];
	_ =	sdelay $0x2  }
0xbb: {  	s31 =	sshll.u32 s1, $0xD;
	s1 =	sshrl.u32 s1, $0x2  }
0xbc: {  	s3 =	sand.u32 $0x4000, s31;
	s1 =	sadd.s32 s1, s30  }
0xbd: {  	s0 =	sor.u32 s3, s0;
	s1 =	sshll.u32 s1, $0x11  }
0xbe: {  	s0 =	sor.u32 s1, s0  }
0xbf: {  	s0 =	sadd.s32 $0x8F2B, s0  }
0xc0: {  	[sflag:s0] =	ssyncadd.remote.s32 $0x1  }
0xc1: {  	_ =	sfence.sel $0xFFFF  }
0xc2: {  	[dreg:$0x0] =	wrdreg $0xFFFFFFFF;
	(pc) =	sbr.abs _section_cstart, $3  }
0xc3: {  	[dreg:$0x1] =	wrdreg $0xFFFFFFFF  }
0xc4: {  	_ =	task.clear_ibuf [dreg:s8], $0x2FFFF;
	_ =	strace $0x9FFFFFFF  }
0xc5: {  	(tm) =	ssettm $0x7FFFFFFF  }
tec
execute0_lowered:
.L_overlay_start_1:
0x0: {  	(tag) =	ssettag $0x1  }
0x1: {  	s3 =	rddreg [dreg:$0x0]  }
0x2: {  	s1 =	rddreg [dreg:$0x1]  }
0x3: {  	s2 =	simm.s32 $0x0;
	s0 =	srdreg.scid;
	s18 =	stileid.u32  }
0x4: {  	[smem:$0x7FF] =	sst s2;
	s5 =	smul.u32 $0x14000, s18  }
0x5: {  	s4 =	sand.u32 $0x1, s0;
	s8 =	sshll.u32 s18, $0x1;
	s18 =	smul.u32 $0x50000, s18  }
0x6: {  	s6 =	sadd.s32 $0x33000, s3;
	s0 =	ssub.s32 $0x2, s4;
	s9 =	smul.u32 $0x140000, s4  }
0x7: {  	s7 =	sshrl.u32 s0, $0x1;
	s11 =	sadd.s32 $0x4000, s5;
	s15 =	sadd.s32 $0xA000, s5  }
0x8: {  	s19 =	sadd.s32 $0x10000, s5;
	s22 =	sshrl.u32 s5, $0x3;
	s0 =	ssub.s32 s0, s7  }
0x9: {  	s7 =	sor.u32 s4, s8;
	s4 =	sor.u32 $0x2000, s5;
	s23 =	sadd.s32 s5, s9  }
0xa: {  	s12 =	sadd.s32 s9, s11;
	s14 =	sadd.s32 s9, s15;
	s10 =	sadd.s32 s9, s4  }
0xb: {  	s8 =	sshrl.u32 s23, $0x3;
	s25 =	sshrl.u32 s12, $0x3;
	s16 =	sshrl.u32 s14, $0x3  }
0xc: {  	s23 =	sadd.s32 s22, s3;
	s31 =	smax.u32 s0, $0x1;
	s8 =	sadd.s32 s6, s8  }
0xd: {  	s0 =	simm.s32 $0x14000;
	s10 =	sshrl.u32 s10, $0x3;
	[dreg:$0x5] =	wrdreg s8  }
0xe: {  	s24 =	sadd.s32 s6, s10;
	s8 =	sadd.s32 s6, s25;
	s10 =	sadd.s32 $0x8000, s5  }
0xf: {  	[dreg:$0x7] =	wrdreg s8;
	s8 =	sadd.s32 $0x6000, s5;
	s13 =	sadd.s32 s9, s10  }
0x10: {  	s25 =	sadd.s32 $0xB2200, s23;
	s26 =	sadd.s32 s9, s8;
	s13 =	sshrl.u32 s13, $0x3  }
0x11: {  	[dreg:$0x6] =	wrdreg s24;
	s12 =	sshrl.u32 s26, $0x3;
	s13 =	sadd.s32 s6, s13  }
0x12: {  	s24 =	sshrl.u32 s18, $0x2;
	s12 =	sadd.s32 s6, s12;
	[dreg:$0x9] =	wrdreg s13  }
0x13: {  	s13 =	sadd.s32 $0xE000, s5;
	[dreg:$0x8] =	wrdreg s12;
	s12 =	sadd.s32 s6, s16  }
0x14: {  	s16 =	sadd.s32 s9, s13;
	[dreg:$0xa] =	wrdreg s12;
	s12 =	sadd.s32 $0xC000, s5  }
0x15: {  	s16 =	sshrl.u32 s16, $0x3;
	s5 =	sadd.s32 $0x12000, s5;
	s17 =	sadd.s32 s9, s12  }
0x16: {  	s20 =	sadd.s32 s6, s16;
	s16 =	sadd.s32 $0xBE00, s3;
	s14 =	sshrl.u32 s17, $0x3  }
0x17: {  	v0 =	vimm.s32 $0xEFCDAB89;
	s17 =	sadd.s32 s9, s19;
	[dreg:$0xc] =	wrdreg s20;
	s9 =	sadd.s32 s9, s5  }
0x18: {  	v1 =	vimm.s32 $0x67452301;
	v2 =	vimm.s32 $0xDCFE98BA;
	s20 =	smul.u32 $0x2710, s7;
	s14 =	sadd.s32 s6, s14;
	s21 =	sshrl.u32 s17, $0x3  }
0x19: {  	v3 =	vimm.s32 $0x54761032;
	v4 =	vimm.s32 $0xBA98FEDC;
	v5 =	vimm.s32 $0x32107654;
	s7 =	simm.s32 $0x2;
	[dreg:$0xb] =	wrdreg s14;
	s14 =	sadd.s32 s6, s21  }
0x1a: {  	v6 =	vimm.s32 $0xFEDCBA98;
	v7 =	vimm.s32 $0x76543210;
	s9 =	sshrl.u32 s9, $0x3;
	s17 =	sadd.s32 $0x2000, s3;
	[dreg:$0xd] =	wrdreg s14  }
0x1b: {  	v0 =	vunpack.c.l.s4.s8 v0;
	v1 =	vunpack.c.l.s4.s8 v1;
	v2 =	vunpack.c.l.s4.s8 v2;
	s3 =	simm.s32 $0x50;
	s6 =	sadd.s32 s6, s9;
	s14 =	rddreg [dreg:$0x3]  }
0x1c: {  	v3 =	vunpack.c.l.s4.s8 v3;
	v4 =	vunpack.c.l.s4.s8 v4;
	v5 =	vunpack.c.l.s4.s8 v5;
	s9 =	simm.s32 $0x0;
	[dreg:$0xe] =	wrdreg s6;
	s6 =	simm.s32 $0x1  }
0x1d: {  	v6 =	vunpack.c.l.s4.s8 v6;
	v7 =	vunpack.c.l.s4.s8 v7;
	v0 =	vunpack.c.0.s8.s32 v0;
	_ =	strace $0x8000004A;
	s18 =	sadd.s32 s24, s14;
	[dreg:$0xf] =	wrdreg s25  }
0x1e: {  	v1 =	vunpack.c.0.s8.s32 v1;
	v2 =	vunpack.c.0.s8.s32 v2;
	v3 =	vunpack.c.0.s8.s32 v3;
	s26 =	sadd.s32 s4, s14;
	s22 =	sadd.s32 s11, s14;
	s23 =	sadd.s32 s8, s14  }
0x1f: {  	v4 =	vunpack.c.0.s8.s32 v4;
	v5 =	vunpack.c.0.s8.s32 v5;
	v6 =	vunpack.c.0.s8.s32 v6;
	s24 =	sadd.s32 s10, s14;
	s25 =	sadd.s32 s15, s14;
	s28 =	sadd.s32 s13, s14  }
0x20: {  	v7 =	vunpack.c.0.s8.s32 v7;
	v0 =	vcombine.low v1, v0;
	s29 =	sadd.s32 s19, s14;
	s30 =	sadd.s32 s5, s14;
	s11 =	simm.s32 $0x3  }
0x21: {  	v1 =	vcombine.low v3, v2;
	v2 =	vcombine.low v5, v4;
	v4 =	vand.u32 $0xF, v6;
	s13 =	simm.s32 $0x14080;
	s4 =	simm.s32 $0x14100;
	s5 =	simm.s32 $0x16900  }
0x22: {  	vm0 =	vmmov $0x1;
	v3 =	vimm.f32 $0.0e+00;
	v4 =	vcombine.low v4, v7;
	s8 =	simm.s32 $0x19100;
	[dreg:$0x10] =	wrdreg s26;
	s26 =	sadd.s32 s12, s14  }
.LBB2_1:
0x23: {  	s10 =	rddreg [dreg:$0x2];
	s12 =	simm.s32 $0x1B900  }
0x24: {  	[tilespmem:s12], [sflag:$0x3] =	stream.linear.gather [hbm4b:s10+s2], $0x80, $0x38;
	[tilespmem:$0x1B980] =	vst v63  }
0x25: {  	s19 =	stileid.u32;
	_ =	swait.ge [sflag:s11], $0x80  }
0x26: {  	s21 =	sshrl.u32 s18, $0x3;
	s10 =	sshll.u32 s19, $0x6;
	[sflag:s11] =	ssyncset.done $0x0  }
0x27: {  	s10 =	sor.u32 $0x1C03, s10;
	s15 =	rddreg [dreg:$0xf];
	[sflag:s11] =	ssyncadd.s32 $0xFFFFFF80  }
0x28: {  	[spmem:s21], [sflag:s10] =	dma.local [hbm:s15], $0x2800  }
0x29: {  	_ =	swait.ge [sflag:s11], $0x2800  }
0x2a: {  	[sflag:s11] =	ssyncset.done $0x0  }
0x2b: {  	s12 =	simm.s32 $0x0;
	s10 =	simm.s32 $0x200;
	[sflag:s11] =	ssyncadd.s32 $0xFFFFD800  }
.LBB2_2:
0x2c: {  	p0 =	sne.s32 s10, $0x9E00;
	[tilespmem:s12+$0x19170] =	vst v3;
	s15 =	smov.u32 s10;
	s10 =	sadd.s32 $0x200, s10  }
.Ltmp0:
0x2d: {  	[tilespmem:s12+$0x19150] =	vst v3;
	(pc) =	sbr.rel @p0 .LBB2_2-.Ltmp0, $2  }
0x2e: {  	[tilespmem:s12+$0x19160] =	vst v3;
	_ =	sdelay $0x2  }
0x2f: {  	s12 =	sshra.s32 s15, $0x2  }
0x30: {  	[tilespmem:s12+$0x19170] =	vst v3  }
0x31: {  	[tilespmem:s12+$0x19150] =	vst v3  }
0x32: {  	[tilespmem:s12+$0x19160] =	vst v3  }
0x33: {  	s10 =	simm.s32 $0x0;
	s12 =	simm.s32 $0x0;
	[bflag:$0x0] =	sbarrier.arrive $0xFFFF  }
.LBB2_4:
0x34: {  	s15 =	smul.u32 $0x50, s12;
	_ =	sdelay $0x1  }
0x35: {  	s15 =	sadd.s32 s20, s15  }
0x36: {  	s15 =	sshrl.u32 s15, $0x3  }
0x37: {  	s19 =	sadd.s32 s1, s15  }
0x38: {  	[tilespmem:s0], [sflag:$0x3] =	stream.linear.gather [hbm4b:s19+s10], $0x50, $0x38;
	[tilespmem:$0x1B980] =	vst v63  }
0x39: {  	_ =	swait.ge [sflag:s11], $0x50  }
0x3a: {  	[sflag:s11] =	ssyncset.done $0x0  }
0x3b: {  	s15 =	sadd.s32 s17, s15;
	[sflag:s11] =	ssyncadd.s32 $0xFFFFFFB0  }
0x3c: {  	[tilespmem:s13], [sflag:$0x3] =	stream.linear.gather [hbm4b:s15+s10], $0x50, $0x38;
	[tilespmem:$0x1B980] =	vst v63  }
0x3d: {  	_ =	swait.ge [sflag:s11], $0x50  }
0x3e: {  	[sflag:s11] =	ssyncset.done $0x0  }
0x3f: {  	[sflag:s11] =	ssyncadd.s32 $0xFFFFFFB0  }
0x40: {  	[tilespmem:s4], [sflag:$0x1] =	stream.indirect.gather [hbm4b:s16+s3], $0x80, s0, s3, $0xb8;
	[tilespmem:$0x1B980] =	vst v63  }
0x41: {  	_ = 	snop  }
0x42: {  	[tilespmem:s5], [sflag:$0x2] =	stream.indirect.gather [hbm4b:s16+s3], $0x80, s13, s3, $0xb8;
	[tilespmem:$0x1B980] =	vst v63  }
0x43: {  	_ =	swait.ge [sflag:s6], $0x2800  }
0x44: {  	[sflag:s6] =	ssyncset.done $0x0  }
0x45: {  	[sflag:s6] =	ssyncadd.s32 $0xFFFFD800  }
0x46: {  	_ =	swait.ge [sflag:s7], $0x2800  }
0x47: {  	[sflag:s7] =	ssyncset.done $0x0  }
0x48: {  	s15 =	simm.s32 $0x0;
	[sflag:s7] =	ssyncadd.s32 $0xFFFFD800  }
0x49: {  	v5 =	vld [tilespmem:s15+$0x14130]  }
0x4a: {  	v9 =	vld [tilespmem:s15+$0x16970]  }
0x4b: {  	v6 =	vld [tilespmem:s15+$0x14100]  }
0x4c: {  	v10 =	vld [tilespmem:s15+$0x16940]  }
0x4d: {  	v8 =	vld [tilespmem:s15+$0x14110]  }
0x4e: {  	v11 =	vld [tilespmem:s15+$0x16950]  }
0x4f: {  	v7 =	vld [tilespmem:s15+$0x14120]  }
0x50: {  	v12 =	vld [tilespmem:s15+$0x16960];
	_ =	sdelay $0x2  }
0x51: {  	v10 =	vadd.f32 v10, v6;
	v11 =	vadd.f32 v11, v8  }
0x52: {  	v13 =	vld [tilespmem:$0x1B900];
	v9 =	vadd.f32 v9, v5  }
0x53: {  	v15 =	vld [tilespmem:$0x1B910];
	v12 =	vadd.f32 v12, v7;
	v14 =	vmin.f32 v10, $0.0e+00;
	v16 =	vmin.f32 v11, $0.0e+00  }
0x54: {  	v17 =	vmin.f32 v9, $0.0e+00;
	v14 =	vmul.f32 $2.000000030e-01, v14;
	v16 =	vmul.f32 $2.000000030e-01, v16  }
0x55: {  	v18 =	vld [tilespmem:$0x1B920];
	v10 =	vmax.f32 v10, $0.0e+00;
	v11 =	vmax.f32 v11, $0.0e+00;
	v19 =	vmin.f32 v12, $0.0e+00  }
0x56: {  	v10 =	vadd.f32 v14, v10;
	v11 =	vadd.f32 v16, v11;
	v14 =	vmul.f32 $2.000000030e-01, v19  }
0x57: {  	v63 =	vld [tilespmem:$0x1B930];
	v12 =	vmax.f32 v12, $0.0e+00;
	v17 =	vmul.f32 $2.000000030e-01, v17  }
0x58: {  	v10 =	vmul.f32 v10, v13;
	v11 =	vmul.f32 v11, v15;
	v12 =	vadd.f32 v14, v12  }
0x59: {  	v9 =	vmax.f32 v9, $0.0e+00  }
0x5a: {  	v9 =	vadd.f32 v17, v9;
	v10 =	vadd.f32 v11, v10;
	v11 =	vmul.f32 v12, v18;
	_ =	sdelay $0x1  }
0x5b: {  	v9 =	vmul.f32 v9, v63;
	v10 =	vadd.f32 v11, v10;
	_ =	sdelay $0x1  }
0x5c: {  	v9 =	vadd.f32 v9, v10;
	_ =	sdelay $0x1  }
0x5d: {  	v10 =	vperm.xlane v9, v0;
	_ =	sdelay $0x1  }
0x5e: {  	v9 =	vadd.f32 v9, v10;
	_ =	sdelay $0x1  }
0x5f: {  	v10 =	vperm.xlane v9, v1;
	_ =	sdelay $0x1  }
0x60: {  	v9 =	vadd.f32 v9, v10;
	_ =	sdelay $0x1  }
0x61: {  	v10 =	vperm.xlane v9, v2;
	_ =	sdelay $0x1  }
0x62: {  	v9 =	vadd.f32 v9, v10;
	_ =	sdelay $0x1  }
0x63: {  	v10 =	vperm.xlane v9, v4;
	_ =	sdelay $0x1  }
0x64: {  	v9 =	vadd.f32 v9, v10;
	_ =	sdelay $0x1  }
0x65: {  	v12 =	vmul.f32 $1.442695020e+00, v9;
	_ =	sdelay $0x1  }
0x66: {  	(erf) = vpow2.f32 v12;
	_ =	sdelay $0x3  }
0x67: {  	s21 =	simm.s32 $0x80  }
0x68: {  	v10 =	vld [tilespmem:s21+$0x14130]  }
0x69: {  	v11 =	vld [tilespmem:s21+$0x16970]  }
0x6a: {  	v9 =	vld [tilespmem:s21+$0x14100]  }
0x6b: {  	s19 =	simm.s32 $0x400;
	v12 =	vld [tilespmem:s21+$0x16940]  }
.LBB2_5:
0x6c: {  	p0 =	sne.s32 s19, $0x9E00;
	v13 =	vld [tilespmem:s21+$0x14110];
	v14 =	vpop (erf)  }
0x6d: {  	v15 =	vld [tilespmem:s21+$0x16950];
	v16 =	vmul.f32 v14, v7;
	v17 =	vmul.f32 v14, v5;
	v18 =	vnsel vm0, $0x0, v14;
	v5 =	vmovc v10  }
0x6e: {  	v10 =	vmul.f32 v14, v6;
	v19 =	vmul.f32 v14, v8;
	v7 =	vld [tilespmem:s21+$0x14120];
	[tilespmem:s15+$0x19140] =	vst v18  }
0x6f: {  	v14 =	vld [tilespmem:s21+$0x16960];
	[tilespmem:s15+$0x19130] =	vst v17;
	v6 =	vmov v9  }
0x70: {  	[tilespmem:s15+$0x19120] =	vst v16  }
0x71: {  	[tilespmem:s15+$0x19110] =	vst v19;
	v8 =	vmov v13  }
0x72: {  	v9 =	vadd.f32 v12, v6;
	v12 =	vadd.f32 v15, v8;
	[tilespmem:s15+$0x19100] =	vst v10;
	s15 =	smov.u32 s21  }
0x73: {  	v11 =	vadd.f32 v11, v5;
	v10 =	vld [tilespmem:$0x1B900]  }
0x74: {  	v13 =	vmin.f32 v9, $0.0e+00;
	v15 =	vld [tilespmem:$0x1B910];
	v16 =	vmin.f32 v12, $0.0e+00;
	v14 =	vadd.f32 v14, v7  }
0x75: {  	v18 =	vmin.f32 v11, $0.0e+00;
	v13 =	vmul.f32 $2.000000030e-01, v13;
	v16 =	vmul.f32 $2.000000030e-01, v16;
	v17 =	vld [tilespmem:$0x1B920]  }
0x76: {  	v9 =	vmax.f32 v9, $0.0e+00;
	v12 =	vmax.f32 v12, $0.0e+00;
	v19 =	vmin.f32 v14, $0.0e+00;
	v20 =	vld [tilespmem:$0x1B930]  }
0x77: {  	v9 =	vadd.f32 v13, v9;
	v12 =	vadd.f32 v16, v12;
	v13 =	vmul.f32 $2.000000030e-01, v19  }
0x78: {  	v14 =	vmax.f32 v14, $0.0e+00;
	v16 =	vmul.f32 $2.000000030e-01, v18  }
0x79: {  	v9 =	vmul.f32 v9, v10;
	v10 =	vmul.f32 v12, v15;
	v12 =	vadd.f32 v13, v14  }
0x7a: {  	v11 =	vmax.f32 v11, $0.0e+00  }
0x7b: {  	v11 =	vadd.f32 v16, v11;
	v9 =	vadd.f32 v10, v9;
	v10 =	vmul.f32 v12, v17;
	_ =	sdelay $0x1  }
0x7c: {  	v9 =	vadd.f32 v10, v9;
	v10 =	vmul.f32 v11, v20;
	_ =	sdelay $0x1  }
0x7d: {  	v9 =	vadd.f32 v10, v9;
	_ =	sdelay $0x1  }
0x7e: {  	v10 =	vperm.xlane v9, v0;
	_ =	sdelay $0x1  }
0x7f: {  	v9 =	vadd.f32 v9, v10;
	_ =	sdelay $0x1  }
0x80: {  	v10 =	vperm.xlane v9, v1;
	_ =	sdelay $0x1  }
0x81: {  	v9 =	vadd.f32 v9, v10;
	_ =	sdelay $0x1  }
0x82: {  	v10 =	vperm.xlane v9, v2;
	_ =	sdelay $0x1  }
0x83: {  	v9 =	vadd.f32 v9, v10;
	_ =	sdelay $0x1  }
0x84: {  	v10 =	vperm.xlane v9, v4;
	_ =	sdelay $0x1  }
0x85: {  	v9 =	vadd.f32 v9, v10;
	_ =	sdelay $0x1  }
0x86: {  	v9 =	vmul.f32 $1.442695020e+00, v9;
	_ =	sdelay $0x1  }
0x87: {  	(erf) = vpow2.f32 v9;
	_ =	sdelay $0x3  }
.Ltmp1:
0x88: {  	s21 =	sshra.s32 s19, $0x2;
	(pc) =	sbr.rel @p0 .LBB2_5-.Ltmp1, $4  }
0x89: {  	v10 =	vld [tilespmem:s21+$0x14130]  }
0x8a: {  	v11 =	vld [tilespmem:s21+$0x16970]  }
0x8b: {  	v9 =	vld [tilespmem:s21+$0x14100]  }
0x8c: {  	s19 =	sadd.s32 $0x200, s19;
	v12 =	vld [tilespmem:s21+$0x16940]  }
0x8d: {  	v13 =	vld [tilespmem:s21+$0x14110];
	v14 =	vpop (erf)  }
0x8e: {  	v15 =	vld [tilespmem:s21+$0x16950];
	v16 =	vnsel vm0, $0x0, v14;
	v5 =	vmul.f32 v14, v5  }
0x8f: {  	v17 =	vld [tilespmem:s21+$0x14120];
	v7 =	vmul.f32 v14, v7;
	[tilespmem:s15+$0x19140] =	vst v16  }
0x90: {  	v8 =	vmul.f32 v14, v8;
	v16 =	vld [tilespmem:s21+$0x16960];
	[tilespmem:s15+$0x19130] =	vst v5  }
0x91: {  	v5 =	vmul.f32 v14, v6;
	[tilespmem:s15+$0x19120] =	vst v7  }
0x92: {  	[tilespmem:s15+$0x19110] =	vst v8  }
0x93: {  	v6 =	vadd.f32 v12, v9;
	v7 =	vadd.f32 v15, v13;
	[tilespmem:s15+$0x19100] =	vst v5  }
0x94: {  	v55 =	vadd.f32 v11, v10;
	v5 =	vld [tilespmem:$0x1B900]  }
0x95: {  	v56 =	vmin.f32 v6, $0.0e+00;
	v57 =	vld [tilespmem:$0x1B910];
	v58 =	vmin.f32 v7, $0.0e+00;
	v59 =	vadd.f32 v16, v17  }
0x96: {  	v60 =	vmin.f32 v55, $0.0e+00;
	v11 =	vmul.f32 $2.000000030e-01, v56;
	v14 =	vmul.f32 $2.000000030e-01, v58  }
0x97: {  	v18 =	vld [tilespmem:$0x1B920];
	v6 =	vmax.f32 v6, $0.0e+00;
	v7 =	vmax.f32 v7, $0.0e+00;
	v19 =	vmin.f32 v59, $0.0e+00  }
0x98: {  	v6 =	vadd.f32 v11, v6;
	v7 =	vadd.f32 v14, v7;
	v61 =	vmul.f32 $2.000000030e-01, v19  }
0x99: {  	v62 =	vld [tilespmem:$0x1B930];
	v16 =	vmul.f32 $2.000000030e-01, v60;
	v15 =	vmax.f32 v59, $0.0e+00  }
0x9a: {  	v5 =	vmul.f32 v6, v5;
	v6 =	vmul.f32 v7, v57;
	v7 =	vadd.f32 v61, v15  }
0x9b: {  	v8 =	vmax.f32 v55, $0.0e+00  }
0x9c: {  	v5 =	vadd.f32 v6, v5;
	v6 =	vmul.f32 v7, v18;
	v7 =	vadd.f32 v16, v8;
	_ =	sdelay $0x1  }
0x9d: {  	v5 =	vadd.f32 v6, v5;
	v6 =	vmul.f32 v7, v62;
	_ =	sdelay $0x1  }
0x9e: {  	v5 =	vadd.f32 v6, v5;
	_ =	sdelay $0x1  }
0x9f: {  	v6 =	vperm.xlane v5, v0;
	_ =	sdelay $0x1  }
0xa0: {  	v5 =	vadd.f32 v5, v6;
	_ =	sdelay $0x1  }
0xa1: {  	v6 =	vperm.xlane v5, v1;
	_ =	sdelay $0x1  }
0xa2: {  	v5 =	vadd.f32 v5, v6;
	_ =	sdelay $0x1  }
0xa3: {  	v6 =	vperm.xlane v5, v2;
	_ =	sdelay $0x1  }
0xa4: {  	v5 =	vadd.f32 v5, v6;
	_ =	sdelay $0x1  }
0xa5: {  	v6 =	vperm.xlane v5, v4;
	_ =	sdelay $0x1  }
0xa6: {  	v5 =	vadd.f32 v5, v6;
	_ =	sdelay $0x1  }
0xa7: {  	v5 =	vmul.f32 $1.442695020e+00, v5;
	_ =	sdelay $0x1  }
0xa8: {  	(erf) = vpow2.f32 v5;
	_ =	sdelay $0x8  }
0xa9: {  	v5 =	vpop (erf)  }
0xaa: {  	v6 =	vmul.f32 v5, v10;
	v7 =	vnsel vm0, $0x0, v5  }
0xab: {  	v63 =	vmul.f32 v5, v17;
	[tilespmem:s21+$0x19140] =	vst v7  }
0xac: {  	v7 =	vmul.f32 v5, v13;
	[tilespmem:s21+$0x19130] =	vst v6  }
0xad: {  	s12 =	sadd.s32 $0x1, s12;
	v5 =	vmul.f32 v5, v9;
	[tilespmem:s21+$0x19120] =	vst v63  }
0xae: {  	p0 =	sne.s32 s12, $0x7D;
	[tilespmem:s21+$0x19110] =	vst v7  }
.Ltmp2:
0xaf: {  	[tilespmem:s21+$0x19100] =	vst v5;
	(pc) =	sbr.rel @p0 .LBB2_4-.Ltmp2, $4  }
0xb0: {  	[spmem:s14] =	stream.indirect.scatter.add.f32 [tilespmem:s8], [sflag:$0x3], $0x80, s13, s3, $0xb8;
	[tilespmem:$0x1B980] =	vst v63  }
0xb1: {  	_ =	swait.ge [sflag:s11], $0x2800  }
0xb2: {  	[sflag:s11] =	ssyncset.done $0x0  }
0xb3: {  	[sflag:s11] =	ssyncadd.s32 $0xFFFFD800  }
0xb4: {  	[bflag:$0x0] =	sbarrier.arrive $0xFFFF  }
0xb5: {  	[tilespmem:s8], [sflag:$0x3] =	stream.linear.gather [spmem:s18], $0x2000, $0x38;
	[tilespmem:$0x1B980] =	vst v63  }
0xb6: {  	_ =	swait.ge [sflag:s11], $0x2000  }
0xb7: {  	[sflag:s11] =	ssyncset.done $0x0  }
0xb8: {  	s10 =	rddreg [dreg:$0x5];
	[sflag:s11] =	ssyncadd.s32 $0xFFFFE000  }
0xb9: {  	[hbm4b:s10+s2] =	stream.linear.scatter [tilespmem:s8], [sflag:$0x3], $0x2000, $0x38;
	[tilespmem:$0x1B980] =	vst v63  }
0xba: {  	_ =	swait.ge [sflag:s11], $0x2000  }
0xbb: {  	[sflag:s11] =	ssyncset.done $0x0  }
0xbc: {  	s19 =	rddreg [dreg:$0x10];
	[sflag:s11] =	ssyncadd.s32 $0xFFFFE000  }
0xbd: {  	[tilespmem:s8], [sflag:$0x3] =	stream.linear.gather [spmem:s19], $0x2000, $0x38;
	[tilespmem:$0x1B980] =	vst v63  }
0xbe: {  	_ =	swait.ge [sflag:s11], $0x2000  }
0xbf: {  	[sflag:s11] =	ssyncset.done $0x0  }
0xc0: {  	s21 =	rddreg [dreg:$0x6];
	[sflag:s11] =	ssyncadd.s32 $0xFFFFE000  }
0xc1: {  	[hbm4b:s21+s2] =	stream.linear.scatter [tilespmem:s8], [sflag:$0x3], $0x2000, $0x38;
	[tilespmem:$0x1B980] =	vst v63  }
0xc2: {  	_ =	swait.ge [sflag:s11], $0x2000  }
0xc3: {  	[sflag:s11] =	ssyncset.done $0x0  }
0xc4: {  	[sflag:s11] =	ssyncadd.s32 $0xFFFFE000  }
0xc5: {  	[tilespmem:s8], [sflag:$0x3] =	stream.linear.gather [spmem:s22], $0x2000, $0x38;
	[tilespmem:$0x1B980] =	vst v63  }
0xc6: {  	_ =	swait.ge [sflag:s11], $0x2000  }
0xc7: {  	[sflag:s11] =	ssyncset.done $0x0  }
0xc8: {  	s12 =	rddreg [dreg:$0x7];
	[sflag:s11] =	ssyncadd.s32 $0xFFFFE000  }
0xc9: {  	[hbm4b:s12+s2] =	stream.linear.scatter [tilespmem:s8], [sflag:$0x3], $0x2000, $0x38;
	[tilespmem:$0x1B980] =	vst v63  }
0xca: {  	_ =	swait.ge [sflag:s11], $0x2000  }
0xcb: {  	[sflag:s11] =	ssyncset.done $0x0  }
0xcc: {  	[sflag:s11] =	ssyncadd.s32 $0xFFFFE000  }
0xcd: {  	[tilespmem:s8], [sflag:$0x3] =	stream.linear.gather [spmem:s23], $0x2000, $0x38;
	[tilespmem:$0x1B980] =	vst v63  }
0xce: {  	_ =	swait.ge [sflag:s11], $0x2000  }
0xcf: {  	[sflag:s11] =	ssyncset.done $0x0  }
0xd0: {  	s15 =	rddreg [dreg:$0x8];
	[sflag:s11] =	ssyncadd.s32 $0xFFFFE000  }
0xd1: {  	[hbm4b:s15+s2] =	stream.linear.scatter [tilespmem:s8], [sflag:$0x3], $0x2000, $0x38;
	[tilespmem:$0x1B980] =	vst v63  }
0xd2: {  	_ =	swait.ge [sflag:s11], $0x2000  }
0xd3: {  	[sflag:s11] =	ssyncset.done $0x0  }
0xd4: {  	[sflag:s11] =	ssyncadd.s32 $0xFFFFE000  }
0xd5: {  	[tilespmem:s8], [sflag:$0x3] =	stream.linear.gather [spmem:s24], $0x2000, $0x38;
	[tilespmem:$0x1B980] =	vst v63  }
0xd6: {  	_ =	swait.ge [sflag:s11], $0x2000  }
0xd7: {  	[sflag:s11] =	ssyncset.done $0x0  }
0xd8: {  	s19 =	rddreg [dreg:$0x9];
	[sflag:s11] =	ssyncadd.s32 $0xFFFFE000  }
0xd9: {  	[hbm4b:s19+s2] =	stream.linear.scatter [tilespmem:s8], [sflag:$0x3], $0x2000, $0x38;
	[tilespmem:$0x1B980] =	vst v63  }
0xda: {  	_ =	swait.ge [sflag:s11], $0x2000  }
0xdb: {  	[sflag:s11] =	ssyncset.done $0x0  }
0xdc: {  	[sflag:s11] =	ssyncadd.s32 $0xFFFFE000  }
0xdd: {  	[tilespmem:s8], [sflag:$0x3] =	stream.linear.gather [spmem:s25], $0x2000, $0x38;
	[tilespmem:$0x1B980] =	vst v63  }
0xde: {  	_ =	swait.ge [sflag:s11], $0x2000  }
0xdf: {  	[sflag:s11] =	ssyncset.done $0x0  }
0xe0: {  	s21 =	rddreg [dreg:$0xa];
	[sflag:s11] =	ssyncadd.s32 $0xFFFFE000  }
0xe1: {  	[hbm4b:s21+s2] =	stream.linear.scatter [tilespmem:s8], [sflag:$0x3], $0x2000, $0x38;
	[tilespmem:$0x1B980] =	vst v63  }
0xe2: {  	_ =	swait.ge [sflag:s11], $0x2000  }
0xe3: {  	[sflag:s11] =	ssyncset.done $0x0  }
0xe4: {  	[sflag:s11] =	ssyncadd.s32 $0xFFFFE000  }
0xe5: {  	[tilespmem:s8], [sflag:$0x3] =	stream.linear.gather [spmem:s26], $0x2000, $0x38;
	[tilespmem:$0x1B980] =	vst v63  }
0xe6: {  	_ =	swait.ge [sflag:s11], $0x2000  }
0xe7: {  	[sflag:s11] =	ssyncset.done $0x0  }
0xe8: {  	s12 =	rddreg [dreg:$0xb];
	[sflag:s11] =	ssyncadd.s32 $0xFFFFE000  }
0xe9: {  	[hbm4b:s12+s2] =	stream.linear.scatter [tilespmem:s8], [sflag:$0x3], $0x2000, $0x38;
	[tilespmem:$0x1B980] =	vst v63  }
0xea: {  	_ =	swait.ge [sflag:s11], $0x2000  }
0xeb: {  	[sflag:s11] =	ssyncset.done $0x0  }
0xec: {  	[sflag:s11] =	ssyncadd.s32 $0xFFFFE000  }
0xed: {  	[tilespmem:s8], [sflag:$0x3] =	stream.linear.gather [spmem:s28], $0x2000, $0x38;
	[tilespmem:$0x1B980] =	vst v63  }
0xee: {  	_ =	swait.ge [sflag:s11], $0x2000  }
0xef: {  	[sflag:s11] =	ssyncset.done $0x0  }
0xf0: {  	s15 =	rddreg [dreg:$0xc];
	[sflag:s11] =	ssyncadd.s32 $0xFFFFE000  }
0xf1: {  	[hbm4b:s15+s2] =	stream.linear.scatter [tilespmem:s8], [sflag:$0x3], $0x2000, $0x38;
	[tilespmem:$0x1B980] =	vst v63  }
0xf2: {  	_ =	swait.ge [sflag:s11], $0x2000  }
0xf3: {  	[sflag:s11] =	ssyncset.done $0x0  }
0xf4: {  	[sflag:s11] =	ssyncadd.s32 $0xFFFFE000  }
0xf5: {  	[tilespmem:s8], [sflag:$0x3] =	stream.linear.gather [spmem:s29], $0x2000, $0x38;
	[tilespmem:$0x1B980] =	vst v63  }
0xf6: {  	_ =	swait.ge [sflag:s11], $0x2000  }
0xf7: {  	[sflag:s11] =	ssyncset.done $0x0  }
0xf8: {  	s19 =	rddreg [dreg:$0xd];
	[sflag:s11] =	ssyncadd.s32 $0xFFFFE000  }
0xf9: {  	[hbm4b:s19+s2] =	stream.linear.scatter [tilespmem:s8], [sflag:$0x3], $0x2000, $0x38;
	[tilespmem:$0x1B980] =	vst v63  }
0xfa: {  	_ =	swait.ge [sflag:s11], $0x2000  }
0xfb: {  	[sflag:s11] =	ssyncset.done $0x0  }
0xfc: {  	[sflag:s11] =	ssyncadd.s32 $0xFFFFE000  }
0xfd: {  	[tilespmem:s8], [sflag:$0x3] =	stream.linear.gather [spmem:s30], $0x2000, $0x38;
	[tilespmem:$0x1B980] =	vst v63  }
0xfe: {  	s9 =	sadd.s32 $0x1, s9;
	_ =	swait.ge [sflag:s11], $0x2000  }
0xff: {  	p0 =	sne.s32 s9, s31;
	[sflag:s11] =	ssyncset.done $0x0  }
.Ltmp3:
0x100: {  	s21 =	rddreg [dreg:$0xe];
	[sflag:s11] =	ssyncadd.s32 $0xFFFFE000;
	(pc) =	sbr.rel @p0 .LBB2_1-.Ltmp3, $4  }
0x101: {  	[hbm4b:s21+s2] =	stream.linear.scatter [tilespmem:s8], [sflag:$0x3], $0x2000, $0x38;
	[tilespmem:$0x1B980] =	vst v63  }
0x102: {  	_ =	swait.ge [sflag:s11], $0x2000  }
0x103: {  	[sflag:s11] =	ssyncset.done $0x0  }
0x104: {  	[sflag:s11] =	ssyncadd.s32 $0xFFFFE000  }
0x105: {  	_ =	sfence.sel $0x180000  }
0x106: {  	[bflag:$0x0] =	sbarrier.arrive $0xFFFF  }
0x107: {  	_ =	strace $0x9000004A  }
0x108: {  	s0 =	stileid.u32;
	[bflag:$0x2] =	sbarrier.arrive $0xFFFF  }
0x109: {  	p0 =	sne.s32 s0, $0x0;
	s0 =	rddreg [dreg:$0x4]  }
0x10a: {  	s0 =	sadd.s32 @!p0 $0x100000, s0  }
0x10b: {  	[sflag:s0] =	ssyncadd.tile.s32 @!p0 $0x1;
	_ =	shalt  }
.Lfunc_end2:
_tile_overlayer_lowered:
.L_overlay_start_2:
0x10c: {  	(tag) =	ssettag $0x2  }
0x10d: {  	s0 =	rddreg [dreg:$0x0];
	s2 =	stileid.u32  }
0x10e: {  	s1 =	rddreg [dreg:$0x1];
	p0 =	sne.s32 s2, $0x0  }
0x10f: {  	s3 =	rddreg [dreg:$0x2];
	[bflag:$0x3] =	sbarrier.arrive $0xFFFF;
	s2 =	simm.s32 @!p0 $0x1C03  }
0x110: {  	[timem:s3], [sflag:s2] =	dma.local @!p0 [hbm:s0], s1  }
0x111: {  	s0 =	simm.s32 @!p0 $0x3  }
0x112: {  	_ =	swait.ge @!p0 [sflag:s0], s1  }
0x113: {  	s1 =	ssub.s32 @!p0 $0x0, s1;
	[sflag:s0] =	ssyncset.done @!p0 $0x0  }
0x114: {  	[sflag:s0] =	ssyncadd.s32 @!p0 s1  }
0x115: {  	[bflag:$0x3] =	sbarrier.arrive $0xFFFF  }
0x116: {  	_ =	shalt  }

// kernel: kernel.7.cloned.1.call-start
scs
__scs_entry_jumppad:
0x0: {  	(pc) =	sbr.rel $0x88, $3  }
0x1: {  	(tag) =	ssettag $0x0;
	lr =	simm.s32 $0x1  }
0x2: {  	[smem:$0x3F97] =	sst lr;
	_ =	strace $0xD0000000  }
0x3: {  	_ = 	snop  }
0x4: {  	_ = 	snop  }
0x5: {  	_ = 	snop  }
0x6: {  	_ = 	snop  }
0x7: {  	_ = 	snop  }
__scs_overlays_trampoline_lowered:
0x8: {  	[smem:$0x3FA6] =	sst s0  }
0x9: {  	[smem:$0x3FA7] =	sst s1  }
0xa: {  	[smem:$0x3FA8] =	sst s2  }
0xb: {  	[smem:$0x3FA9] =	sst s3  }
0xc: {  	[smem:$0x3FAA] =	sst s4  }
0xd: {  	[smem:$0x3FAB] =	sst s5  }
0xe: {  	[smem:$0x3FAC] =	sst s6  }
0xf: {  	[smem:$0x3FAD] =	sst s7  }
0x10: {  	[smem:$0x3FAE] =	sst s8  }
0x11: {  	[smem:$0x3FAF] =	sst s9;
	s0 =	simm.s32 @!p0 $0x0  }
0x12: {  	s1 =	sld [smem:$0x3F95];
	s0 =	simm.s32 @p0 $0x1  }
0x13: {  	[smem:$0x3FB0] =	sst s0;
	s0 =	simm.s32 @!p1 $0x0  }
0x14: {  	s2 =	sld [smem:$0x3F94];
	s0 =	simm.s32 @p1 $0x1  }
0x15: {  	[smem:$0x3FB1] =	sst s0;
	s0 =	simm.s32 @!p2 $0x0  }
0x16: {  	s3 =	sld [smem:$0x3FDB];
	s0 =	simm.s32 @p2 $0x1  }
0x17: {  	s4 =	simm.s32 $0x1BF5;
	[smem:$0x3FB3] =	sst s0  }
0x18: {  	s0 =	sld [smem:$0x3F96];
	_ =	swait.ge [sflag:s4], $0x0  }
0x19: {  	s7 =	sld [smem:$0x3F97]  }
0x1a: {  	s8 =	sadd.s32 $0xFFFFE003, lr  }
0x1b: {  	s9 =	sadd.s32 $0xFFFFFEF7, lr;
	s5 =	simm.s32 $0xFFFFFFFF;
	p2 =	slt.u32 s8, $0xFFFFF086  }
0x1c: {  	p1 =	slt.u32 s9, $0xF7A;
	s5 =	simm.s32 @!p2 $0x0  }
0x1d: {  	s5 =	simm.s32 @p1 $0x1;
	p0 =	seq.s32 s7, s2  }
0x1e: {  	s7 =	smul.u32 @!p0 $0xF7A, s2;
	p2 =	seq.s32 @!p0 s5, $0x0  }
0x1f: {  	s9 =	smul.u32 $0xF7A, s1;
	s8 =	simm.s32 @!p0 $0x1BF5;
	p2 =	por !p2, p0  }
0x20: {  	[sflag:s8] =	ssyncset.s32 @!p0 $0xFFFFF086;
	s6 =	sadd.s32 @!p0 s3, s7;
	s7 =	simm.s32 @!p0 $0x108  }
0x21: {  	s3 =	sadd.s32 s3, s9;
	s6 =	sadd.s32 @!p0 $0x88, s6;
	s7 =	simm.s32 @p2 $0x1082  }
0x22: {  	[simem:s7], [sflag:s8] =	dma.local @!p0 [hbm:s6], $0xF7A  }
0x23: {  	s9 =	sor.u32 $0xD0000000, s2;
	s6 =	simm.s32 $0x108;
	_ =	swait.ge @!p0 [sflag:s8], $0x0  }
0x24: {  	s3 =	sadd.s32 $0x88, s3;
	s6 =	simm.s32 @!p1 $0x1082;
	[sflag:s4] =	ssyncset.s32 $0xFFFFF086  }
0x25: {  	[simem:s6], [sflag:s4] =	dma.local [hbm:s3], $0xF7A  }
0x26: {  	[smem:$0x3F97] =	sst s1;
	(tag) =	ssettag s2;
	_ =	strace s9  }
0x27: {  	s1 =	sld [smem:$0x3FA7]  }
0x28: {  	s2 =	sld [smem:$0x3FA8]  }
0x29: {  	s4 =	sld [smem:$0x3FAA]  }
0x2a: {  	p0 =	seq.s32 s5, $0x0;
	s5 =	sld [smem:$0x3FAB]  }
0x2b: {  	s6 =	sld [smem:$0x3FAC]  }
0x2c: {  	s7 =	sld [smem:$0x3FAD]  }
0x2d: {  	s3 =	simm.s32 $0x108;
	s8 =	sld [smem:$0x3FAE]  }
0x2e: {  	s3 =	simm.s32 @!p0 $0x1082;
	s9 =	sld [smem:$0x3FAF]  }
0x2f: {  	lr =	sadd.s32 s0, s3;
	s0 =	sld [smem:$0x3FA6]  }
0x30: {  	s3 =	sld [smem:$0x3FA9]  }
0x31: {  	[smem:$0x3FB2] =	sst s10  }
0x32: {  	s10 =	sld [smem:$0x3FB0];
	_ =	sdelay $0x3  }
0x33: {  	p0 =	seq.s32 s10, $0x1;
	s10 =	sld [smem:$0x3FB2];
	_ =	sdelay $0x3  }
0x34: {  	[smem:$0x3FB2] =	sst s10  }
0x35: {  	s10 =	sld [smem:$0x3FB1];
	_ =	sdelay $0x3  }
0x36: {  	p1 =	seq.s32 s10, $0x1;
	s10 =	sld [smem:$0x3FB2];
	_ =	sdelay $0x3  }
0x37: {  	[smem:$0x3FB2] =	sst s10  }
0x38: {  	s10 =	sld [smem:$0x3FB3]  }
0x39: {  	_ = 	snop;
	(pc) =	sbr.ind lr, $3  }
0x3a: {  	_ = 	snop  }
0x3b: {  	_ = 	snop  }
0x3c: {  	p2 =	seq.s32 s10, $0x1;
	s10 =	sld [smem:$0x3FB2]  }
0x3d: {  	_ =	shalt  }
0x3e: {  	_ =	shalt  }
0x3f: {  	_ =	shalt  }
0x40: {  	_ =	shalt  }
0x41: {  	_ =	shalt  }
0x42: {  	_ =	shalt  }
0x43: {  	_ =	shalt  }
0x44: {  	_ =	shalt  }
0x45: {  	_ =	shalt  }
0x46: {  	_ =	shalt  }
0x47: {  	_ =	shalt  }
0x48: {  	_ =	shalt  }
0x49: {  	_ =	shalt  }
0x4a: {  	_ =	shalt  }
0x4b: {  	_ =	shalt  }
0x4c: {  	_ =	shalt  }
0x4d: {  	_ =	shalt  }
0x4e: {  	_ =	shalt  }
0x4f: {  	_ =	shalt  }
0x50: {  	_ =	shalt  }
0x51: {  	_ =	shalt  }
0x52: {  	_ =	shalt  }
0x53: {  	_ =	shalt  }
0x54: {  	_ =	shalt  }
0x55: {  	_ =	shalt  }
0x56: {  	_ =	shalt  }
0x57: {  	_ =	shalt  }
0x58: {  	_ =	shalt  }
0x59: {  	_ =	shalt  }
0x5a: {  	_ =	shalt  }
0x5b: {  	_ =	shalt  }
0x5c: {  	_ =	shalt  }
0x5d: {  	_ =	shalt  }
0x5e: {  	_ =	shalt  }
0x5f: {  	_ =	shalt  }
0x60: {  	_ =	shalt  }
0x61: {  	_ =	shalt  }
0x62: {  	_ =	shalt  }
0x63: {  	_ =	shalt  }
0x64: {  	_ =	shalt  }
0x65: {  	_ =	shalt  }
0x66: {  	_ =	shalt  }
0x67: {  	_ =	shalt  }
0x68: {  	_ =	shalt  }
0x69: {  	_ =	shalt  }
0x6a: {  	_ =	shalt  }
0x6b: {  	_ =	shalt  }
0x6c: {  	_ =	shalt  }
0x6d: {  	_ =	shalt  }
0x6e: {  	_ =	shalt  }
0x6f: {  	_ =	shalt  }
0x70: {  	_ =	shalt  }
0x71: {  	_ =	shalt  }
0x72: {  	_ =	shalt  }
0x73: {  	_ =	shalt  }
0x74: {  	_ =	shalt  }
0x75: {  	_ =	shalt  }
0x76: {  	_ =	shalt  }
0x77: {  	_ =	shalt  }
0x78: {  	_ =	shalt  }
0x79: {  	_ =	shalt  }
0x7a: {  	_ =	shalt  }
0x7b: {  	_ =	shalt  }
0x7c: {  	_ =	shalt  }
0x7d: {  	_ =	shalt  }
0x7e: {  	_ =	shalt  }
0x7f: {  	_ =	shalt  }
0x80: {  	_ =	shalt  }
0x81: {  	_ =	shalt  }
0x82: {  	_ =	shalt  }
0x83: {  	_ =	shalt  }
0x84: {  	_ =	shalt  }
0x85: {  	_ =	shalt  }
0x86: {  	_ =	shalt  }
0x87: {  	_ =	shalt  }
.Lfunc_end0:
.L_simem_size_0:
called_computation_lowered:
.L_overlay_start_0:
0x88: {  	s2 =	sld [smem:$0x3FD9]  }
0x89: {  	s3 =	sld [smem:$0x3FFE];
	_ =	sdelay $0x1  }
0x8a: {  	s1 =	srdreg.scid  }
0x8b: {  	s0 =	sand.u32 $0x1, s1  }
0x8c: {  	s17 =	sshll.u32 s0, $0xA;
	s2 =	sadd.s32 s3, s2  }
0x8d: {  	s2 =	sadd.s32 s2, s17  }
0x8e: {  	[smem:$0x3FBE] =	sst s2  }
0x8f: {  	_ = 	snop  }
0x90: {  	s2 =	sld [smem:$0x3FD0];
	(tm) =	ssettm $0x1  }
0x91: {  	s18 =	sld [smem:$0x3FFB];
	_ =	sdelay $0x3  }
0x92: {  	_ =	strace s18  }
0x93: {  	s3 =	sld [smem:$0x3FFC];
	_ =	sdelay $0x3  }
0x94: {  	_ =	strace s3  }
0x95: {  	s3 =	sld [smem:$0x3FFD];
	_ =	sdelay $0x3  }
0x96: {  	_ =	strace s3  }
0x97: {  	_ =	strace $0x8FFFFFFF  }
0x98: {  	s19 =	sld [smem:$0x3FDB];
	_ =	sdelay $0x1  }
0x99: {  	s4 =	simm.s32 $_scs_section_size  }
0x9a: {  	s5 =	simm.s32 $_size__tile_overlayer_lowered;
	s6 =	simm.s32 $_tile_overlayer_lowered  }
0x9b: {  	s22 =	simm.s32 $0x1BFF;
	s21 =	sshll.u32 s6, $0x1;
	s3 =	sadd.s32 s4, s19  }
0x9c: {  	s7 =	simm.s32 $0x0;
	s20 =	sshll.u32 s5, $0x1;
	s5 =	sadd.s32 s21, s3  }
0x9d: {  	[timem:s7], [sflag:s22] =	dma.local [hbm:s5], s20  }
0x9e: {  	_ =	swait.ge [sflag:s22], s20  }
0x9f: {  	s4 =	ssub.s32 $0x0, s20;
	[sflag:s22] =	ssyncset.done $0x0  }
0xa0: {  	[sflag:s22] =	ssyncadd.s32 s4;
	_ =	sdelay $0x1  }
0xa1: {  	s23 =	simm.s32 $0x1B8B  }
0xa2: {  	_ =	swait.ge [sflag:s23], $0x1  }
0xa3: {  	[sflag:s23] =	ssyncset.done $0x0  }
0xa4: {  	s25 =	simm.s32 $0x1B8E;
	s24 =	sld [smem:$0x3FFE];
	[sflag:s23] =	ssyncadd.s32 $0xFFFFFFFF  }
0xa5: {  	s26 =	simm.s32 $execute0_lowered;
	[smem:$0x3FD2] =	sst s25  }
0xa6: {  	s5 =	sshll.u32 s26, $0x1;
	_ =	strace $0x80000046;
	[dreg:$0x1] =	wrdreg $0xFFFFFFFF  }
0xa7: {  	s28 =	simm.s32 $_size_execute0_lowered;
	s3 =	sadd.s32 s3, s5;
	[dreg:$0x0] =	wrdreg $0x0  }
0xa8: {  	s5 =	sshll.u32 s28, $0x1;
	[dreg:$0x2] =	wrdreg s3  }
0xa9: {  	[dreg:$0x3] =	wrdreg s5  }
0xaa: {  	[dreg:$0x4] =	wrdreg $0xC0  }
0xab: {  	_ =	task [dreg:s7], $0x5FFFF  }
0xac: {  	[dreg:$0x1] =	wrdreg $0xFFFFFFFF  }
0xad: {  	[dreg:$0x0] =	wrdreg $0x60  }
0xae: {  	[dreg:$0x2] =	wrdreg s24  }
0xaf: {  	[dreg:$0x3] =	wrdreg s2  }
0xb0: {  	[dreg:$0x4] =	wrdreg $0x0  }
0xb1: {  	[dreg:$0x5] =	wrdreg $0x140000  }
0xb2: {  	[dreg:$0x6] =	wrdreg $0x9  }
0xb3: {  	_ =	task.clear_ibuf [dreg:s7], $0x7FFFF;
	_ =	strace $0x90000046  }
0xb4: {  	s29 =	simm.s32 $0x9;
	_ =	strace $0x80000048  }
0xb5: {  	_ =	swait.ge [sflag:s29], $0x1  }
0xb6: {  	[sflag:s29] =	ssyncadd.s32 $0xFFFFFFFF  }
0xb7: {  	_ =	strace $0x90000048  }
0xb8: {  	_ =	sfence  }
0xb9: {  	s30 =	sld [smem:$0x0];
	_ =	sdelay $0x2  }
0xba: {  	s31 =	sshll.u32 s1, $0xD;
	s1 =	sshrl.u32 s1, $0x2  }
0xbb: {  	s3 =	sand.u32 $0x4000, s31;
	s1 =	sadd.s32 s1, s30  }
0xbc: {  	s0 =	sor.u32 s3, s0;
	s1 =	sshll.u32 s1, $0x11  }
0xbd: {  	s0 =	sor.u32 s1, s0  }
0xbe: {  	s0 =	sadd.s32 $0x8F2B, s0  }
0xbf: {  	[sflag:s0] =	ssyncadd.remote.s32 $0x1  }
0xc0: {  	_ =	sfence.sel $0xFFFF  }
0xc1: {  	[dreg:$0x0] =	wrdreg $0xFFFFFFFF;
	(pc) =	sbr.abs _section_cstart, $3  }
0xc2: {  	[dreg:$0x1] =	wrdreg $0xFFFFFFFF  }
0xc3: {  	_ =	task.clear_ibuf [dreg:s7], $0x2FFFF;
	_ =	strace $0x9FFFFFFF  }
0xc4: {  	(tm) =	ssettm $0x7FFFFFFF  }
0xc5: {  	_ =	shalt  }
tec
execute0_lowered:
.L_overlay_start_1:
0x0: {  	(tag) =	ssettag $0x1  }
0x1: {  	s0 =	srdreg.scid  }
0x2: {  	s22 =	stileid.u32;
	s2 =	rddreg [dreg:$0x0];
	s1 =	simm.s32 $0x0  }
0x3: {  	s28 =	simm.s32 $0x0;
	s7 =	sand.u32 $0x1, s0;
	s4 =	smul.u32 $0xC00, s22  }
0x4: {  	[smem:$0x7FF] =	sst s1;
	s5 =	sadd.s32 $0xB2200, s2;
	s12 =	smul.u32 $0x14000, s22  }
0x5: {  	s17 =	sadd.s32 $0xDD200, s2;
	s0 =	smul.u32 $0xC000, s7;
	s29 =	ssub.s32 $0x2, s7  }
0x6: {  	s13 =	smul.u32 $0x140000, s7;
	s3 =	sshrl.u32 s29, $0x1;
	s6 =	sshrl.u32 s12, $0x3  }
0x7: {  	s11 =	sadd.s32 s4, s0;
	s0 =	ssub.s32 s29, s3;
	s30 =	sadd.s32 s5, s6  }
0x8: {  	s3 =	sor.u32 $0x2000, s12;
	s4 =	sshrl.u32 s4, $0x3;
	s31 =	sadd.s32 s12, s13  }
0x9: {  	s6 =	sadd.s32 $0x8000, s12;
	s29 =	smul.u32 $0x50000, s22;
	[dreg:$0x5] =	wrdreg s30  }
0xa: {  	s8 =	sadd.s32 s13, s3;
	s4 =	sadd.s32 s5, s4;
	s9 =	sshrl.u32 s31, $0x3  }
0xb: {  	s5 =	sadd.s32 $0x6000, s12;
	s11 =	sshrl.u32 s11, $0x3;
	s0 =	smax.u32 s0, $0x1  }
0xc: {  	[dreg:$0x6] =	wrdreg s4;
	s10 =	sshrl.u32 s8, $0x3;
	s4 =	sadd.s32 s17, s9  }
0xd: {  	s9 =	sadd.s32 s13, s5;
	s11 =	sadd.s32 s11, s2;
	s30 =	sshrl.u32 s29, $0x2  }
0xe: {  	[dreg:$0x7] =	wrdreg s4;
	s14 =	sadd.s32 s17, s10;
	s4 =	sadd.s32 $0x4000, s12  }
0xf: {  	s10 =	sadd.s32 s13, s6;
	s16 =	sshrl.u32 s9, $0x3;
	s9 =	sadd.s32 $0xC000, s12  }
0x10: {  	[dreg:$0x8] =	wrdreg s14;
	s15 =	sadd.s32 s13, s4;
	s18 =	sshrl.u32 s10, $0x3  }
0x11: {  	s10 =	sadd.s32 $0xE000, s12;
	s8 =	sshrl.u32 s15, $0x3;
	s19 =	sadd.s32 s17, s18  }
0x12: {  	s15 =	sadd.s32 s13, s9;
	s8 =	sadd.s32 s17, s8;
	[dreg:$0xb] =	wrdreg s19  }
0x13: {  	s20 =	sshrl.u32 s15, $0x3;
	s15 =	sadd.s32 $0x10000, s12;
	[dreg:$0x9] =	wrdreg s8  }
0x14: {  	s8 =	sadd.s32 s17, s16;
	s16 =	sadd.s32 s13, s10;
	s24 =	sadd.s32 s13, s15  }
0x15: {  	[dreg:$0xa] =	wrdreg s8;
	s8 =	sadd.s32 $0xA000, s12;
	s21 =	sshrl.u32 s16, $0x3  }
0x16: {  	s16 =	sadd.s32 $0x12000, s12;
	s12 =	rddreg [dreg:$0x1];
	s18 =	sshrl.u32 s24, $0x3  }
0x17: {  	s14 =	sadd.s32 s13, s8;
	s23 =	sadd.s32 s17, s21;
	s25 =	sadd.s32 s13, s16  }
0x18: {  	s13 =	rddreg [dreg:$0x2];
	s18 =	sadd.s32 s17, s18;
	s21 =	smul.u32 $0x3000, s22  }
0x19: {  	s14 =	sshrl.u32 s14, $0x3;
	[dreg:$0xe] =	wrdreg s23;
	s19 =	sshrl.u32 s25, $0x3  }
0x1a: {  	[dreg:$0xf] =	wrdreg s18;
	s18 =	sadd.s32 $0x2000, s2;
	s14 =	sadd.s32 s17, s14  }
0x1b: {  	v0 =	vimm.s32 $0xEFCDAB89;
	v1 =	vimm.s32 $0x67452301;
	s3 =	sadd.s32 s3, s13;
	[dreg:$0xc] =	wrdreg s14;
	s14 =	sadd.s32 s17, s20  }
0x1c: {  	v2 =	vimm.s32 $0xDCFE98BA;
	v3 =	vimm.s32 $0x54761032;
	v4 =	vimm.s32 $0xBA98FEDC;
	s4 =	sadd.s32 s4, s13;
	s25 =	sadd.s32 s9, s13;
	[dreg:$0xd] =	wrdreg s14  }
0x1d: {  	v5 =	vimm.s32 $0x32107654;
	v6 =	vimm.s32 $0xFEDCBA98;
	v7 =	vimm.s32 $0x76543210;
	s29 =	sadd.s32 s15, s13;
	s17 =	sadd.s32 s17, s19;
	s14 =	rddreg [dreg:$0x3]  }
0x1e: {  	vm0 =	vcmask $0x1F30;
	v0 =	vunpack.c.l.s4.s8 v0;
	v1 =	vunpack.c.l.s4.s8 v1;
	s9 =	simm.s32 $0x14D00;
	s31 =	sshrl.u32 s21, $0x2;
	[dreg:$0x10] =	wrdreg s17  }
0x1f: {  	v2 =	vunpack.c.l.s4.s8 v2;
	v3 =	vunpack.c.l.s4.s8 v3;
	v4 =	vunpack.c.l.s4.s8 v4;
	s20 =	smul.u32 $0x27100, s7;
	_ =	strace $0x80000047;
	[dreg:$0x14] =	wrdreg s3  }
0x20: {  	v5 =	vunpack.c.l.s4.s8 v5;
	v6 =	vunpack.c.l.s4.s8 v6;
	v0 =	vunpack.c.0.s8.s32 v0;
	s7 =	sshll.u32 s7, $0x4;
	s17 =	sadd.s32 s6, s13;
	[dreg:$0x15] =	wrdreg s4  }
0x21: {  	v1 =	vunpack.c.0.s8.s32 v1;
	v2 =	vunpack.c.0.s8.s32 v2;
	v3 =	vunpack.c.0.s8.s32 v3;
	s19 =	sadd.s32 $0xBE00, s2;
	s7 =	sadd.s32 s7, s2;
	[dreg:$0x17] =	wrdreg s17  }
0x22: {  	v7 =	vunpack.c.l.s4.s8 v7;
	v4 =	vunpack.c.0.s8.s32 v4;
	v5 =	vunpack.c.0.s8.s32 v5;
	s6 =	simm.s32 $0x3;
	s26 =	sadd.s32 s20, s2;
	[dreg:$0x19] =	wrdreg s25  }
0x23: {  	v0 =	vcombine.low v1, v0;
	v1 =	vunpack.c.0.s8.s32 v6;
	v2 =	vcombine.low v3, v2;
	s7 =	sadd.s32 $0x15C00, s7;
	s2 =	sadd.s32 s30, s13;
	[dreg:$0x1b] =	wrdreg s29  }
0x24: {  	vm1 =	vcmask $0x2330;
	v3 =	vcombine.low v5, v4;
	v4 =	vunpack.c.0.s8.s32 v7;
	s21 =	sadd.s32 s31, s14;
	s20 =	sadd.s32 s8, s13;
	[dreg:$0x1e] =	wrdreg s0  }
0x25: {  	vm2 =	vcmask $0x2730;
	v5 =	vand.u32 $0xF, v1;
	v1 =	vand.u32 $0xF, v2;
	s30 =	sadd.s32 s16, s13;
	s31 =	sadd.s32 $0xDA200, s11;
	[dreg:$0x11] =	wrdreg s7  }
0x26: {  	v2 =	vand.u32 $0xF, v3;
	v3 =	vcombine.low v5, v4;
	v4 =	vlaneseq.u32;
	s8 =	simm.s32 $0x14C80;
	s11 =	simm.s32 $0x14D80;
	[dreg:$0x18] =	wrdreg s20  }
0x27: {  	vm3 =	vcmask $0x2B30;
	v0 =	vand.u32 $0xF, v0;
	v5 =	vadd.s32 $0x8, v4;
	s16 =	simm.s32 $0x17580;
	s17 =	simm.s32 $0x1;
	[dreg:$0x1c] =	wrdreg s30  }
0x28: {  	v6 =	vadd.s32 $0x18, v4;
	v7 =	vor.u32 $0x10, v4;
	v8 =	vadd.s32 $0x28, v4;
	s25 =	simm.s32 $0x19D80;
	s23 =	sadd.s32 $0x64000, s26;
	[dreg:$0x1d] =	wrdreg s31  }
0x29: {  	v9 =	vor.u32 $0x20, v4;
	v10 =	vadd.s32 $0x38, v4;
	v11 =	vor.u32 $0x30, v4;
	s24 =	sadd.s32 $0x15E00, s26;
	s7 =	sadd.s32 s5, s13;
	[dreg:$0x12] =	wrdreg s2  }
0x2a: {  	v12 =	vadd.s32 $0x48, v4;
	v13 =	vor.u32 $0x40, v4;
	v14 =	vadd.s32 $0x58, v4;
	s26 =	sadd.s32 s10, s13;
	s5 =	smul.u32 $0x4E20, s22;
	[dreg:$0x13] =	wrdreg s21  }
0x2b: {  	v15 =	vor.u32 $0x50, v4;
	v16 =	vadd.s32 $0x68, v4;
	v17 =	vor.u32 $0x60, v4;
	s10 =	simm.s32 $0x50;
	s20 =	simm.s32 $0x2;
	[dreg:$0x16] =	wrdreg s7  }
0x2c: {  	v18 =	vadd.s32 $0x78, v4;
	v19 =	vor.u32 $0x70, v4;
	v20 =	vadd.s32 $0x88, v4;
	[dreg:$0x1a] =	wrdreg s26;
	s7 =	simm.s32 $0x14C00;
	s26 =	simm.s32 $0x1C580  }
.LBB2_1:
0x2d: {  	s0 =	rddreg [dreg:$0x11];
	s3 =	simm.s32 $0x1ED80  }
0x2e: {  	[tilespmem:s3], [sflag:$0x3] =	stream.linear.gather [hbm4b:s0+s1], $0x80, $0x38;
	[tilespmem:$0x1EE00] =	vst v63  }
0x2f: {  	s15 =	stileid.u32;
	_ =	swait.ge [sflag:s6], $0x80  }
0x30: {  	s2 =	sshrl.u32 s2, $0x3;
	s0 =	sshll.u32 s15, $0x6;
	[sflag:s6] =	ssyncset.done $0x0  }
0x31: {  	s0 =	sor.u32 $0x1C03, s0;
	s22 =	rddreg [dreg:$0x5];
	[sflag:s6] =	ssyncadd.s32 $0xFFFFFF80  }
0x32: {  	[spmem:s2], [sflag:s0] =	dma.local [hbm:s22], $0x2800  }
0x33: {  	_ =	swait.ge [sflag:s6], $0x2800  }
0x34: {  	[sflag:s6] =	ssyncset.done $0x0  }
0x35: {  	s30 =	sshrl.u32 s21, $0x3;
	s31 =	rddreg [dreg:$0x6];
	[sflag:s6] =	ssyncadd.s32 $0xFFFFD800  }
0x36: {  	[spmem:s30], [sflag:s0] =	dma.local [hbm:s31], $0x180  }
0x37: {  	_ =	swait.ge [sflag:s6], $0x180  }
0x38: {  	[sflag:s6] =	ssyncset.done $0x0  }
0x39: {  	[sflag:s6] =	ssyncadd.s32 $0xFFFFFE80  }
0x3a: {  	s29 =	simm.s32 $0x0;
	[bflag:$0x0] =	sbarrier.arrive $0xFFFF  }
.LBB2_2:
0x3b: {  	s0 =	smul.u32 $0x50, s29;
	_ =	sdelay $0x1  }
0x3c: {  	s0 =	sadd.s32 s5, s0  }
0x3d: {  	s2 =	sshrl.u32 s0, $0x3  }
0x3e: {  	s4 =	simm.s32 $0x0;
	s3 =	sadd.s32 s12, s2  }
0x3f: {  	[tilespmem:s7], [sflag:$0x3] =	stream.linear.gather [hbm4b:s3+s4], $0x50, $0x38;
	[tilespmem:$0x1EE00] =	vst v63  }
0x40: {  	_ =	swait.ge [sflag:s6], $0x50  }
0x41: {  	[sflag:s6] =	ssyncset.done $0x0  }
0x42: {  	s21 =	sadd.s32 s18, s2;
	[sflag:s6] =	ssyncadd.s32 $0xFFFFFFB0  }
0x43: {  	[tilespmem:s8], [sflag:$0x3] =	stream.linear.gather [hbm4b:s21+s4], $0x50, $0x38;
	[tilespmem:$0x1EE00] =	vst v63  }
0x44: {  	_ =	swait.ge [sflag:s6], $0x50  }
0x45: {  	[sflag:s6] =	ssyncset.done $0x0  }
0x46: {  	s2 =	sadd.s32 s19, s2;
	[sflag:s6] =	ssyncadd.s32 $0xFFFFFFB0  }
0x47: {  	[tilespmem:s9], [sflag:$0x3] =	stream.linear.gather [hbm4b:s2+s4], $0x50, $0x38;
	[tilespmem:$0x1EE00] =	vst v63  }
0x48: {  	_ =	swait.ge [sflag:s6], $0x50  }
0x49: {  	[sflag:s6] =	ssyncset.done $0x0  }
0x4a: {  	[sflag:s6] =	ssyncadd.s32 $0xFFFFFFB0  }
0x4b: {  	[tilespmem:s11], [sflag:$0x1] =	stream.indirect.gather [hbm4b:s23+s10], $0x80, s7, s10, $0xb8;
	[tilespmem:$0x1EE00] =	vst v63  }
0x4c: {  	_ = 	snop  }
0x4d: {  	[tilespmem:s16], [sflag:$0x2] =	stream.indirect.gather [hbm4b:s24+s10], $0x80, s8, s10, $0xb8;
	[tilespmem:$0x1EE00] =	vst v63  }
0x4e: {  	_ =	swait.ge [sflag:s17], $0x2800  }
0x4f: {  	[sflag:s17] =	ssyncset.done $0x0  }
0x50: {  	[sflag:s17] =	ssyncadd.s32 $0xFFFFD800  }
0x51: {  	_ =	swait.ge [sflag:s20], $0x2800  }
0x52: {  	[sflag:s20] =	ssyncset.done $0x0  }
0x53: {  	s30 =	simm.s32 $0x175C0;
	[sflag:s20] =	ssyncadd.s32 $0xFFFFD800  }
0x54: {  	v21 =	vld [tilespmem:s30+$0xFFFFFFD0]  }
0x55: {  	s31 =	simm.s32 $0x14DC0;
	v22 =	vld [tilespmem:s30+$0xFFFFFFC0]  }
0x56: {  	v23 =	vld [tilespmem:s31+$0xFFFFFFD0]  }
0x57: {  	v24 =	vld [tilespmem:s31+$0xFFFFFFC0];
	_ =	sdelay $0x4  }
0x58: {  	v21 =	vadd.f32 v21, v23;
	v22 =	vadd.f32 v22, v24  }
0x59: {  	v25 =	vld [tilespmem:$0x1ED90]  }
0x5a: {  	v27 =	vld [tilespmem:$0x1ED80];
	v26 =	vmin.f32 v21, $0.0e+00;
	v28 =	vmin.f32 v22, $0.0e+00  }
0x5b: {  	v26 =	vmul.f32 $2.000000030e-01, v26;
	v28 =	vmul.f32 $2.000000030e-01, v28  }
0x5c: {  	v21 =	vmax.f32 v21, $0.0e+00;
	v22 =	vmax.f32 v22, $0.0e+00  }
0x5d: {  	v21 =	vadd.f32 v26, v21;
	v22 =	vadd.f32 v28, v22;
	_ =	sdelay $0x1  }
0x5e: {  	v22 =	vmul.f32 v22, v27;
	v21 =	vmul.f32 v21, v25;
	_ =	sdelay $0x1  }
0x5f: {  	v21 =	vadd.f32 v21, v22;
	_ =	sdelay $0x1  }
0x60: {  	v22 =	vperm.xlane v21, v0;
	_ =	sdelay $0x1  }
0x61: {  	v21 =	vadd.f32 v21, v22;
	_ =	sdelay $0x1  }
0x62: {  	v22 =	vperm.xlane v21, v1;
	_ =	sdelay $0x1  }
0x63: {  	v21 =	vadd.f32 v21, v22;
	_ =	sdelay $0x1  }
0x64: {  	v22 =	vperm.xlane v21, v2;
	_ =	sdelay $0x1  }
0x65: {  	v21 =	vadd.f32 v21, v22;
	_ =	sdelay $0x1  }
0x66: {  	v22 =	vperm.xlane v21, v3;
	_ =	sdelay $0x1  }
0x67: {  	v21 =	vadd.f32 v21, v22;
	_ =	sdelay $0x1  }
0x68: {  	v21 =	vmul.f32 $1.442695020e+00, v21;
	_ =	sdelay $0x1  }
0x69: {  	(erf) = vpow2.f32 v21;
	_ =	sdelay $0x8  }
0x6a: {  	v21 =	vpop (erf)  }
0x6b: {  	v22 =	vmul.f32 v21, v24  }
0x6c: {  	s15 =	simm.s32 $0x19DC0;
	s22 =	sand.u32 $0x70, s4;
	v23 =	vmul.f32 v21, v23  }
0x6d: {  	v24 =	vld [tilespmem:s22+$0x14C80];
	[tilespmem:s15+$0xFFFFFFC0] =	vst v22  }
0x6e: {  	[tilespmem:s15+$0xFFFFFFD0] =	vst v23  }
0x6f: {  	v22 =	vld [tilespmem:s30+$0xFFFFFFF0]  }
0x70: {  	v23 =	vld [tilespmem:s30+$0xFFFFFFE0]  }
0x71: {  	v25 =	vld [tilespmem:s31+$0xFFFFFFE0]  }
0x72: {  	v26 =	vld [tilespmem:s31+$0xFFFFFFF0];
	_ =	sdelay $0x4  }
0x73: {  	v23 =	vadd.f32 v23, v25;
	v22 =	vadd.f32 v22, v26  }
0x74: {  	v27 =	vld [tilespmem:$0x1EDA0]  }
0x75: {  	v29 =	vld [tilespmem:$0x1EDB0];
	v28 =	vmin.f32 v23, $0.0e+00;
	v30 =	vmin.f32 v22, $0.0e+00  }
0x76: {  	v28 =	vmul.f32 $2.000000030e-01, v28;
	v30 =	vmul.f32 $2.000000030e-01, v30  }
0x77: {  	v23 =	vmax.f32 v23, $0.0e+00;
	v22 =	vmax.f32 v22, $0.0e+00  }
0x78: {  	v23 =	vadd.f32 v28, v23;
	v22 =	vadd.f32 v30, v22;
	_ =	sdelay $0x1  }
0x79: {  	v23 =	vmul.f32 v23, v27;
	v22 =	vmul.f32 v22, v29;
	_ =	sdelay $0x1  }
0x7a: {  	v22 =	vadd.f32 v22, v23;
	_ =	sdelay $0x1  }
0x7b: {  	v23 =	vperm.xlane v22, v0;
	_ =	sdelay $0x1  }
0x7c: {  	v22 =	vadd.f32 v22, v23;
	_ =	sdelay $0x1  }
0x7d: {  	v23 =	vperm.xlane v22, v1;
	_ =	sdelay $0x1  }
0x7e: {  	v22 =	vadd.f32 v22, v23;
	_ =	sdelay $0x1  }
0x7f: {  	v23 =	vperm.xlane v22, v2;
	_ =	sdelay $0x1  }
0x80: {  	v22 =	vadd.f32 v22, v23;
	_ =	sdelay $0x1  }
0x81: {  	v23 =	vperm.xlane v22, v3;
	_ =	sdelay $0x1  }
0x82: {  	v22 =	vadd.f32 v22, v23;
	_ =	sdelay $0x1  }
0x83: {  	v22 =	vmul.f32 $1.442695020e+00, v22;
	_ =	sdelay $0x1  }
0x84: {  	(erf) = vpow2.f32 v22;
	_ =	sdelay $0x8  }
0x85: {  	v27 =	vpop (erf)  }
0x86: {  	v22 =	vmul.f32 v27, v25  }
0x87: {  	v23 =	vmul.f32 v27, v26  }
0x88: {  	[tilespmem:s15+$0xFFFFFFE0] =	vst v22  }
0x89: {  	[tilespmem:s15+$0xFFFFFFF0] =	vst v23  }
0x8a: {  	v22 =	vld [tilespmem:s30+$0x10]  }
0x8b: {  	v23 =	vld [tilespmem:s30+$0x0]  }
0x8c: {  	v25 =	vld [tilespmem:s31+$0x10]  }
0x8d: {  	v26 =	vld [tilespmem:s31+$0x0];
	_ =	sdelay $0x4  }
0x8e: {  	v22 =	vadd.f32 v22, v25;
	v23 =	vadd.f32 v23, v26  }
0x8f: {  	v28 =	vld [tilespmem:$0x1EDD0]  }
0x90: {  	v30 =	vld [tilespmem:$0x1EDC0];
	v29 =	vmin.f32 v22, $0.0e+00;
	v31 =	vmin.f32 v23, $0.0e+00  }
0x91: {  	v29 =	vmul.f32 $2.000000030e-01, v29;
	v31 =	vmul.f32 $2.000000030e-01, v31  }
0x92: {  	v22 =	vmax.f32 v22, $0.0e+00;
	v23 =	vmax.f32 v23, $0.0e+00  }
0x93: {  	v22 =	vadd.f32 v29, v22;
	v23 =	vadd.f32 v31, v23;
	_ =	sdelay $0x1  }
0x94: {  	v23 =	vmul.f32 v23, v30;
	v22 =	vmul.f32 v22, v28;
	_ =	sdelay $0x1  }
0x95: {  	v22 =	vadd.f32 v22, v23;
	_ =	sdelay $0x1  }
0x96: {  	v23 =	vperm.xlane v22, v0;
	_ =	sdelay $0x1  }
0x97: {  	v22 =	vadd.f32 v22, v23;
	_ =	sdelay $0x1  }
0x98: {  	v23 =	vperm.xlane v22, v1;
	_ =	sdelay $0x1  }
0x99: {  	v22 =	vadd.f32 v22, v23;
	_ =	sdelay $0x1  }
0x9a: {  	v23 =	vperm.xlane v22, v2;
	_ =	sdelay $0x1  }
0x9b: {  	v22 =	vadd.f32 v22, v23;
	_ =	sdelay $0x1  }
0x9c: {  	v23 =	vperm.xlane v22, v3;
	_ =	sdelay $0x1  }
0x9d: {  	v22 =	vadd.f32 v22, v23;
	_ =	sdelay $0x1  }
0x9e: {  	v22 =	vmul.f32 $1.442695020e+00, v22;
	_ =	sdelay $0x1  }
0x9f: {  	(erf) = vpow2.f32 v22;
	_ =	sdelay $0x8  }
0xa0: {  	v35 =	vpop (erf)  }
0xa1: {  	v22 =	vmul.f32 v35, v26  }
0xa2: {  	v23 =	vmul.f32 v35, v25  }
0xa3: {  	[tilespmem:s15+$0x0] =	vst v22  }
0xa4: {  	[tilespmem:s15+$0x10] =	vst v23  }
0xa5: {  	v22 =	vld [tilespmem:s30+$0x20]  }
0xa6: {  	v23 =	vld [tilespmem:s30+$0x30]  }
0xa7: {  	v36 =	vld [tilespmem:s31+$0x30]  }
0xa8: {  	v37 =	vld [tilespmem:s31+$0x20];
	_ =	sdelay $0x4  }
0xa9: {  	v23 =	vadd.f32 v23, v36;
	v22 =	vadd.f32 v22, v37  }
0xaa: {  	v25 =	vld [tilespmem:$0x1EDF0]  }
0xab: {  	v28 =	vld [tilespmem:$0x1EDE0];
	v26 =	vmin.f32 v23, $0.0e+00;
	v29 =	vmin.f32 v22, $0.0e+00  }
0xac: {  	v26 =	vmul.f32 $2.000000030e-01, v26;
	v29 =	vmul.f32 $2.000000030e-01, v29  }
0xad: {  	v23 =	vmax.f32 v23, $0.0e+00;
	v22 =	vmax.f32 v22, $0.0e+00  }
0xae: {  	v23 =	vadd.f32 v26, v23;
	v22 =	vadd.f32 v29, v22;
	_ =	sdelay $0x1  }
0xaf: {  	v23 =	vmul.f32 v23, v25;
	v22 =	vmul.f32 v22, v28;
	_ =	sdelay $0x1  }
0xb0: {  	v22 =	vadd.f32 v23, v22;
	_ =	sdelay $0x1  }
0xb1: {  	v23 =	vperm.xlane v22, v0;
	_ =	sdelay $0x1  }
0xb2: {  	v22 =	vadd.f32 v22, v23;
	_ =	sdelay $0x1  }
0xb3: {  	v23 =	vperm.xlane v22, v1;
	_ =	sdelay $0x1  }
0xb4: {  	v22 =	vadd.f32 v22, v23;
	_ =	sdelay $0x1  }
0xb5: {  	v23 =	vmov s4;
	v25 =	vperm.xlane v22, v2  }
0xb6: {  	v23 =	vperm.xlane v24, v23  }
0xb7: {  	v22 =	vadd.f32 v22, v25  }
0xb8: {  	v23 =	vshll.u32 v23, $0x2  }
0xb9: {  	v29 =	vand.u32 $0x7C, v23;
	v24 =	vperm.xlane v22, v3  }
0xba: {  	v28 =	vsub.s32 v18, v23;
	v25 =	vsub.s32 v4, v29;
	vm5 =	vlt.s32 v5, v29  }
0xbb: {  	vm4 =	vlt.s32 v6, v29;
	vm6 =	vlt.s32 v12, v29;
	v22 =	vadd.f32 v22, v24  }
0xbc: {  	v30 =	vsub.s32 v19, v29;
	v32 =	vsub.s32 v7, v29;
	v33 =	vsub.s32 v9, v29  }
0xbd: {  	vm7 =	vlt.s32 v18, v29;
	v24 =	vsub.s32 v20, v23;
	v38 =	vmul.f32 $1.442695020e+00, v22  }
0xbe: {  	s0 =	simm.s32 $0x1C5C0;
	v34 =	vsub.s32 v13, v29;
	v31 =	vsub.s32 v15, v29;
	v26 =	vsel vm7, v24, v28  }
0xbf: {  	s3 =	simm.s32 $0x1;
	s2 =	simm.s32 $0x19DC0;
	s4 =	simm.s32 $0x1C640;
	v24 =	vsub.s32 v17, v29;
	v22 =	vsub.s32 v11, v29;
	(erf) = vpow2.f32 v38  }
.LBB2_3:
0xc0: {  	v21 =	vsel vm0, $0x0, v21;
	s31 =	sadd.s32 $0x80, s31;
	s30 =	sadd.s32 $0x80, s30;
	s15 =	sadd.s32 $0x80, s15  }
0xc1: {  	p0 =	sne.s32 s3, $0x4F;
	vm11 =	vlt.s32 v10, v29;
	vm8 =	vlt.u32 v34, $0x4;
	vm7 =	vlt.u32 v31, $0x4;
	s21 =	smov.u32 s3;
	s3 =	sadd.s32 $0x1, s3  }
0xc2: {  	vm9 =	vlt.u32 v32, $0x4;
	vm10 =	vlt.u32 v33, $0x4;
	vm12 =	vlt.s32 v8, v29  }
0xc3: {  	vm13 =	vlt.s32 v14, v29;
	v31 =	vsub.s32 v16, v23;
	vm14 =	vlt.s32 v16, v29  }
0xc4: {  	v29 =	vsub.s32 v12, v23;
	v32 =	vsub.s32 v14, v23;
	v28 =	vsel vm14, v28, v31  }
0xc5: {  	v33 =	vsel vm6, v32, v29;
	v31 =	vsel vm13, v31, v32;
	vm6 =	vlt.u32 v30, $0x4  }
0xc6: {  	vm13 =	vlt.u32 v25, $0x4;
	v25 =	vsub.s32 v8, v23;
	v30 =	vsub.s32 v10, v23  }
0xc7: {  	v21 =	vsel vm1, v21, v27;
	v27 =	vsub.s32 v5, v23;
	v23 =	vsub.s32 v6, v23  }
0xc8: {  	v21 =	vsel vm2, v21, v35;
	v27 =	vsel vm5, v23, v27;
	v23 =	vsel vm4, v25, v23;
	v32 =	vpop (erf)  }
0xc9: {  	v34 =	vmul.f32 v32, v37;
	v35 =	vmul.f32 v32, v36;
	v21 =	vsel vm3, v21, v32  }
0xca: {  	v25 =	vsel vm12, v30, v25;
	v27 =	vperm.xlane v21, v27;
	v26 =	vperm.xlane v21, v26  }
0xcb: {  	v29 =	vsel vm11, v29, v30;
	v23 =	vperm.xlane v21, v23;
	v25 =	vperm.xlane v21, v25;
	[tilespmem:s2+$0x20] =	vst v34  }
0xcc: {  	v30 =	vperm.xlane v21, v33;
	[tilespmem:s2+$0x30] =	vst v35;
	v27 =	vnsel vm13, $0x0, v27;
	v26 =	vnsel vm6, $0x0, v26;
	s2 =	smov.u32 s15  }
0xcd: {  	v23 =	vnsel vm9, $0x0, v23;
	v25 =	vnsel vm10, $0x0, v25;
	[tilespmem:s0+$0xFFFFFFC0] =	vst v27;
	v27 =	vperm.xlane v21, v31  }
0xce: {  	v29 =	vperm.xlane v21, v29;
	v30 =	vnsel vm8, $0x0, v30;
	v21 =	vperm.xlane v21, v28;
	[tilespmem:s0+$0x30] =	vst v26  }
0xcf: {  	vm4 =	vlt.u32 v22, $0x4;
	vm5 =	vlt.u32 v24, $0x4;
	[tilespmem:s0+$0x0] =	vst v30;
	v22 =	vnsel vm7, $0x0, v27  }
0xd0: {  	v21 =	vnsel vm5, $0x0, v21;
	[tilespmem:s0+$0xFFFFFFD0] =	vst v23;
	v23 =	vnsel vm4, $0x0, v29  }
0xd1: {  	[tilespmem:s0+$0x20] =	vst v21  }
0xd2: {  	[tilespmem:s0+$0xFFFFFFE0] =	vst v25  }
0xd3: {  	[tilespmem:s0+$0xFFFFFFF0] =	vst v23  }
0xd4: {  	[tilespmem:s0+$0x10] =	vst v22;
	s0 =	smov.u32 s4  }
0xd5: {  	v21 =	vld [tilespmem:s30+$0xFFFFFFD0]  }
0xd6: {  	v22 =	vld [tilespmem:s30+$0xFFFFFFC0]  }
0xd7: {  	v23 =	vld [tilespmem:s31+$0xFFFFFFD0]  }
0xd8: {  	v24 =	vld [tilespmem:s31+$0xFFFFFFC0];
	_ =	sdelay $0x3  }
0xd9: {  	v21 =	vadd.f32 v21, v23  }
0xda: {  	v22 =	vadd.f32 v22, v24  }
0xdb: {  	v25 =	vld [tilespmem:$0x1ED90];
	v26 =	vmin.f32 v21, $0.0e+00  }
0xdc: {  	v27 =	vld [tilespmem:$0x1ED80];
	v28 =	vmin.f32 v22, $0.0e+00;
	v26 =	vmul.f32 $2.000000030e-01, v26  }
0xdd: {  	v21 =	vmax.f32 v21, $0.0e+00;
	v28 =	vmul.f32 $2.000000030e-01, v28  }
0xde: {  	v22 =	vmax.f32 v22, $0.0e+00;
	v21 =	vadd.f32 v26, v21  }
0xdf: {  	v22 =	vadd.f32 v28, v22;
	_ =	sdelay $0x1  }
0xe0: {  	v21 =	vmul.f32 v21, v25;
	v22 =	vmul.f32 v22, v27;
	_ =	sdelay $0x1  }
0xe1: {  	v21 =	vadd.f32 v21, v22;
	_ =	sdelay $0x1  }
0xe2: {  	v22 =	vperm.xlane v21, v0;
	_ =	sdelay $0x1  }
0xe3: {  	v21 =	vadd.f32 v21, v22;
	_ =	sdelay $0x1  }
0xe4: {  	v22 =	vperm.xlane v21, v1;
	_ =	sdelay $0x1  }
0xe5: {  	v21 =	vadd.f32 v21, v22;
	_ =	sdelay $0x1  }
0xe6: {  	v22 =	vperm.xlane v21, v2;
	_ =	sdelay $0x1  }
0xe7: {  	v21 =	vadd.f32 v21, v22;
	_ =	sdelay $0x1  }
0xe8: {  	v22 =	vperm.xlane v21, v3;
	_ =	sdelay $0x1  }
0xe9: {  	v21 =	vadd.f32 v21, v22;
	_ =	sdelay $0x1  }
0xea: {  	v21 =	vmul.f32 $1.442695020e+00, v21;
	_ =	sdelay $0x1  }
0xeb: {  	(erf) = vpow2.f32 v21;
	_ =	sdelay $0x8  }
0xec: {  	v21 =	vpop (erf)  }
0xed: {  	s22 =	sand.u32 $0x70, s21;
	v22 =	vmul.f32 v21, v24;
	v23 =	vmul.f32 v21, v23  }
0xee: {  	v24 =	vld [tilespmem:s22+$0x14C80]  }
0xef: {  	[tilespmem:s15+$0xFFFFFFC0] =	vst v22  }
0xf0: {  	[tilespmem:s15+$0xFFFFFFD0] =	vst v23  }
0xf1: {  	v22 =	vld [tilespmem:s30+$0xFFFFFFF0]  }
0xf2: {  	v23 =	vmov s21;
	v26 =	vld [tilespmem:s30+$0xFFFFFFE0]  }
0xf3: {  	v23 =	vperm.xlane v24, v23;
	v35 =	vld [tilespmem:s31+$0xFFFFFFE0]  }
0xf4: {  	v36 =	vld [tilespmem:s31+$0xFFFFFFF0]  }
0xf5: {  	v23 =	vshll.u32 v23, $0x2  }
0xf6: {  	v29 =	vand.u32 $0x7C, v23;
	v28 =	vsub.s32 v18, v23  }
0xf7: {  	v25 =	vsub.s32 v4, v29;
	vm5 =	vlt.s32 v5, v29;
	vm4 =	vlt.s32 v6, v29  }
0xf8: {  	vm6 =	vlt.s32 v12, v29;
	v30 =	vsub.s32 v19, v29;
	v24 =	vadd.f32 v26, v35  }
0xf9: {  	v32 =	vsub.s32 v7, v29;
	v33 =	vsub.s32 v9, v29;
	v22 =	vadd.f32 v22, v36  }
0xfa: {  	v31 =	vsub.s32 v20, v23;
	vm7 =	vlt.s32 v18, v29;
	v27 =	vld [tilespmem:$0x1EDA0];
	v26 =	vmin.f32 v24, $0.0e+00  }
0xfb: {  	v37 =	vmul.f32 $2.000000030e-01, v26;
	v38 =	vld [tilespmem:$0x1EDB0];
	v34 =	vmin.f32 v22, $0.0e+00;
	v26 =	vsel vm7, v31, v28  }
0xfc: {  	v24 =	vmax.f32 v24, $0.0e+00;
	v39 =	vmul.f32 $2.000000030e-01, v34;
	v34 =	vsub.s32 v13, v29  }
0xfd: {  	v22 =	vmax.f32 v22, $0.0e+00;
	v31 =	vsub.s32 v15, v29;
	v37 =	vadd.f32 v37, v24  }
0xfe: {  	v24 =	vsub.s32 v17, v29;
	v39 =	vadd.f32 v39, v22;
	v22 =	vsub.s32 v11, v29  }
0xff: {  	v27 =	vmul.f32 v37, v27  }
0x100: {  	v37 =	vmul.f32 v39, v38;
	_ =	sdelay $0x1  }
0x101: {  	v27 =	vadd.f32 v37, v27;
	_ =	sdelay $0x1  }
0x102: {  	v37 =	vperm.xlane v27, v0;
	_ =	sdelay $0x1  }
0x103: {  	v27 =	vadd.f32 v27, v37;
	_ =	sdelay $0x1  }
0x104: {  	v37 =	vperm.xlane v27, v1;
	_ =	sdelay $0x1  }
0x105: {  	v27 =	vadd.f32 v27, v37;
	_ =	sdelay $0x1  }
0x106: {  	v37 =	vperm.xlane v27, v2;
	_ =	sdelay $0x1  }
0x107: {  	v27 =	vadd.f32 v27, v37;
	_ =	sdelay $0x1  }
0x108: {  	v37 =	vperm.xlane v27, v3;
	_ =	sdelay $0x1  }
0x109: {  	v27 =	vadd.f32 v27, v37;
	_ =	sdelay $0x1  }
0x10a: {  	v27 =	vmul.f32 $1.442695020e+00, v27;
	_ =	sdelay $0x1  }
0x10b: {  	(erf) = vpow2.f32 v27;
	_ =	sdelay $0x8  }
0x10c: {  	v27 =	vpop (erf)  }
0x10d: {  	v35 =	vmul.f32 v27, v35;
	v36 =	vmul.f32 v27, v36;
	_ =	sdelay $0x1  }
0x10e: {  	[tilespmem:s15+$0xFFFFFFE0] =	vst v35  }
0x10f: {  	[tilespmem:s15+$0xFFFFFFF0] =	vst v36  }
0x110: {  	v35 =	vld [tilespmem:s30+$0x10]  }
0x111: {  	v36 =	vld [tilespmem:s30+$0x0]  }
0x112: {  	v37 =	vld [tilespmem:s31+$0x10]  }
0x113: {  	v38 =	vld [tilespmem:s31+$0x0];
	_ =	sdelay $0x3  }
0x114: {  	v35 =	vadd.f32 v35, v37  }
0x115: {  	v36 =	vadd.f32 v36, v38  }
0x116: {  	v39 =	vld [tilespmem:$0x1EDD0];
	v40 =	vmin.f32 v35, $0.0e+00  }
0x117: {  	v41 =	vld [tilespmem:$0x1EDC0];
	v42 =	vmin.f32 v36, $0.0e+00;
	v40 =	vmul.f32 $2.000000030e-01, v40  }
0x118: {  	v35 =	vmax.f32 v35, $0.0e+00;
	v42 =	vmul.f32 $2.000000030e-01, v42  }
0x119: {  	v36 =	vmax.f32 v36, $0.0e+00;
	v35 =	vadd.f32 v40, v35  }
0x11a: {  	v36 =	vadd.f32 v42, v36;
	_ =	sdelay $0x1  }
0x11b: {  	v35 =	vmul.f32 v35, v39;
	v36 =	vmul.f32 v36, v41;
	_ =	sdelay $0x1  }
0x11c: {  	v35 =	vadd.f32 v35, v36;
	_ =	sdelay $0x1  }
0x11d: {  	v36 =	vperm.xlane v35, v0;
	_ =	sdelay $0x1  }
0x11e: {  	v35 =	vadd.f32 v35, v36;
	_ =	sdelay $0x1  }
0x11f: {  	v36 =	vperm.xlane v35, v1;
	_ =	sdelay $0x1  }
0x120: {  	v35 =	vadd.f32 v35, v36;
	_ =	sdelay $0x1  }
0x121: {  	v36 =	vperm.xlane v35, v2;
	_ =	sdelay $0x1  }
0x122: {  	v35 =	vadd.f32 v35, v36;
	_ =	sdelay $0x1  }
0x123: {  	v36 =	vperm.xlane v35, v3;
	_ =	sdelay $0x1  }
0x124: {  	v35 =	vadd.f32 v35, v36;
	_ =	sdelay $0x1  }
0x125: {  	v35 =	vmul.f32 $1.442695020e+00, v35;
	_ =	sdelay $0x1  }
0x126: {  	(erf) = vpow2.f32 v35;
	_ =	sdelay $0x8  }
0x127: {  	v35 =	vpop (erf)  }
0x128: {  	v36 =	vmul.f32 v35, v38;
	v37 =	vmul.f32 v35, v37;
	_ =	sdelay $0x1  }
0x129: {  	[tilespmem:s15+$0x0] =	vst v36;
	_ =	sdelay $0x1  }
0x12a: {  	[tilespmem:s15+$0x10] =	vst v37  }
0x12b: {  	v38 =	vld [tilespmem:s30+$0x20]  }
0x12c: {  	v39 =	vld [tilespmem:s30+$0x30]  }
0x12d: {  	v36 =	vld [tilespmem:s31+$0x30]  }
0x12e: {  	v37 =	vld [tilespmem:s31+$0x20];
	_ =	sdelay $0x3  }
0x12f: {  	v39 =	vadd.f32 v39, v36  }
0x130: {  	v38 =	vadd.f32 v38, v37  }
0x131: {  	v40 =	vld [tilespmem:$0x1EDF0];
	v41 =	vmin.f32 v39, $0.0e+00  }
0x132: {  	v42 =	vld [tilespmem:$0x1EDE0];
	v43 =	vmin.f32 v38, $0.0e+00;
	v41 =	vmul.f32 $2.000000030e-01, v41  }
0x133: {  	v39 =	vmax.f32 v39, $0.0e+00;
	v43 =	vmul.f32 $2.000000030e-01, v43  }
0x134: {  	v38 =	vmax.f32 v38, $0.0e+00;
	v39 =	vadd.f32 v41, v39  }
0x135: {  	v38 =	vadd.f32 v43, v38  }
0x136: {  	v39 =	vmul.f32 v39, v40  }
0x137: {  	v38 =	vmul.f32 v38, v42;
	_ =	sdelay $0x1  }
0x138: {  	v38 =	vadd.f32 v39, v38;
	_ =	sdelay $0x1  }
0x139: {  	v39 =	vperm.xlane v38, v0;
	_ =	sdelay $0x1  }
0x13a: {  	v38 =	vadd.f32 v38, v39;
	_ =	sdelay $0x1  }
0x13b: {  	v39 =	vperm.xlane v38, v1;
	_ =	sdelay $0x1  }
0x13c: {  	v38 =	vadd.f32 v38, v39;
	_ =	sdelay $0x1  }
0x13d: {  	v39 =	vperm.xlane v38, v2;
	_ =	sdelay $0x1  }
0x13e: {  	v38 =	vadd.f32 v38, v39;
	_ =	sdelay $0x1  }
0x13f: {  	v39 =	vperm.xlane v38, v3;
	_ =	sdelay $0x1  }
.Ltmp0:
0x140: {  	v38 =	vadd.f32 v38, v39;
	(pc) =	sbr.rel @p0 .LBB2_3-.Ltmp0, $3  }
0x141: {  	_ = 	snop  }
0x142: {  	v38 =	vmul.f32 $1.442695020e+00, v38;
	_ =	sdelay $0x1  }
0x143: {  	s4 =	sadd.s32 $0x80, s4;
	(erf) = vpow2.f32 v38  }
0x144: {  	_ =	sdelay $0x2  }
0x145: {  	v21 =	vsel vm0, $0x0, v21;
	vm8 =	vlt.s32 v10, v29;
	vm11 =	vlt.u32 v34, $0x4  }
0x146: {  	vm9 =	vlt.u32 v32, $0x4;
	vm7 =	vlt.u32 v33, $0x4;
	vm12 =	vlt.s32 v8, v29  }
0x147: {  	vm10 =	vlt.s32 v14, v29;
	v48 =	vsub.s32 v16, v23;
	vm13 =	vlt.s32 v16, v29  }
0x148: {  	v49 =	vsub.s32 v12, v23;
	v50 =	vsub.s32 v14, v23;
	vm15 =	vlt.u32 v30, $0x4  }
0x149: {  	v52 =	vsub.s32 v5, v23;
	v53 =	vsub.s32 v6, v23;
	v21 =	vsel vm1, v21, v27  }
0x14a: {  	v56 =	vsub.s32 v8, v23;
	v23 =	vsub.s32 v10, v23;
	v21 =	vsel vm2, v21, v35;
	v54 =	vpop (erf)  }
0x14b: {  	v27 =	vsel vm5, v53, v52;
	v37 =	vmul.f32 v54, v37;
	v21 =	vsel vm3, v21, v54  }
0x14c: {  	v28 =	vsel vm13, v28, v48;
	v55 =	vmul.f32 v54, v36;
	v27 =	vperm.xlane v21, v27  }
0x14d: {  	v51 =	vsel vm6, v50, v49;
	vm5 =	vlt.u32 v25, $0x4;
	v26 =	vperm.xlane v21, v26;
	[tilespmem:s2+$0x20] =	vst v37  }
0x14e: {  	v30 =	vsel vm4, v56, v53;
	v58 =	vperm.xlane v21, v51;
	[tilespmem:s2+$0x30] =	vst v55;
	v57 =	vnsel vm5, $0x0, v27  }
0x14f: {  	v59 =	vsel vm12, v23, v56;
	v30 =	vperm.xlane v21, v30;
	v26 =	vnsel vm15, $0x0, v26;
	[tilespmem:s0+$0xFFFFFFC0] =	vst v57  }
0x150: {  	v23 =	vsel vm8, v49, v23;
	v28 =	vperm.xlane v21, v28;
	v27 =	vnsel vm11, $0x0, v58;
	[tilespmem:s0+$0x30] =	vst v26  }
0x151: {  	vm4 =	vlt.u32 v24, $0x4;
	v60 =	vperm.xlane v21, v59;
	v61 =	vnsel vm9, $0x0, v30;
	[tilespmem:s0+$0x0] =	vst v27  }
0x152: {  	v62 =	vsel vm10, v48, v50;
	v23 =	vperm.xlane v21, v23;
	v63 =	vnsel vm4, $0x0, v28;
	[tilespmem:s0+$0xFFFFFFD0] =	vst v61  }
0x153: {  	v21 =	vperm.xlane v21, v62;
	v25 =	vnsel vm7, $0x0, v60;
	vm4 =	vlt.u32 v22, $0x4;
	[tilespmem:s0+$0x20] =	vst v63  }
0x154: {  	vm5 =	vlt.u32 v31, $0x4;
	v22 =	vnsel vm4, $0x0, v23;
	[tilespmem:s0+$0xFFFFFFE0] =	vst v25  }
0x155: {  	v21 =	vnsel vm5, $0x0, v21;
	[tilespmem:s0+$0xFFFFFFF0] =	vst v22  }
0x156: {  	[tilespmem:s0+$0x10] =	vst v21  }
0x157: {  	[spmem:s13] =	stream.indirect.scatter.add.f32 [tilespmem:s25], [sflag:$0x3], $0x80, s8, s10, $0xb8;
	[tilespmem:$0x1EE00] =	vst v63  }
0x158: {  	s29 =	sadd.s32 $0x1, s29;
	_ =	swait.ge [sflag:s6], $0x2800  }
0x159: {  	p0 =	sne.s32 s29, $0xFA;
	[sflag:s6] =	ssyncset.done $0x0  }
.Ltmp1:
0x15a: {  	[sflag:s6] =	ssyncadd.s32 $0xFFFFD800;
	(pc) =	sbr.rel @p0 .LBB2_2-.Ltmp1, $4  }
0x15b: {  	[spmem:s14] =	stream.indirect.scatter.add.f32 [tilespmem:s26], [sflag:$0x3], $0x80, s9, s10, $0xb8;
	[tilespmem:$0x1EE00] =	vst v63  }
0x15c: {  	_ =	swait.ge [sflag:s6], $0x2800  }
0x15d: {  	[sflag:s6] =	ssyncset.done $0x0  }
0x15e: {  	[sflag:s6] =	ssyncadd.s32 $0xFFFFD800  }
0x15f: {  	[bflag:$0x0] =	sbarrier.arrive $0xFFFF  }
0x160: {  	s2 =	rddreg [dreg:$0x12]  }
0x161: {  	[tilespmem:s25], [sflag:$0x3] =	stream.linear.gather [spmem:s2], $0x2000, $0x38;
	[tilespmem:$0x1EE00] =	vst v63  }
0x162: {  	_ =	swait.ge [sflag:s6], $0x2000  }
0x163: {  	[sflag:s6] =	ssyncset.done $0x0  }
0x164: {  	s0 =	rddreg [dreg:$0x7];
	[sflag:s6] =	ssyncadd.s32 $0xFFFFE000  }
0x165: {  	[hbm4b:s0+s1] =	stream.linear.scatter [tilespmem:s25], [sflag:$0x3], $0x2000, $0x38;
	[tilespmem:$0x1EE00] =	vst v63  }
0x166: {  	_ =	swait.ge [sflag:s6], $0x2000  }
0x167: {  	[sflag:s6] =	ssyncset.done $0x0  }
0x168: {  	s22 =	rddreg [dreg:$0x14];
	[sflag:s6] =	ssyncadd.s32 $0xFFFFE000  }
0x169: {  	[tilespmem:s25], [sflag:$0x3] =	stream.linear.gather [spmem:s22], $0x2000, $0x38;
	[tilespmem:$0x1EE00] =	vst v63  }
0x16a: {  	_ =	swait.ge [sflag:s6], $0x2000  }
0x16b: {  	[sflag:s6] =	ssyncset.done $0x0  }
0x16c: {  	s29 =	rddreg [dreg:$0x8];
	[sflag:s6] =	ssyncadd.s32 $0xFFFFE000  }
0x16d: {  	[hbm4b:s29+s1] =	stream.linear.scatter [tilespmem:s25], [sflag:$0x3], $0x2000, $0x38;
	[tilespmem:$0x1EE00] =	vst v63  }
0x16e: {  	_ =	swait.ge [sflag:s6], $0x2000  }
0x16f: {  	[sflag:s6] =	ssyncset.done $0x0  }
0x170: {  	s30 =	rddreg [dreg:$0x15];
	[sflag:s6] =	ssyncadd.s32 $0xFFFFE000  }
0x171: {  	[tilespmem:s25], [sflag:$0x3] =	stream.linear.gather [spmem:s30], $0x2000, $0x38;
	[tilespmem:$0x1EE00] =	vst v63  }
0x172: {  	_ =	swait.ge [sflag:s6], $0x2000  }
0x173: {  	[sflag:s6] =	ssyncset.done $0x0  }
0x174: {  	s31 =	rddreg [dreg:$0x9];
	[sflag:s6] =	ssyncadd.s32 $0xFFFFE000  }
0x175: {  	[hbm4b:s31+s1] =	stream.linear.scatter [tilespmem:s25], [sflag:$0x3], $0x2000, $0x38;
	[tilespmem:$0x1EE00] =	vst v63  }
0x176: {  	_ =	swait.ge [sflag:s6], $0x2000  }
0x177: {  	[sflag:s6] =	ssyncset.done $0x0  }
0x178: {  	s3 =	rddreg [dreg:$0x16];
	[sflag:s6] =	ssyncadd.s32 $0xFFFFE000  }
0x179: {  	[tilespmem:s25], [sflag:$0x3] =	stream.linear.gather [spmem:s3], $0x2000, $0x38;
	[tilespmem:$0x1EE00] =	vst v63  }
0x17a: {  	_ =	swait.ge [sflag:s6], $0x2000  }
0x17b: {  	[sflag:s6] =	ssyncset.done $0x0  }
0x17c: {  	s4 =	rddreg [dreg:$0xa];
	[sflag:s6] =	ssyncadd.s32 $0xFFFFE000  }
0x17d: {  	[hbm4b:s4+s1] =	stream.linear.scatter [tilespmem:s25], [sflag:$0x3], $0x2000, $0x38;
	[tilespmem:$0x1EE00] =	vst v63  }
0x17e: {  	_ =	swait.ge [sflag:s6], $0x2000  }
0x17f: {  	[sflag:s6] =	ssyncset.done $0x0  }
0x180: {  	s15 =	rddreg [dreg:$0x17];
	[sflag:s6] =	ssyncadd.s32 $0xFFFFE000  }
0x181: {  	[tilespmem:s25], [sflag:$0x3] =	stream.linear.gather [spmem:s15], $0x2000, $0x38;
	[tilespmem:$0x1EE00] =	vst v63  }
0x182: {  	_ =	swait.ge [sflag:s6], $0x2000  }
0x183: {  	[sflag:s6] =	ssyncset.done $0x0  }
0x184: {  	s21 =	rddreg [dreg:$0xb];
	[sflag:s6] =	ssyncadd.s32 $0xFFFFE000  }
0x185: {  	[hbm4b:s21+s1] =	stream.linear.scatter [tilespmem:s25], [sflag:$0x3], $0x2000, $0x38;
	[tilespmem:$0x1EE00] =	vst v63  }
0x186: {  	_ =	swait.ge [sflag:s6], $0x2000  }
0x187: {  	[sflag:s6] =	ssyncset.done $0x0  }
0x188: {  	s22 =	rddreg [dreg:$0x18];
	[sflag:s6] =	ssyncadd.s32 $0xFFFFE000  }
0x189: {  	[tilespmem:s25], [sflag:$0x3] =	stream.linear.gather [spmem:s22], $0x2000, $0x38;
	[tilespmem:$0x1EE00] =	vst v63  }
0x18a: {  	_ =	swait.ge [sflag:s6], $0x2000  }
0x18b: {  	[sflag:s6] =	ssyncset.done $0x0  }
0x18c: {  	s29 =	rddreg [dreg:$0xc];
	[sflag:s6] =	ssyncadd.s32 $0xFFFFE000  }
0x18d: {  	[hbm4b:s29+s1] =	stream.linear.scatter [tilespmem:s25], [sflag:$0x3], $0x2000, $0x38;
	[tilespmem:$0x1EE00] =	vst v63  }
0x18e: {  	_ =	swait.ge [sflag:s6], $0x2000  }
0x18f: {  	[sflag:s6] =	ssyncset.done $0x0  }
0x190: {  	s30 =	rddreg [dreg:$0x19];
	[sflag:s6] =	ssyncadd.s32 $0xFFFFE000  }
0x191: {  	[tilespmem:s25], [sflag:$0x3] =	stream.linear.gather [spmem:s30], $0x2000, $0x38;
	[tilespmem:$0x1EE00] =	vst v63  }
0x192: {  	_ =	swait.ge [sflag:s6], $0x2000  }
0x193: {  	[sflag:s6] =	ssyncset.done $0x0  }
0x194: {  	s31 =	rddreg [dreg:$0xd];
	[sflag:s6] =	ssyncadd.s32 $0xFFFFE000  }
0x195: {  	[hbm4b:s31+s1] =	stream.linear.scatter [tilespmem:s25], [sflag:$0x3], $0x2000, $0x38;
	[tilespmem:$0x1EE00] =	vst v63  }
0x196: {  	_ =	swait.ge [sflag:s6], $0x2000  }
0x197: {  	[sflag:s6] =	ssyncset.done $0x0  }
0x198: {  	s3 =	rddreg [dreg:$0x1a];
	[sflag:s6] =	ssyncadd.s32 $0xFFFFE000  }
0x199: {  	[tilespmem:s25], [sflag:$0x3] =	stream.linear.gather [spmem:s3], $0x2000, $0x38;
	[tilespmem:$0x1EE00] =	vst v63  }
0x19a: {  	_ =	swait.ge [sflag:s6], $0x2000  }
0x19b: {  	[sflag:s6] =	ssyncset.done $0x0  }
0x19c: {  	s4 =	rddreg [dreg:$0xe];
	[sflag:s6] =	ssyncadd.s32 $0xFFFFE000  }
0x19d: {  	[hbm4b:s4+s1] =	stream.linear.scatter [tilespmem:s25], [sflag:$0x3], $0x2000, $0x38;
	[tilespmem:$0x1EE00] =	vst v63  }
0x19e: {  	_ =	swait.ge [sflag:s6], $0x2000  }
0x19f: {  	[sflag:s6] =	ssyncset.done $0x0  }
0x1a0: {  	s15 =	rddreg [dreg:$0x1b];
	[sflag:s6] =	ssyncadd.s32 $0xFFFFE000  }
0x1a1: {  	[tilespmem:s25], [sflag:$0x3] =	stream.linear.gather [spmem:s15], $0x2000, $0x38;
	[tilespmem:$0x1EE00] =	vst v63  }
0x1a2: {  	_ =	swait.ge [sflag:s6], $0x2000  }
0x1a3: {  	[sflag:s6] =	ssyncset.done $0x0  }
0x1a4: {  	s21 =	rddreg [dreg:$0xf];
	[sflag:s6] =	ssyncadd.s32 $0xFFFFE000  }
0x1a5: {  	[hbm4b:s21+s1] =	stream.linear.scatter [tilespmem:s25], [sflag:$0x3], $0x2000, $0x38;
	[tilespmem:$0x1EE00] =	vst v63  }
0x1a6: {  	_ =	swait.ge [sflag:s6], $0x2000  }
0x1a7: {  	[sflag:s6] =	ssyncset.done $0x0  }
0x1a8: {  	s22 =	rddreg [dreg:$0x1c];
	[sflag:s6] =	ssyncadd.s32 $0xFFFFE000  }
0x1a9: {  	[tilespmem:s25], [sflag:$0x3] =	stream.linear.gather [spmem:s22], $0x2000, $0x38;
	[tilespmem:$0x1EE00] =	vst v63  }
0x1aa: {  	_ =	swait.ge [sflag:s6], $0x2000  }
0x1ab: {  	[sflag:s6] =	ssyncset.done $0x0  }
0x1ac: {  	s29 =	rddreg [dreg:$0x10];
	[sflag:s6] =	ssyncadd.s32 $0xFFFFE000  }
0x1ad: {  	[hbm4b:s29+s1] =	stream.linear.scatter [tilespmem:s25], [sflag:$0x3], $0x2000, $0x38;
	[tilespmem:$0x1EE00] =	vst v63  }
0x1ae: {  	_ =	swait.ge [sflag:s6], $0x2000  }
0x1af: {  	[sflag:s6] =	ssyncset.done $0x0  }
0x1b0: {  	s21 =	rddreg [dreg:$0x13];
	[sflag:s6] =	ssyncadd.s32 $0xFFFFE000  }
0x1b1: {  	[tilespmem:s26], [sflag:$0x3] =	stream.linear.gather [spmem:s21], $0xC00, $0x38;
	[tilespmem:$0x1EE00] =	vst v63  }
0x1b2: {  	_ =	swait.ge [sflag:s6], $0xC00  }
0x1b3: {  	[sflag:s6] =	ssyncset.done $0x0  }
0x1b4: {  	s30 =	rddreg [dreg:$0x1d];
	[sflag:s6] =	ssyncadd.s32 $0xFFFFF400  }
0x1b5: {  	[hbm4b:s30+s1] =	stream.linear.scatter [tilespmem:s26], [sflag:$0x3], $0xC00, $0x38;
	[tilespmem:$0x1EE00] =	vst v63  }
0x1b6: {  	_ =	swait.ge [sflag:s6], $0xC00  }
0x1b7: {  	s28 =	sadd.s32 $0x1, s28;
	s31 =	rddreg [dreg:$0x1e]  }
0x1b8: {  	p0 =	sne.s32 s28, s31  }
.Ltmp2:
0x1b9: {  	_ = 	snop;
	(pc) =	sbr.rel @p0 .LBB2_1-.Ltmp2, $3  }
0x1ba: {  	_ =	sdelay $0x1  }
0x1bb: {  	[sflag:s6] =	ssyncset.done $0x0  }
0x1bc: {  	[sflag:s6] =	ssyncadd.s32 $0xFFFFF400  }
0x1bd: {  	_ =	sfence.sel $0x180000  }
0x1be: {  	[bflag:$0x0] =	sbarrier.arrive $0xFFFF  }
0x1bf: {  	_ =	strace $0x90000047  }
0x1c0: {  	s0 =	stileid.u32;
	[bflag:$0x2] =	sbarrier.arrive $0xFFFF  }
0x1c1: {  	p0 =	sne.s32 s0, $0x0;
	s0 =	rddreg [dreg:$0x4]  }
0x1c2: {  	s0 =	sadd.s32 @!p0 $0x100000, s0  }
0x1c3: {  	[sflag:s0] =	ssyncadd.tile.s32 @!p0 $0x1;
	_ =	shalt  }
.Lfunc_end2:
_tile_overlayer_lowered:
.L_overlay_start_2:
0x1c4: {  	(tag) =	ssettag $0x2  }
0x1c5: {  	s0 =	rddreg [dreg:$0x0];
	s2 =	stileid.u32  }
0x1c6: {  	s1 =	rddreg [dreg:$0x1];
	p0 =	sne.s32 s2, $0x0  }
0x1c7: {  	s3 =	rddreg [dreg:$0x2];
	[bflag:$0x3] =	sbarrier.arrive $0xFFFF;
	s2 =	simm.s32 @!p0 $0x1C03  }
0x1c8: {  	[timem:s3], [sflag:s2] =	dma.local @!p0 [hbm:s0], s1  }
0x1c9: {  	s0 =	simm.s32 @!p0 $0x3  }
0x1ca: {  	_ =	swait.ge @!p0 [sflag:s0], s1  }
0x1cb: {  	s1 =	ssub.s32 @!p0 $0x0, s1;
	[sflag:s0] =	ssyncset.done @!p0 $0x0  }
0x1cc: {  	[sflag:s0] =	ssyncadd.s32 @!p0 s1  }
0x1cd: {  	[bflag:$0x3] =	sbarrier.arrive $0xFFFF  }
0x1ce: {  	_ =	shalt  }

</sc_bundles>
